<compile_context>
chip_gen: v7x
topology: tpu7x:2x2x1
jax: 0.10.2.dev20260603
libtpu: 0.0.44.dev20260713+nightly
codegen_flags: <defaults>
</compile_context>

<pallas_src>
import functools

import jax
import jax.numpy as jnp
from jax import lax
from jax.experimental import pallas as pl
from jax.experimental.pallas import tpu as pltpu
from jax.experimental.pallas import tpu_sc as plsc

N = 10000
E = 320000
D_FEAT = 128
EMB = 64
NUM_R = 4000
NUM_C = 6000

NP = 10240
NC, NS = 2, 16
NW = NC * NS
CHUNK = 128
CHUNKS = 80
E_TILE = CHUNK * CHUNKS
E_PAD = NW * E_TILE
ROWS_PER_TILE = NP // NS
NBUF = 5
BR = 1000
BC = 1024
NCP = 6144


def _enc_body(x_ref, w_ref, o_ref):
    o_ref[...] = jnp.dot(x_ref[...], w_ref[...],
                         preferred_element_type=jnp.float32)


def _encode(x_pad, w_enc):
    return pl.pallas_call(
        _enc_body,
        grid=(8,),
        in_specs=[
            pl.BlockSpec((NP // 8, D_FEAT), lambda i: (i, 0)),
            pl.BlockSpec((D_FEAT, EMB), lambda i: (0, 0)),
        ],
        out_specs=pl.BlockSpec((NP // 8, EMB), lambda i: (i, 0)),
        out_shape=jax.ShapeDtypeStruct((NP, EMB), jnp.float32),
    )(x_pad, w_enc)


def _sc_body(h_hbm, src_hbm, dst_hbm, w_hbm, zeros_hbm, out0_hbm, out1_hbm,
             src_v, dst_v, w_v, r0, r1, r2, r3, r4, agg,
             s0, s1, s2, s3, s4):
    c = lax.axis_index("c")
    s = lax.axis_index("s")
    wid = c * NS + s
    rows = [r0, r1, r2, r3, r4]
    sems = [s0, s1, s2, s3, s4]

    pltpu.async_copy(src_hbm.at[wid], src_v, sems[0])
    pltpu.async_copy(dst_hbm.at[wid], dst_v, sems[1])
    pltpu.async_copy(w_hbm.at[wid], w_v, sems[2])
    pltpu.async_copy(zeros_hbm,
                     agg.at[pl.ds(s * ROWS_PER_TILE, ROWS_PER_TILE)], sems[0])
    pltpu.make_async_copy(src_hbm.at[wid], src_v, sems[0]).wait()
    pltpu.make_async_copy(dst_hbm.at[wid], dst_v, sems[1]).wait()
    pltpu.make_async_copy(w_hbm.at[wid], w_v, sems[2]).wait()
    pltpu.make_async_copy(
        zeros_hbm, agg.at[pl.ds(s * ROWS_PER_TILE, ROWS_PER_TILE)],
        sems[0]).wait()
    plsc.subcore_barrier()

    def _scale(buf, j):
        def grp(g, carry):
            w16 = w_v[j, pl.ds(g * 16, 16)]
            for e16 in range(16):
                e = g * 16 + e16
                w_e = w16[e16]
                for k in range(EMB // 16):
                    sl = pl.ds(k * 16, 16)
                    buf[e, sl] = buf[e, sl] * w_e
            return carry
        lax.fori_loop(0, CHUNK // 16, grp, 0)

    pltpu.async_copy(h_hbm.at[src_v.at[0]], rows[0], sems[0])
    pltpu.async_copy(h_hbm.at[src_v.at[1]], rows[1], sems[1])

    def body(t, carry):
        for b in range(NBUF):
            j = NBUF * t + b
            b2 = (b + 2) % NBUF
            j2 = j + 2

            @pl.when(j2 < CHUNKS)
            def _():
                @pl.when(j2 >= NBUF)
                def _():
                    pltpu.make_async_copy(
                        rows[b2], agg.at[dst_v.at[0]], sems[b2]).wait()
                pltpu.async_copy(h_hbm.at[src_v.at[j2]], rows[b2], sems[b2])

            pltpu.make_async_copy(h_hbm.at[src_v.at[j]], rows[b],
                                  sems[b]).wait()
            _scale(rows[b], j)
            pltpu.async_copy(rows[b], agg.at[dst_v.at[j]], sems[b],
                             add=True)
        return carry

    lax.fori_loop(0, CHUNKS // NBUF, body, 0)
    for b in range(NBUF):
        pltpu.make_async_copy(rows[b], agg.at[dst_v.at[0]], sems[b]).wait()
    plsc.subcore_barrier()
    @pl.when(c == 0)
    def _():
        pltpu.sync_copy(agg.at[pl.ds(s * ROWS_PER_TILE, ROWS_PER_TILE)],
                        out0_hbm.at[pl.ds(s * ROWS_PER_TILE, ROWS_PER_TILE)])
    @pl.when(c == 1)
    def _():
        pltpu.sync_copy(agg.at[pl.ds(s * ROWS_PER_TILE, ROWS_PER_TILE)],
                        out1_hbm.at[pl.ds(s * ROWS_PER_TILE, ROWS_PER_TILE)])


_sc_aggregate = functools.partial(
    pl.kernel,
    mesh=plsc.VectorSubcoreMesh(core_axis_name="c", subcore_axis_name="s"),
    out_type=(jax.ShapeDtypeStruct((NP, EMB), jnp.float32),
              jax.ShapeDtypeStruct((NP, EMB), jnp.float32)),
    compiler_params=pltpu.CompilerParams(use_tc_tiling_on_sc=False),
    scratch_types=[
        pltpu.VMEM((CHUNKS, CHUNK), jnp.int32),
        pltpu.VMEM((CHUNKS, CHUNK), jnp.int32),
        pltpu.VMEM((CHUNKS, CHUNK), jnp.float32),
        pltpu.VMEM((CHUNK, EMB), jnp.float32),
        pltpu.VMEM((CHUNK, EMB), jnp.float32),
        pltpu.VMEM((CHUNK, EMB), jnp.float32),
        pltpu.VMEM((CHUNK, EMB), jnp.float32),
        pltpu.VMEM((CHUNK, EMB), jnp.float32),
        pltpu.VMEM_SHARED((NP, EMB), jnp.float32),
        pltpu.SemaphoreType.DMA,
        pltpu.SemaphoreType.DMA,
        pltpu.SemaphoreType.DMA,
        pltpu.SemaphoreType.DMA,
        pltpu.SemaphoreType.DMA,
    ],
)(_sc_body)


def _dec_body(pr_ref, pc_ref, wd_ref, o_ref):
    r = pr_ref[0] + pr_ref[1]
    r = jnp.where(r > 0, r, jnp.exp(r) - 1.0)
    cc = pc_ref[0] + pc_ref[1]
    cc = jnp.where(cc > 0, cc, jnp.exp(cc) - 1.0)
    rw = jnp.dot(r, wd_ref[...], preferred_element_type=jnp.float32)
    logits = lax.dot_general(rw, cc, (((1,), (1,)), ((), ())),
                             preferred_element_type=jnp.float32)
    o_ref[...] = 1.0 / (1.0 + jnp.exp(-logits))


def _decode(pr, pc, w_dec):
    return pl.pallas_call(
        _dec_body,
        grid=(NUM_R // BR, NCP // BC),
        in_specs=[
            pl.BlockSpec((NC, BR, EMB), lambda i, j: (0, i, 0)),
            pl.BlockSpec((NC, BC, EMB), lambda i, j: (0, j, 0)),
            pl.BlockSpec((EMB, EMB), lambda i, j: (0, 0)),
        ],
        out_specs=pl.BlockSpec((BR, BC), lambda i, j: (i, j)),
        out_shape=jax.ShapeDtypeStruct((NUM_R, NCP), jnp.float32),
    )(pr, pc, w_dec)


def kernel(x, edge_index, edge_weight, W_enc, W_dec):
    x_pad = jnp.pad(x, ((0, NP - N), (0, 0)))
    h = _encode(x_pad, W_enc)

    pad = E_PAD - E
    src = jnp.pad(edge_index[0], (0, pad)).reshape(NW, CHUNKS, CHUNK)
    dst = jnp.pad(edge_index[1], (0, pad)).reshape(NW, CHUNKS, CHUNK)
    w = jnp.pad(edge_weight, (0, pad)).reshape(NW, CHUNKS, CHUNK)
    zeros = jnp.zeros((ROWS_PER_TILE, EMB), jnp.float32)

    p0, p1 = _sc_aggregate(h, src, dst, w, zeros)
    partials = jnp.stack([p0, p1])

    pr = partials[:, :NUM_R]
    pc = partials[:, NUM_R:NUM_R + NCP]
    out = _decode(pr, pc, W_dec)
    return out[:, :NUM_C]

# --- scband reference (transcript-rebuilt; emitter-appended) ---
"""Pipeline reference for scband-gautoencoder-3281355014460 (READ-ONLY COPY).

The authoritative reference and input builder live on the scoring server;
editing this copy changes nothing except your own understanding.
"""

import jax, jax.numpy as jnp
import numpy as np

N = 10000
E = 320000
D_FEAT = 128
EMB = 64
NUM_R = 4000
NUM_C = 6000


def setup_inputs(seed: int = 0) -> dict:
    key = jax.random.key(seed)
    k1, k2, k3, k4, k5 = jax.random.split(key, 5)
    x = jax.random.normal(k1, (N, D_FEAT), dtype=jnp.float32)
    edge_index = jax.random.randint(k2, (2, E), 0, N, dtype=jnp.int32)
    edge_weight = jax.random.uniform(k3, (E,), dtype=jnp.float32)
    # learned parameters: GCN encoder weight and bilinear decoder weight
    W_enc = jax.random.normal(k4, (D_FEAT, EMB), dtype=jnp.float32) * (1.0 / np.sqrt(D_FEAT))
    W_dec = jax.random.normal(k5, (EMB, EMB), dtype=jnp.float32) * (1.0 / np.sqrt(EMB))
    return {"x": x, "edge_index": edge_index, "edge_weight": edge_weight, "W_enc": W_enc, "W_dec": W_dec}


def reference(x, edge_index, edge_weight, W_enc, W_dec):
    # Encoder: single GCN layer  emb = elu( A_sp @ (X @ W_enc) )
    h = x @ W_enc                       # [N, EMB]
    src = edge_index[0]
    dst = edge_index[1]
    msg = jnp.take(h, src, axis=0) * edge_weight[:, None]   # gather + weight (sparse adj values)
    agg = jax.ops.segment_sum(msg, dst, num_segments=N)     # scatter-add SpMM
    emb = jax.nn.elu(agg)
    # Decoder: bilinear reconstruction of bipartite association matrix
    R = emb[:NUM_R]                     # row entities (e.g., drugs)
    C = emb[NUM_R:NUM_R + NUM_C]        # col entities (e.g., diseases)
    logits = (R @ W_dec) @ C.T          # [NUM_R, NUM_C]
    out = jax.nn.sigmoid(logits)
    return out

if __name__ == "__main__":
    import jax
    _d = setup_inputs()
    print(jax.jit(kernel)(*tuple(_d.values())))

</pallas_src>

<mosaic_0001>
#map = affine_map<(d0, d1) -> (0, 0)>
#map1 = affine_map<(d0, d1) -> (0, 0, 0)>
module attributes {stable_mosaic.version = 14 : i64} {
  func.func @_sc_body(%arg0: i32, %arg1: i32, %arg2: memref<10240x64xf32, #tpu.memory_space<hbm>>, %arg3: memref<32x80x128xi32, #tpu.memory_space<hbm>>, %arg4: memref<32x80x128xi32, #tpu.memory_space<hbm>>, %arg5: memref<32x80x128xf32, #tpu.memory_space<hbm>>, %arg6: memref<640x64xf32, #tpu.memory_space<hbm>>, %arg7: memref<10240x64xf32, #tpu.memory_space<hbm>>, %arg8: memref<10240x64xf32, #tpu.memory_space<hbm>>, %arg9: memref<80x128xi32, #tpu.memory_space<vmem>>, %arg10: memref<80x128xi32, #tpu.memory_space<vmem>>, %arg11: memref<80x128xf32, #tpu.memory_space<vmem>>, %arg12: memref<128x64xf32, #tpu.memory_space<vmem>>, %arg13: memref<128x64xf32, #tpu.memory_space<vmem>>, %arg14: memref<128x64xf32, #tpu.memory_space<vmem>>, %arg15: memref<128x64xf32, #tpu.memory_space<vmem>>, %arg16: memref<128x64xf32, #tpu.memory_space<vmem>>, %arg17: memref<10240x64xf32, #tpu.memory_space<vmem_shared>>, %arg18: memref<!tpu.dma_semaphore, #tpu.memory_space<semaphore_mem>>, %arg19: memref<!tpu.dma_semaphore, #tpu.memory_space<semaphore_mem>>, %arg20: memref<!tpu.dma_semaphore, #tpu.memory_space<semaphore_mem>>, %arg21: memref<!tpu.dma_semaphore, #tpu.memory_space<semaphore_mem>>, %arg22: memref<!tpu.dma_semaphore, #tpu.memory_space<semaphore_mem>>) attributes {dimension_semantics = [#tpu.dimension_semantics<core_parallel>, #tpu.dimension_semantics<subcore_parallel>], iteration_bounds = array<i64: 2, 16>, scalar_prefetch = 0 : i64, scratch_operands = 14 : i64, tpu.core_type = #tpu.core_type<sc_vector_subcore>, window_params = [{transform_indices = #map}, {transform_indices = #map1}, {transform_indices = #map1}, {transform_indices = #map1}, {transform_indices = #map}, {transform_indices = #map}, {transform_indices = #map}]} {
    %mul3A = arith.constant 16 : i32
    %mul3A_0 = arith.muli %arg0, %mul3A : i32
    %add3A = arith.addi %mul3A_0, %arg1 : i32
    %dma_start3A = arith.constant 0 : i32
    %dma_start3A_1 = arith.constant 0 : i32
    %dma_start3A_2 = tpu.memref_slice %arg3[%add3A, %dma_start3A, %dma_start3A_1] : memref<32x80x128xi32, #tpu.memory_space<hbm>> -> memref<1x80x128xi32, #tpu.memory_space<hbm>>
    %dma_start3A_3 = tpu.memref_squeeze %dma_start3A_2 : memref<1x80x128xi32, #tpu.memory_space<hbm>> -> memref<80x128xi32, #tpu.memory_space<hbm>>
    %dma_start3A_4 = arith.constant 0 : i32
    %dma_start3A_5 = arith.constant 0 : i32
    %dma_start3A_6 = tpu.memref_slice %arg3[%add3A, %dma_start3A_4, %dma_start3A_5] : memref<32x80x128xi32, #tpu.memory_space<hbm>> -> memref<1x80x128xi32, #tpu.memory_space<hbm>>
    %dma_start3A_7 = tpu.memref_squeeze %dma_start3A_6 : memref<1x80x128xi32, #tpu.memory_space<hbm>> -> memref<80x128xi32, #tpu.memory_space<hbm>>
    tpu.enqueue_dma source(%dma_start3A_7 : memref<80x128xi32, #tpu.memory_space<hbm>>) target(%arg9 : memref<80x128xi32, #tpu.memory_space<vmem>>) target_semaphore(%arg18 : memref<!tpu.dma_semaphore, #tpu.memory_space<semaphore_mem>>)
    %dma_start3A_8 = arith.constant 0 : i32
    %dma_start3A_9 = arith.constant 0 : i32
    %dma_start3A_10 = tpu.memref_slice %arg4[%add3A, %dma_start3A_8, %dma_start3A_9] : memref<32x80x128xi32, #tpu.memory_space<hbm>> -> memref<1x80x128xi32, #tpu.memory_space<hbm>>
    %dma_start3A_11 = tpu.memref_squeeze %dma_start3A_10 : memref<1x80x128xi32, #tpu.memory_space<hbm>> -> memref<80x128xi32, #tpu.memory_space<hbm>>
    %dma_start3A_12 = arith.constant 0 : i32
    %dma_start3A_13 = arith.constant 0 : i32
    %dma_start3A_14 = tpu.memref_slice %arg4[%add3A, %dma_start3A_12, %dma_start3A_13] : memref<32x80x128xi32, #tpu.memory_space<hbm>> -> memref<1x80x128xi32, #tpu.memory_space<hbm>>
    %dma_start3A_15 = tpu.memref_squeeze %dma_start3A_14 : memref<1x80x128xi32, #tpu.memory_space<hbm>> -> memref<80x128xi32, #tpu.memory_space<hbm>>
    tpu.enqueue_dma source(%dma_start3A_15 : memref<80x128xi32, #tpu.memory_space<hbm>>) target(%arg10 : memref<80x128xi32, #tpu.memory_space<vmem>>) target_semaphore(%arg19 : memref<!tpu.dma_semaphore, #tpu.memory_space<semaphore_mem>>)
    %dma_start3A_16 = arith.constant 0 : i32
    %dma_start3A_17 = arith.constant 0 : i32
    %dma_start3A_18 = tpu.memref_slice %arg5[%add3A, %dma_start3A_16, %dma_start3A_17] : memref<32x80x128xf32, #tpu.memory_space<hbm>> -> memref<1x80x128xf32, #tpu.memory_space<hbm>>
    %dma_start3A_19 = tpu.memref_squeeze %dma_start3A_18 : memref<1x80x128xf32, #tpu.memory_space<hbm>> -> memref<80x128xf32, #tpu.memory_space<hbm>>
    %dma_start3A_20 = arith.constant 0 : i32
    %dma_start3A_21 = arith.constant 0 : i32
    %dma_start3A_22 = tpu.memref_slice %arg5[%add3A, %dma_start3A_20, %dma_start3A_21] : memref<32x80x128xf32, #tpu.memory_space<hbm>> -> memref<1x80x128xf32, #tpu.memory_space<hbm>>
    %dma_start3A_23 = tpu.memref_squeeze %dma_start3A_22 : memref<1x80x128xf32, #tpu.memory_space<hbm>> -> memref<80x128xf32, #tpu.memory_space<hbm>>
    tpu.enqueue_dma source(%dma_start3A_23 : memref<80x128xf32, #tpu.memory_space<hbm>>) target(%arg11 : memref<80x128xf32, #tpu.memory_space<vmem>>) target_semaphore(%arg20 : memref<!tpu.dma_semaphore, #tpu.memory_space<semaphore_mem>>)
    %mul3A_24 = arith.constant 640 : i32
    %mul3A_25 = arith.muli %arg1, %mul3A_24 : i32
    %dma_start3A_26 = arith.constant 0 : i32
    %dma_start3A_27 = tpu.memref_slice %arg17[%mul3A_25, %dma_start3A_26] : memref<10240x64xf32, #tpu.memory_space<vmem_shared>> -> memref<640x64xf32, #tpu.memory_space<vmem_shared>>
    tpu.enqueue_dma source(%arg6 : memref<640x64xf32, #tpu.memory_space<hbm>>) target(%dma_start3A_27 : memref<640x64xf32, #tpu.memory_space<vmem_shared>>) target_semaphore(%arg18 : memref<!tpu.dma_semaphore, #tpu.memory_space<semaphore_mem>>)
    %dma_wait3A = arith.constant 0 : i32
    %dma_wait3A_28 = arith.constant 0 : i32
    %dma_wait3A_29 = tpu.memref_slice %arg3[%add3A, %dma_wait3A, %dma_wait3A_28] : memref<32x80x128xi32, #tpu.memory_space<hbm>> -> memref<1x80x128xi32, #tpu.memory_space<hbm>>
    %dma_wait3A_30 = tpu.memref_squeeze %dma_wait3A_29 : memref<1x80x128xi32, #tpu.memory_space<hbm>> -> memref<80x128xi32, #tpu.memory_space<hbm>>
    %dma_wait3A_31 = arith.constant 0 : i32
    %dma_wait3A_32 = arith.constant 0 : i32
    %dma_wait3A_33 = tpu.memref_slice %arg3[%add3A, %dma_wait3A_31, %dma_wait3A_32] : memref<32x80x128xi32, #tpu.memory_space<hbm>> -> memref<1x80x128xi32, #tpu.memory_space<hbm>>
    %dma_wait3A_34 = tpu.memref_squeeze %dma_wait3A_33 : memref<1x80x128xi32, #tpu.memory_space<hbm>> -> memref<80x128xi32, #tpu.memory_space<hbm>>
    tpu.wait_dma2 semaphore(%arg18 : memref<!tpu.dma_semaphore, #tpu.memory_space<semaphore_mem>>) src(%dma_wait3A_34 : memref<80x128xi32, #tpu.memory_space<hbm>>) dst(%arg9 : memref<80x128xi32, #tpu.memory_space<vmem>>)
    %dma_wait3A_35 = arith.constant 0 : i32
    %dma_wait3A_36 = arith.constant 0 : i32
    %dma_wait3A_37 = tpu.memref_slice %arg4[%add3A, %dma_wait3A_35, %dma_wait3A_36] : memref<32x80x128xi32, #tpu.memory_space<hbm>> -> memref<1x80x128xi32, #tpu.memory_space<hbm>>
    %dma_wait3A_38 = tpu.memref_squeeze %dma_wait3A_37 : memref<1x80x128xi32, #tpu.memory_space<hbm>> -> memref<80x128xi32, #tpu.memory_space<hbm>>
    %dma_wait3A_39 = arith.constant 0 : i32
    %dma_wait3A_40 = arith.constant 0 : i32
    %dma_wait3A_41 = tpu.memref_slice %arg4[%add3A, %dma_wait3A_39, %dma_wait3A_40] : memref<32x80x128xi32, #tpu.memory_space<hbm>> -> memref<1x80x128xi32, #tpu.memory_space<hbm>>
    %dma_wait3A_42 = tpu.memref_squeeze %dma_wait3A_41 : memref<1x80x128xi32, #tpu.memory_space<hbm>> -> memref<80x128xi32, #tpu.memory_space<hbm>>
    tpu.wait_dma2 semaphore(%arg19 : memref<!tpu.dma_semaphore, #tpu.memory_space<semaphore_mem>>) src(%dma_wait3A_42 : memref<80x128xi32, #tpu.memory_space<hbm>>) dst(%arg10 : memref<80x128xi32, #tpu.memory_space<vmem>>)
    %dma_wait3A_43 = arith.constant 0 : i32
    %dma_wait3A_44 = arith.constant 0 : i32
    %dma_wait3A_45 = tpu.memref_slice %arg5[%add3A, %dma_wait3A_43, %dma_wait3A_44] : memref<32x80x128xf32, #tpu.memory_space<hbm>> -> memref<1x80x128xf32, #tpu.memory_space<hbm>>
    %dma_wait3A_46 = tpu.memref_squeeze %dma_wait3A_45 : memref<1x80x128xf32, #tpu.memory_space<hbm>> -> memref<80x128xf32, #tpu.memory_space<hbm>>
    %dma_wait3A_47 = arith.constant 0 : i32
    %dma_wait3A_48 = arith.constant 0 : i32
    %dma_wait3A_49 = tpu.memref_slice %arg5[%add3A, %dma_wait3A_47, %dma_wait3A_48] : memref<32x80x128xf32, #tpu.memory_space<hbm>> -> memref<1x80x128xf32, #tpu.memory_space<hbm>>
    %dma_wait3A_50 = tpu.memref_squeeze %dma_wait3A_49 : memref<1x80x128xf32, #tpu.memory_space<hbm>> -> memref<80x128xf32, #tpu.memory_space<hbm>>
    tpu.wait_dma2 semaphore(%arg20 : memref<!tpu.dma_semaphore, #tpu.memory_space<semaphore_mem>>) src(%dma_wait3A_50 : memref<80x128xf32, #tpu.memory_space<hbm>>) dst(%arg11 : memref<80x128xf32, #tpu.memory_space<vmem>>)
    %mul3A_51 = arith.constant 640 : i32
    %mul3A_52 = arith.muli %arg1, %mul3A_51 : i32
    %dma_wait3A_53 = arith.constant 0 : i32
    %dma_wait3A_54 = tpu.memref_slice %arg17[%mul3A_52, %dma_wait3A_53] : memref<10240x64xf32, #tpu.memory_space<vmem_shared>> -> memref<640x64xf32, #tpu.memory_space<vmem_shared>>
    tpu.wait_dma2 semaphore(%arg18 : memref<!tpu.dma_semaphore, #tpu.memory_space<semaphore_mem>>) src(%arg6 : memref<640x64xf32, #tpu.memory_space<hbm>>) dst(%dma_wait3A_54 : memref<640x64xf32, #tpu.memory_space<vmem_shared>>)
    %barrier3A = arith.constant 0 : index
    tpu.barrier barrier_id(%barrier3A)
    %dma_start3A_55 = arith.constant 0 : i32
    %dma_start3A_56 = arith.constant 0 : i32
    %dma_start3A_57 = tpu.memref_slice %arg9[%dma_start3A_55, %dma_start3A_56] : memref<80x128xi32, #tpu.memory_space<vmem>> -> memref<1x128xi32, #tpu.memory_space<vmem>>
    %dma_start3A_58 = tpu.memref_squeeze %dma_start3A_57 : memref<1x128xi32, #tpu.memory_space<vmem>> -> memref<128xi32, #tpu.memory_space<vmem>>
    %dma_start3A_59 = arith.constant 0 : i32
    %dma_start3A_60 = arith.constant 0 : i32
    %dma_start3A_61 = tpu.memref_slice %arg2[%dma_start3A_59, %dma_start3A_60] : memref<10240x64xf32, #tpu.memory_space<hbm>> -> memref<10240x64xf32, #tpu.memory_space<hbm>>
    tpu.enqueue_indirect_dma source(%dma_start3A_61 : memref<10240x64xf32, #tpu.memory_space<hbm>>) target(%arg12 : memref<128x64xf32, #tpu.memory_space<vmem>>) offsets(%dma_start3A_58 : memref<128xi32, #tpu.memory_space<vmem>>) semaphore(%arg18 : memref<!tpu.dma_semaphore, #tpu.memory_space<semaphore_mem>>)
    %dma_start3A_62 = arith.constant 1 : i32
    %dma_start3A_63 = arith.constant 0 : i32
    %dma_start3A_64 = tpu.memref_slice %arg9[%dma_start3A_62, %dma_start3A_63] : memref<80x128xi32, #tpu.memory_space<vmem>> -> memref<1x128xi32, #tpu.memory_space<vmem>>
    %dma_start3A_65 = tpu.memref_squeeze %dma_start3A_64 : memref<1x128xi32, #tpu.memory_space<vmem>> -> memref<128xi32, #tpu.memory_space<vmem>>
    %dma_start3A_66 = arith.constant 0 : i32
    %dma_start3A_67 = arith.constant 0 : i32
    %dma_start3A_68 = tpu.memref_slice %arg2[%dma_start3A_66, %dma_start3A_67] : memref<10240x64xf32, #tpu.memory_space<hbm>> -> memref<10240x64xf32, #tpu.memory_space<hbm>>
    tpu.enqueue_indirect_dma source(%dma_start3A_68 : memref<10240x64xf32, #tpu.memory_space<hbm>>) target(%arg13 : memref<128x64xf32, #tpu.memory_space<vmem>>) offsets(%dma_start3A_65 : memref<128xi32, #tpu.memory_space<vmem>>) semaphore(%arg19 : memref<!tpu.dma_semaphore, #tpu.memory_space<semaphore_mem>>)
    %scan3A = arith.constant 0 : i32
    %scan3A_69 = arith.constant 0 : i32
    %scan3A_70 = arith.constant 16 : i32
    %scan3A_71 = arith.addi %scan3A_69, %scan3A_70 : i32
    %scan3A_72 = arith.constant 1 : i32
    scf.for %scan3A_117 = %scan3A_69 to %scan3A_71 step %scan3A_72  : i32 {
      %mul3A_118 = arith.constant 5 : i32
      %mul3A_119 = arith.muli %mul3A_118, %scan3A_117 : i32
      %add3A_120 = arith.constant 0 : i32
      %add3A_121 = arith.addi %mul3A_119, %add3A_120 : i32
      %add3A_122 = arith.constant 2 : i32
      %add3A_123 = arith.addi %add3A_121, %add3A_122 : i32
      %lt3A = arith.constant 80 : i32
      %lt3A_124 = arith.cmpi slt, %add3A_123, %lt3A : i32
      %convert_element_type3A_125 = arith.extui %lt3A_124 : i1 to i32
      %cond3A_126 = arith.constant 0 : i32
      %cond3A_127 = arith.cmpi ne, %convert_element_type3A_125, %cond3A_126 : i32
      scf.if %cond3A_127 {
        %ge3A = arith.constant 5 : i32
        %ge3A_262 = arith.cmpi sge, %add3A_123, %ge3A : i32
        %convert_element_type3A_263 = arith.extui %ge3A_262 : i1 to i32
        %cond3A_264 = arith.constant 0 : i32
        %cond3A_265 = arith.cmpi ne, %convert_element_type3A_263, %cond3A_264 : i32
        scf.if %cond3A_265 {
          %dma_wait3A_272 = arith.constant 0 : i32
          %dma_wait3A_273 = arith.constant 0 : i32
          %dma_wait3A_274 = tpu.memref_slice %arg10[%dma_wait3A_272, %dma_wait3A_273] : memref<80x128xi32, #tpu.memory_space<vmem>> -> memref<1x128xi32, #tpu.memory_space<vmem>>
          %dma_wait3A_275 = tpu.memref_squeeze %dma_wait3A_274 : memref<1x128xi32, #tpu.memory_space<vmem>> -> memref<128xi32, #tpu.memory_space<vmem>>
          %dma_wait3A_276 = arith.constant 0 : i32
          %dma_wait3A_277 = arith.constant 0 : i32
          %dma_wait3A_278 = tpu.memref_slice %arg17[%dma_wait3A_276, %dma_wait3A_277] : memref<10240x64xf32, #tpu.memory_space<vmem_shared>> -> memref<10240x64xf32, #tpu.memory_space<vmem_shared>>
          tpu.wait_indirect_dma semaphore(%arg20 : memref<!tpu.dma_semaphore, #tpu.memory_space<semaphore_mem>>) src(%arg14 : memref<128x64xf32, #tpu.memory_space<vmem>>) dst(%dma_wait3A_278 : memref<10240x64xf32, #tpu.memory_space<vmem_shared>>)
        } else {
        }
        %dma_start3A_266 = arith.constant 0 : i32
        %dma_start3A_267 = tpu.memref_slice %arg9[%add3A_123, %dma_start3A_266] : memref<80x128xi32, #tpu.memory_space<vmem>> -> memref<1x128xi32, #tpu.memory_space<vmem>>
        %dma_start3A_268 = tpu.memref_squeeze %dma_start3A_267 : memref<1x128xi32, #tpu.memory_space<vmem>> -> memref<128xi32, #tpu.memory_space<vmem>>
        %dma_start3A_269 = arith.constant 0 : i32
        %dma_start3A_270 = arith.constant 0 : i32
        %dma_start3A_271 = tpu.memref_slice %arg2[%dma_start3A_269, %dma_start3A_270] : memref<10240x64xf32, #tpu.memory_space<hbm>> -> memref<10240x64xf32, #tpu.memory_space<hbm>>
        tpu.enqueue_indirect_dma source(%dma_start3A_271 : memref<10240x64xf32, #tpu.memory_space<hbm>>) target(%arg14 : memref<128x64xf32, #tpu.memory_space<vmem>>) offsets(%dma_start3A_268 : memref<128xi32, #tpu.memory_space<vmem>>) semaphore(%arg20 : memref<!tpu.dma_semaphore, #tpu.memory_space<semaphore_mem>>)
      } else {
      }
      %dma_wait3A_128 = arith.constant 0 : i32
      %dma_wait3A_129 = tpu.memref_slice %arg9[%add3A_121, %dma_wait3A_128] : memref<80x128xi32, #tpu.memory_space<vmem>> -> memref<1x128xi32, #tpu.memory_space<vmem>>
      %dma_wait3A_130 = tpu.memref_squeeze %dma_wait3A_129 : memref<1x128xi32, #tpu.memory_space<vmem>> -> memref<128xi32, #tpu.memory_space<vmem>>
      %dma_wait3A_131 = arith.constant 0 : i32
      %dma_wait3A_132 = arith.constant 0 : i32
      %dma_wait3A_133 = tpu.memref_slice %arg2[%dma_wait3A_131, %dma_wait3A_132] : memref<10240x64xf32, #tpu.memory_space<hbm>> -> memref<10240x64xf32, #tpu.memory_space<hbm>>
      tpu.wait_indirect_dma semaphore(%arg18 : memref<!tpu.dma_semaphore, #tpu.memory_space<semaphore_mem>>) src(%dma_wait3A_133 : memref<10240x64xf32, #tpu.memory_space<hbm>>) dst(%arg12 : memref<128x64xf32, #tpu.memory_space<vmem>>)
      %scan3A_134 = arith.constant 0 : i32
      %scan3A_135 = arith.constant 0 : i32
      %scan3A_136 = arith.constant 8 : i32
      %scan3A_137 = arith.addi %scan3A_135, %scan3A_136 : i32
      %scan3A_138 = arith.constant 1 : i32
      scf.for %scan3A_262 = %scan3A_135 to %scan3A_137 step %scan3A_138  : i32 {
        %mul3A_263 = arith.constant 16 : i32
        %mul3A_264 = arith.muli %scan3A_262, %mul3A_263 : i32
        %get3A = arith.index_cast %add3A_121 : i32 to index
        %get3A_265 = arith.index_cast %mul3A_264 : i32 to index
        %get3A_266 = tpu.vector_load %arg11[%get3A, %get3A_265] {strides = array<i32>} : memref<80x128xf32, #tpu.memory_space<vmem>>, vector<1x16xf32>,
        %get3A_267 = vector.shape_cast %get3A_266 : vector<1x16xf32> to vector<16xf32>
        %mul3A_268 = arith.constant 16 : i32
        %mul3A_269 = arith.muli %scan3A_262, %mul3A_268 : i32
        %add3A_270 = arith.constant 0 : i32
        %add3A_271 = arith.addi %mul3A_269, %add3A_270 : i32
        %slice3A = vector.extract_strided_slice %get3A_267 {offsets = [0], sizes = [1], strides = [1]} : vector<16xf32> to vector<1xf32>
        %squeeze3A = vector.extract %slice3A[0] : f32 from vector<1xf32>
        %get3A_272 = arith.index_cast %add3A_271 : i32 to index
        %get3A_273 = arith.constant 0 : index
        %get3A_274 = tpu.vector_load %arg12[%get3A_272, %get3A_273] {strides = array<i32>} : memref<128x64xf32, #tpu.memory_space<vmem>>, vector<1x16xf32>,
        %get3A_275 = vector.shape_cast %get3A_274 : vector<1x16xf32> to vector<16xf32>
        %mul3A_276 = vector.broadcast %squeeze3A : f32 to vector<16xf32>
        %mul3A_277 = arith.mulf %get3A_275, %mul3A_276 : vector<16xf32>
        %swap3A = arith.index_cast %add3A_271 : i32 to index
        %swap3A_278 = arith.constant 0 : index
        %swap3A_279 = tpu.vector_load %arg12[%swap3A, %swap3A_278] {strides = array<i32>} : memref<128x64xf32, #tpu.memory_space<vmem>>, vector<1x16xf32>,
        %swap3A_280 = vector.shape_cast %swap3A_279 : vector<1x16xf32> to vector<16xf32>
        %swap3A_281 = vector.shape_cast %mul3A_277 : vector<16xf32> to vector<1x16xf32>
        tpu.vector_store %arg12[%swap3A, %swap3A_278], %swap3A_281 {strides = array<i32>} : memref<128x64xf32, #tpu.memory_space<vmem>>, vector<1x16xf32>,
        %get3A_282 = arith.index_cast %add3A_271 : i32 to index
        %get3A_283 = arith.constant 16 : index
        %get3A_284 = tpu.vector_load %arg12[%get3A_282, %get3A_283] {strides = array<i32>} : memref<128x64xf32, #tpu.memory_space<vmem>>, vector<1x16xf32>,
        %get3A_285 = vector.shape_cast %get3A_284 : vector<1x16xf32> to vector<16xf32>
        %mul3A_286 = vector.broadcast %squeeze3A : f32 to vector<16xf32>
        %mul3A_287 = arith.mulf %get3A_285, %mul3A_286 : vector<16xf32>
        %swap3A_288 = arith.index_cast %add3A_271 : i32 to index
        %swap3A_289 = arith.constant 16 : index
        %swap3A_290 = tpu.vector_load %arg12[%swap3A_288, %swap3A_289] {strides = array<i32>} : memref<128x64xf32, #tpu.memory_space<vmem>>, vector<1x16xf32>,
        %swap3A_291 = vector.shape_cast %swap3A_290 : vector<1x16xf32> to vector<16xf32>
        %swap3A_292 = vector.shape_cast %mul3A_287 : vector<16xf32> to vector<1x16xf32>
        tpu.vector_store %arg12[%swap3A_288, %swap3A_289], %swap3A_292 {strides = array<i32>} : memref<128x64xf32, #tpu.memory_space<vmem>>, vector<1x16xf32>,
        %get3A_293 = arith.index_cast %add3A_271 : i32 to index
        %get3A_294 = arith.constant 32 : index
        %get3A_295 = tpu.vector_load %arg12[%get3A_293, %get3A_294] {strides = array<i32>} : memref<128x64xf32, #tpu.memory_space<vmem>>, vector<1x16xf32>,
        %get3A_296 = vector.shape_cast %get3A_295 : vector<1x16xf32> to vector<16xf32>
        %mul3A_297 = vector.broadcast %squeeze3A : f32 to vector<16xf32>
        %mul3A_298 = arith.mulf %get3A_296, %mul3A_297 : vector<16xf32>
        %swap3A_299 = arith.index_cast %add3A_271 : i32 to index
        %swap3A_300 = arith.constant 32 : index
        %swap3A_301 = tpu.vector_load %arg12[%swap3A_299, %swap3A_300] {strides = array<i32>} : memref<128x64xf32, #tpu.memory_space<vmem>>, vector<1x16xf32>,
        %swap3A_302 = vector.shape_cast %swap3A_301 : vector<1x16xf32> to vector<16xf32>
        %swap3A_303 = vector.shape_cast %mul3A_298 : vector<16xf32> to vector<1x16xf32>
        tpu.vector_store %arg12[%swap3A_299, %swap3A_300], %swap3A_303 {strides = array<i32>} : memref<128x64xf32, #tpu.memory_space<vmem>>, vector<1x16xf32>,
        %get3A_304 = arith.index_cast %add3A_271 : i32 to index
        %get3A_305 = arith.constant 48 : index
        %get3A_306 = tpu.vector_load %arg12[%get3A_304, %get3A_305] {strides = array<i32>} : memref<128x64xf32, #tpu.memory_space<vmem>>, vector<1x16xf32>,
        %get3A_307 = vector.shape_cast %get3A_306 : vector<1x16xf32> to vector<16xf32>
        %mul3A_308 = vector.broadcast %squeeze3A : f32 to vector<16xf32>
        %mul3A_309 = arith.mulf %get3A_307, %mul3A_308 : vector<16xf32>
        %swap3A_310 = arith.index_cast %add3A_271 : i32 to index
        %swap3A_311 = arith.constant 48 : index
        %swap3A_312 = tpu.vector_load %arg12[%swap3A_310, %swap3A_311] {strides = array<i32>} : memref<128x64xf32, #tpu.memory_space<vmem>>, vector<1x16xf32>,
        %swap3A_313 = vector.shape_cast %swap3A_312 : vector<1x16xf32> to vector<16xf32>
        %swap3A_314 = vector.shape_cast %mul3A_309 : vector<16xf32> to vector<1x16xf32>
        tpu.vector_store %arg12[%swap3A_310, %swap3A_311], %swap3A_314 {strides = array<i32>} : memref<128x64xf32, #tpu.memory_space<vmem>>, vector<1x16xf32>,
        %mul3A_315 = arith.constant 16 : i32
        %mul3A_316 = arith.muli %scan3A_262, %mul3A_315 : i32
        %add3A_317 = arith.constant 1 : i32
        %add3A_318 = arith.addi %mul3A_316, %add3A_317 : i32
        %slice3A_319 = vector.extract_strided_slice %get3A_267 {offsets = [1], sizes = [1], strides = [1]} : vector<16xf32> to vector<1xf32>
        %squeeze3A_320 = vector.extract %slice3A_319[0] : f32 from vector<1xf32>
        %get3A_321 = arith.index_cast %add3A_318 : i32 to index
        %get3A_322 = arith.constant 0 : index
        %get3A_323 = tpu.vector_load %arg12[%get3A_321, %get3A_322] {strides = array<i32>} : memref<128x64xf32, #tpu.memory_space<vmem>>, vector<1x16xf32>,
        %get3A_324 = vector.shape_cast %get3A_323 : vector<1x16xf32> to vector<16xf32>
        %mul3A_325 = vector.broadcast %squeeze3A_320 : f32 to vector<16xf32>
        %mul3A_326 = arith.mulf %get3A_324, %mul3A_325 : vector<16xf32>
        %swap3A_327 = arith.index_cast %add3A_318 : i32 to index
        %swap3A_328 = arith.constant 0 : index
        %swap3A_329 = tpu.vector_load %arg12[%swap3A_327, %swap3A_328] {strides = array<i32>} : memref<128x64xf32, #tpu.memory_space<vmem>>, vector<1x16xf32>,
        %swap3A_330 = vector.shape_cast %swap3A_329 : vector<1x16xf32> to vector<16xf32>
        %swap3A_331 = vector.shape_cast %mul3A_326 : vector<16xf32> to vector<1x16xf32>
        tpu.vector_store %arg12[%swap3A_327, %swap3A_328], %swap3A_331 {strides = array<i32>} : memref<128x64xf32, #tpu.memory_space<vmem>>, vector<1x16xf32>,
        %get3A_332 = arith.index_cast %add3A_318 : i32 to index
        %get3A_333 = arith.constant 16 : index
        %get3A_334 = tpu.vector_load %arg12[%get3A_332, %get3A_333] {strides = array<i32>} : memref<128x64xf32, #tpu.memory_space<vmem>>, vector<1x16xf32>,
        %get3A_335 = vector.shape_cast %get3A_334 : vector<1x16xf32> to vector<16xf32>
        %mul3A_336 = vector.broadcast %squeeze3A_320 : f32 to vector<16xf32>
        %mul3A_337 = arith.mulf %get3A_335, %mul3A_336 : vector<16xf32>
        %swap3A_338 = arith.index_cast %add3A_318 : i32 to index
        %swap3A_339 = arith.constant 16 : index
        %swap3A_340 = tpu.vector_load %arg12[%swap3A_338, %swap3A_339] {strides = array<i32>} : memref<128x64xf32, #tpu.memory_space<vmem>>, vector<1x16xf32>,
        %swap3A_341 = vector.shape_cast %swap3A_340 : vector<1x16xf32> to vector<16xf32>
        %swap3A_342 = vector.shape_cast %mul3A_337 : vector<16xf32> to vector<1x16xf32>
        tpu.vector_store %arg12[%swap3A_338, %swap3A_339], %swap3A_342 {strides = array<i32>} : memref<128x64xf32, #tpu.memory_space<vmem>>, vector<1x16xf32>,
        %get3A_343 = arith.index_cast %add3A_318 : i32 to index
        %get3A_344 = arith.constant 32 : index
        %get3A_345 = tpu.vector_load %arg12[%get3A_343, %get3A_344] {strides = array<i32>} : memref<128x64xf32, #tpu.memory_space<vmem>>, vector<1x16xf32>,
        %get3A_346 = vector.shape_cast %get3A_345 : vector<1x16xf32> to vector<16xf32>
        %mul3A_347 = vector.broadcast %squeeze3A_320 : f32 to vector<16xf32>
        %mul3A_348 = arith.mulf %get3A_346, %mul3A_347 : vector<16xf32>
        %swap3A_349 = arith.index_cast %add3A_318 : i32 to index
        %swap3A_350 = arith.constant 32 : index
        %swap3A_351 = tpu.vector_load %arg12[%swap3A_349, %swap3A_350] {strides = array<i32>} : memref<128x64xf32, #tpu.memory_space<vmem>>, vector<1x16xf32>,
        %swap3A_352 = vector.shape_cast %swap3A_351 : vector<1x16xf32> to vector<16xf32>
        %swap3A_353 = vector.shape_cast %mul3A_348 : vector<16xf32> to vector<1x16xf32>
        tpu.vector_store %arg12[%swap3A_349, %swap3A_350], %swap3A_353 {strides = array<i32>} : memref<128x64xf32, #tpu.memory_space<vmem>>, vector<1x16xf32>,
        %get3A_354 = arith.index_cast %add3A_318 : i32 to index
        %get3A_355 = arith.constant 48 : index
        %get3A_356 = tpu.vector_load %arg12[%get3A_354, %get3A_355] {strides = array<i32>} : memref<128x64xf32, #tpu.memory_space<vmem>>, vector<1x16xf32>,
        %get3A_357 = vector.shape_cast %get3A_356 : vector<1x16xf32> to vector<16xf32>
        %mul3A_358 = vector.broadcast %squeeze3A_320 : f32 to vector<16xf32>
        %mul3A_359 = arith.mulf %get3A_357, %mul3A_358 : vector<16xf32>
        %swap3A_360 = arith.index_cast %add3A_318 : i32 to index
        %swap3A_361 = arith.constant 48 : index
        %swap3A_362 = tpu.vector_load %arg12[%swap3A_360, %swap3A_361] {strides = array<i32>} : memref<128x64xf32, #tpu.memory_space<vmem>>, vector<1x16xf32>,
        %swap3A_363 = vector.shape_cast %swap3A_362 : vector<1x16xf32> to vector<16xf32>
        %swap3A_364 = vector.shape_cast %mul3A_359 : vector<16xf32> to vector<1x16xf32>
        tpu.vector_store %arg12[%swap3A_360, %swap3A_361], %swap3A_364 {strides = array<i32>} : memref<128x64xf32, #tpu.memory_space<vmem>>, vector<1x16xf32>,
        %mul3A_365 = arith.constant 16 : i32
        %mul3A_366 = arith.muli %scan3A_262, %mul3A_365 : i32
        %add3A_367 = arith.constant 2 : i32
        %add3A_368 = arith.addi %mul3A_366, %add3A_367 : i32
        %slice3A_369 = vector.extract_strided_slice %get3A_267 {offsets = [2], sizes = [1], strides = [1]} : vector<16xf32> to vector<1xf32>
        %squeeze3A_370 = vector.extract %slice3A_369[0] : f32 from vector<1xf32>
        %get3A_371 = arith.index_cast %add3A_368 : i32 to index
        %get3A_372 = arith.constant 0 : index
        %get3A_373 = tpu.vector_load %arg12[%get3A_371, %get3A_372] {strides = array<i32>} : memref<128x64xf32, #tpu.memory_space<vmem>>, vector<1x16xf32>,
        %get3A_374 = vector.shape_cast %get3A_373 : vector<1x16xf32> to vector<16xf32>
        %mul3A_375 = vector.broadcast %squeeze3A_370 : f32 to vector<16xf32>
        %mul3A_376 = arith.mulf %get3A_374, %mul3A_375 : vector<16xf32>
        %swap3A_377 = arith.index_cast %add3A_368 : i32 to index
        %swap3A_378 = arith.constant 0 : index
        %swap3A_379 = tpu.vector_load %arg12[%swap3A_377, %swap3A_378] {strides = array<i32>} : memref<128x64xf32, #tpu.memory_space<vmem>>, vector<1x16xf32>,
        %swap3A_380 = vector.shape_cast %swap3A_379 : vector<1x16xf32> to vector<16xf32>
        %swap3A_381 = vector.shape_cast %mul3A_376 : vector<16xf32> to vector<1x16xf32>
        tpu.vector_store %arg12[%swap3A_377, %swap3A_378], %swap3A_381 {strides = array<i32>} : memref<128x64xf32, #tpu.memory_space<vmem>>, vector<1x16xf32>,
        %get3A_382 = arith.index_cast %add3A_368 : i32 to index
        %get3A_383 = arith.constant 16 : index
        %get3A_384 = tpu.vector_load %arg12[%get3A_382, %get3A_383] {strides = array<i32>} : memref<128x64xf32, #tpu.memory_space<vmem>>, vector<1x16xf32>,
        %get3A_385 = vector.shape_cast %get3A_384 : vector<1x16xf32> to vector<16xf32>
        %mul3A_386 = vector.broadcast %squeeze3A_370 : f32 to vector<16xf32>
        %mul3A_387 = arith.mulf %get3A_385, %mul3A_386 : vector<16xf32>
        %swap3A_388 = arith.index_cast %add3A_368 : i32 to index
        %swap3A_389 = arith.constant 16 : index
        %swap3A_390 = tpu.vector_load %arg12[%swap3A_388, %swap3A_389] {strides = array<i32>} : memref<128x64xf32, #tpu.memory_space<vmem>>, vector<1x16xf32>,
        %swap3A_391 = vector.shape_cast %swap3A_390 : vector<1x16xf32> to vector<16xf32>
        %swap3A_392 = vector.shape_cast %mul3A_387 : vector<16xf32> to vector<1x16xf32>
        tpu.vector_store %arg12[%swap3A_388, %swap3A_389], %swap3A_392 {strides = array<i32>} : memref<128x64xf32, #tpu.memory_space<vmem>>, vector<1x16xf32>,
        %get3A_393 = arith.index_cast %add3A_368 : i32 to index
        %get3A_394 = arith.constant 32 : index
        %get3A_395 = tpu.vector_load %arg12[%get3A_393, %get3A_394] {strides = array<i32>} : memref<128x64xf32, #tpu.memory_space<vmem>>, vector<1x16xf32>,
        %get3A_396 = vector.shape_cast %get3A_395 : vector<1x16xf32> to vector<16xf32>
        %mul3A_397 = vector.broadcast %squeeze3A_370 : f32 to vector<16xf32>
        %mul3A_398 = arith.mulf %get3A_396, %mul3A_397 : vector<16xf32>
        %swap3A_399 = arith.index_cast %add3A_368 : i32 to index
        %swap3A_400 = arith.constant 32 : index
        %swap3A_401 = tpu.vector_load %arg12[%swap3A_399, %swap3A_400] {strides = array<i32>} : memref<128x64xf32, #tpu.memory_space<vmem>>, vector<1x16xf32>,
        %swap3A_402 = vector.shape_cast %swap3A_401 : vector<1x16xf32> to vector<16xf32>
        %swap3A_403 = vector.shape_cast %mul3A_398 : vector<16xf32> to vector<1x16xf32>
        tpu.vector_store %arg12[%swap3A_399, %swap3A_400], %swap3A_403 {strides = array<i32>} : memref<128x64xf32, #tpu.memory_space<vmem>>, vector<1x16xf32>,
        %get3A_404 = arith.index_cast %add3A_368 : i32 to index
        %get3A_405 = arith.constant 48 : index
        %get3A_406 = tpu.vector_load %arg12[%get3A_404, %get3A_405] {strides = array<i32>} : memref<128x64xf32, #tpu.memory_space<vmem>>, vector<1x16xf32>,
        %get3A_407 = vector.shape_cast %get3A_406 : vector<1x16xf32> to vector<16xf32>
        %mul3A_408 = vector.broadcast %squeeze3A_370 : f32 to vector<16xf32>
        %mul3A_409 = arith.mulf %get3A_407, %mul3A_408 : vector<16xf32>
        %swap3A_410 = arith.index_cast %add3A_368 : i32 to index
        %swap3A_411 = arith.constant 48 : index
        %swap3A_412 = tpu.vector_load %arg12[%swap3A_410, %swap3A_411] {strides = array<i32>} : memref<128x64xf32, #tpu.memory_space<vmem>>, vector<1x16xf32>,
        %swap3A_413 = vector.shape_cast %swap3A_412 : vector<1x16xf32> to vector<16xf32>
        %swap3A_414 = vector.shape_cast %mul3A_409 : vector<16xf32> to vector<1x16xf32>
        tpu.vector_store %arg12[%swap3A_410, %swap3A_411], %swap3A_414 {strides = array<i32>} : memref<128x64xf32, #tpu.memory_space<vmem>>, vector<1x16xf32>,
        %mul3A_415 = arith.constant 16 : i32
        %mul3A_416 = arith.muli %scan3A_262, %mul3A_415 : i32
        %add3A_417 = arith.constant 3 : i32
        %add3A_418 = arith.addi %mul3A_416, %add3A_417 : i32
        %slice3A_419 = vector.extract_strided_slice %get3A_267 {offsets = [3], sizes = [1], strides = [1]} : vector<16xf32> to vector<1xf32>
        %squeeze3A_420 = vector.extract %slice3A_419[0] : f32 from vector<1xf32>
        %get3A_421 = arith.index_cast %add3A_418 : i32 to index
        %get3A_422 = arith.constant 0 : index
        %get3A_423 = tpu.vector_load %arg12[%get3A_421, %get3A_422] {strides = array<i32>} : memref<128x64xf32, #tpu.memory_space<vmem>>, vector<1x16xf32>,
        %get3A_424 = vector.shape_cast %get3A_423 : vector<1x16xf32> to vector<16xf32>
        %mul3A_425 = vector.broadcast %squeeze3A_420 : f32 to vector<16xf32>
        %mul3A_426 = arith.mulf %get3A_424, %mul3A_425 : vector<16xf32>
        %swap3A_427 = arith.index_cast %add3A_418 : i32 to index
        %swap3A_428 = arith.constant 0 : index
        %swap3A_429 = tpu.vector_load %arg12[%swap3A_427, %swap3A_428] {strides = array<i32>} : memref<128x64xf32, #tpu.memory_space<vmem>>, vector<1x16xf32>,
        %swap3A_430 = vector.shape_cast %swap3A_429 : vector<1x16xf32> to vector<16xf32>
        %swap3A_431 = vector.shape_cast %mul3A_426 : vector<16xf32> to vector<1x16xf32>
        tpu.vector_store %arg12[%swap3A_427, %swap3A_428], %swap3A_431 {strides = array<i32>} : memref<128x64xf32, #tpu.memory_space<vmem>>, vector<1x16xf32>,
        %get3A_432 = arith.index_cast %add3A_418 : i32 to index
        %get3A_433 = arith.constant 16 : index
        %get3A_434 = tpu.vector_load %arg12[%get3A_432, %get3A_433] {strides = array<i32>} : memref<128x64xf32, #tpu.memory_space<vmem>>, vector<1x16xf32>,
        %get3A_435 = vector.shape_cast %get3A_434 : vector<1x16xf32> to vector<16xf32>
        %mul3A_436 = vector.broadcast %squeeze3A_420 : f32 to vector<16xf32>
        %mul3A_437 = arith.mulf %get3A_435, %mul3A_436 : vector<16xf32>
        %swap3A_438 = arith.index_cast %add3A_418 : i32 to index
        %swap3A_439 = arith.constant 16 : index
        %swap3A_440 = tpu.vector_load %arg12[%swap3A_438, %swap3A_439] {strides = array<i32>} : memref<128x64xf32, #tpu.memory_space<vmem>>, vector<1x16xf32>,
        %swap3A_441 = vector.shape_cast %swap3A_440 : vector<1x16xf32> to vector<16xf32>
        %swap3A_442 = vector.shape_cast %mul3A_437 : vector<16xf32> to vector<1x16xf32>
        tpu.vector_store %arg12[%swap3A_438, %swap3A_439], %swap3A_442 {strides = array<i32>} : memref<128x64xf32, #tpu.memory_space<vmem>>, vector<1x16xf32>,
        %get3A_443 = arith.index_cast %add3A_418 : i32 to index
        %get3A_444 = arith.constant 32 : index
        %get3A_445 = tpu.vector_load %arg12[%get3A_443, %get3A_444] {strides = array<i32>} : memref<128x64xf32, #tpu.memory_space<vmem>>, vector<1x16xf32>,
        %get3A_446 = vector.shape_cast %get3A_445 : vector<1x16xf32> to vector<16xf32>
        %mul3A_447 = vector.broadcast %squeeze3A_420 : f32 to vector<16xf32>
        %mul3A_448 = arith.mulf %get3A_446, %mul3A_447 : vector<16xf32>
        %swap3A_449 = arith.index_cast %add3A_418 : i32 to index
        %swap3A_450 = arith.constant 32 : index
        %swap3A_451 = tpu.vector_load %arg12[%swap3A_449, %swap3A_450] {strides = array<i32>} : memref<128x64xf32, #tpu.memory_space<vmem>>, vector<1x16xf32>,
        %swap3A_452 = vector.shape_cast %swap3A_451 : vector<1x16xf32> to vector<16xf32>
        %swap3A_453 = vector.shape_cast %mul3A_448 : vector<16xf32> to vector<1x16xf32>
        tpu.vector_store %arg12[%swap3A_449, %swap3A_450], %swap3A_453 {strides = array<i32>} : memref<128x64xf32, #tpu.memory_space<vmem>>, vector<1x16xf32>,
        %get3A_454 = arith.index_cast %add3A_418 : i32 to index
        %get3A_455 = arith.constant 48 : index
        %get3A_456 = tpu.vector_load %arg12[%get3A_454, %get3A_455] {strides = array<i32>} : memref<128x64xf32, #tpu.memory_space<vmem>>, vector<1x16xf32>,
        %get3A_457 = vector.shape_cast %get3A_456 : vector<1x16xf32> to vector<16xf32>
        %mul3A_458 = vector.broadcast %squeeze3A_420 : f32 to vector<16xf32>
        %mul3A_459 = arith.mulf %get3A_457, %mul3A_458 : vector<16xf32>
        %swap3A_460 = arith.index_cast %add3A_418 : i32 to index
        %swap3A_461 = arith.constant 48 : index
        %swap3A_462 = tpu.vector_load %arg12[%swap3A_460, %swap3A_461] {strides = array<i32>} : memref<128x64xf32, #tpu.memory_space<vmem>>, vector<1x16xf32>,
        %swap3A_463 = vector.shape_cast %swap3A_462 : vector<1x16xf32> to vector<16xf32>
        %swap3A_464 = vector.shape_cast %mul3A_459 : vector<16xf32> to vector<1x16xf32>
        tpu.vector_store %arg12[%swap3A_460, %swap3A_461], %swap3A_464 {strides = array<i32>} : memref<128x64xf32, #tpu.memory_space<vmem>>, vector<1x16xf32>,
        %mul3A_465 = arith.constant 16 : i32
        %mul3A_466 = arith.muli %scan3A_262, %mul3A_465 : i32
        %add3A_467 = arith.constant 4 : i32
        %add3A_468 = arith.addi %mul3A_466, %add3A_467 : i32
        %slice3A_469 = vector.extract_strided_slice %get3A_267 {offsets = [4], sizes = [1], strides = [1]} : vector<16xf32> to vector<1xf32>
        %squeeze3A_470 = vector.extract %slice3A_469[0] : f32 from vector<1xf32>
        %get3A_471 = arith.index_cast %add3A_468 : i32 to index
        %get3A_472 = arith.constant 0 : index
        %get3A_473 = tpu.vector_load %arg12[%get3A_471, %get3A_472] {strides = array<i32>} : memref<128x64xf32, #tpu.memory_space<vmem>>, vector<1x16xf32>,
        %get3A_474 = vector.shape_cast %get3A_473 : vector<1x16xf32> to vector<16xf32>
        %mul3A_475 = vector.broadcast %squeeze3A_470 : f32 to vector<16xf32>
        %mul3A_476 = arith.mulf %get3A_474, %mul3A_475 : vector<16xf32>
        %swap3A_477 = arith.index_cast %add3A_468 : i32 to index
        %swap3A_478 = arith.constant 0 : index
        %swap3A_479 = tpu.vector_load %arg12[%swap3A_477, %swap3A_478] {strides = array<i32>} : memref<128x64xf32, #tpu.memory_space<vmem>>, vector<1x16xf32>,
        %swap3A_480 = vector.shape_cast %swap3A_479 : vector<1x16xf32> to vector<16xf32>
        %swap3A_481 = vector.shape_cast %mul3A_476 : vector<16xf32> to vector<1x16xf32>
        tpu.vector_store %arg12[%swap3A_477, %swap3A_478], %swap3A_481 {strides = array<i32>} : memref<128x64xf32, #tpu.memory_space<vmem>>, vector<1x16xf32>,
        %get3A_482 = arith.index_cast %add3A_468 : i32 to index
        %get3A_483 = arith.constant 16 : index
        %get3A_484 = tpu.vector_load %arg12[%get3A_482, %get3A_483] {strides = array<i32>} : memref<128x64xf32, #tpu.memory_space<vmem>>, vector<1x16xf32>,
        %get3A_485 = vector.shape_cast %get3A_484 : vector<1x16xf32> to vector<16xf32>
        %mul3A_486 = vector.broadcast %squeeze3A_470 : f32 to vector<16xf32>
        %mul3A_487 = arith.mulf %get3A_485, %mul3A_486 : vector<16xf32>
        %swap3A_488 = arith.index_cast %add3A_468 : i32 to index
        %swap3A_489 = arith.constant 16 : index
        %swap3A_490 = tpu.vector_load %arg12[%swap3A_488, %swap3A_489] {strides = array<i32>} : memref<128x64xf32, #tpu.memory_space<vmem>>, vector<1x16xf32>,
        %swap3A_491 = vector.shape_cast %swap3A_490 : vector<1x16xf32> to vector<16xf32>
        %swap3A_492 = vector.shape_cast %mul3A_487 : vector<16xf32> to vector<1x16xf32>
        tpu.vector_store %arg12[%swap3A_488, %swap3A_489], %swap3A_492 {strides = array<i32>} : memref<128x64xf32, #tpu.memory_space<vmem>>, vector<1x16xf32>,
        %get3A_493 = arith.index_cast %add3A_468 : i32 to index
        %get3A_494 = arith.constant 32 : index
        %get3A_495 = tpu.vector_load %arg12[%get3A_493, %get3A_494] {strides = array<i32>} : memref<128x64xf32, #tpu.memory_space<vmem>>, vector<1x16xf32>,
        %get3A_496 = vector.shape_cast %get3A_495 : vector<1x16xf32> to vector<16xf32>
        %mul3A_497 = vector.broadcast %squeeze3A_470 : f32 to vector<16xf32>
        %mul3A_498 = arith.mulf %get3A_496, %mul3A_497 : vector<16xf32>
        %swap3A_499 = arith.index_cast %add3A_468 : i32 to index
        %swap3A_500 = arith.constant 32 : index
        %swap3A_501 = tpu.vector_load %arg12[%swap3A_499, %swap3A_500] {strides = array<i32>} : memref<128x64xf32, #tpu.memory_space<vmem>>, vector<1x16xf32>,
        %swap3A_502 = vector.shape_cast %swap3A_501 : vector<1x16xf32> to vector<16xf32>
        %swap3A_503 = vector.shape_cast %mul3A_498 : vector<16xf32> to vector<1x16xf32>
        tpu.vector_store %arg12[%swap3A_499, %swap3A_500], %swap3A_503 {strides = array<i32>} : memref<128x64xf32, #tpu.memory_space<vmem>>, vector<1x16xf32>,
        %get3A_504 = arith.index_cast %add3A_468 : i32 to index
        %get3A_505 = arith.constant 48 : index
        %get3A_506 = tpu.vector_load %arg12[%get3A_504, %get3A_505] {strides = array<i32>} : memref<128x64xf32, #tpu.memory_space<vmem>>, vector<1x16xf32>,
        %get3A_507 = vector.shape_cast %get3A_506 : vector<1x16xf32> to vector<16xf32>
        %mul3A_508 = vector.broadcast %squeeze3A_470 : f32 to vector<16xf32>
        %mul3A_509 = arith.mulf %get3A_507, %mul3A_508 : vector<16xf32>
        %swap3A_510 = arith.index_cast %add3A_468 : i32 to index
        %swap3A_511 = arith.constant 48 : index
        %swap3A_512 = tpu.vector_load %arg12[%swap3A_510, %swap3A_511] {strides = array<i32>} : memref<128x64xf32, #tpu.memory_space<vmem>>, vector<1x16xf32>,
        %swap3A_513 = vector.shape_cast %swap3A_512 : vector<1x16xf32> to vector<16xf32>
        %swap3A_514 = vector.shape_cast %mul3A_509 : vector<16xf32> to vector<1x16xf32>
        tpu.vector_store %arg12[%swap3A_510, %swap3A_511], %swap3A_514 {strides = array<i32>} : memref<128x64xf32, #tpu.memory_space<vmem>>, vector<1x16xf32>,
        %mul3A_515 = arith.constant 16 : i32
        %mul3A_516 = arith.muli %scan3A_262, %mul3A_515 : i32
        %add3A_517 = arith.constant 5 : i32
        %add3A_518 = arith.addi %mul3A_516, %add3A_517 : i32
        %slice3A_519 = vector.extract_strided_slice %get3A_267 {offsets = [5], sizes = [1], strides = [1]} : vector<16xf32> to vector<1xf32>
        %squeeze3A_520 = vector.extract %slice3A_519[0] : f32 from vector<1xf32>
        %get3A_521 = arith.index_cast %add3A_518 : i32 to index
        %get3A_522 = arith.constant 0 : index
        %get3A_523 = tpu.vector_load %arg12[%get3A_521, %get3A_522] {strides = array<i32>} : memref<128x64xf32, #tpu.memory_space<vmem>>, vector<1x16xf32>,
        %get3A_524 = vector.shape_cast %get3A_523 : vector<1x16xf32> to vector<16xf32>
        %mul3A_525 = vector.broadcast %squeeze3A_520 : f32 to vector<16xf32>
        %mul3A_526 = arith.mulf %get3A_524, %mul3A_525 : vector<16xf32>
        %swap3A_527 = arith.index_cast %add3A_518 : i32 to index
        %swap3A_528 = arith.constant 0 : index
        %swap3A_529 = tpu.vector_load %arg12[%swap3A_527, %swap3A_528] {strides = array<i32>} : memref<128x64xf32, #tpu.memory_space<vmem>>, vector<1x16xf32>,
        %swap3A_530 = vector.shape_cast %swap3A_529 : vector<1x16xf32> to vector<16xf32>
        %swap3A_531 = vector.shape_cast %mul3A_526 : vector<16xf32> to vector<1x16xf32>
        tpu.vector_store %arg12[%swap3A_527, %swap3A_528], %swap3A_531 {strides = array<i32>} : memref<128x64xf32, #tpu.memory_space<vmem>>, vector<1x16xf32>,
        %get3A_532 = arith.index_cast %add3A_518 : i32 to index
        %get3A_533 = arith.constant 16 : index
        %get3A_534 = tpu.vector_load %arg12[%get3A_532, %get3A_533] {strides = array<i32>} : memref<128x64xf32, #tpu.memory_space<vmem>>, vector<1x16xf32>,
        %get3A_535 = vector.shape_cast %get3A_534 : vector<1x16xf32> to vector<16xf32>
        %mul3A_536 = vector.broadcast %squeeze3A_520 : f32 to vector<16xf32>
        %mul3A_537 = arith.mulf %get3A_535, %mul3A_536 : vector<16xf32>
        %swap3A_538 = arith.index_cast %add3A_518 : i32 to index
        %swap3A_539 = arith.constant 16 : index
        %swap3A_540 = tpu.vector_load %arg12[%swap3A_538, %swap3A_539] {strides = array<i32>} : memref<128x64xf32, #tpu.memory_space<vmem>>, vector<1x16xf32>,
        %swap3A_541 = vector.shape_cast %swap3A_540 : vector<1x16xf32> to vector<16xf32>
        %swap3A_542 = vector.shape_cast %mul3A_537 : vector<16xf32> to vector<1x16xf32>
        tpu.vector_store %arg12[%swap3A_538, %swap3A_539], %swap3A_542 {strides = array<i32>} : memref<128x64xf32, #tpu.memory_space<vmem>>, vector<1x16xf32>,
        %get3A_543 = arith.index_cast %add3A_518 : i32 to index
        %get3A_544 = arith.constant 32 : index
        %get3A_545 = tpu.vector_load %arg12[%get3A_543, %get3A_544] {strides = array<i32>} : memref<128x64xf32, #tpu.memory_space<vmem>>, vector<1x16xf32>,
        %get3A_546 = vector.shape_cast %get3A_545 : vector<1x16xf32> to vector<16xf32>
        %mul3A_547 = vector.broadcast %squeeze3A_520 : f32 to vector<16xf32>
        %mul3A_548 = arith.mulf %get3A_546, %mul3A_547 : vector<16xf32>
        %swap3A_549 = arith.index_cast %add3A_518 : i32 to index
        %swap3A_550 = arith.constant 32 : index
        %swap3A_551 = tpu.vector_load %arg12[%swap3A_549, %swap3A_550] {strides = array<i32>} : memref<128x64xf32, #tpu.memory_space<vmem>>, vector<1x16xf32>,
        %swap3A_552 = vector.shape_cast %swap3A_551 : vector<1x16xf32> to vector<16xf32>
        %swap3A_553 = vector.shape_cast %mul3A_548 : vector<16xf32> to vector<1x16xf32>
        tpu.vector_store %arg12[%swap3A_549, %swap3A_550], %swap3A_553 {strides = array<i32>} : memref<128x64xf32, #tpu.memory_space<vmem>>, vector<1x16xf32>,
        %get3A_554 = arith.index_cast %add3A_518 : i32 to index
        %get3A_555 = arith.constant 48 : index
        %get3A_556 = tpu.vector_load %arg12[%get3A_554, %get3A_555] {strides = array<i32>} : memref<128x64xf32, #tpu.memory_space<vmem>>, vector<1x16xf32>,
        %get3A_557 = vector.shape_cast %get3A_556 : vector<1x16xf32> to vector<16xf32>
        %mul3A_558 = vector.broadcast %squeeze3A_520 : f32 to vector<16xf32>
        %mul3A_559 = arith.mulf %get3A_557, %mul3A_558 : vector<16xf32>
        %swap3A_560 = arith.index_cast %add3A_518 : i32 to index
        %swap3A_561 = arith.constant 48 : index
        %swap3A_562 = tpu.vector_load %arg12[%swap3A_560, %swap3A_561] {strides = array<i32>} : memref<128x64xf32, #tpu.memory_space<vmem>>, vector<1x16xf32>,
        %swap3A_563 = vector.shape_cast %swap3A_562 : vector<1x16xf32> to vector<16xf32>
        %swap3A_564 = vector.shape_cast %mul3A_559 : vector<16xf32> to vector<1x16xf32>
        tpu.vector_store %arg12[%swap3A_560, %swap3A_561], %swap3A_564 {strides = array<i32>} : memref<128x64xf32, #tpu.memory_space<vmem>>, vector<1x16xf32>,
        %mul3A_565 = arith.constant 16 : i32
        %mul3A_566 = arith.muli %scan3A_262, %mul3A_565 : i32
        %add3A_567 = arith.constant 6 : i32
        %add3A_568 = arith.addi %mul3A_566, %add3A_567 : i32
        %slice3A_569 = vector.extract_strided_slice %get3A_267 {offsets = [6], sizes = [1], strides = [1]} : vector<16xf32> to vector<1xf32>
        %squeeze3A_570 = vector.extract %slice3A_569[0] : f32 from vector<1xf32>
        %get3A_571 = arith.index_cast %add3A_568 : i32 to index
        %get3A_572 = arith.constant 0 : index
        %get3A_573 = tpu.vector_load %arg12[%get3A_571, %get3A_572] {strides = array<i32>} : memref<128x64xf32, #tpu.memory_space<vmem>>, vector<1x16xf32>,
        %get3A_574 = vector.shape_cast %get3A_573 : vector<1x16xf32> to vector<16xf32>
        %mul3A_575 = vector.broadcast %squeeze3A_570 : f32 to vector<16xf32>
        %mul3A_576 = arith.mulf %get3A_574, %mul3A_575 : vector<16xf32>
        %swap3A_577 = arith.index_cast %add3A_568 : i32 to index
        %swap3A_578 = arith.constant 0 : index
        %swap3A_579 = tpu.vector_load %arg12[%swap3A_577, %swap3A_578] {strides = array<i32>} : memref<128x64xf32, #tpu.memory_space<vmem>>, vector<1x16xf32>,
        %swap3A_580 = vector.shape_cast %swap3A_579 : vector<1x16xf32> to vector<16xf32>
        %swap3A_581 = vector.shape_cast %mul3A_576 : vector<16xf32> to vector<1x16xf32>
        tpu.vector_store %arg12[%swap3A_577, %swap3A_578], %swap3A_581 {strides = array<i32>} : memref<128x64xf32, #tpu.memory_space<vmem>>, vector<1x16xf32>,
        %get3A_582 = arith.index_cast %add3A_568 : i32 to index
        %get3A_583 = arith.constant 16 : index
        %get3A_584 = tpu.vector_load %arg12[%get3A_582, %get3A_583] {strides = array<i32>} : memref<128x64xf32, #tpu.memory_space<vmem>>, vector<1x16xf32>,
        %get3A_585 = vector.shape_cast %get3A_584 : vector<1x16xf32> to vector<16xf32>
        %mul3A_586 = vector.broadcast %squeeze3A_570 : f32 to vector<16xf32>
        %mul3A_587 = arith.mulf %get3A_585, %mul3A_586 : vector<16xf32>
        %swap3A_588 = arith.index_cast %add3A_568 : i32 to index
        %swap3A_589 = arith.constant 16 : index
        %swap3A_590 = tpu.vector_load %arg12[%swap3A_588, %swap3A_589] {strides = array<i32>} : memref<128x64xf32, #tpu.memory_space<vmem>>, vector<1x16xf32>,
        %swap3A_591 = vector.shape_cast %swap3A_590 : vector<1x16xf32> to vector<16xf32>
        %swap3A_592 = vector.shape_cast %mul3A_587 : vector<16xf32> to vector<1x16xf32>
        tpu.vector_store %arg12[%swap3A_588, %swap3A_589], %swap3A_592 {strides = array<i32>} : memref<128x64xf32, #tpu.memory_space<vmem>>, vector<1x16xf32>,
        %get3A_593 = arith.index_cast %add3A_568 : i32 to index
        %get3A_594 = arith.constant 32 : index
        %get3A_595 = tpu.vector_load %arg12[%get3A_593, %get3A_594] {strides = array<i32>} : memref<128x64xf32, #tpu.memory_space<vmem>>, vector<1x16xf32>,
        %get3A_596 = vector.shape_cast %get3A_595 : vector<1x16xf32> to vector<16xf32>
        %mul3A_597 = vector.broadcast %squeeze3A_570 : f32 to vector<16xf32>
        %mul3A_598 = arith.mulf %get3A_596, %mul3A_597 : vector<16xf32>
        %swap3A_599 = arith.index_cast %add3A_568 : i32 to index
        %swap3A_600 = arith.constant 32 : index
        %swap3A_601 = tpu.vector_load %arg12[%swap3A_599, %swap3A_600] {strides = array<i32>} : memref<128x64xf32, #tpu.memory_space<vmem>>, vector<1x16xf32>,
        %swap3A_602 = vector.shape_cast %swap3A_601 : vector<1x16xf32> to vector<16xf32>
        %swap3A_603 = vector.shape_cast %mul3A_598 : vector<16xf32> to vector<1x16xf32>
        tpu.vector_store %arg12[%swap3A_599, %swap3A_600], %swap3A_603 {strides = array<i32>} : memref<128x64xf32, #tpu.memory_space<vmem>>, vector<1x16xf32>,
        %get3A_604 = arith.index_cast %add3A_568 : i32 to index
        %get3A_605 = arith.constant 48 : index
        %get3A_606 = tpu.vector_load %arg12[%get3A_604, %get3A_605] {strides = array<i32>} : memref<128x64xf32, #tpu.memory_space<vmem>>, vector<1x16xf32>,
        %get3A_607 = vector.shape_cast %get3A_606 : vector<1x16xf32> to vector<16xf32>
        %mul3A_608 = vector.broadcast %squeeze3A_570 : f32 to vector<16xf32>
        %mul3A_609 = arith.mulf %get3A_607, %mul3A_608 : vector<16xf32>
        %swap3A_610 = arith.index_cast %add3A_568 : i32 to index
        %swap3A_611 = arith.constant 48 : index
        %swap3A_612 = tpu.vector_load %arg12[%swap3A_610, %swap3A_611] {strides = array<i32>} : memref<128x64xf32, #tpu.memory_space<vmem>>, vector<1x16xf32>,
        %swap3A_613 = vector.shape_cast %swap3A_612 : vector<1x16xf32> to vector<16xf32>
        %swap3A_614 = vector.shape_cast %mul3A_609 : vector<16xf32> to vector<1x16xf32>
        tpu.vector_store %arg12[%swap3A_610, %swap3A_611], %swap3A_614 {strides = array<i32>} : memref<128x64xf32, #tpu.memory_space<vmem>>, vector<1x16xf32>,
        %mul3A_615 = arith.constant 16 : i32
        %mul3A_616 = arith.muli %scan3A_262, %mul3A_615 : i32
        %add3A_617 = arith.constant 7 : i32
        %add3A_618 = arith.addi %mul3A_616, %add3A_617 : i32
        %slice3A_619 = vector.extract_strided_slice %get3A_267 {offsets = [7], sizes = [1], strides = [1]} : vector<16xf32> to vector<1xf32>
        %squeeze3A_620 = vector.extract %slice3A_619[0] : f32 from vector<1xf32>
        %get3A_621 = arith.index_cast %add3A_618 : i32 to index
        %get3A_622 = arith.constant 0 : index
        %get3A_623 = tpu.vector_load %arg12[%get3A_621, %get3A_622] {strides = array<i32>} : memref<128x64xf32, #tpu.memory_space<vmem>>, vector<1x16xf32>,
        %get3A_624 = vector.shape_cast %get3A_623 : vector<1x16xf32> to vector<16xf32>
        %mul3A_625 = vector.broadcast %squeeze3A_620 : f32 to vector<16xf32>
        %mul3A_626 = arith.mulf %get3A_624, %mul3A_625 : vector<16xf32>
        %swap3A_627 = arith.index_cast %add3A_618 : i32 to index
        %swap3A_628 = arith.constant 0 : index
        %swap3A_629 = tpu.vector_load %arg12[%swap3A_627, %swap3A_628] {strides = array<i32>} : memref<128x64xf32, #tpu.memory_space<vmem>>, vector<1x16xf32>,
        %swap3A_630 = vector.shape_cast %swap3A_629 : vector<1x16xf32> to vector<16xf32>
        %swap3A_631 = vector.shape_cast %mul3A_626 : vector<16xf32> to vector<1x16xf32>
        tpu.vector_store %arg12[%swap3A_627, %swap3A_628], %swap3A_631 {strides = array<i32>} : memref<128x64xf32, #tpu.memory_space<vmem>>, vector<1x16xf32>,
        %get3A_632 = arith.index_cast %add3A_618 : i32 to index
        %get3A_633 = arith.constant 16 : index
        %get3A_634 = tpu.vector_load %arg12[%get3A_632, %get3A_633] {strides = array<i32>} : memref<128x64xf32, #tpu.memory_space<vmem>>, vector<1x16xf32>,
        %get3A_635 = vector.shape_cast %get3A_634 : vector<1x16xf32> to vector<16xf32>
        %mul3A_636 = vector.broadcast %squeeze3A_620 : f32 to vector<16xf32>
        %mul3A_637 = arith.mulf %get3A_635, %mul3A_636 : vector<16xf32>
        %swap3A_638 = arith.index_cast %add3A_618 : i32 to index
        %swap3A_639 = arith.constant 16 : index
        %swap3A_640 = tpu.vector_load %arg12[%swap3A_638, %swap3A_639] {strides = array<i32>} : memref<128x64xf32, #tpu.memory_space<vmem>>, vector<1x16xf32>,
        %swap3A_641 = vector.shape_cast %swap3A_640 : vector<1x16xf32> to vector<16xf32>
        %swap3A_642 = vector.shape_cast %mul3A_637 : vector<16xf32> to vector<1x16xf32>
        tpu.vector_store %arg12[%swap3A_638, %swap3A_639], %swap3A_642 {strides = array<i32>} : memref<128x64xf32, #tpu.memory_space<vmem>>, vector<1x16xf32>,
        %get3A_643 = arith.index_cast %add3A_618 : i32 to index
        %get3A_644 = arith.constant 32 : index
        %get3A_645 = tpu.vector_load %arg12[%get3A_643, %get3A_644] {strides = array<i32>} : memref<128x64xf32, #tpu.memory_space<vmem>>, vector<1x16xf32>,
        %get3A_646 = vector.shape_cast %get3A_645 : vector<1x16xf32> to vector<16xf32>
        %mul3A_647 = vector.broadcast %squeeze3A_620 : f32 to vector<16xf32>
        %mul3A_648 = arith.mulf %get3A_646, %mul3A_647 : vector<16xf32>
        %swap3A_649 = arith.index_cast %add3A_618 : i32 to index
        %swap3A_650 = arith.constant 32 : index
        %swap3A_651 = tpu.vector_load %arg12[%swap3A_649, %swap3A_650] {strides = array<i32>} : memref<128x64xf32, #tpu.memory_space<vmem>>, vector<1x16xf32>,
        %swap3A_652 = vector.shape_cast %swap3A_651 : vector<1x16xf32> to vector<16xf32>
        %swap3A_653 = vector.shape_cast %mul3A_648 : vector<16xf32> to vector<1x16xf32>
        tpu.vector_store %arg12[%swap3A_649, %swap3A_650], %swap3A_653 {strides = array<i32>} : memref<128x64xf32, #tpu.memory_space<vmem>>, vector<1x16xf32>,
        %get3A_654 = arith.index_cast %add3A_618 : i32 to index
        %get3A_655 = arith.constant 48 : index
        %get3A_656 = tpu.vector_load %arg12[%get3A_654, %get3A_655] {strides = array<i32>} : memref<128x64xf32, #tpu.memory_space<vmem>>, vector<1x16xf32>,
        %get3A_657 = vector.shape_cast %get3A_656 : vector<1x16xf32> to vector<16xf32>
        %mul3A_658 = vector.broadcast %squeeze3A_620 : f32 to vector<16xf32>
        %mul3A_659 = arith.mulf %get3A_657, %mul3A_658 : vector<16xf32>
        %swap3A_660 = arith.index_cast %add3A_618 : i32 to index
        %swap3A_661 = arith.constant 48 : index
        %swap3A_662 = tpu.vector_load %arg12[%swap3A_660, %swap3A_661] {strides = array<i32>} : memref<128x64xf32, #tpu.memory_space<vmem>>, vector<1x16xf32>,
        %swap3A_663 = vector.shape_cast %swap3A_662 : vector<1x16xf32> to vector<16xf32>
        %swap3A_664 = vector.shape_cast %mul3A_659 : vector<16xf32> to vector<1x16xf32>
        tpu.vector_store %arg12[%swap3A_660, %swap3A_661], %swap3A_664 {strides = array<i32>} : memref<128x64xf32, #tpu.memory_space<vmem>>, vector<1x16xf32>,
        %mul3A_665 = arith.constant 16 : i32
        %mul3A_666 = arith.muli %scan3A_262, %mul3A_665 : i32
        %add3A_667 = arith.constant 8 : i32
        %add3A_668 = arith.addi %mul3A_666, %add3A_667 : i32
        %slice3A_669 = vector.extract_strided_slice %get3A_267 {offsets = [8], sizes = [1], strides = [1]} : vector<16xf32> to vector<1xf32>
        %squeeze3A_670 = vector.extract %slice3A_669[0] : f32 from vector<1xf32>
        %get3A_671 = arith.index_cast %add3A_668 : i32 to index
        %get3A_672 = arith.constant 0 : index
        %get3A_673 = tpu.vector_load %arg12[%get3A_671, %get3A_672] {strides = array<i32>} : memref<128x64xf32, #tpu.memory_space<vmem>>, vector<1x16xf32>,
        %get3A_674 = vector.shape_cast %get3A_673 : vector<1x16xf32> to vector<16xf32>
        %mul3A_675 = vector.broadcast %squeeze3A_670 : f32 to vector<16xf32>
        %mul3A_676 = arith.mulf %get3A_674, %mul3A_675 : vector<16xf32>
        %swap3A_677 = arith.index_cast %add3A_668 : i32 to index
        %swap3A_678 = arith.constant 0 : index
        %swap3A_679 = tpu.vector_load %arg12[%swap3A_677, %swap3A_678] {strides = array<i32>} : memref<128x64xf32, #tpu.memory_space<vmem>>, vector<1x16xf32>,
        %swap3A_680 = vector.shape_cast %swap3A_679 : vector<1x16xf32> to vector<16xf32>
        %swap3A_681 = vector.shape_cast %mul3A_676 : vector<16xf32> to vector<1x16xf32>
        tpu.vector_store %arg12[%swap3A_677, %swap3A_678], %swap3A_681 {strides = array<i32>} : memref<128x64xf32, #tpu.memory_space<vmem>>, vector<1x16xf32>,
        %get3A_682 = arith.index_cast %add3A_668 : i32 to index
        %get3A_683 = arith.constant 16 : index
        %get3A_684 = tpu.vector_load %arg12[%get3A_682, %get3A_683] {strides = array<i32>} : memref<128x64xf32, #tpu.memory_space<vmem>>, vector<1x16xf32>,
        %get3A_685 = vector.shape_cast %get3A_684 : vector<1x16xf32> to vector<16xf32>
        %mul3A_686 = vector.broadcast %squeeze3A_670 : f32 to vector<16xf32>
        %mul3A_687 = arith.mulf %get3A_685, %mul3A_686 : vector<16xf32>
        %swap3A_688 = arith.index_cast %add3A_668 : i32 to index
        %swap3A_689 = arith.constant 16 : index
        %swap3A_690 = tpu.vector_load %arg12[%swap3A_688, %swap3A_689] {strides = array<i32>} : memref<128x64xf32, #tpu.memory_space<vmem>>, vector<1x16xf32>,
        %swap3A_691 = vector.shape_cast %swap3A_690 : vector<1x16xf32> to vector<16xf32>
        %swap3A_692 = vector.shape_cast %mul3A_687 : vector<16xf32> to vector<1x16xf32>
        tpu.vector_store %arg12[%swap3A_688, %swap3A_689], %swap3A_692 {strides = array<i32>} : memref<128x64xf32, #tpu.memory_space<vmem>>, vector<1x16xf32>,
        %get3A_693 = arith.index_cast %add3A_668 : i32 to index
        %get3A_694 = arith.constant 32 : index
        %get3A_695 = tpu.vector_load %arg12[%get3A_693, %get3A_694] {strides = array<i32>} : memref<128x64xf32, #tpu.memory_space<vmem>>, vector<1x16xf32>,
        %get3A_696 = vector.shape_cast %get3A_695 : vector<1x16xf32> to vector<16xf32>
        %mul3A_697 = vector.broadcast %squeeze3A_670 : f32 to vector<16xf32>
        %mul3A_698 = arith.mulf %get3A_696, %mul3A_697 : vector<16xf32>
        %swap3A_699 = arith.index_cast %add3A_668 : i32 to index
        %swap3A_700 = arith.constant 32 : index
        %swap3A_701 = tpu.vector_load %arg12[%swap3A_699, %swap3A_700] {strides = array<i32>} : memref<128x64xf32, #tpu.memory_space<vmem>>, vector<1x16xf32>,
        %swap3A_702 = vector.shape_cast %swap3A_701 : vector<1x16xf32> to vector<16xf32>
        %swap3A_703 = vector.shape_cast %mul3A_698 : vector<16xf32> to vector<1x16xf32>
        tpu.vector_store %arg12[%swap3A_699, %swap3A_700], %swap3A_703 {strides = array<i32>} : memref<128x64xf32, #tpu.memory_space<vmem>>, vector<1x16xf32>,
        %get3A_704 = arith.index_cast %add3A_668 : i32 to index
        %get3A_705 = arith.constant 48 : index
        %get3A_706 = tpu.vector_load %arg12[%get3A_704, %get3A_705] {strides = array<i32>} : memref<128x64xf32, #tpu.memory_space<vmem>>, vector<1x16xf32>,
        %get3A_707 = vector.shape_cast %get3A_706 : vector<1x16xf32> to vector<16xf32>
        %mul3A_708 = vector.broadcast %squeeze3A_670 : f32 to vector<16xf32>
        %mul3A_709 = arith.mulf %get3A_707, %mul3A_708 : vector<16xf32>
        %swap3A_710 = arith.index_cast %add3A_668 : i32 to index
        %swap3A_711 = arith.constant 48 : index
        %swap3A_712 = tpu.vector_load %arg12[%swap3A_710, %swap3A_711] {strides = array<i32>} : memref<128x64xf32, #tpu.memory_space<vmem>>, vector<1x16xf32>,
        %swap3A_713 = vector.shape_cast %swap3A_712 : vector<1x16xf32> to vector<16xf32>
        %swap3A_714 = vector.shape_cast %mul3A_709 : vector<16xf32> to vector<1x16xf32>
        tpu.vector_store %arg12[%swap3A_710, %swap3A_711], %swap3A_714 {strides = array<i32>} : memref<128x64xf32, #tpu.memory_space<vmem>>, vector<1x16xf32>,
        %mul3A_715 = arith.constant 16 : i32
        %mul3A_716 = arith.muli %scan3A_262, %mul3A_715 : i32
        %add3A_717 = arith.constant 9 : i32
        %add3A_718 = arith.addi %mul3A_716, %add3A_717 : i32
        %slice3A_719 = vector.extract_strided_slice %get3A_267 {offsets = [9], sizes = [1], strides = [1]} : vector<16xf32> to vector<1xf32>
        %squeeze3A_720 = vector.extract %slice3A_719[0] : f32 from vector<1xf32>
        %get3A_721 = arith.index_cast %add3A_718 : i32 to index
        %get3A_722 = arith.constant 0 : index
        %get3A_723 = tpu.vector_load %arg12[%get3A_721, %get3A_722] {strides = array<i32>} : memref<128x64xf32, #tpu.memory_space<vmem>>, vector<1x16xf32>,
        %get3A_724 = vector.shape_cast %get3A_723 : vector<1x16xf32> to vector<16xf32>
        %mul3A_725 = vector.broadcast %squeeze3A_720 : f32 to vector<16xf32>
        %mul3A_726 = arith.mulf %get3A_724, %mul3A_725 : vector<16xf32>
        %swap3A_727 = arith.index_cast %add3A_718 : i32 to index
        %swap3A_728 = arith.constant 0 : index
        %swap3A_729 = tpu.vector_load %arg12[%swap3A_727, %swap3A_728] {strides = array<i32>} : memref<128x64xf32, #tpu.memory_space<vmem>>, vector<1x16xf32>,
        %swap3A_730 = vector.shape_cast %swap3A_729 : vector<1x16xf32> to vector<16xf32>
        %swap3A_731 = vector.shape_cast %mul3A_726 : vector<16xf32> to vector<1x16xf32>
        tpu.vector_store %arg12[%swap3A_727, %swap3A_728], %swap3A_731 {strides = array<i32>} : memref<128x64xf32, #tpu.memory_space<vmem>>, vector<1x16xf32>,
        %get3A_732 = arith.index_cast %add3A_718 : i32 to index
        %get3A_733 = arith.constant 16 : index
        %get3A_734 = tpu.vector_load %arg12[%get3A_732, %get3A_733] {strides = array<i32>} : memref<128x64xf32, #tpu.memory_space<vmem>>, vector<1x16xf32>,
        %get3A_735 = vector.shape_cast %get3A_734 : vector<1x16xf32> to vector<16xf32>
        %mul3A_736 = vector.broadcast %squeeze3A_720 : f32 to vector<16xf32>
        %mul3A_737 = arith.mulf %get3A_735, %mul3A_736 : vector<16xf32>
        %swap3A_738 = arith.index_cast %add3A_718 : i32 to index
        %swap3A_739 = arith.constant 16 : index
        %swap3A_740 = tpu.vector_load %arg12[%swap3A_738, %swap3A_739] {strides = array<i32>} : memref<128x64xf32, #tpu.memory_space<vmem>>, vector<1x16xf32>,
        %swap3A_741 = vector.shape_cast %swap3A_740 : vector<1x16xf32> to vector<16xf32>
        %swap3A_742 = vector.shape_cast %mul3A_737 : vector<16xf32> to vector<1x16xf32>
        tpu.vector_store %arg12[%swap3A_738, %swap3A_739], %swap3A_742 {strides = array<i32>} : memref<128x64xf32, #tpu.memory_space<vmem>>, vector<1x16xf32>,
        %get3A_743 = arith.index_cast %add3A_718 : i32 to index
        %get3A_744 = arith.constant 32 : index
        %get3A_745 = tpu.vector_load %arg12[%get3A_743, %get3A_744] {strides = array<i32>} : memref<128x64xf32, #tpu.memory_space<vmem>>, vector<1x16xf32>,
        %get3A_746 = vector.shape_cast %get3A_745 : vector<1x16xf32> to vector<16xf32>
        %mul3A_747 = vector.broadcast %squeeze3A_720 : f32 to vector<16xf32>
        %mul3A_748 = arith.mulf %get3A_746, %mul3A_747 : vector<16xf32>
        %swap3A_749 = arith.index_cast %add3A_718 : i32 to index
        %swap3A_750 = arith.constant 32 : index
        %swap3A_751 = tpu.vector_load %arg12[%swap3A_749, %swap3A_750] {strides = array<i32>} : memref<128x64xf32, #tpu.memory_space<vmem>>, vector<1x16xf32>,
        %swap3A_752 = vector.shape_cast %swap3A_751 : vector<1x16xf32> to vector<16xf32>
        %swap3A_753 = vector.shape_cast %mul3A_748 : vector<16xf32> to vector<1x16xf32>
        tpu.vector_store %arg12[%swap3A_749, %swap3A_750], %swap3A_753 {strides = array<i32>} : memref<128x64xf32, #tpu.memory_space<vmem>>, vector<1x16xf32>,
        %get3A_754 = arith.index_cast %add3A_718 : i32 to index
        %get3A_755 = arith.constant 48 : index
        %get3A_756 = tpu.vector_load %arg12[%get3A_754, %get3A_755] {strides = array<i32>} : memref<128x64xf32, #tpu.memory_space<vmem>>, vector<1x16xf32>,
        %get3A_757 = vector.shape_cast %get3A_756 : vector<1x16xf32> to vector<16xf32>
        %mul3A_758 = vector.broadcast %squeeze3A_720 : f32 to vector<16xf32>
        %mul3A_759 = arith.mulf %get3A_757, %mul3A_758 : vector<16xf32>
        %swap3A_760 = arith.index_cast %add3A_718 : i32 to index
        %swap3A_761 = arith.constant 48 : index
        %swap3A_762 = tpu.vector_load %arg12[%swap3A_760, %swap3A_761] {strides = array<i32>} : memref<128x64xf32, #tpu.memory_space<vmem>>, vector<1x16xf32>,
        %swap3A_763 = vector.shape_cast %swap3A_762 : vector<1x16xf32> to vector<16xf32>
        %swap3A_764 = vector.shape_cast %mul3A_759 : vector<16xf32> to vector<1x16xf32>
        tpu.vector_store %arg12[%swap3A_760, %swap3A_761], %swap3A_764 {strides = array<i32>} : memref<128x64xf32, #tpu.memory_space<vmem>>, vector<1x16xf32>,
        %mul3A_765 = arith.constant 16 : i32
        %mul3A_766 = arith.muli %scan3A_262, %mul3A_765 : i32
        %add3A_767 = arith.constant 10 : i32
        %add3A_768 = arith.addi %mul3A_766, %add3A_767 : i32
        %slice3A_769 = vector.extract_strided_slice %get3A_267 {offsets = [10], sizes = [1], strides = [1]} : vector<16xf32> to vector<1xf32>
        %squeeze3A_770 = vector.extract %slice3A_769[0] : f32 from vector<1xf32>
        %get3A_771 = arith.index_cast %add3A_768 : i32 to index
        %get3A_772 = arith.constant 0 : index
        %get3A_773 = tpu.vector_load %arg12[%get3A_771, %get3A_772] {strides = array<i32>} : memref<128x64xf32, #tpu.memory_space<vmem>>, vector<1x16xf32>,
        %get3A_774 = vector.shape_cast %get3A_773 : vector<1x16xf32> to vector<16xf32>
        %mul3A_775 = vector.broadcast %squeeze3A_770 : f32 to vector<16xf32>
        %mul3A_776 = arith.mulf %get3A_774, %mul3A_775 : vector<16xf32>
        %swap3A_777 = arith.index_cast %add3A_768 : i32 to index
        %swap3A_778 = arith.constant 0 : index
        %swap3A_779 = tpu.vector_load %arg12[%swap3A_777, %swap3A_778] {strides = array<i32>} : memref<128x64xf32, #tpu.memory_space<vmem>>, vector<1x16xf32>,
        %swap3A_780 = vector.shape_cast %swap3A_779 : vector<1x16xf32> to vector<16xf32>
        %swap3A_781 = vector.shape_cast %mul3A_776 : vector<16xf32> to vector<1x16xf32>
        tpu.vector_store %arg12[%swap3A_777, %swap3A_778], %swap3A_781 {strides = array<i32>} : memref<128x64xf32, #tpu.memory_space<vmem>>, vector<1x16xf32>,
        %get3A_782 = arith.index_cast %add3A_768 : i32 to index
        %get3A_783 = arith.constant 16 : index
        %get3A_784 = tpu.vector_load %arg12[%get3A_782, %get3A_783] {strides = array<i32>} : memref<128x64xf32, #tpu.memory_space<vmem>>, vector<1x16xf32>,
        %get3A_785 = vector.shape_cast %get3A_784 : vector<1x16xf32> to vector<16xf32>
        %mul3A_786 = vector.broadcast %squeeze3A_770 : f32 to vector<16xf32>
        %mul3A_787 = arith.mulf %get3A_785, %mul3A_786 : vector<16xf32>
        %swap3A_788 = arith.index_cast %add3A_768 : i32 to index
        %swap3A_789 = arith.constant 16 : index
        %swap3A_790 = tpu.vector_load %arg12[%swap3A_788, %swap3A_789] {strides = array<i32>} : memref<128x64xf32, #tpu.memory_space<vmem>>, vector<1x16xf32>,
        %swap3A_791 = vector.shape_cast %swap3A_790 : vector<1x16xf32> to vector<16xf32>
        %swap3A_792 = vector.shape_cast %mul3A_787 : vector<16xf32> to vector<1x16xf32>
        tpu.vector_store %arg12[%swap3A_788, %swap3A_789], %swap3A_792 {strides = array<i32>} : memref<128x64xf32, #tpu.memory_space<vmem>>, vector<1x16xf32>,
        %get3A_793 = arith.index_cast %add3A_768 : i32 to index
        %get3A_794 = arith.constant 32 : index
        %get3A_795 = tpu.vector_load %arg12[%get3A_793, %get3A_794] {strides = array<i32>} : memref<128x64xf32, #tpu.memory_space<vmem>>, vector<1x16xf32>,
        %get3A_796 = vector.shape_cast %get3A_795 : vector<1x16xf32> to vector<16xf32>
        %mul3A_797 = vector.broadcast %squeeze3A_770 : f32 to vector<16xf32>
        %mul3A_798 = arith.mulf %get3A_796, %mul3A_797 : vector<16xf32>
        %swap3A_799 = arith.index_cast %add3A_768 : i32 to index
        %swap3A_800 = arith.constant 32 : index
        %swap3A_801 = tpu.vector_load %arg12[%swap3A_799, %swap3A_800] {strides = array<i32>} : memref<128x64xf32, #tpu.memory_space<vmem>>, vector<1x16xf32>,
        %swap3A_802 = vector.shape_cast %swap3A_801 : vector<1x16xf32> to vector<16xf32>
        %swap3A_803 = vector.shape_cast %mul3A_798 : vector<16xf32> to vector<1x16xf32>
        tpu.vector_store %arg12[%swap3A_799, %swap3A_800], %swap3A_803 {strides = array<i32>} : memref<128x64xf32, #tpu.memory_space<vmem>>, vector<1x16xf32>,
        %get3A_804 = arith.index_cast %add3A_768 : i32 to index
        %get3A_805 = arith.constant 48 : index
        %get3A_806 = tpu.vector_load %arg12[%get3A_804, %get3A_805] {strides = array<i32>} : memref<128x64xf32, #tpu.memory_space<vmem>>, vector<1x16xf32>,
        %get3A_807 = vector.shape_cast %get3A_806 : vector<1x16xf32> to vector<16xf32>
        %mul3A_808 = vector.broadcast %squeeze3A_770 : f32 to vector<16xf32>
        %mul3A_809 = arith.mulf %get3A_807, %mul3A_808 : vector<16xf32>
        %swap3A_810 = arith.index_cast %add3A_768 : i32 to index
        %swap3A_811 = arith.constant 48 : index
        %swap3A_812 = tpu.vector_load %arg12[%swap3A_810, %swap3A_811] {strides = array<i32>} : memref<128x64xf32, #tpu.memory_space<vmem>>, vector<1x16xf32>,
        %swap3A_813 = vector.shape_cast %swap3A_812 : vector<1x16xf32> to vector<16xf32>
        %swap3A_814 = vector.shape_cast %mul3A_809 : vector<16xf32> to vector<1x16xf32>
        tpu.vector_store %arg12[%swap3A_810, %swap3A_811], %swap3A_814 {strides = array<i32>} : memref<128x64xf32, #tpu.memory_space<vmem>>, vector<1x16xf32>,
        %mul3A_815 = arith.constant 16 : i32
        %mul3A_816 = arith.muli %scan3A_262, %mul3A_815 : i32
        %add3A_817 = arith.constant 11 : i32
        %add3A_818 = arith.addi %mul3A_816, %add3A_817 : i32
        %slice3A_819 = vector.extract_strided_slice %get3A_267 {offsets = [11], sizes = [1], strides = [1]} : vector<16xf32> to vector<1xf32>
        %squeeze3A_820 = vector.extract %slice3A_819[0] : f32 from vector<1xf32>
        %get3A_821 = arith.index_cast %add3A_818 : i32 to index
        %get3A_822 = arith.constant 0 : index
        %get3A_823 = tpu.vector_load %arg12[%get3A_821, %get3A_822] {strides = array<i32>} : memref<128x64xf32, #tpu.memory_space<vmem>>, vector<1x16xf32>,
        %get3A_824 = vector.shape_cast %get3A_823 : vector<1x16xf32> to vector<16xf32>
        %mul3A_825 = vector.broadcast %squeeze3A_820 : f32 to vector<16xf32>
        %mul3A_826 = arith.mulf %get3A_824, %mul3A_825 : vector<16xf32>
        %swap3A_827 = arith.index_cast %add3A_818 : i32 to index
        %swap3A_828 = arith.constant 0 : index
        %swap3A_829 = tpu.vector_load %arg12[%swap3A_827, %swap3A_828] {strides = array<i32>} : memref<128x64xf32, #tpu.memory_space<vmem>>, vector<1x16xf32>,
        %swap3A_830 = vector.shape_cast %swap3A_829 : vector<1x16xf32> to vector<16xf32>
        %swap3A_831 = vector.shape_cast %mul3A_826 : vector<16xf32> to vector<1x16xf32>
        tpu.vector_store %arg12[%swap3A_827, %swap3A_828], %swap3A_831 {strides = array<i32>} : memref<128x64xf32, #tpu.memory_space<vmem>>, vector<1x16xf32>,
        %get3A_832 = arith.index_cast %add3A_818 : i32 to index
        %get3A_833 = arith.constant 16 : index
        %get3A_834 = tpu.vector_load %arg12[%get3A_832, %get3A_833] {strides = array<i32>} : memref<128x64xf32, #tpu.memory_space<vmem>>, vector<1x16xf32>,
        %get3A_835 = vector.shape_cast %get3A_834 : vector<1x16xf32> to vector<16xf32>
        %mul3A_836 = vector.broadcast %squeeze3A_820 : f32 to vector<16xf32>
        %mul3A_837 = arith.mulf %get3A_835, %mul3A_836 : vector<16xf32>
        %swap3A_838 = arith.index_cast %add3A_818 : i32 to index
        %swap3A_839 = arith.constant 16 : index
        %swap3A_840 = tpu.vector_load %arg12[%swap3A_838, %swap3A_839] {strides = array<i32>} : memref<128x64xf32, #tpu.memory_space<vmem>>, vector<1x16xf32>,
        %swap3A_841 = vector.shape_cast %swap3A_840 : vector<1x16xf32> to vector<16xf32>
        %swap3A_842 = vector.shape_cast %mul3A_837 : vector<16xf32> to vector<1x16xf32>
        tpu.vector_store %arg12[%swap3A_838, %swap3A_839], %swap3A_842 {strides = array<i32>} : memref<128x64xf32, #tpu.memory_space<vmem>>, vector<1x16xf32>,
        %get3A_843 = arith.index_cast %add3A_818 : i32 to index
        %get3A_844 = arith.constant 32 : index
        %get3A_845 = tpu.vector_load %arg12[%get3A_843, %get3A_844] {strides = array<i32>} : memref<128x64xf32, #tpu.memory_space<vmem>>, vector<1x16xf32>,
        %get3A_846 = vector.shape_cast %get3A_845 : vector<1x16xf32> to vector<16xf32>
        %mul3A_847 = vector.broadcast %squeeze3A_820 : f32 to vector<16xf32>
        %mul3A_848 = arith.mulf %get3A_846, %mul3A_847 : vector<16xf32>
        %swap3A_849 = arith.index_cast %add3A_818 : i32 to index
        %swap3A_850 = arith.constant 32 : index
        %swap3A_851 = tpu.vector_load %arg12[%swap3A_849, %swap3A_850] {strides = array<i32>} : memref<128x64xf32, #tpu.memory_space<vmem>>, vector<1x16xf32>,
        %swap3A_852 = vector.shape_cast %swap3A_851 : vector<1x16xf32> to vector<16xf32>
        %swap3A_853 = vector.shape_cast %mul3A_848 : vector<16xf32> to vector<1x16xf32>
        tpu.vector_store %arg12[%swap3A_849, %swap3A_850], %swap3A_853 {strides = array<i32>} : memref<128x64xf32, #tpu.memory_space<vmem>>, vector<1x16xf32>,
        %get3A_854 = arith.index_cast %add3A_818 : i32 to index
        %get3A_855 = arith.constant 48 : index
        %get3A_856 = tpu.vector_load %arg12[%get3A_854, %get3A_855] {strides = array<i32>} : memref<128x64xf32, #tpu.memory_space<vmem>>, vector<1x16xf32>,
        %get3A_857 = vector.shape_cast %get3A_856 : vector<1x16xf32> to vector<16xf32>
        %mul3A_858 = vector.broadcast %squeeze3A_820 : f32 to vector<16xf32>
        %mul3A_859 = arith.mulf %get3A_857, %mul3A_858 : vector<16xf32>
        %swap3A_860 = arith.index_cast %add3A_818 : i32 to index
        %swap3A_861 = arith.constant 48 : index
        %swap3A_862 = tpu.vector_load %arg12[%swap3A_860, %swap3A_861] {strides = array<i32>} : memref<128x64xf32, #tpu.memory_space<vmem>>, vector<1x16xf32>,
        %swap3A_863 = vector.shape_cast %swap3A_862 : vector<1x16xf32> to vector<16xf32>
        %swap3A_864 = vector.shape_cast %mul3A_859 : vector<16xf32> to vector<1x16xf32>
        tpu.vector_store %arg12[%swap3A_860, %swap3A_861], %swap3A_864 {strides = array<i32>} : memref<128x64xf32, #tpu.memory_space<vmem>>, vector<1x16xf32>,
        %mul3A_865 = arith.constant 16 : i32
        %mul3A_866 = arith.muli %scan3A_262, %mul3A_865 : i32
        %add3A_867 = arith.constant 12 : i32
        %add3A_868 = arith.addi %mul3A_866, %add3A_867 : i32
        %slice3A_869 = vector.extract_strided_slice %get3A_267 {offsets = [12], sizes = [1], strides = [1]} : vector<16xf32> to vector<1xf32>
        %squeeze3A_870 = vector.extract %slice3A_869[0] : f32 from vector<1xf32>
        %get3A_871 = arith.index_cast %add3A_868 : i32 to index
        %get3A_872 = arith.constant 0 : index
        %get3A_873 = tpu.vector_load %arg12[%get3A_871, %get3A_872] {strides = array<i32>} : memref<128x64xf32, #tpu.memory_space<vmem>>, vector<1x16xf32>,
        %get3A_874 = vector.shape_cast %get3A_873 : vector<1x16xf32> to vector<16xf32>
        %mul3A_875 = vector.broadcast %squeeze3A_870 : f32 to vector<16xf32>
        %mul3A_876 = arith.mulf %get3A_874, %mul3A_875 : vector<16xf32>
        %swap3A_877 = arith.index_cast %add3A_868 : i32 to index
        %swap3A_878 = arith.constant 0 : index
        %swap3A_879 = tpu.vector_load %arg12[%swap3A_877, %swap3A_878] {strides = array<i32>} : memref<128x64xf32, #tpu.memory_space<vmem>>, vector<1x16xf32>,
        %swap3A_880 = vector.shape_cast %swap3A_879 : vector<1x16xf32> to vector<16xf32>
        %swap3A_881 = vector.shape_cast %mul3A_876 : vector<16xf32> to vector<1x16xf32>
        tpu.vector_store %arg12[%swap3A_877, %swap3A_878], %swap3A_881 {strides = array<i32>} : memref<128x64xf32, #tpu.memory_space<vmem>>, vector<1x16xf32>,
        %get3A_882 = arith.index_cast %add3A_868 : i32 to index
        %get3A_883 = arith.constant 16 : index
        %get3A_884 = tpu.vector_load %arg12[%get3A_882, %get3A_883] {strides = array<i32>} : memref<128x64xf32, #tpu.memory_space<vmem>>, vector<1x16xf32>,
        %get3A_885 = vector.shape_cast %get3A_884 : vector<1x16xf32> to vector<16xf32>
        %mul3A_886 = vector.broadcast %squeeze3A_870 : f32 to vector<16xf32>
        %mul3A_887 = arith.mulf %get3A_885, %mul3A_886 : vector<16xf32>
        %swap3A_888 = arith.index_cast %add3A_868 : i32 to index
        %swap3A_889 = arith.constant 16 : index
        %swap3A_890 = tpu.vector_load %arg12[%swap3A_888, %swap3A_889] {strides = array<i32>} : memref<128x64xf32, #tpu.memory_space<vmem>>, vector<1x16xf32>,
        %swap3A_891 = vector.shape_cast %swap3A_890 : vector<1x16xf32> to vector<16xf32>
        %swap3A_892 = vector.shape_cast %mul3A_887 : vector<16xf32> to vector<1x16xf32>
        tpu.vector_store %arg12[%swap3A_888, %swap3A_889], %swap3A_892 {strides = array<i32>} : memref<128x64xf32, #tpu.memory_space<vmem>>, vector<1x16xf32>,
        %get3A_893 = arith.index_cast %add3A_868 : i32 to index
        %get3A_894 = arith.constant 32 : index
        %get3A_895 = tpu.vector_load %arg12[%get3A_893, %get3A_894] {strides = array<i32>} : memref<128x64xf32, #tpu.memory_space<vmem>>, vector<1x16xf32>,
        %get3A_896 = vector.shape_cast %get3A_895 : vector<1x16xf32> to vector<16xf32>
        %mul3A_897 = vector.broadcast %squeeze3A_870 : f32 to vector<16xf32>
        %mul3A_898 = arith.mulf %get3A_896, %mul3A_897 : vector<16xf32>
        %swap3A_899 = arith.index_cast %add3A_868 : i32 to index
        %swap3A_900 = arith.constant 32 : index
        %swap3A_901 = tpu.vector_load %arg12[%swap3A_899, %swap3A_900] {strides = array<i32>} : memref<128x64xf32, #tpu.memory_space<vmem>>, vector<1x16xf32>,
        %swap3A_902 = vector.shape_cast %swap3A_901 : vector<1x16xf32> to vector<16xf32>
        %swap3A_903 = vector.shape_cast %mul3A_898 : vector<16xf32> to vector<1x16xf32>
        tpu.vector_store %arg12[%swap3A_899, %swap3A_900], %swap3A_903 {strides = array<i32>} : memref<128x64xf32, #tpu.memory_space<vmem>>, vector<1x16xf32>,
        %get3A_904 = arith.index_cast %add3A_868 : i32 to index
        %get3A_905 = arith.constant 48 : index
        %get3A_906 = tpu.vector_load %arg12[%get3A_904, %get3A_905] {strides = array<i32>} : memref<128x64xf32, #tpu.memory_space<vmem>>, vector<1x16xf32>,
        %get3A_907 = vector.shape_cast %get3A_906 : vector<1x16xf32> to vector<16xf32>
        %mul3A_908 = vector.broadcast %squeeze3A_870 : f32 to vector<16xf32>
        %mul3A_909 = arith.mulf %get3A_907, %mul3A_908 : vector<16xf32>
        %swap3A_910 = arith.index_cast %add3A_868 : i32 to index
        %swap3A_911 = arith.constant 48 : index
        %swap3A_912 = tpu.vector_load %arg12[%swap3A_910, %swap3A_911] {strides = array<i32>} : memref<128x64xf32, #tpu.memory_space<vmem>>, vector<1x16xf32>,
        %swap3A_913 = vector.shape_cast %swap3A_912 : vector<1x16xf32> to vector<16xf32>
        %swap3A_914 = vector.shape_cast %mul3A_909 : vector<16xf32> to vector<1x16xf32>
        tpu.vector_store %arg12[%swap3A_910, %swap3A_911], %swap3A_914 {strides = array<i32>} : memref<128x64xf32, #tpu.memory_space<vmem>>, vector<1x16xf32>,
        %mul3A_915 = arith.constant 16 : i32
        %mul3A_916 = arith.muli %scan3A_262, %mul3A_915 : i32
        %add3A_917 = arith.constant 13 : i32
        %add3A_918 = arith.addi %mul3A_916, %add3A_917 : i32
        %slice3A_919 = vector.extract_strided_slice %get3A_267 {offsets = [13], sizes = [1], strides = [1]} : vector<16xf32> to vector<1xf32>
        %squeeze3A_920 = vector.extract %slice3A_919[0] : f32 from vector<1xf32>
        %get3A_921 = arith.index_cast %add3A_918 : i32 to index
        %get3A_922 = arith.constant 0 : index
        %get3A_923 = tpu.vector_load %arg12[%get3A_921, %get3A_922] {strides = array<i32>} : memref<128x64xf32, #tpu.memory_space<vmem>>, vector<1x16xf32>,
        %get3A_924 = vector.shape_cast %get3A_923 : vector<1x16xf32> to vector<16xf32>
        %mul3A_925 = vector.broadcast %squeeze3A_920 : f32 to vector<16xf32>
        %mul3A_926 = arith.mulf %get3A_924, %mul3A_925 : vector<16xf32>
        %swap3A_927 = arith.index_cast %add3A_918 : i32 to index
        %swap3A_928 = arith.constant 0 : index
        %swap3A_929 = tpu.vector_load %arg12[%swap3A_927, %swap3A_928] {strides = array<i32>} : memref<128x64xf32, #tpu.memory_space<vmem>>, vector<1x16xf32>,
        %swap3A_930 = vector.shape_cast %swap3A_929 : vector<1x16xf32> to vector<16xf32>
        %swap3A_931 = vector.shape_cast %mul3A_926 : vector<16xf32> to vector<1x16xf32>
        tpu.vector_store %arg12[%swap3A_927, %swap3A_928], %swap3A_931 {strides = array<i32>} : memref<128x64xf32, #tpu.memory_space<vmem>>, vector<1x16xf32>,
        %get3A_932 = arith.index_cast %add3A_918 : i32 to index
        %get3A_933 = arith.constant 16 : index
        %get3A_934 = tpu.vector_load %arg12[%get3A_932, %get3A_933] {strides = array<i32>} : memref<128x64xf32, #tpu.memory_space<vmem>>, vector<1x16xf32>,
        %get3A_935 = vector.shape_cast %get3A_934 : vector<1x16xf32> to vector<16xf32>
        %mul3A_936 = vector.broadcast %squeeze3A_920 : f32 to vector<16xf32>
        %mul3A_937 = arith.mulf %get3A_935, %mul3A_936 : vector<16xf32>
        %swap3A_938 = arith.index_cast %add3A_918 : i32 to index
        %swap3A_939 = arith.constant 16 : index
        %swap3A_940 = tpu.vector_load %arg12[%swap3A_938, %swap3A_939] {strides = array<i32>} : memref<128x64xf32, #tpu.memory_space<vmem>>, vector<1x16xf32>,
        %swap3A_941 = vector.shape_cast %swap3A_940 : vector<1x16xf32> to vector<16xf32>
        %swap3A_942 = vector.shape_cast %mul3A_937 : vector<16xf32> to vector<1x16xf32>
        tpu.vector_store %arg12[%swap3A_938, %swap3A_939], %swap3A_942 {strides = array<i32>} : memref<128x64xf32, #tpu.memory_space<vmem>>, vector<1x16xf32>,
        %get3A_943 = arith.index_cast %add3A_918 : i32 to index
        %get3A_944 = arith.constant 32 : index
        %get3A_945 = tpu.vector_load %arg12[%get3A_943, %get3A_944] {strides = array<i32>} : memref<128x64xf32, #tpu.memory_space<vmem>>, vector<1x16xf32>,
        %get3A_946 = vector.shape_cast %get3A_945 : vector<1x16xf32> to vector<16xf32>
        %mul3A_947 = vector.broadcast %squeeze3A_920 : f32 to vector<16xf32>
        %mul3A_948 = arith.mulf %get3A_946, %mul3A_947 : vector<16xf32>
        %swap3A_949 = arith.index_cast %add3A_918 : i32 to index
        %swap3A_950 = arith.constant 32 : index
        %swap3A_951 = tpu.vector_load %arg12[%swap3A_949, %swap3A_950] {strides = array<i32>} : memref<128x64xf32, #tpu.memory_space<vmem>>, vector<1x16xf32>,
        %swap3A_952 = vector.shape_cast %swap3A_951 : vector<1x16xf32> to vector<16xf32>
        %swap3A_953 = vector.shape_cast %mul3A_948 : vector<16xf32> to vector<1x16xf32>
        tpu.vector_store %arg12[%swap3A_949, %swap3A_950], %swap3A_953 {strides = array<i32>} : memref<128x64xf32, #tpu.memory_space<vmem>>, vector<1x16xf32>,
        %get3A_954 = arith.index_cast %add3A_918 : i32 to index
        %get3A_955 = arith.constant 48 : index
        %get3A_956 = tpu.vector_load %arg12[%get3A_954, %get3A_955] {strides = array<i32>} : memref<128x64xf32, #tpu.memory_space<vmem>>, vector<1x16xf32>,
        %get3A_957 = vector.shape_cast %get3A_956 : vector<1x16xf32> to vector<16xf32>
        %mul3A_958 = vector.broadcast %squeeze3A_920 : f32 to vector<16xf32>
        %mul3A_959 = arith.mulf %get3A_957, %mul3A_958 : vector<16xf32>
        %swap3A_960 = arith.index_cast %add3A_918 : i32 to index
        %swap3A_961 = arith.constant 48 : index
        %swap3A_962 = tpu.vector_load %arg12[%swap3A_960, %swap3A_961] {strides = array<i32>} : memref<128x64xf32, #tpu.memory_space<vmem>>, vector<1x16xf32>,
        %swap3A_963 = vector.shape_cast %swap3A_962 : vector<1x16xf32> to vector<16xf32>
        %swap3A_964 = vector.shape_cast %mul3A_959 : vector<16xf32> to vector<1x16xf32>
        tpu.vector_store %arg12[%swap3A_960, %swap3A_961], %swap3A_964 {strides = array<i32>} : memref<128x64xf32, #tpu.memory_space<vmem>>, vector<1x16xf32>,
        %mul3A_965 = arith.constant 16 : i32
        %mul3A_966 = arith.muli %scan3A_262, %mul3A_965 : i32
        %add3A_967 = arith.constant 14 : i32
        %add3A_968 = arith.addi %mul3A_966, %add3A_967 : i32
        %slice3A_969 = vector.extract_strided_slice %get3A_267 {offsets = [14], sizes = [1], strides = [1]} : vector<16xf32> to vector<1xf32>
        %squeeze3A_970 = vector.extract %slice3A_969[0] : f32 from vector<1xf32>
        %get3A_971 = arith.index_cast %add3A_968 : i32 to index
        %get3A_972 = arith.constant 0 : index
        %get3A_973 = tpu.vector_load %arg12[%get3A_971, %get3A_972] {strides = array<i32>} : memref<128x64xf32, #tpu.memory_space<vmem>>, vector<1x16xf32>,
        %get3A_974 = vector.shape_cast %get3A_973 : vector<1x16xf32> to vector<16xf32>
        %mul3A_975 = vector.broadcast %squeeze3A_970 : f32 to vector<16xf32>
        %mul3A_976 = arith.mulf %get3A_974, %mul3A_975 : vector<16xf32>
        %swap3A_977 = arith.index_cast %add3A_968 : i32 to index
        %swap3A_978 = arith.constant 0 : index
        %swap3A_979 = tpu.vector_load %arg12[%swap3A_977, %swap3A_978] {strides = array<i32>} : memref<128x64xf32, #tpu.memory_space<vmem>>, vector<1x16xf32>,
        %swap3A_980 = vector.shape_cast %swap3A_979 : vector<1x16xf32> to vector<16xf32>
        %swap3A_981 = vector.shape_cast %mul3A_976 : vector<16xf32> to vector<1x16xf32>
        tpu.vector_store %arg12[%swap3A_977, %swap3A_978], %swap3A_981 {strides = array<i32>} : memref<128x64xf32, #tpu.memory_space<vmem>>, vector<1x16xf32>,
        %get3A_982 = arith.index_cast %add3A_968 : i32 to index
        %get3A_983 = arith.constant 16 : index
        %get3A_984 = tpu.vector_load %arg12[%get3A_982, %get3A_983] {strides = array<i32>} : memref<128x64xf32, #tpu.memory_space<vmem>>, vector<1x16xf32>,
        %get3A_985 = vector.shape_cast %get3A_984 : vector<1x16xf32> to vector<16xf32>
        %mul3A_986 = vector.broadcast %squeeze3A_970 : f32 to vector<16xf32>
        %mul3A_987 = arith.mulf %get3A_985, %mul3A_986 : vector<16xf32>
        %swap3A_988 = arith.index_cast %add3A_968 : i32 to index
        %swap3A_989 = arith.constant 16 : index
        %swap3A_990 = tpu.vector_load %arg12[%swap3A_988, %swap3A_989] {strides = array<i32>} : memref<128x64xf32, #tpu.memory_space<vmem>>, vector<1x16xf32>,
        %swap3A_991 = vector.shape_cast %swap3A_990 : vector<1x16xf32> to vector<16xf32>
        %swap3A_992 = vector.shape_cast %mul3A_987 : vector<16xf32> to vector<1x16xf32>
        tpu.vector_store %arg12[%swap3A_988, %swap3A_989], %swap3A_992 {strides = array<i32>} : memref<128x64xf32, #tpu.memory_space<vmem>>, vector<1x16xf32>,
        %get3A_993 = arith.index_cast %add3A_968 : i32 to index
        %get3A_994 = arith.constant 32 : index
        %get3A_995 = tpu.vector_load %arg12[%get3A_993, %get3A_994] {strides = array<i32>} : memref<128x64xf32, #tpu.memory_space<vmem>>, vector<1x16xf32>,
        %get3A_996 = vector.shape_cast %get3A_995 : vector<1x16xf32> to vector<16xf32>
        %mul3A_997 = vector.broadcast %squeeze3A_970 : f32 to vector<16xf32>
        %mul3A_998 = arith.mulf %get3A_996, %mul3A_997 : vector<16xf32>
        %swap3A_999 = arith.index_cast %add3A_968 : i32 to index
        %swap3A_1000 = arith.constant 32 : index
        %swap3A_1001 = tpu.vector_load %arg12[%swap3A_999, %swap3A_1000] {strides = array<i32>} : memref<128x64xf32, #tpu.memory_space<vmem>>, vector<1x16xf32>,
        %swap3A_1002 = vector.shape_cast %swap3A_1001 : vector<1x16xf32> to vector<16xf32>
        %swap3A_1003 = vector.shape_cast %mul3A_998 : vector<16xf32> to vector<1x16xf32>
        tpu.vector_store %arg12[%swap3A_999, %swap3A_1000], %swap3A_1003 {strides = array<i32>} : memref<128x64xf32, #tpu.memory_space<vmem>>, vector<1x16xf32>,
        %get3A_1004 = arith.index_cast %add3A_968 : i32 to index
        %get3A_1005 = arith.constant 48 : index
        %get3A_1006 = tpu.vector_load %arg12[%get3A_1004, %get3A_1005] {strides = array<i32>} : memref<128x64xf32, #tpu.memory_space<vmem>>, vector<1x16xf32>,
        %get3A_1007 = vector.shape_cast %get3A_1006 : vector<1x16xf32> to vector<16xf32>
        %mul3A_1008 = vector.broadcast %squeeze3A_970 : f32 to vector<16xf32>
        %mul3A_1009 = arith.mulf %get3A_1007, %mul3A_1008 : vector<16xf32>
        %swap3A_1010 = arith.index_cast %add3A_968 : i32 to index
        %swap3A_1011 = arith.constant 48 : index
        %swap3A_1012 = tpu.vector_load %arg12[%swap3A_1010, %swap3A_1011] {strides = array<i32>} : memref<128x64xf32, #tpu.memory_space<vmem>>, vector<1x16xf32>,
        %swap3A_1013 = vector.shape_cast %swap3A_1012 : vector<1x16xf32> to vector<16xf32>
        %swap3A_1014 = vector.shape_cast %mul3A_1009 : vector<16xf32> to vector<1x16xf32>
        tpu.vector_store %arg12[%swap3A_1010, %swap3A_1011], %swap3A_1014 {strides = array<i32>} : memref<128x64xf32, #tpu.memory_space<vmem>>, vector<1x16xf32>,
        %mul3A_1015 = arith.constant 16 : i32
        %mul3A_1016 = arith.muli %scan3A_262, %mul3A_1015 : i32
        %add3A_1017 = arith.constant 15 : i32
        %add3A_1018 = arith.addi %mul3A_1016, %add3A_1017 : i32
        %slice3A_1019 = vector.extract_strided_slice %get3A_267 {offsets = [15], sizes = [1], strides = [1]} : vector<16xf32> to vector<1xf32>
        %squeeze3A_1020 = vector.extract %slice3A_1019[0] : f32 from vector<1xf32>
        %get3A_1021 = arith.index_cast %add3A_1018 : i32 to index
        %get3A_1022 = arith.constant 0 : index
        %get3A_1023 = tpu.vector_load %arg12[%get3A_1021, %get3A_1022] {strides = array<i32>} : memref<128x64xf32, #tpu.memory_space<vmem>>, vector<1x16xf32>,
        %get3A_1024 = vector.shape_cast %get3A_1023 : vector<1x16xf32> to vector<16xf32>
        %mul3A_1025 = vector.broadcast %squeeze3A_1020 : f32 to vector<16xf32>
        %mul3A_1026 = arith.mulf %get3A_1024, %mul3A_1025 : vector<16xf32>
        %swap3A_1027 = arith.index_cast %add3A_1018 : i32 to index
        %swap3A_1028 = arith.constant 0 : index
        %swap3A_1029 = tpu.vector_load %arg12[%swap3A_1027, %swap3A_1028] {strides = array<i32>} : memref<128x64xf32, #tpu.memory_space<vmem>>, vector<1x16xf32>,
        %swap3A_1030 = vector.shape_cast %swap3A_1029 : vector<1x16xf32> to vector<16xf32>
        %swap3A_1031 = vector.shape_cast %mul3A_1026 : vector<16xf32> to vector<1x16xf32>
        tpu.vector_store %arg12[%swap3A_1027, %swap3A_1028], %swap3A_1031 {strides = array<i32>} : memref<128x64xf32, #tpu.memory_space<vmem>>, vector<1x16xf32>,
        %get3A_1032 = arith.index_cast %add3A_1018 : i32 to index
        %get3A_1033 = arith.constant 16 : index
        %get3A_1034 = tpu.vector_load %arg12[%get3A_1032, %get3A_1033] {strides = array<i32>} : memref<128x64xf32, #tpu.memory_space<vmem>>, vector<1x16xf32>,
        %get3A_1035 = vector.shape_cast %get3A_1034 : vector<1x16xf32> to vector<16xf32>
        %mul3A_1036 = vector.broadcast %squeeze3A_1020 : f32 to vector<16xf32>
        %mul3A_1037 = arith.mulf %get3A_1035, %mul3A_1036 : vector<16xf32>
        %swap3A_1038 = arith.index_cast %add3A_1018 : i32 to index
        %swap3A_1039 = arith.constant 16 : index
        %swap3A_1040 = tpu.vector_load %arg12[%swap3A_1038, %swap3A_1039] {strides = array<i32>} : memref<128x64xf32, #tpu.memory_space<vmem>>, vector<1x16xf32>,
        %swap3A_1041 = vector.shape_cast %swap3A_1040 : vector<1x16xf32> to vector<16xf32>
        %swap3A_1042 = vector.shape_cast %mul3A_1037 : vector<16xf32> to vector<1x16xf32>
        tpu.vector_store %arg12[%swap3A_1038, %swap3A_1039], %swap3A_1042 {strides = array<i32>} : memref<128x64xf32, #tpu.memory_space<vmem>>, vector<1x16xf32>,
        %get3A_1043 = arith.index_cast %add3A_1018 : i32 to index
        %get3A_1044 = arith.constant 32 : index
        %get3A_1045 = tpu.vector_load %arg12[%get3A_1043, %get3A_1044] {strides = array<i32>} : memref<128x64xf32, #tpu.memory_space<vmem>>, vector<1x16xf32>,
        %get3A_1046 = vector.shape_cast %get3A_1045 : vector<1x16xf32> to vector<16xf32>
        %mul3A_1047 = vector.broadcast %squeeze3A_1020 : f32 to vector<16xf32>
        %mul3A_1048 = arith.mulf %get3A_1046, %mul3A_1047 : vector<16xf32>
        %swap3A_1049 = arith.index_cast %add3A_1018 : i32 to index
        %swap3A_1050 = arith.constant 32 : index
        %swap3A_1051 = tpu.vector_load %arg12[%swap3A_1049, %swap3A_1050] {strides = array<i32>} : memref<128x64xf32, #tpu.memory_space<vmem>>, vector<1x16xf32>,
        %swap3A_1052 = vector.shape_cast %swap3A_1051 : vector<1x16xf32> to vector<16xf32>
        %swap3A_1053 = vector.shape_cast %mul3A_1048 : vector<16xf32> to vector<1x16xf32>
        tpu.vector_store %arg12[%swap3A_1049, %swap3A_1050], %swap3A_1053 {strides = array<i32>} : memref<128x64xf32, #tpu.memory_space<vmem>>, vector<1x16xf32>,
        %get3A_1054 = arith.index_cast %add3A_1018 : i32 to index
        %get3A_1055 = arith.constant 48 : index
        %get3A_1056 = tpu.vector_load %arg12[%get3A_1054, %get3A_1055] {strides = array<i32>} : memref<128x64xf32, #tpu.memory_space<vmem>>, vector<1x16xf32>,
        %get3A_1057 = vector.shape_cast %get3A_1056 : vector<1x16xf32> to vector<16xf32>
        %mul3A_1058 = vector.broadcast %squeeze3A_1020 : f32 to vector<16xf32>
        %mul3A_1059 = arith.mulf %get3A_1057, %mul3A_1058 : vector<16xf32>
        %swap3A_1060 = arith.index_cast %add3A_1018 : i32 to index
        %swap3A_1061 = arith.constant 48 : index
        %swap3A_1062 = tpu.vector_load %arg12[%swap3A_1060, %swap3A_1061] {strides = array<i32>} : memref<128x64xf32, #tpu.memory_space<vmem>>, vector<1x16xf32>,
        %swap3A_1063 = vector.shape_cast %swap3A_1062 : vector<1x16xf32> to vector<16xf32>
        %swap3A_1064 = vector.shape_cast %mul3A_1059 : vector<16xf32> to vector<1x16xf32>
        tpu.vector_store %arg12[%swap3A_1060, %swap3A_1061], %swap3A_1064 {strides = array<i32>} : memref<128x64xf32, #tpu.memory_space<vmem>>, vector<1x16xf32>,
      }
      %scan3A_139 = arith.constant 8 : i32
      %dma_start3A_140 = arith.constant 0 : i32
      %dma_start3A_141 = tpu.memref_slice %arg10[%add3A_121, %dma_start3A_140] : memref<80x128xi32, #tpu.memory_space<vmem>> -> memref<1x128xi32, #tpu.memory_space<vmem>>
      %dma_start3A_142 = tpu.memref_squeeze %dma_start3A_141 : memref<1x128xi32, #tpu.memory_space<vmem>> -> memref<128xi32, #tpu.memory_space<vmem>>
      %dma_start3A_143 = arith.constant 0 : i32
      %dma_start3A_144 = arith.constant 0 : i32
      %dma_start3A_145 = tpu.memref_slice %arg17[%dma_start3A_143, %dma_start3A_144] : memref<10240x64xf32, #tpu.memory_space<vmem_shared>> -> memref<10240x64xf32, #tpu.memory_space<vmem_shared>>
      tpu.enqueue_indirect_dma source(%arg12 : memref<128x64xf32, #tpu.memory_space<vmem>>) target(%dma_start3A_145 : memref<10240x64xf32, #tpu.memory_space<vmem_shared>>) offsets(%dma_start3A_142 : memref<128xi32, #tpu.memory_space<vmem>>) semaphore(%arg18 : memref<!tpu.dma_semaphore, #tpu.memory_space<semaphore_mem>>) {add = true}
      %mul3A_146 = arith.constant 5 : i32
      %mul3A_147 = arith.muli %mul3A_146, %scan3A_117 : i32
      %add3A_148 = arith.constant 1 : i32
      %add3A_149 = arith.addi %mul3A_147, %add3A_148 : i32
      %add3A_150 = arith.constant 2 : i32
      %add3A_151 = arith.addi %add3A_149, %add3A_150 : i32
      %lt3A_152 = arith.constant 80 : i32
      %lt3A_153 = arith.cmpi slt, %add3A_151, %lt3A_152 : i32
      %convert_element_type3A_154 = arith.extui %lt3A_153 : i1 to i32
      %cond3A_155 = arith.constant 0 : i32
      %cond3A_156 = arith.cmpi ne, %convert_element_type3A_154, %cond3A_155 : i32
      scf.if %cond3A_156 {
        %ge3A = arith.constant 5 : i32
        %ge3A_262 = arith.cmpi sge, %add3A_151, %ge3A : i32
        %convert_element_type3A_263 = arith.extui %ge3A_262 : i1 to i32
        %cond3A_264 = arith.constant 0 : i32
        %cond3A_265 = arith.cmpi ne, %convert_element_type3A_263, %cond3A_264 : i32
        scf.if %cond3A_265 {
          %dma_wait3A_272 = arith.constant 0 : i32
          %dma_wait3A_273 = arith.constant 0 : i32
          %dma_wait3A_274 = tpu.memref_slice %arg10[%dma_wait3A_272, %dma_wait3A_273] : memref<80x128xi32, #tpu.memory_space<vmem>> -> memref<1x128xi32, #tpu.memory_space<vmem>>
          %dma_wait3A_275 = tpu.memref_squeeze %dma_wait3A_274 : memref<1x128xi32, #tpu.memory_space<vmem>> -> memref<128xi32, #tpu.memory_space<vmem>>
          %dma_wait3A_276 = arith.constant 0 : i32
          %dma_wait3A_277 = arith.constant 0 : i32
          %dma_wait3A_278 = tpu.memref_slice %arg17[%dma_wait3A_276, %dma_wait3A_277] : memref<10240x64xf32, #tpu.memory_space<vmem_shared>> -> memref<10240x64xf32, #tpu.memory_space<vmem_shared>>
          tpu.wait_indirect_dma semaphore(%arg21 : memref<!tpu.dma_semaphore, #tpu.memory_space<semaphore_mem>>) src(%arg15 : memref<128x64xf32, #tpu.memory_space<vmem>>) dst(%dma_wait3A_278 : memref<10240x64xf32, #tpu.memory_space<vmem_shared>>)
        } else {
        }
        %dma_start3A_266 = arith.constant 0 : i32
        %dma_start3A_267 = tpu.memref_slice %arg9[%add3A_151, %dma_start3A_266] : memref<80x128xi32, #tpu.memory_space<vmem>> -> memref<1x128xi32, #tpu.memory_space<vmem>>
        %dma_start3A_268 = tpu.memref_squeeze %dma_start3A_267 : memref<1x128xi32, #tpu.memory_space<vmem>> -> memref<128xi32, #tpu.memory_space<vmem>>
        %dma_start3A_269 = arith.constant 0 : i32
        %dma_start3A_270 = arith.constant 0 : i32
        %dma_start3A_271 = tpu.memref_slice %arg2[%dma_start3A_269, %dma_start3A_270] : memref<10240x64xf32, #tpu.memory_space<hbm>> -> memref<10240x64xf32, #tpu.memory_space<hbm>>
        tpu.enqueue_indirect_dma source(%dma_start3A_271 : memref<10240x64xf32, #tpu.memory_space<hbm>>) target(%arg15 : memref<128x64xf32, #tpu.memory_space<vmem>>) offsets(%dma_start3A_268 : memref<128xi32, #tpu.memory_space<vmem>>) semaphore(%arg21 : memref<!tpu.dma_semaphore, #tpu.memory_space<semaphore_mem>>)
      } else {
      }
      %dma_wait3A_157 = arith.constant 0 : i32
      %dma_wait3A_158 = tpu.memref_slice %arg9[%add3A_149, %dma_wait3A_157] : memref<80x128xi32, #tpu.memory_space<vmem>> -> memref<1x128xi32, #tpu.memory_space<vmem>>
      %dma_wait3A_159 = tpu.memref_squeeze %dma_wait3A_158 : memref<1x128xi32, #tpu.memory_space<vmem>> -> memref<128xi32, #tpu.memory_space<vmem>>
      %dma_wait3A_160 = arith.constant 0 : i32
      %dma_wait3A_161 = arith.constant 0 : i32
      %dma_wait3A_162 = tpu.memref_slice %arg2[%dma_wait3A_160, %dma_wait3A_161] : memref<10240x64xf32, #tpu.memory_space<hbm>> -> memref<10240x64xf32, #tpu.memory_space<hbm>>
      tpu.wait_indirect_dma semaphore(%arg19 : memref<!tpu.dma_semaphore, #tpu.memory_space<semaphore_mem>>) src(%dma_wait3A_162 : memref<10240x64xf32, #tpu.memory_space<hbm>>) dst(%arg13 : memref<128x64xf32, #tpu.memory_space<vmem>>)
      %scan3A_163 = arith.constant 0 : i32
      %scan3A_164 = arith.constant 0 : i32
      %scan3A_165 = arith.constant 8 : i32
      %scan3A_166 = arith.addi %scan3A_164, %scan3A_165 : i32
      %scan3A_167 = arith.constant 1 : i32
      scf.for %scan3A_262 = %scan3A_164 to %scan3A_166 step %scan3A_167  : i32 {
        %mul3A_263 = arith.constant 16 : i32
        %mul3A_264 = arith.muli %scan3A_262, %mul3A_263 : i32
        %get3A = arith.index_cast %add3A_149 : i32 to index
        %get3A_265 = arith.index_cast %mul3A_264 : i32 to index
        %get3A_266 = tpu.vector_load %arg11[%get3A, %get3A_265] {strides = array<i32>} : memref<80x128xf32, #tpu.memory_space<vmem>>, vector<1x16xf32>,
        %get3A_267 = vector.shape_cast %get3A_266 : vector<1x16xf32> to vector<16xf32>
        %mul3A_268 = arith.constant 16 : i32
        %mul3A_269 = arith.muli %scan3A_262, %mul3A_268 : i32
        %add3A_270 = arith.constant 0 : i32
        %add3A_271 = arith.addi %mul3A_269, %add3A_270 : i32
        %slice3A = vector.extract_strided_slice %get3A_267 {offsets = [0], sizes = [1], strides = [1]} : vector<16xf32> to vector<1xf32>
        %squeeze3A = vector.extract %slice3A[0] : f32 from vector<1xf32>
        %get3A_272 = arith.index_cast %add3A_271 : i32 to index
        %get3A_273 = arith.constant 0 : index
        %get3A_274 = tpu.vector_load %arg13[%get3A_272, %get3A_273] {strides = array<i32>} : memref<128x64xf32, #tpu.memory_space<vmem>>, vector<1x16xf32>,
        %get3A_275 = vector.shape_cast %get3A_274 : vector<1x16xf32> to vector<16xf32>
        %mul3A_276 = vector.broadcast %squeeze3A : f32 to vector<16xf32>
        %mul3A_277 = arith.mulf %get3A_275, %mul3A_276 : vector<16xf32>
        %swap3A = arith.index_cast %add3A_271 : i32 to index
        %swap3A_278 = arith.constant 0 : index
        %swap3A_279 = tpu.vector_load %arg13[%swap3A, %swap3A_278] {strides = array<i32>} : memref<128x64xf32, #tpu.memory_space<vmem>>, vector<1x16xf32>,
        %swap3A_280 = vector.shape_cast %swap3A_279 : vector<1x16xf32> to vector<16xf32>
        %swap3A_281 = vector.shape_cast %mul3A_277 : vector<16xf32> to vector<1x16xf32>
        tpu.vector_store %arg13[%swap3A, %swap3A_278], %swap3A_281 {strides = array<i32>} : memref<128x64xf32, #tpu.memory_space<vmem>>, vector<1x16xf32>,
        %get3A_282 = arith.index_cast %add3A_271 : i32 to index
        %get3A_283 = arith.constant 16 : index
        %get3A_284 = tpu.vector_load %arg13[%get3A_282, %get3A_283] {strides = array<i32>} : memref<128x64xf32, #tpu.memory_space<vmem>>, vector<1x16xf32>,
        %get3A_285 = vector.shape_cast %get3A_284 : vector<1x16xf32> to vector<16xf32>
        %mul3A_286 = vector.broadcast %squeeze3A : f32 to vector<16xf32>
        %mul3A_287 = arith.mulf %get3A_285, %mul3A_286 : vector<16xf32>
        %swap3A_288 = arith.index_cast %add3A_271 : i32 to index
        %swap3A_289 = arith.constant 16 : index
        %swap3A_290 = tpu.vector_load %arg13[%swap3A_288, %swap3A_289] {strides = array<i32>} : memref<128x64xf32, #tpu.memory_space<vmem>>, vector<1x16xf32>,
        %swap3A_291 = vector.shape_cast %swap3A_290 : vector<1x16xf32> to vector<16xf32>
        %swap3A_292 = vector.shape_cast %mul3A_287 : vector<16xf32> to vector<1x16xf32>
        tpu.vector_store %arg13[%swap3A_288, %swap3A_289], %swap3A_292 {strides = array<i32>} : memref<128x64xf32, #tpu.memory_space<vmem>>, vector<1x16xf32>,
        %get3A_293 = arith.index_cast %add3A_271 : i32 to index
        %get3A_294 = arith.constant 32 : index
        %get3A_295 = tpu.vector_load %arg13[%get3A_293, %get3A_294] {strides = array<i32>} : memref<128x64xf32, #tpu.memory_space<vmem>>, vector<1x16xf32>,
        %get3A_296 = vector.shape_cast %get3A_295 : vector<1x16xf32> to vector<16xf32>
        %mul3A_297 = vector.broadcast %squeeze3A : f32 to vector<16xf32>
        %mul3A_298 = arith.mulf %get3A_296, %mul3A_297 : vector<16xf32>
        %swap3A_299 = arith.index_cast %add3A_271 : i32 to index
        %swap3A_300 = arith.constant 32 : index
        %swap3A_301 = tpu.vector_load %arg13[%swap3A_299, %swap3A_300] {strides = array<i32>} : memref<128x64xf32, #tpu.memory_space<vmem>>, vector<1x16xf32>,
        %swap3A_302 = vector.shape_cast %swap3A_301 : vector<1x16xf32> to vector<16xf32>
        %swap3A_303 = vector.shape_cast %mul3A_298 : vector<16xf32> to vector<1x16xf32>
        tpu.vector_store %arg13[%swap3A_299, %swap3A_300], %swap3A_303 {strides = array<i32>} : memref<128x64xf32, #tpu.memory_space<vmem>>, vector<1x16xf32>,
        %get3A_304 = arith.index_cast %add3A_271 : i32 to index
        %get3A_305 = arith.constant 48 : index
        %get3A_306 = tpu.vector_load %arg13[%get3A_304, %get3A_305] {strides = array<i32>} : memref<128x64xf32, #tpu.memory_space<vmem>>, vector<1x16xf32>,
        %get3A_307 = vector.shape_cast %get3A_306 : vector<1x16xf32> to vector<16xf32>
        %mul3A_308 = vector.broadcast %squeeze3A : f32 to vector<16xf32>
        %mul3A_309 = arith.mulf %get3A_307, %mul3A_308 : vector<16xf32>
        %swap3A_310 = arith.index_cast %add3A_271 : i32 to index
        %swap3A_311 = arith.constant 48 : index
        %swap3A_312 = tpu.vector_load %arg13[%swap3A_310, %swap3A_311] {strides = array<i32>} : memref<128x64xf32, #tpu.memory_space<vmem>>, vector<1x16xf32>,
        %swap3A_313 = vector.shape_cast %swap3A_312 : vector<1x16xf32> to vector<16xf32>
        %swap3A_314 = vector.shape_cast %mul3A_309 : vector<16xf32> to vector<1x16xf32>
        tpu.vector_store %arg13[%swap3A_310, %swap3A_311], %swap3A_314 {strides = array<i32>} : memref<128x64xf32, #tpu.memory_space<vmem>>, vector<1x16xf32>,
        %mul3A_315 = arith.constant 16 : i32
        %mul3A_316 = arith.muli %scan3A_262, %mul3A_315 : i32
        %add3A_317 = arith.constant 1 : i32
        %add3A_318 = arith.addi %mul3A_316, %add3A_317 : i32
        %slice3A_319 = vector.extract_strided_slice %get3A_267 {offsets = [1], sizes = [1], strides = [1]} : vector<16xf32> to vector<1xf32>
        %squeeze3A_320 = vector.extract %slice3A_319[0] : f32 from vector<1xf32>
        %get3A_321 = arith.index_cast %add3A_318 : i32 to index
        %get3A_322 = arith.constant 0 : index
        %get3A_323 = tpu.vector_load %arg13[%get3A_321, %get3A_322] {strides = array<i32>} : memref<128x64xf32, #tpu.memory_space<vmem>>, vector<1x16xf32>,
        %get3A_324 = vector.shape_cast %get3A_323 : vector<1x16xf32> to vector<16xf32>
        %mul3A_325 = vector.broadcast %squeeze3A_320 : f32 to vector<16xf32>
        %mul3A_326 = arith.mulf %get3A_324, %mul3A_325 : vector<16xf32>
        %swap3A_327 = arith.index_cast %add3A_318 : i32 to index
        %swap3A_328 = arith.constant 0 : index
        %swap3A_329 = tpu.vector_load %arg13[%swap3A_327, %swap3A_328] {strides = array<i32>} : memref<128x64xf32, #tpu.memory_space<vmem>>, vector<1x16xf32>,
        %swap3A_330 = vector.shape_cast %swap3A_329 : vector<1x16xf32> to vector<16xf32>
        %swap3A_331 = vector.shape_cast %mul3A_326 : vector<16xf32> to vector<1x16xf32>
        tpu.vector_store %arg13[%swap3A_327, %swap3A_328], %swap3A_331 {strides = array<i32>} : memref<128x64xf32, #tpu.memory_space<vmem>>, vector<1x16xf32>,
        %get3A_332 = arith.index_cast %add3A_318 : i32 to index
        %get3A_333 = arith.constant 16 : index
        %get3A_334 = tpu.vector_load %arg13[%get3A_332, %get3A_333] {strides = array<i32>} : memref<128x64xf32, #tpu.memory_space<vmem>>, vector<1x16xf32>,
        %get3A_335 = vector.shape_cast %get3A_334 : vector<1x16xf32> to vector<16xf32>
        %mul3A_336 = vector.broadcast %squeeze3A_320 : f32 to vector<16xf32>
        %mul3A_337 = arith.mulf %get3A_335, %mul3A_336 : vector<16xf32>
        %swap3A_338 = arith.index_cast %add3A_318 : i32 to index
        %swap3A_339 = arith.constant 16 : index
        %swap3A_340 = tpu.vector_load %arg13[%swap3A_338, %swap3A_339] {strides = array<i32>} : memref<128x64xf32, #tpu.memory_space<vmem>>, vector<1x16xf32>,
        %swap3A_341 = vector.shape_cast %swap3A_340 : vector<1x16xf32> to vector<16xf32>
        %swap3A_342 = vector.shape_cast %mul3A_337 : vector<16xf32> to vector<1x16xf32>
        tpu.vector_store %arg13[%swap3A_338, %swap3A_339], %swap3A_342 {strides = array<i32>} : memref<128x64xf32, #tpu.memory_space<vmem>>, vector<1x16xf32>,
        %get3A_343 = arith.index_cast %add3A_318 : i32 to index
        %get3A_344 = arith.constant 32 : index
        %get3A_345 = tpu.vector_load %arg13[%get3A_343, %get3A_344] {strides = array<i32>} : memref<128x64xf32, #tpu.memory_space<vmem>>, vector<1x16xf32>,
        %get3A_346 = vector.shape_cast %get3A_345 : vector<1x16xf32> to vector<16xf32>
        %mul3A_347 = vector.broadcast %squeeze3A_320 : f32 to vector<16xf32>
        %mul3A_348 = arith.mulf %get3A_346, %mul3A_347 : vector<16xf32>
        %swap3A_349 = arith.index_cast %add3A_318 : i32 to index
        %swap3A_350 = arith.constant 32 : index
        %swap3A_351 = tpu.vector_load %arg13[%swap3A_349, %swap3A_350] {strides = array<i32>} : memref<128x64xf32, #tpu.memory_space<vmem>>, vector<1x16xf32>,
        %swap3A_352 = vector.shape_cast %swap3A_351 : vector<1x16xf32> to vector<16xf32>
        %swap3A_353 = vector.shape_cast %mul3A_348 : vector<16xf32> to vector<1x16xf32>
        tpu.vector_store %arg13[%swap3A_349, %swap3A_350], %swap3A_353 {strides = array<i32>} : memref<128x64xf32, #tpu.memory_space<vmem>>, vector<1x16xf32>,
        %get3A_354 = arith.index_cast %add3A_318 : i32 to index
        %get3A_355 = arith.constant 48 : index
        %get3A_356 = tpu.vector_load %arg13[%get3A_354, %get3A_355] {strides = array<i32>} : memref<128x64xf32, #tpu.memory_space<vmem>>, vector<1x16xf32>,
        %get3A_357 = vector.shape_cast %get3A_356 : vector<1x16xf32> to vector<16xf32>
        %mul3A_358 = vector.broadcast %squeeze3A_320 : f32 to vector<16xf32>
        %mul3A_359 = arith.mulf %get3A_357, %mul3A_358 : vector<16xf32>
        %swap3A_360 = arith.index_cast %add3A_318 : i32 to index
        %swap3A_361 = arith.constant 48 : index
        %swap3A_362 = tpu.vector_load %arg13[%swap3A_360, %swap3A_361] {strides = array<i32>} : memref<128x64xf32, #tpu.memory_space<vmem>>, vector<1x16xf32>,
        %swap3A_363 = vector.shape_cast %swap3A_362 : vector<1x16xf32> to vector<16xf32>
        %swap3A_364 = vector.shape_cast %mul3A_359 : vector<16xf32> to vector<1x16xf32>
        tpu.vector_store %arg13[%swap3A_360, %swap3A_361], %swap3A_364 {strides = array<i32>} : memref<128x64xf32, #tpu.memory_space<vmem>>, vector<1x16xf32>,
        %mul3A_365 = arith.constant 16 : i32
        %mul3A_366 = arith.muli %scan3A_262, %mul3A_365 : i32
        %add3A_367 = arith.constant 2 : i32
        %add3A_368 = arith.addi %mul3A_366, %add3A_367 : i32
        %slice3A_369 = vector.extract_strided_slice %get3A_267 {offsets = [2], sizes = [1], strides = [1]} : vector<16xf32> to vector<1xf32>
        %squeeze3A_370 = vector.extract %slice3A_369[0] : f32 from vector<1xf32>
        %get3A_371 = arith.index_cast %add3A_368 : i32 to index
        %get3A_372 = arith.constant 0 : index
        %get3A_373 = tpu.vector_load %arg13[%get3A_371, %get3A_372] {strides = array<i32>} : memref<128x64xf32, #tpu.memory_space<vmem>>, vector<1x16xf32>,
        %get3A_374 = vector.shape_cast %get3A_373 : vector<1x16xf32> to vector<16xf32>
        %mul3A_375 = vector.broadcast %squeeze3A_370 : f32 to vector<16xf32>
        %mul3A_376 = arith.mulf %get3A_374, %mul3A_375 : vector<16xf32>
        %swap3A_377 = arith.index_cast %add3A_368 : i32 to index
        %swap3A_378 = arith.constant 0 : index
        %swap3A_379 = tpu.vector_load %arg13[%swap3A_377, %swap3A_378] {strides = array<i32>} : memref<128x64xf32, #tpu.memory_space<vmem>>, vector<1x16xf32>,
        %swap3A_380 = vector.shape_cast %swap3A_379 : vector<1x16xf32> to vector<16xf32>
        %swap3A_381 = vector.shape_cast %mul3A_376 : vector<16xf32> to vector<1x16xf32>
        tpu.vector_store %arg13[%swap3A_377, %swap3A_378], %swap3A_381 {strides = array<i32>} : memref<128x64xf32, #tpu.memory_space<vmem>>, vector<1x16xf32>,
        %get3A_382 = arith.index_cast %add3A_368 : i32 to index
        %get3A_383 = arith.constant 16 : index
        %get3A_384 = tpu.vector_load %arg13[%get3A_382, %get3A_383] {strides = array<i32>} : memref<128x64xf32, #tpu.memory_space<vmem>>, vector<1x16xf32>,
        %get3A_385 = vector.shape_cast %get3A_384 : vector<1x16xf32> to vector<16xf32>
        %mul3A_386 = vector.broadcast %squeeze3A_370 : f32 to vector<16xf32>
        %mul3A_387 = arith.mulf %get3A_385, %mul3A_386 : vector<16xf32>
        %swap3A_388 = arith.index_cast %add3A_368 : i32 to index
        %swap3A_389 = arith.constant 16 : index
        %swap3A_390 = tpu.vector_load %arg13[%swap3A_388, %swap3A_389] {strides = array<i32>} : memref<128x64xf32, #tpu.memory_space<vmem>>, vector<1x16xf32>,
        %swap3A_391 = vector.shape_cast %swap3A_390 : vector<1x16xf32> to vector<16xf32>
        %swap3A_392 = vector.shape_cast %mul3A_387 : vector<16xf32> to vector<1x16xf32>
        tpu.vector_store %arg13[%swap3A_388, %swap3A_389], %swap3A_392 {strides = array<i32>} : memref<128x64xf32, #tpu.memory_space<vmem>>, vector<1x16xf32>,
        %get3A_393 = arith.index_cast %add3A_368 : i32 to index
        %get3A_394 = arith.constant 32 : index
        %get3A_395 = tpu.vector_load %arg13[%get3A_393, %get3A_394] {strides = array<i32>} : memref<128x64xf32, #tpu.memory_space<vmem>>, vector<1x16xf32>,
        %get3A_396 = vector.shape_cast %get3A_395 : vector<1x16xf32> to vector<16xf32>
        %mul3A_397 = vector.broadcast %squeeze3A_370 : f32 to vector<16xf32>
        %mul3A_398 = arith.mulf %get3A_396, %mul3A_397 : vector<16xf32>
        %swap3A_399 = arith.index_cast %add3A_368 : i32 to index
        %swap3A_400 = arith.constant 32 : index
        %swap3A_401 = tpu.vector_load %arg13[%swap3A_399, %swap3A_400] {strides = array<i32>} : memref<128x64xf32, #tpu.memory_space<vmem>>, vector<1x16xf32>,
        %swap3A_402 = vector.shape_cast %swap3A_401 : vector<1x16xf32> to vector<16xf32>
        %swap3A_403 = vector.shape_cast %mul3A_398 : vector<16xf32> to vector<1x16xf32>
        tpu.vector_store %arg13[%swap3A_399, %swap3A_400], %swap3A_403 {strides = array<i32>} : memref<128x64xf32, #tpu.memory_space<vmem>>, vector<1x16xf32>,
        %get3A_404 = arith.index_cast %add3A_368 : i32 to index
        %get3A_405 = arith.constant 48 : index
        %get3A_406 = tpu.vector_load %arg13[%get3A_404, %get3A_405] {strides = array<i32>} : memref<128x64xf32, #tpu.memory_space<vmem>>, vector<1x16xf32>,
        %get3A_407 = vector.shape_cast %get3A_406 : vector<1x16xf32> to vector<16xf32>
        %mul3A_408 = vector.broadcast %squeeze3A_370 : f32 to vector<16xf32>
        %mul3A_409 = arith.mulf %get3A_407, %mul3A_408 : vector<16xf32>
        %swap3A_410 = arith.index_cast %add3A_368 : i32 to index
        %swap3A_411 = arith.constant 48 : index
        %swap3A_412 = tpu.vector_load %arg13[%swap3A_410, %swap3A_411] {strides = array<i32>} : memref<128x64xf32, #tpu.memory_space<vmem>>, vector<1x16xf32>,
        %swap3A_413 = vector.shape_cast %swap3A_412 : vector<1x16xf32> to vector<16xf32>
        %swap3A_414 = vector.shape_cast %mul3A_409 : vector<16xf32> to vector<1x16xf32>
        tpu.vector_store %arg13[%swap3A_410, %swap3A_411], %swap3A_414 {strides = array<i32>} : memref<128x64xf32, #tpu.memory_space<vmem>>, vector<1x16xf32>,
        %mul3A_415 = arith.constant 16 : i32
        %mul3A_416 = arith.muli %scan3A_262, %mul3A_415 : i32
        %add3A_417 = arith.constant 3 : i32
        %add3A_418 = arith.addi %mul3A_416, %add3A_417 : i32
        %slice3A_419 = vector.extract_strided_slice %get3A_267 {offsets = [3], sizes = [1], strides = [1]} : vector<16xf32> to vector<1xf32>
        %squeeze3A_420 = vector.extract %slice3A_419[0] : f32 from vector<1xf32>
        %get3A_421 = arith.index_cast %add3A_418 : i32 to index
        %get3A_422 = arith.constant 0 : index
        %get3A_423 = tpu.vector_load %arg13[%get3A_421, %get3A_422] {strides = array<i32>} : memref<128x64xf32, #tpu.memory_space<vmem>>, vector<1x16xf32>,
        %get3A_424 = vector.shape_cast %get3A_423 : vector<1x16xf32> to vector<16xf32>
        %mul3A_425 = vector.broadcast %squeeze3A_420 : f32 to vector<16xf32>
        %mul3A_426 = arith.mulf %get3A_424, %mul3A_425 : vector<16xf32>
        %swap3A_427 = arith.index_cast %add3A_418 : i32 to index
        %swap3A_428 = arith.constant 0 : index
        %swap3A_429 = tpu.vector_load %arg13[%swap3A_427, %swap3A_428] {strides = array<i32>} : memref<128x64xf32, #tpu.memory_space<vmem>>, vector<1x16xf32>,
        %swap3A_430 = vector.shape_cast %swap3A_429 : vector<1x16xf32> to vector<16xf32>
        %swap3A_431 = vector.shape_cast %mul3A_426 : vector<16xf32> to vector<1x16xf32>
        tpu.vector_store %arg13[%swap3A_427, %swap3A_428], %swap3A_431 {strides = array<i32>} : memref<128x64xf32, #tpu.memory_space<vmem>>, vector<1x16xf32>,
        %get3A_432 = arith.index_cast %add3A_418 : i32 to index
        %get3A_433 = arith.constant 16 : index
        %get3A_434 = tpu.vector_load %arg13[%get3A_432, %get3A_433] {strides = array<i32>} : memref<128x64xf32, #tpu.memory_space<vmem>>, vector<1x16xf32>,
        %get3A_435 = vector.shape_cast %get3A_434 : vector<1x16xf32> to vector<16xf32>
        %mul3A_436 = vector.broadcast %squeeze3A_420 : f32 to vector<16xf32>
        %mul3A_437 = arith.mulf %get3A_435, %mul3A_436 : vector<16xf32>
        %swap3A_438 = arith.index_cast %add3A_418 : i32 to index
        %swap3A_439 = arith.constant 16 : index
        %swap3A_440 = tpu.vector_load %arg13[%swap3A_438, %swap3A_439] {strides = array<i32>} : memref<128x64xf32, #tpu.memory_space<vmem>>, vector<1x16xf32>,
        %swap3A_441 = vector.shape_cast %swap3A_440 : vector<1x16xf32> to vector<16xf32>
        %swap3A_442 = vector.shape_cast %mul3A_437 : vector<16xf32> to vector<1x16xf32>
        tpu.vector_store %arg13[%swap3A_438, %swap3A_439], %swap3A_442 {strides = array<i32>} : memref<128x64xf32, #tpu.memory_space<vmem>>, vector<1x16xf32>,
        %get3A_443 = arith.index_cast %add3A_418 : i32 to index
        %get3A_444 = arith.constant 32 : index
        %get3A_445 = tpu.vector_load %arg13[%get3A_443, %get3A_444] {strides = array<i32>} : memref<128x64xf32, #tpu.memory_space<vmem>>, vector<1x16xf32>,
        %get3A_446 = vector.shape_cast %get3A_445 : vector<1x16xf32> to vector<16xf32>
        %mul3A_447 = vector.broadcast %squeeze3A_420 : f32 to vector<16xf32>
        %mul3A_448 = arith.mulf %get3A_446, %mul3A_447 : vector<16xf32>
        %swap3A_449 = arith.index_cast %add3A_418 : i32 to index
        %swap3A_450 = arith.constant 32 : index
        %swap3A_451 = tpu.vector_load %arg13[%swap3A_449, %swap3A_450] {strides = array<i32>} : memref<128x64xf32, #tpu.memory_space<vmem>>, vector<1x16xf32>,
        %swap3A_452 = vector.shape_cast %swap3A_451 : vector<1x16xf32> to vector<16xf32>
        %swap3A_453 = vector.shape_cast %mul3A_448 : vector<16xf32> to vector<1x16xf32>
        tpu.vector_store %arg13[%swap3A_449, %swap3A_450], %swap3A_453 {strides = array<i32>} : memref<128x64xf32, #tpu.memory_space<vmem>>, vector<1x16xf32>,
        %get3A_454 = arith.index_cast %add3A_418 : i32 to index
        %get3A_455 = arith.constant 48 : index
        %get3A_456 = tpu.vector_load %arg13[%get3A_454, %get3A_455] {strides = array<i32>} : memref<128x64xf32, #tpu.memory_space<vmem>>, vector<1x16xf32>,
        %get3A_457 = vector.shape_cast %get3A_456 : vector<1x16xf32> to vector<16xf32>
        %mul3A_458 = vector.broadcast %squeeze3A_420 : f32 to vector<16xf32>
        %mul3A_459 = arith.mulf %get3A_457, %mul3A_458 : vector<16xf32>
        %swap3A_460 = arith.index_cast %add3A_418 : i32 to index
        %swap3A_461 = arith.constant 48 : index
        %swap3A_462 = tpu.vector_load %arg13[%swap3A_460, %swap3A_461] {strides = array<i32>} : memref<128x64xf32, #tpu.memory_space<vmem>>, vector<1x16xf32>,
        %swap3A_463 = vector.shape_cast %swap3A_462 : vector<1x16xf32> to vector<16xf32>
        %swap3A_464 = vector.shape_cast %mul3A_459 : vector<16xf32> to vector<1x16xf32>
        tpu.vector_store %arg13[%swap3A_460, %swap3A_461], %swap3A_464 {strides = array<i32>} : memref<128x64xf32, #tpu.memory_space<vmem>>, vector<1x16xf32>,
        %mul3A_465 = arith.constant 16 : i32
        %mul3A_466 = arith.muli %scan3A_262, %mul3A_465 : i32
        %add3A_467 = arith.constant 4 : i32
        %add3A_468 = arith.addi %mul3A_466, %add3A_467 : i32
        %slice3A_469 = vector.extract_strided_slice %get3A_267 {offsets = [4], sizes = [1], strides = [1]} : vector<16xf32> to vector<1xf32>
        %squeeze3A_470 = vector.extract %slice3A_469[0] : f32 from vector<1xf32>
        %get3A_471 = arith.index_cast %add3A_468 : i32 to index
        %get3A_472 = arith.constant 0 : index
        %get3A_473 = tpu.vector_load %arg13[%get3A_471, %get3A_472] {strides = array<i32>} : memref<128x64xf32, #tpu.memory_space<vmem>>, vector<1x16xf32>,
        %get3A_474 = vector.shape_cast %get3A_473 : vector<1x16xf32> to vector<16xf32>
        %mul3A_475 = vector.broadcast %squeeze3A_470 : f32 to vector<16xf32>
        %mul3A_476 = arith.mulf %get3A_474, %mul3A_475 : vector<16xf32>
        %swap3A_477 = arith.index_cast %add3A_468 : i32 to index
        %swap3A_478 = arith.constant 0 : index
        %swap3A_479 = tpu.vector_load %arg13[%swap3A_477, %swap3A_478] {strides = array<i32>} : memref<128x64xf32, #tpu.memory_space<vmem>>, vector<1x16xf32>,
        %swap3A_480 = vector.shape_cast %swap3A_479 : vector<1x16xf32> to vector<16xf32>
        %swap3A_481 = vector.shape_cast %mul3A_476 : vector<16xf32> to vector<1x16xf32>
        tpu.vector_store %arg13[%swap3A_477, %swap3A_478], %swap3A_481 {strides = array<i32>} : memref<128x64xf32, #tpu.memory_space<vmem>>, vector<1x16xf32>,
        %get3A_482 = arith.index_cast %add3A_468 : i32 to index
        %get3A_483 = arith.constant 16 : index
        %get3A_484 = tpu.vector_load %arg13[%get3A_482, %get3A_483] {strides = array<i32>} : memref<128x64xf32, #tpu.memory_space<vmem>>, vector<1x16xf32>,
        %get3A_485 = vector.shape_cast %get3A_484 : vector<1x16xf32> to vector<16xf32>
        %mul3A_486 = vector.broadcast %squeeze3A_470 : f32 to vector<16xf32>
        %mul3A_487 = arith.mulf %get3A_485, %mul3A_486 : vector<16xf32>
        %swap3A_488 = arith.index_cast %add3A_468 : i32 to index
        %swap3A_489 = arith.constant 16 : index
        %swap3A_490 = tpu.vector_load %arg13[%swap3A_488, %swap3A_489] {strides = array<i32>} : memref<128x64xf32, #tpu.memory_space<vmem>>, vector<1x16xf32>,
        %swap3A_491 = vector.shape_cast %swap3A_490 : vector<1x16xf32> to vector<16xf32>
        %swap3A_492 = vector.shape_cast %mul3A_487 : vector<16xf32> to vector<1x16xf32>
        tpu.vector_store %arg13[%swap3A_488, %swap3A_489], %swap3A_492 {strides = array<i32>} : memref<128x64xf32, #tpu.memory_space<vmem>>, vector<1x16xf32>,
        %get3A_493 = arith.index_cast %add3A_468 : i32 to index
        %get3A_494 = arith.constant 32 : index
        %get3A_495 = tpu.vector_load %arg13[%get3A_493, %get3A_494] {strides = array<i32>} : memref<128x64xf32, #tpu.memory_space<vmem>>, vector<1x16xf32>,
        %get3A_496 = vector.shape_cast %get3A_495 : vector<1x16xf32> to vector<16xf32>
        %mul3A_497 = vector.broadcast %squeeze3A_470 : f32 to vector<16xf32>
        %mul3A_498 = arith.mulf %get3A_496, %mul3A_497 : vector<16xf32>
        %swap3A_499 = arith.index_cast %add3A_468 : i32 to index
        %swap3A_500 = arith.constant 32 : index
        %swap3A_501 = tpu.vector_load %arg13[%swap3A_499, %swap3A_500] {strides = array<i32>} : memref<128x64xf32, #tpu.memory_space<vmem>>, vector<1x16xf32>,
        %swap3A_502 = vector.shape_cast %swap3A_501 : vector<1x16xf32> to vector<16xf32>
        %swap3A_503 = vector.shape_cast %mul3A_498 : vector<16xf32> to vector<1x16xf32>
        tpu.vector_store %arg13[%swap3A_499, %swap3A_500], %swap3A_503 {strides = array<i32>} : memref<128x64xf32, #tpu.memory_space<vmem>>, vector<1x16xf32>,
        %get3A_504 = arith.index_cast %add3A_468 : i32 to index
        %get3A_505 = arith.constant 48 : index
        %get3A_506 = tpu.vector_load %arg13[%get3A_504, %get3A_505] {strides = array<i32>} : memref<128x64xf32, #tpu.memory_space<vmem>>, vector<1x16xf32>,
        %get3A_507 = vector.shape_cast %get3A_506 : vector<1x16xf32> to vector<16xf32>
        %mul3A_508 = vector.broadcast %squeeze3A_470 : f32 to vector<16xf32>
        %mul3A_509 = arith.mulf %get3A_507, %mul3A_508 : vector<16xf32>
        %swap3A_510 = arith.index_cast %add3A_468 : i32 to index
        %swap3A_511 = arith.constant 48 : index
        %swap3A_512 = tpu.vector_load %arg13[%swap3A_510, %swap3A_511] {strides = array<i32>} : memref<128x64xf32, #tpu.memory_space<vmem>>, vector<1x16xf32>,
        %swap3A_513 = vector.shape_cast %swap3A_512 : vector<1x16xf32> to vector<16xf32>
        %swap3A_514 = vector.shape_cast %mul3A_509 : vector<16xf32> to vector<1x16xf32>
        tpu.vector_store %arg13[%swap3A_510, %swap3A_511], %swap3A_514 {strides = array<i32>} : memref<128x64xf32, #tpu.memory_space<vmem>>, vector<1x16xf32>,
        %mul3A_515 = arith.constant 16 : i32
        %mul3A_516 = arith.muli %scan3A_262, %mul3A_515 : i32
        %add3A_517 = arith.constant 5 : i32
        %add3A_518 = arith.addi %mul3A_516, %add3A_517 : i32
        %slice3A_519 = vector.extract_strided_slice %get3A_267 {offsets = [5], sizes = [1], strides = [1]} : vector<16xf32> to vector<1xf32>
        %squeeze3A_520 = vector.extract %slice3A_519[0] : f32 from vector<1xf32>
        %get3A_521 = arith.index_cast %add3A_518 : i32 to index
        %get3A_522 = arith.constant 0 : index
        %get3A_523 = tpu.vector_load %arg13[%get3A_521, %get3A_522] {strides = array<i32>} : memref<128x64xf32, #tpu.memory_space<vmem>>, vector<1x16xf32>,
        %get3A_524 = vector.shape_cast %get3A_523 : vector<1x16xf32> to vector<16xf32>
        %mul3A_525 = vector.broadcast %squeeze3A_520 : f32 to vector<16xf32>
        %mul3A_526 = arith.mulf %get3A_524, %mul3A_525 : vector<16xf32>
        %swap3A_527 = arith.index_cast %add3A_518 : i32 to index
        %swap3A_528 = arith.constant 0 : index
        %swap3A_529 = tpu.vector_load %arg13[%swap3A_527, %swap3A_528] {strides = array<i32>} : memref<128x64xf32, #tpu.memory_space<vmem>>, vector<1x16xf32>,
        %swap3A_530 = vector.shape_cast %swap3A_529 : vector<1x16xf32> to vector<16xf32>
        %swap3A_531 = vector.shape_cast %mul3A_526 : vector<16xf32> to vector<1x16xf32>
        tpu.vector_store %arg13[%swap3A_527, %swap3A_528], %swap3A_531 {strides = array<i32>} : memref<128x64xf32, #tpu.memory_space<vmem>>, vector<1x16xf32>,
        %get3A_532 = arith.index_cast %add3A_518 : i32 to index
        %get3A_533 = arith.constant 16 : index
        %get3A_534 = tpu.vector_load %arg13[%get3A_532, %get3A_533] {strides = array<i32>} : memref<128x64xf32, #tpu.memory_space<vmem>>, vector<1x16xf32>,
        %get3A_535 = vector.shape_cast %get3A_534 : vector<1x16xf32> to vector<16xf32>
        %mul3A_536 = vector.broadcast %squeeze3A_520 : f32 to vector<16xf32>
        %mul3A_537 = arith.mulf %get3A_535, %mul3A_536 : vector<16xf32>
        %swap3A_538 = arith.index_cast %add3A_518 : i32 to index
        %swap3A_539 = arith.constant 16 : index
        %swap3A_540 = tpu.vector_load %arg13[%swap3A_538, %swap3A_539] {strides = array<i32>} : memref<128x64xf32, #tpu.memory_space<vmem>>, vector<1x16xf32>,
        %swap3A_541 = vector.shape_cast %swap3A_540 : vector<1x16xf32> to vector<16xf32>
        %swap3A_542 = vector.shape_cast %mul3A_537 : vector<16xf32> to vector<1x16xf32>
        tpu.vector_store %arg13[%swap3A_538, %swap3A_539], %swap3A_542 {strides = array<i32>} : memref<128x64xf32, #tpu.memory_space<vmem>>, vector<1x16xf32>,
        %get3A_543 = arith.index_cast %add3A_518 : i32 to index
        %get3A_544 = arith.constant 32 : index
        %get3A_545 = tpu.vector_load %arg13[%get3A_543, %get3A_544] {strides = array<i32>} : memref<128x64xf32, #tpu.memory_space<vmem>>, vector<1x16xf32>,
        %get3A_546 = vector.shape_cast %get3A_545 : vector<1x16xf32> to vector<16xf32>
        %mul3A_547 = vector.broadcast %squeeze3A_520 : f32 to vector<16xf32>
        %mul3A_548 = arith.mulf %get3A_546, %mul3A_547 : vector<16xf32>
        %swap3A_549 = arith.index_cast %add3A_518 : i32 to index
        %swap3A_550 = arith.constant 32 : index
        %swap3A_551 = tpu.vector_load %arg13[%swap3A_549, %swap3A_550] {strides = array<i32>} : memref<128x64xf32, #tpu.memory_space<vmem>>, vector<1x16xf32>,
        %swap3A_552 = vector.shape_cast %swap3A_551 : vector<1x16xf32> to vector<16xf32>
        %swap3A_553 = vector.shape_cast %mul3A_548 : vector<16xf32> to vector<1x16xf32>
        tpu.vector_store %arg13[%swap3A_549, %swap3A_550], %swap3A_553 {strides = array<i32>} : memref<128x64xf32, #tpu.memory_space<vmem>>, vector<1x16xf32>,
        %get3A_554 = arith.index_cast %add3A_518 : i32 to index
        %get3A_555 = arith.constant 48 : index
        %get3A_556 = tpu.vector_load %arg13[%get3A_554, %get3A_555] {strides = array<i32>} : memref<128x64xf32, #tpu.memory_space<vmem>>, vector<1x16xf32>,
        %get3A_557 = vector.shape_cast %get3A_556 : vector<1x16xf32> to vector<16xf32>
        %mul3A_558 = vector.broadcast %squeeze3A_520 : f32 to vector<16xf32>
        %mul3A_559 = arith.mulf %get3A_557, %mul3A_558 : vector<16xf32>
        %swap3A_560 = arith.index_cast %add3A_518 : i32 to index
        %swap3A_561 = arith.constant 48 : index
        %swap3A_562 = tpu.vector_load %arg13[%swap3A_560, %swap3A_561] {strides = array<i32>} : memref<128x64xf32, #tpu.memory_space<vmem>>, vector<1x16xf32>,
        %swap3A_563 = vector.shape_cast %swap3A_562 : vector<1x16xf32> to vector<16xf32>
        %swap3A_564 = vector.shape_cast %mul3A_559 : vector<16xf32> to vector<1x16xf32>
        tpu.vector_store %arg13[%swap3A_560, %swap3A_561], %swap3A_564 {strides = array<i32>} : memref<128x64xf32, #tpu.memory_space<vmem>>, vector<1x16xf32>,
        %mul3A_565 = arith.constant 16 : i32
        %mul3A_566 = arith.muli %scan3A_262, %mul3A_565 : i32
        %add3A_567 = arith.constant 6 : i32
        %add3A_568 = arith.addi %mul3A_566, %add3A_567 : i32
        %slice3A_569 = vector.extract_strided_slice %get3A_267 {offsets = [6], sizes = [1], strides = [1]} : vector<16xf32> to vector<1xf32>
        %squeeze3A_570 = vector.extract %slice3A_569[0] : f32 from vector<1xf32>
        %get3A_571 = arith.index_cast %add3A_568 : i32 to index
        %get3A_572 = arith.constant 0 : index
        %get3A_573 = tpu.vector_load %arg13[%get3A_571, %get3A_572] {strides = array<i32>} : memref<128x64xf32, #tpu.memory_space<vmem>>, vector<1x16xf32>,
        %get3A_574 = vector.shape_cast %get3A_573 : vector<1x16xf32> to vector<16xf32>
        %mul3A_575 = vector.broadcast %squeeze3A_570 : f32 to vector<16xf32>
        %mul3A_576 = arith.mulf %get3A_574, %mul3A_575 : vector<16xf32>
        %swap3A_577 = arith.index_cast %add3A_568 : i32 to index
        %swap3A_578 = arith.constant 0 : index
        %swap3A_579 = tpu.vector_load %arg13[%swap3A_577, %swap3A_578] {strides = array<i32>} : memref<128x64xf32, #tpu.memory_space<vmem>>, vector<1x16xf32>,
        %swap3A_580 = vector.shape_cast %swap3A_579 : vector<1x16xf32> to vector<16xf32>
        %swap3A_581 = vector.shape_cast %mul3A_576 : vector<16xf32> to vector<1x16xf32>
        tpu.vector_store %arg13[%swap3A_577, %swap3A_578], %swap3A_581 {strides = array<i32>} : memref<128x64xf32, #tpu.memory_space<vmem>>, vector<1x16xf32>,
        %get3A_582 = arith.index_cast %add3A_568 : i32 to index
        %get3A_583 = arith.constant 16 : index
        %get3A_584 = tpu.vector_load %arg13[%get3A_582, %get3A_583] {strides = array<i32>} : memref<128x64xf32, #tpu.memory_space<vmem>>, vector<1x16xf32>,
        %get3A_585 = vector.shape_cast %get3A_584 : vector<1x16xf32> to vector<16xf32>
        %mul3A_586 = vector.broadcast %squeeze3A_570 : f32 to vector<16xf32>
        %mul3A_587 = arith.mulf %get3A_585, %mul3A_586 : vector<16xf32>
        %swap3A_588 = arith.index_cast %add3A_568 : i32 to index
        %swap3A_589 = arith.constant 16 : index
        %swap3A_590 = tpu.vector_load %arg13[%swap3A_588, %swap3A_589] {strides = array<i32>} : memref<128x64xf32, #tpu.memory_space<vmem>>, vector<1x16xf32>,
        %swap3A_591 = vector.shape_cast %swap3A_590 : vector<1x16xf32> to vector<16xf32>
        %swap3A_592 = vector.shape_cast %mul3A_587 : vector<16xf32> to vector<1x16xf32>
        tpu.vector_store %arg13[%swap3A_588, %swap3A_589], %swap3A_592 {strides = array<i32>} : memref<128x64xf32, #tpu.memory_space<vmem>>, vector<1x16xf32>,
        %get3A_593 = arith.index_cast %add3A_568 : i32 to index
        %get3A_594 = arith.constant 32 : index
        %get3A_595 = tpu.vector_load %arg13[%get3A_593, %get3A_594] {strides = array<i32>} : memref<128x64xf32, #tpu.memory_space<vmem>>, vector<1x16xf32>,
        %get3A_596 = vector.shape_cast %get3A_595 : vector<1x16xf32> to vector<16xf32>
        %mul3A_597 = vector.broadcast %squeeze3A_570 : f32 to vector<16xf32>
        %mul3A_598 = arith.mulf %get3A_596, %mul3A_597 : vector<16xf32>
        %swap3A_599 = arith.index_cast %add3A_568 : i32 to index
        %swap3A_600 = arith.constant 32 : index
        %swap3A_601 = tpu.vector_load %arg13[%swap3A_599, %swap3A_600] {strides = array<i32>} : memref<128x64xf32, #tpu.memory_space<vmem>>, vector<1x16xf32>,
        %swap3A_602 = vector.shape_cast %swap3A_601 : vector<1x16xf32> to vector<16xf32>
        %swap3A_603 = vector.shape_cast %mul3A_598 : vector<16xf32> to vector<1x16xf32>
        tpu.vector_store %arg13[%swap3A_599, %swap3A_600], %swap3A_603 {strides = array<i32>} : memref<128x64xf32, #tpu.memory_space<vmem>>, vector<1x16xf32>,
        %get3A_604 = arith.index_cast %add3A_568 : i32 to index
        %get3A_605 = arith.constant 48 : index
        %get3A_606 = tpu.vector_load %arg13[%get3A_604, %get3A_605] {strides = array<i32>} : memref<128x64xf32, #tpu.memory_space<vmem>>, vector<1x16xf32>,
        %get3A_607 = vector.shape_cast %get3A_606 : vector<1x16xf32> to vector<16xf32>
        %mul3A_608 = vector.broadcast %squeeze3A_570 : f32 to vector<16xf32>
        %mul3A_609 = arith.mulf %get3A_607, %mul3A_608 : vector<16xf32>
        %swap3A_610 = arith.index_cast %add3A_568 : i32 to index
        %swap3A_611 = arith.constant 48 : index
        %swap3A_612 = tpu.vector_load %arg13[%swap3A_610, %swap3A_611] {strides = array<i32>} : memref<128x64xf32, #tpu.memory_space<vmem>>, vector<1x16xf32>,
        %swap3A_613 = vector.shape_cast %swap3A_612 : vector<1x16xf32> to vector<16xf32>
        %swap3A_614 = vector.shape_cast %mul3A_609 : vector<16xf32> to vector<1x16xf32>
        tpu.vector_store %arg13[%swap3A_610, %swap3A_611], %swap3A_614 {strides = array<i32>} : memref<128x64xf32, #tpu.memory_space<vmem>>, vector<1x16xf32>,
        %mul3A_615 = arith.constant 16 : i32
        %mul3A_616 = arith.muli %scan3A_262, %mul3A_615 : i32
        %add3A_617 = arith.constant 7 : i32
        %add3A_618 = arith.addi %mul3A_616, %add3A_617 : i32
        %slice3A_619 = vector.extract_strided_slice %get3A_267 {offsets = [7], sizes = [1], strides = [1]} : vector<16xf32> to vector<1xf32>
        %squeeze3A_620 = vector.extract %slice3A_619[0] : f32 from vector<1xf32>
        %get3A_621 = arith.index_cast %add3A_618 : i32 to index
        %get3A_622 = arith.constant 0 : index
        %get3A_623 = tpu.vector_load %arg13[%get3A_621, %get3A_622] {strides = array<i32>} : memref<128x64xf32, #tpu.memory_space<vmem>>, vector<1x16xf32>,
        %get3A_624 = vector.shape_cast %get3A_623 : vector<1x16xf32> to vector<16xf32>
        %mul3A_625 = vector.broadcast %squeeze3A_620 : f32 to vector<16xf32>
        %mul3A_626 = arith.mulf %get3A_624, %mul3A_625 : vector<16xf32>
        %swap3A_627 = arith.index_cast %add3A_618 : i32 to index
        %swap3A_628 = arith.constant 0 : index
        %swap3A_629 = tpu.vector_load %arg13[%swap3A_627, %swap3A_628] {strides = array<i32>} : memref<128x64xf32, #tpu.memory_space<vmem>>, vector<1x16xf32>,
        %swap3A_630 = vector.shape_cast %swap3A_629 : vector<1x16xf32> to vector<16xf32>
        %swap3A_631 = vector.shape_cast %mul3A_626 : vector<16xf32> to vector<1x16xf32>
        tpu.vector_store %arg13[%swap3A_627, %swap3A_628], %swap3A_631 {strides = array<i32>} : memref<128x64xf32, #tpu.memory_space<vmem>>, vector<1x16xf32>,
        %get3A_632 = arith.index_cast %add3A_618 : i32 to index
        %get3A_633 = arith.constant 16 : index
        %get3A_634 = tpu.vector_load %arg13[%get3A_632, %get3A_633] {strides = array<i32>} : memref<128x64xf32, #tpu.memory_space<vmem>>, vector<1x16xf32>,
        %get3A_635 = vector.shape_cast %get3A_634 : vector<1x16xf32> to vector<16xf32>
        %mul3A_636 = vector.broadcast %squeeze3A_620 : f32 to vector<16xf32>
        %mul3A_637 = arith.mulf %get3A_635, %mul3A_636 : vector<16xf32>
        %swap3A_638 = arith.index_cast %add3A_618 : i32 to index
        %swap3A_639 = arith.constant 16 : index
        %swap3A_640 = tpu.vector_load %arg13[%swap3A_638, %swap3A_639] {strides = array<i32>} : memref<128x64xf32, #tpu.memory_space<vmem>>, vector<1x16xf32>,
        %swap3A_641 = vector.shape_cast %swap3A_640 : vector<1x16xf32> to vector<16xf32>
        %swap3A_642 = vector.shape_cast %mul3A_637 : vector<16xf32> to vector<1x16xf32>
        tpu.vector_store %arg13[%swap3A_638, %swap3A_639], %swap3A_642 {strides = array<i32>} : memref<128x64xf32, #tpu.memory_space<vmem>>, vector<1x16xf32>,
        %get3A_643 = arith.index_cast %add3A_618 : i32 to index
        %get3A_644 = arith.constant 32 : index
        %get3A_645 = tpu.vector_load %arg13[%get3A_643, %get3A_644] {strides = array<i32>} : memref<128x64xf32, #tpu.memory_space<vmem>>, vector<1x16xf32>,
        %get3A_646 = vector.shape_cast %get3A_645 : vector<1x16xf32> to vector<16xf32>
        %mul3A_647 = vector.broadcast %squeeze3A_620 : f32 to vector<16xf32>
        %mul3A_648 = arith.mulf %get3A_646, %mul3A_647 : vector<16xf32>
        %swap3A_649 = arith.index_cast %add3A_618 : i32 to index
        %swap3A_650 = arith.constant 32 : index
        %swap3A_651 = tpu.vector_load %arg13[%swap3A_649, %swap3A_650] {strides = array<i32>} : memref<128x64xf32, #tpu.memory_space<vmem>>, vector<1x16xf32>,
        %swap3A_652 = vector.shape_cast %swap3A_651 : vector<1x16xf32> to vector<16xf32>
        %swap3A_653 = vector.shape_cast %mul3A_648 : vector<16xf32> to vector<1x16xf32>
        tpu.vector_store %arg13[%swap3A_649, %swap3A_650], %swap3A_653 {strides = array<i32>} : memref<128x64xf32, #tpu.memory_space<vmem>>, vector<1x16xf32>,
        %get3A_654 = arith.index_cast %add3A_618 : i32 to index
        %get3A_655 = arith.constant 48 : index
        %get3A_656 = tpu.vector_load %arg13[%get3A_654, %get3A_655] {strides = array<i32>} : memref<128x64xf32, #tpu.memory_space<vmem>>, vector<1x16xf32>,
        %get3A_657 = vector.shape_cast %get3A_656 : vector<1x16xf32> to vector<16xf32>
        %mul3A_658 = vector.broadcast %squeeze3A_620 : f32 to vector<16xf32>
        %mul3A_659 = arith.mulf %get3A_657, %mul3A_658 : vector<16xf32>
        %swap3A_660 = arith.index_cast %add3A_618 : i32 to index
        %swap3A_661 = arith.constant 48 : index
        %swap3A_662 = tpu.vector_load %arg13[%swap3A_660, %swap3A_661] {strides = array<i32>} : memref<128x64xf32, #tpu.memory_space<vmem>>, vector<1x16xf32>,
        %swap3A_663 = vector.shape_cast %swap3A_662 : vector<1x16xf32> to vector<16xf32>
        %swap3A_664 = vector.shape_cast %mul3A_659 : vector<16xf32> to vector<1x16xf32>
        tpu.vector_store %arg13[%swap3A_660, %swap3A_661], %swap3A_664 {strides = array<i32>} : memref<128x64xf32, #tpu.memory_space<vmem>>, vector<1x16xf32>,
        %mul3A_665 = arith.constant 16 : i32
        %mul3A_666 = arith.muli %scan3A_262, %mul3A_665 : i32
        %add3A_667 = arith.constant 8 : i32
        %add3A_668 = arith.addi %mul3A_666, %add3A_667 : i32
        %slice3A_669 = vector.extract_strided_slice %get3A_267 {offsets = [8], sizes = [1], strides = [1]} : vector<16xf32> to vector<1xf32>
        %squeeze3A_670 = vector.extract %slice3A_669[0] : f32 from vector<1xf32>
        %get3A_671 = arith.index_cast %add3A_668 : i32 to index
        %get3A_672 = arith.constant 0 : index
        %get3A_673 = tpu.vector_load %arg13[%get3A_671, %get3A_672] {strides = array<i32>} : memref<128x64xf32, #tpu.memory_space<vmem>>, vector<1x16xf32>,
        %get3A_674 = vector.shape_cast %get3A_673 : vector<1x16xf32> to vector<16xf32>
        %mul3A_675 = vector.broadcast %squeeze3A_670 : f32 to vector<16xf32>
        %mul3A_676 = arith.mulf %get3A_674, %mul3A_675 : vector<16xf32>
        %swap3A_677 = arith.index_cast %add3A_668 : i32 to index
        %swap3A_678 = arith.constant 0 : index
        %swap3A_679 = tpu.vector_load %arg13[%swap3A_677, %swap3A_678] {strides = array<i32>} : memref<128x64xf32, #tpu.memory_space<vmem>>, vector<1x16xf32>,
        %swap3A_680 = vector.shape_cast %swap3A_679 : vector<1x16xf32> to vector<16xf32>
        %swap3A_681 = vector.shape_cast %mul3A_676 : vector<16xf32> to vector<1x16xf32>
        tpu.vector_store %arg13[%swap3A_677, %swap3A_678], %swap3A_681 {strides = array<i32>} : memref<128x64xf32, #tpu.memory_space<vmem>>, vector<1x16xf32>,
        %get3A_682 = arith.index_cast %add3A_668 : i32 to index
        %get3A_683 = arith.constant 16 : index
        %get3A_684 = tpu.vector_load %arg13[%get3A_682, %get3A_683] {strides = array<i32>} : memref<128x64xf32, #tpu.memory_space<vmem>>, vector<1x16xf32>,
        %get3A_685 = vector.shape_cast %get3A_684 : vector<1x16xf32> to vector<16xf32>
        %mul3A_686 = vector.broadcast %squeeze3A_670 : f32 to vector<16xf32>
        %mul3A_687 = arith.mulf %get3A_685, %mul3A_686 : vector<16xf32>
        %swap3A_688 = arith.index_cast %add3A_668 : i32 to index
        %swap3A_689 = arith.constant 16 : index
        %swap3A_690 = tpu.vector_load %arg13[%swap3A_688, %swap3A_689] {strides = array<i32>} : memref<128x64xf32, #tpu.memory_space<vmem>>, vector<1x16xf32>,
        %swap3A_691 = vector.shape_cast %swap3A_690 : vector<1x16xf32> to vector<16xf32>
        %swap3A_692 = vector.shape_cast %mul3A_687 : vector<16xf32> to vector<1x16xf32>
        tpu.vector_store %arg13[%swap3A_688, %swap3A_689], %swap3A_692 {strides = array<i32>} : memref<128x64xf32, #tpu.memory_space<vmem>>, vector<1x16xf32>,
        %get3A_693 = arith.index_cast %add3A_668 : i32 to index
        %get3A_694 = arith.constant 32 : index
        %get3A_695 = tpu.vector_load %arg13[%get3A_693, %get3A_694] {strides = array<i32>} : memref<128x64xf32, #tpu.memory_space<vmem>>, vector<1x16xf32>,
        %get3A_696 = vector.shape_cast %get3A_695 : vector<1x16xf32> to vector<16xf32>
        %mul3A_697 = vector.broadcast %squeeze3A_670 : f32 to vector<16xf32>
        %mul3A_698 = arith.mulf %get3A_696, %mul3A_697 : vector<16xf32>
        %swap3A_699 = arith.index_cast %add3A_668 : i32 to index
        %swap3A_700 = arith.constant 32 : index
        %swap3A_701 = tpu.vector_load %arg13[%swap3A_699, %swap3A_700] {strides = array<i32>} : memref<128x64xf32, #tpu.memory_space<vmem>>, vector<1x16xf32>,
        %swap3A_702 = vector.shape_cast %swap3A_701 : vector<1x16xf32> to vector<16xf32>
        %swap3A_703 = vector.shape_cast %mul3A_698 : vector<16xf32> to vector<1x16xf32>
        tpu.vector_store %arg13[%swap3A_699, %swap3A_700], %swap3A_703 {strides = array<i32>} : memref<128x64xf32, #tpu.memory_space<vmem>>, vector<1x16xf32>,
        %get3A_704 = arith.index_cast %add3A_668 : i32 to index
        %get3A_705 = arith.constant 48 : index
        %get3A_706 = tpu.vector_load %arg13[%get3A_704, %get3A_705] {strides = array<i32>} : memref<128x64xf32, #tpu.memory_space<vmem>>, vector<1x16xf32>,
        %get3A_707 = vector.shape_cast %get3A_706 : vector<1x16xf32> to vector<16xf32>
        %mul3A_708 = vector.broadcast %squeeze3A_670 : f32 to vector<16xf32>
        %mul3A_709 = arith.mulf %get3A_707, %mul3A_708 : vector<16xf32>
        %swap3A_710 = arith.index_cast %add3A_668 : i32 to index
        %swap3A_711 = arith.constant 48 : index
        %swap3A_712 = tpu.vector_load %arg13[%swap3A_710, %swap3A_711] {strides = array<i32>} : memref<128x64xf32, #tpu.memory_space<vmem>>, vector<1x16xf32>,
        %swap3A_713 = vector.shape_cast %swap3A_712 : vector<1x16xf32> to vector<16xf32>
        %swap3A_714 = vector.shape_cast %mul3A_709 : vector<16xf32> to vector<1x16xf32>
        tpu.vector_store %arg13[%swap3A_710, %swap3A_711], %swap3A_714 {strides = array<i32>} : memref<128x64xf32, #tpu.memory_space<vmem>>, vector<1x16xf32>,
        %mul3A_715 = arith.constant 16 : i32
        %mul3A_716 = arith.muli %scan3A_262, %mul3A_715 : i32
        %add3A_717 = arith.constant 9 : i32
        %add3A_718 = arith.addi %mul3A_716, %add3A_717 : i32
        %slice3A_719 = vector.extract_strided_slice %get3A_267 {offsets = [9], sizes = [1], strides = [1]} : vector<16xf32> to vector<1xf32>
        %squeeze3A_720 = vector.extract %slice3A_719[0] : f32 from vector<1xf32>
        %get3A_721 = arith.index_cast %add3A_718 : i32 to index
        %get3A_722 = arith.constant 0 : index
        %get3A_723 = tpu.vector_load %arg13[%get3A_721, %get3A_722] {strides = array<i32>} : memref<128x64xf32, #tpu.memory_space<vmem>>, vector<1x16xf32>,
        %get3A_724 = vector.shape_cast %get3A_723 : vector<1x16xf32> to vector<16xf32>
        %mul3A_725 = vector.broadcast %squeeze3A_720 : f32 to vector<16xf32>
        %mul3A_726 = arith.mulf %get3A_724, %mul3A_725 : vector<16xf32>
        %swap3A_727 = arith.index_cast %add3A_718 : i32 to index
        %swap3A_728 = arith.constant 0 : index
        %swap3A_729 = tpu.vector_load %arg13[%swap3A_727, %swap3A_728] {strides = array<i32>} : memref<128x64xf32, #tpu.memory_space<vmem>>, vector<1x16xf32>,
        %swap3A_730 = vector.shape_cast %swap3A_729 : vector<1x16xf32> to vector<16xf32>
        %swap3A_731 = vector.shape_cast %mul3A_726 : vector<16xf32> to vector<1x16xf32>
        tpu.vector_store %arg13[%swap3A_727, %swap3A_728], %swap3A_731 {strides = array<i32>} : memref<128x64xf32, #tpu.memory_space<vmem>>, vector<1x16xf32>,
        %get3A_732 = arith.index_cast %add3A_718 : i32 to index
        %get3A_733 = arith.constant 16 : index
        %get3A_734 = tpu.vector_load %arg13[%get3A_732, %get3A_733] {strides = array<i32>} : memref<128x64xf32, #tpu.memory_space<vmem>>, vector<1x16xf32>,
        %get3A_735 = vector.shape_cast %get3A_734 : vector<1x16xf32> to vector<16xf32>
        %mul3A_736 = vector.broadcast %squeeze3A_720 : f32 to vector<16xf32>
        %mul3A_737 = arith.mulf %get3A_735, %mul3A_736 : vector<16xf32>
        %swap3A_738 = arith.index_cast %add3A_718 : i32 to index
        %swap3A_739 = arith.constant 16 : index
        %swap3A_740 = tpu.vector_load %arg13[%swap3A_738, %swap3A_739] {strides = array<i32>} : memref<128x64xf32, #tpu.memory_space<vmem>>, vector<1x16xf32>,
        %swap3A_741 = vector.shape_cast %swap3A_740 : vector<1x16xf32> to vector<16xf32>
        %swap3A_742 = vector.shape_cast %mul3A_737 : vector<16xf32> to vector<1x16xf32>
        tpu.vector_store %arg13[%swap3A_738, %swap3A_739], %swap3A_742 {strides = array<i32>} : memref<128x64xf32, #tpu.memory_space<vmem>>, vector<1x16xf32>,
        %get3A_743 = arith.index_cast %add3A_718 : i32 to index
        %get3A_744 = arith.constant 32 : index
        %get3A_745 = tpu.vector_load %arg13[%get3A_743, %get3A_744] {strides = array<i32>} : memref<128x64xf32, #tpu.memory_space<vmem>>, vector<1x16xf32>,
        %get3A_746 = vector.shape_cast %get3A_745 : vector<1x16xf32> to vector<16xf32>
        %mul3A_747 = vector.broadcast %squeeze3A_720 : f32 to vector<16xf32>
        %mul3A_748 = arith.mulf %get3A_746, %mul3A_747 : vector<16xf32>
        %swap3A_749 = arith.index_cast %add3A_718 : i32 to index
        %swap3A_750 = arith.constant 32 : index
        %swap3A_751 = tpu.vector_load %arg13[%swap3A_749, %swap3A_750] {strides = array<i32>} : memref<128x64xf32, #tpu.memory_space<vmem>>, vector<1x16xf32>,
        %swap3A_752 = vector.shape_cast %swap3A_751 : vector<1x16xf32> to vector<16xf32>
        %swap3A_753 = vector.shape_cast %mul3A_748 : vector<16xf32> to vector<1x16xf32>
        tpu.vector_store %arg13[%swap3A_749, %swap3A_750], %swap3A_753 {strides = array<i32>} : memref<128x64xf32, #tpu.memory_space<vmem>>, vector<1x16xf32>,
        %get3A_754 = arith.index_cast %add3A_718 : i32 to index
        %get3A_755 = arith.constant 48 : index
        %get3A_756 = tpu.vector_load %arg13[%get3A_754, %get3A_755] {strides = array<i32>} : memref<128x64xf32, #tpu.memory_space<vmem>>, vector<1x16xf32>,
        %get3A_757 = vector.shape_cast %get3A_756 : vector<1x16xf32> to vector<16xf32>
        %mul3A_758 = vector.broadcast %squeeze3A_720 : f32 to vector<16xf32>
        %mul3A_759 = arith.mulf %get3A_757, %mul3A_758 : vector<16xf32>
        %swap3A_760 = arith.index_cast %add3A_718 : i32 to index
        %swap3A_761 = arith.constant 48 : index
        %swap3A_762 = tpu.vector_load %arg13[%swap3A_760, %swap3A_761] {strides = array<i32>} : memref<128x64xf32, #tpu.memory_space<vmem>>, vector<1x16xf32>,
        %swap3A_763 = vector.shape_cast %swap3A_762 : vector<1x16xf32> to vector<16xf32>
        %swap3A_764 = vector.shape_cast %mul3A_759 : vector<16xf32> to vector<1x16xf32>
        tpu.vector_store %arg13[%swap3A_760, %swap3A_761], %swap3A_764 {strides = array<i32>} : memref<128x64xf32, #tpu.memory_space<vmem>>, vector<1x16xf32>,
        %mul3A_765 = arith.constant 16 : i32
        %mul3A_766 = arith.muli %scan3A_262, %mul3A_765 : i32
        %add3A_767 = arith.constant 10 : i32
        %add3A_768 = arith.addi %mul3A_766, %add3A_767 : i32
        %slice3A_769 = vector.extract_strided_slice %get3A_267 {offsets = [10], sizes = [1], strides = [1]} : vector<16xf32> to vector<1xf32>
        %squeeze3A_770 = vector.extract %slice3A_769[0] : f32 from vector<1xf32>
        %get3A_771 = arith.index_cast %add3A_768 : i32 to index
        %get3A_772 = arith.constant 0 : index
        %get3A_773 = tpu.vector_load %arg13[%get3A_771, %get3A_772] {strides = array<i32>} : memref<128x64xf32, #tpu.memory_space<vmem>>, vector<1x16xf32>,
        %get3A_774 = vector.shape_cast %get3A_773 : vector<1x16xf32> to vector<16xf32>
        %mul3A_775 = vector.broadcast %squeeze3A_770 : f32 to vector<16xf32>
        %mul3A_776 = arith.mulf %get3A_774, %mul3A_775 : vector<16xf32>
        %swap3A_777 = arith.index_cast %add3A_768 : i32 to index
        %swap3A_778 = arith.constant 0 : index
        %swap3A_779 = tpu.vector_load %arg13[%swap3A_777, %swap3A_778] {strides = array<i32>} : memref<128x64xf32, #tpu.memory_space<vmem>>, vector<1x16xf32>,
        %swap3A_780 = vector.shape_cast %swap3A_779 : vector<1x16xf32> to vector<16xf32>
        %swap3A_781 = vector.shape_cast %mul3A_776 : vector<16xf32> to vector<1x16xf32>
        tpu.vector_store %arg13[%swap3A_777, %swap3A_778], %swap3A_781 {strides = array<i32>} : memref<128x64xf32, #tpu.memory_space<vmem>>, vector<1x16xf32>,
        %get3A_782 = arith.index_cast %add3A_768 : i32 to index
        %get3A_783 = arith.constant 16 : index
        %get3A_784 = tpu.vector_load %arg13[%get3A_782, %get3A_783] {strides = array<i32>} : memref<128x64xf32, #tpu.memory_space<vmem>>, vector<1x16xf32>,
        %get3A_785 = vector.shape_cast %get3A_784 : vector<1x16xf32> to vector<16xf32>
        %mul3A_786 = vector.broadcast %squeeze3A_770 : f32 to vector<16xf32>
        %mul3A_787 = arith.mulf %get3A_785, %mul3A_786 : vector<16xf32>
        %swap3A_788 = arith.index_cast %add3A_768 : i32 to index
        %swap3A_789 = arith.constant 16 : index
        %swap3A_790 = tpu.vector_load %arg13[%swap3A_788, %swap3A_789] {strides = array<i32>} : memref<128x64xf32, #tpu.memory_space<vmem>>, vector<1x16xf32>,
        %swap3A_791 = vector.shape_cast %swap3A_790 : vector<1x16xf32> to vector<16xf32>
        %swap3A_792 = vector.shape_cast %mul3A_787 : vector<16xf32> to vector<1x16xf32>
        tpu.vector_store %arg13[%swap3A_788, %swap3A_789], %swap3A_792 {strides = array<i32>} : memref<128x64xf32, #tpu.memory_space<vmem>>, vector<1x16xf32>,
        %get3A_793 = arith.index_cast %add3A_768 : i32 to index
        %get3A_794 = arith.constant 32 : index
        %get3A_795 = tpu.vector_load %arg13[%get3A_793, %get3A_794] {strides = array<i32>} : memref<128x64xf32, #tpu.memory_space<vmem>>, vector<1x16xf32>,
        %get3A_796 = vector.shape_cast %get3A_795 : vector<1x16xf32> to vector<16xf32>
        %mul3A_797 = vector.broadcast %squeeze3A_770 : f32 to vector<16xf32>
        %mul3A_798 = arith.mulf %get3A_796, %mul3A_797 : vector<16xf32>
        %swap3A_799 = arith.index_cast %add3A_768 : i32 to index
        %swap3A_800 = arith.constant 32 : index
        %swap3A_801 = tpu.vector_load %arg13[%swap3A_799, %swap3A_800] {strides = array<i32>} : memref<128x64xf32, #tpu.memory_space<vmem>>, vector<1x16xf32>,
        %swap3A_802 = vector.shape_cast %swap3A_801 : vector<1x16xf32> to vector<16xf32>
        %swap3A_803 = vector.shape_cast %mul3A_798 : vector<16xf32> to vector<1x16xf32>
        tpu.vector_store %arg13[%swap3A_799, %swap3A_800], %swap3A_803 {strides = array<i32>} : memref<128x64xf32, #tpu.memory_space<vmem>>, vector<1x16xf32>,
        %get3A_804 = arith.index_cast %add3A_768 : i32 to index
        %get3A_805 = arith.constant 48 : index
        %get3A_806 = tpu.vector_load %arg13[%get3A_804, %get3A_805] {strides = array<i32>} : memref<128x64xf32, #tpu.memory_space<vmem>>, vector<1x16xf32>,
        %get3A_807 = vector.shape_cast %get3A_806 : vector<1x16xf32> to vector<16xf32>
        %mul3A_808 = vector.broadcast %squeeze3A_770 : f32 to vector<16xf32>
        %mul3A_809 = arith.mulf %get3A_807, %mul3A_808 : vector<16xf32>
        %swap3A_810 = arith.index_cast %add3A_768 : i32 to index
        %swap3A_811 = arith.constant 48 : index
        %swap3A_812 = tpu.vector_load %arg13[%swap3A_810, %swap3A_811] {strides = array<i32>} : memref<128x64xf32, #tpu.memory_space<vmem>>, vector<1x16xf32>,
        %swap3A_813 = vector.shape_cast %swap3A_812 : vector<1x16xf32> to vector<16xf32>
        %swap3A_814 = vector.shape_cast %mul3A_809 : vector<16xf32> to vector<1x16xf32>
        tpu.vector_store %arg13[%swap3A_810, %swap3A_811], %swap3A_814 {strides = array<i32>} : memref<128x64xf32, #tpu.memory_space<vmem>>, vector<1x16xf32>,
        %mul3A_815 = arith.constant 16 : i32
        %mul3A_816 = arith.muli %scan3A_262, %mul3A_815 : i32
        %add3A_817 = arith.constant 11 : i32
        %add3A_818 = arith.addi %mul3A_816, %add3A_817 : i32
        %slice3A_819 = vector.extract_strided_slice %get3A_267 {offsets = [11], sizes = [1], strides = [1]} : vector<16xf32> to vector<1xf32>
        %squeeze3A_820 = vector.extract %slice3A_819[0] : f32 from vector<1xf32>
        %get3A_821 = arith.index_cast %add3A_818 : i32 to index
        %get3A_822 = arith.constant 0 : index
        %get3A_823 = tpu.vector_load %arg13[%get3A_821, %get3A_822] {strides = array<i32>} : memref<128x64xf32, #tpu.memory_space<vmem>>, vector<1x16xf32>,
        %get3A_824 = vector.shape_cast %get3A_823 : vector<1x16xf32> to vector<16xf32>
        %mul3A_825 = vector.broadcast %squeeze3A_820 : f32 to vector<16xf32>
        %mul3A_826 = arith.mulf %get3A_824, %mul3A_825 : vector<16xf32>
        %swap3A_827 = arith.index_cast %add3A_818 : i32 to index
        %swap3A_828 = arith.constant 0 : index
        %swap3A_829 = tpu.vector_load %arg13[%swap3A_827, %swap3A_828] {strides = array<i32>} : memref<128x64xf32, #tpu.memory_space<vmem>>, vector<1x16xf32>,
        %swap3A_830 = vector.shape_cast %swap3A_829 : vector<1x16xf32> to vector<16xf32>
        %swap3A_831 = vector.shape_cast %mul3A_826 : vector<16xf32> to vector<1x16xf32>
        tpu.vector_store %arg13[%swap3A_827, %swap3A_828], %swap3A_831 {strides = array<i32>} : memref<128x64xf32, #tpu.memory_space<vmem>>, vector<1x16xf32>,
        %get3A_832 = arith.index_cast %add3A_818 : i32 to index
        %get3A_833 = arith.constant 16 : index
        %get3A_834 = tpu.vector_load %arg13[%get3A_832, %get3A_833] {strides = array<i32>} : memref<128x64xf32, #tpu.memory_space<vmem>>, vector<1x16xf32>,
        %get3A_835 = vector.shape_cast %get3A_834 : vector<1x16xf32> to vector<16xf32>
        %mul3A_836 = vector.broadcast %squeeze3A_820 : f32 to vector<16xf32>
        %mul3A_837 = arith.mulf %get3A_835, %mul3A_836 : vector<16xf32>
        %swap3A_838 = arith.index_cast %add3A_818 : i32 to index
        %swap3A_839 = arith.constant 16 : index
        %swap3A_840 = tpu.vector_load %arg13[%swap3A_838, %swap3A_839] {strides = array<i32>} : memref<128x64xf32, #tpu.memory_space<vmem>>, vector<1x16xf32>,
        %swap3A_841 = vector.shape_cast %swap3A_840 : vector<1x16xf32> to vector<16xf32>
        %swap3A_842 = vector.shape_cast %mul3A_837 : vector<16xf32> to vector<1x16xf32>
        tpu.vector_store %arg13[%swap3A_838, %swap3A_839], %swap3A_842 {strides = array<i32>} : memref<128x64xf32, #tpu.memory_space<vmem>>, vector<1x16xf32>,
        %get3A_843 = arith.index_cast %add3A_818 : i32 to index
        %get3A_844 = arith.constant 32 : index
        %get3A_845 = tpu.vector_load %arg13[%get3A_843, %get3A_844] {strides = array<i32>} : memref<128x64xf32, #tpu.memory_space<vmem>>, vector<1x16xf32>,
        %get3A_846 = vector.shape_cast %get3A_845 : vector<1x16xf32> to vector<16xf32>
        %mul3A_847 = vector.broadcast %squeeze3A_820 : f32 to vector<16xf32>
        %mul3A_848 = arith.mulf %get3A_846, %mul3A_847 : vector<16xf32>
        %swap3A_849 = arith.index_cast %add3A_818 : i32 to index
        %swap3A_850 = arith.constant 32 : index
        %swap3A_851 = tpu.vector_load %arg13[%swap3A_849, %swap3A_850] {strides = array<i32>} : memref<128x64xf32, #tpu.memory_space<vmem>>, vector<1x16xf32>,
        %swap3A_852 = vector.shape_cast %swap3A_851 : vector<1x16xf32> to vector<16xf32>
        %swap3A_853 = vector.shape_cast %mul3A_848 : vector<16xf32> to vector<1x16xf32>
        tpu.vector_store %arg13[%swap3A_849, %swap3A_850], %swap3A_853 {strides = array<i32>} : memref<128x64xf32, #tpu.memory_space<vmem>>, vector<1x16xf32>,
        %get3A_854 = arith.index_cast %add3A_818 : i32 to index
        %get3A_855 = arith.constant 48 : index
        %get3A_856 = tpu.vector_load %arg13[%get3A_854, %get3A_855] {strides = array<i32>} : memref<128x64xf32, #tpu.memory_space<vmem>>, vector<1x16xf32>,
        %get3A_857 = vector.shape_cast %get3A_856 : vector<1x16xf32> to vector<16xf32>
        %mul3A_858 = vector.broadcast %squeeze3A_820 : f32 to vector<16xf32>
        %mul3A_859 = arith.mulf %get3A_857, %mul3A_858 : vector<16xf32>
        %swap3A_860 = arith.index_cast %add3A_818 : i32 to index
        %swap3A_861 = arith.constant 48 : index
        %swap3A_862 = tpu.vector_load %arg13[%swap3A_860, %swap3A_861] {strides = array<i32>} : memref<128x64xf32, #tpu.memory_space<vmem>>, vector<1x16xf32>,
        %swap3A_863 = vector.shape_cast %swap3A_862 : vector<1x16xf32> to vector<16xf32>
        %swap3A_864 = vector.shape_cast %mul3A_859 : vector<16xf32> to vector<1x16xf32>
        tpu.vector_store %arg13[%swap3A_860, %swap3A_861], %swap3A_864 {strides = array<i32>} : memref<128x64xf32, #tpu.memory_space<vmem>>, vector<1x16xf32>,
        %mul3A_865 = arith.constant 16 : i32
        %mul3A_866 = arith.muli %scan3A_262, %mul3A_865 : i32
        %add3A_867 = arith.constant 12 : i32
        %add3A_868 = arith.addi %mul3A_866, %add3A_867 : i32
        %slice3A_869 = vector.extract_strided_slice %get3A_267 {offsets = [12], sizes = [1], strides = [1]} : vector<16xf32> to vector<1xf32>
        %squeeze3A_870 = vector.extract %slice3A_869[0] : f32 from vector<1xf32>
        %get3A_871 = arith.index_cast %add3A_868 : i32 to index
        %get3A_872 = arith.constant 0 : index
        %get3A_873 = tpu.vector_load %arg13[%get3A_871, %get3A_872] {strides = array<i32>} : memref<128x64xf32, #tpu.memory_space<vmem>>, vector<1x16xf32>,
        %get3A_874 = vector.shape_cast %get3A_873 : vector<1x16xf32> to vector<16xf32>
        %mul3A_875 = vector.broadcast %squeeze3A_870 : f32 to vector<16xf32>
        %mul3A_876 = arith.mulf %get3A_874, %mul3A_875 : vector<16xf32>
        %swap3A_877 = arith.index_cast %add3A_868 : i32 to index
        %swap3A_878 = arith.constant 0 : index
        %swap3A_879 = tpu.vector_load %arg13[%swap3A_877, %swap3A_878] {strides = array<i32>} : memref<128x64xf32, #tpu.memory_space<vmem>>, vector<1x16xf32>,
        %swap3A_880 = vector.shape_cast %swap3A_879 : vector<1x16xf32> to vector<16xf32>
        %swap3A_881 = vector.shape_cast %mul3A_876 : vector<16xf32> to vector<1x16xf32>
        tpu.vector_store %arg13[%swap3A_877, %swap3A_878], %swap3A_881 {strides = array<i32>} : memref<128x64xf32, #tpu.memory_space<vmem>>, vector<1x16xf32>,
        %get3A_882 = arith.index_cast %add3A_868 : i32 to index
        %get3A_883 = arith.constant 16 : index
        %get3A_884 = tpu.vector_load %arg13[%get3A_882, %get3A_883] {strides = array<i32>} : memref<128x64xf32, #tpu.memory_space<vmem>>, vector<1x16xf32>,
        %get3A_885 = vector.shape_cast %get3A_884 : vector<1x16xf32> to vector<16xf32>
        %mul3A_886 = vector.broadcast %squeeze3A_870 : f32 to vector<16xf32>
        %mul3A_887 = arith.mulf %get3A_885, %mul3A_886 : vector<16xf32>
        %swap3A_888 = arith.index_cast %add3A_868 : i32 to index
        %swap3A_889 = arith.constant 16 : index
        %swap3A_890 = tpu.vector_load %arg13[%swap3A_888, %swap3A_889] {strides = array<i32>} : memref<128x64xf32, #tpu.memory_space<vmem>>, vector<1x16xf32>,
        %swap3A_891 = vector.shape_cast %swap3A_890 : vector<1x16xf32> to vector<16xf32>
        %swap3A_892 = vector.shape_cast %mul3A_887 : vector<16xf32> to vector<1x16xf32>
        tpu.vector_store %arg13[%swap3A_888, %swap3A_889], %swap3A_892 {strides = array<i32>} : memref<128x64xf32, #tpu.memory_space<vmem>>, vector<1x16xf32>,
        %get3A_893 = arith.index_cast %add3A_868 : i32 to index
        %get3A_894 = arith.constant 32 : index
        %get3A_895 = tpu.vector_load %arg13[%get3A_893, %get3A_894] {strides = array<i32>} : memref<128x64xf32, #tpu.memory_space<vmem>>, vector<1x16xf32>,
        %get3A_896 = vector.shape_cast %get3A_895 : vector<1x16xf32> to vector<16xf32>
        %mul3A_897 = vector.broadcast %squeeze3A_870 : f32 to vector<16xf32>
        %mul3A_898 = arith.mulf %get3A_896, %mul3A_897 : vector<16xf32>
        %swap3A_899 = arith.index_cast %add3A_868 : i32 to index
        %swap3A_900 = arith.constant 32 : index
        %swap3A_901 = tpu.vector_load %arg13[%swap3A_899, %swap3A_900] {strides = array<i32>} : memref<128x64xf32, #tpu.memory_space<vmem>>, vector<1x16xf32>,
        %swap3A_902 = vector.shape_cast %swap3A_901 : vector<1x16xf32> to vector<16xf32>
        %swap3A_903 = vector.shape_cast %mul3A_898 : vector<16xf32> to vector<1x16xf32>
        tpu.vector_store %arg13[%swap3A_899, %swap3A_900], %swap3A_903 {strides = array<i32>} : memref<128x64xf32, #tpu.memory_space<vmem>>, vector<1x16xf32>,
        %get3A_904 = arith.index_cast %add3A_868 : i32 to index
        %get3A_905 = arith.constant 48 : index
        %get3A_906 = tpu.vector_load %arg13[%get3A_904, %get3A_905] {strides = array<i32>} : memref<128x64xf32, #tpu.memory_space<vmem>>, vector<1x16xf32>,
        %get3A_907 = vector.shape_cast %get3A_906 : vector<1x16xf32> to vector<16xf32>
        %mul3A_908 = vector.broadcast %squeeze3A_870 : f32 to vector<16xf32>
        %mul3A_909 = arith.mulf %get3A_907, %mul3A_908 : vector<16xf32>
        %swap3A_910 = arith.index_cast %add3A_868 : i32 to index
        %swap3A_911 = arith.constant 48 : index
        %swap3A_912 = tpu.vector_load %arg13[%swap3A_910, %swap3A_911] {strides = array<i32>} : memref<128x64xf32, #tpu.memory_space<vmem>>, vector<1x16xf32>,
        %swap3A_913 = vector.shape_cast %swap3A_912 : vector<1x16xf32> to vector<16xf32>
        %swap3A_914 = vector.shape_cast %mul3A_909 : vector<16xf32> to vector<1x16xf32>
        tpu.vector_store %arg13[%swap3A_910, %swap3A_911], %swap3A_914 {strides = array<i32>} : memref<128x64xf32, #tpu.memory_space<vmem>>, vector<1x16xf32>,
        %mul3A_915 = arith.constant 16 : i32
        %mul3A_916 = arith.muli %scan3A_262, %mul3A_915 : i32
        %add3A_917 = arith.constant 13 : i32
        %add3A_918 = arith.addi %mul3A_916, %add3A_917 : i32
        %slice3A_919 = vector.extract_strided_slice %get3A_267 {offsets = [13], sizes = [1], strides = [1]} : vector<16xf32> to vector<1xf32>
        %squeeze3A_920 = vector.extract %slice3A_919[0] : f32 from vector<1xf32>
        %get3A_921 = arith.index_cast %add3A_918 : i32 to index
        %get3A_922 = arith.constant 0 : index
        %get3A_923 = tpu.vector_load %arg13[%get3A_921, %get3A_922] {strides = array<i32>} : memref<128x64xf32, #tpu.memory_space<vmem>>, vector<1x16xf32>,
        %get3A_924 = vector.shape_cast %get3A_923 : vector<1x16xf32> to vector<16xf32>
        %mul3A_925 = vector.broadcast %squeeze3A_920 : f32 to vector<16xf32>
        %mul3A_926 = arith.mulf %get3A_924, %mul3A_925 : vector<16xf32>
        %swap3A_927 = arith.index_cast %add3A_918 : i32 to index
        %swap3A_928 = arith.constant 0 : index
        %swap3A_929 = tpu.vector_load %arg13[%swap3A_927, %swap3A_928] {strides = array<i32>} : memref<128x64xf32, #tpu.memory_space<vmem>>, vector<1x16xf32>,
        %swap3A_930 = vector.shape_cast %swap3A_929 : vector<1x16xf32> to vector<16xf32>
        %swap3A_931 = vector.shape_cast %mul3A_926 : vector<16xf32> to vector<1x16xf32>
        tpu.vector_store %arg13[%swap3A_927, %swap3A_928], %swap3A_931 {strides = array<i32>} : memref<128x64xf32, #tpu.memory_space<vmem>>, vector<1x16xf32>,
        %get3A_932 = arith.index_cast %add3A_918 : i32 to index
        %get3A_933 = arith.constant 16 : index
        %get3A_934 = tpu.vector_load %arg13[%get3A_932, %get3A_933] {strides = array<i32>} : memref<128x64xf32, #tpu.memory_space<vmem>>, vector<1x16xf32>,
        %get3A_935 = vector.shape_cast %get3A_934 : vector<1x16xf32> to vector<16xf32>
        %mul3A_936 = vector.broadcast %squeeze3A_920 : f32 to vector<16xf32>
        %mul3A_937 = arith.mulf %get3A_935, %mul3A_936 : vector<16xf32>
        %swap3A_938 = arith.index_cast %add3A_918 : i32 to index
        %swap3A_939 = arith.constant 16 : index
        %swap3A_940 = tpu.vector_load %arg13[%swap3A_938, %swap3A_939] {strides = array<i32>} : memref<128x64xf32, #tpu.memory_space<vmem>>, vector<1x16xf32>,
        %swap3A_941 = vector.shape_cast %swap3A_940 : vector<1x16xf32> to vector<16xf32>
        %swap3A_942 = vector.shape_cast %mul3A_937 : vector<16xf32> to vector<1x16xf32>
        tpu.vector_store %arg13[%swap3A_938, %swap3A_939], %swap3A_942 {strides = array<i32>} : memref<128x64xf32, #tpu.memory_space<vmem>>, vector<1x16xf32>,
        %get3A_943 = arith.index_cast %add3A_918 : i32 to index
        %get3A_944 = arith.constant 32 : index
        %get3A_945 = tpu.vector_load %arg13[%get3A_943, %get3A_944] {strides = array<i32>} : memref<128x64xf32, #tpu.memory_space<vmem>>, vector<1x16xf32>,
        %get3A_946 = vector.shape_cast %get3A_945 : vector<1x16xf32> to vector<16xf32>
        %mul3A_947 = vector.broadcast %squeeze3A_920 : f32 to vector<16xf32>
        %mul3A_948 = arith.mulf %get3A_946, %mul3A_947 : vector<16xf32>
        %swap3A_949 = arith.index_cast %add3A_918 : i32 to index
        %swap3A_950 = arith.constant 32 : index
        %swap3A_951 = tpu.vector_load %arg13[%swap3A_949, %swap3A_950] {strides = array<i32>} : memref<128x64xf32, #tpu.memory_space<vmem>>, vector<1x16xf32>,
        %swap3A_952 = vector.shape_cast %swap3A_951 : vector<1x16xf32> to vector<16xf32>
        %swap3A_953 = vector.shape_cast %mul3A_948 : vector<16xf32> to vector<1x16xf32>
        tpu.vector_store %arg13[%swap3A_949, %swap3A_950], %swap3A_953 {strides = array<i32>} : memref<128x64xf32, #tpu.memory_space<vmem>>, vector<1x16xf32>,
        %get3A_954 = arith.index_cast %add3A_918 : i32 to index
        %get3A_955 = arith.constant 48 : index
        %get3A_956 = tpu.vector_load %arg13[%get3A_954, %get3A_955] {strides = array<i32>} : memref<128x64xf32, #tpu.memory_space<vmem>>, vector<1x16xf32>,
        %get3A_957 = vector.shape_cast %get3A_956 : vector<1x16xf32> to vector<16xf32>
        %mul3A_958 = vector.broadcast %squeeze3A_920 : f32 to vector<16xf32>
        %mul3A_959 = arith.mulf %get3A_957, %mul3A_958 : vector<16xf32>
        %swap3A_960 = arith.index_cast %add3A_918 : i32 to index
        %swap3A_961 = arith.constant 48 : index
        %swap3A_962 = tpu.vector_load %arg13[%swap3A_960, %swap3A_961] {strides = array<i32>} : memref<128x64xf32, #tpu.memory_space<vmem>>, vector<1x16xf32>,
        %swap3A_963 = vector.shape_cast %swap3A_962 : vector<1x16xf32> to vector<16xf32>
        %swap3A_964 = vector.shape_cast %mul3A_959 : vector<16xf32> to vector<1x16xf32>
        tpu.vector_store %arg13[%swap3A_960, %swap3A_961], %swap3A_964 {strides = array<i32>} : memref<128x64xf32, #tpu.memory_space<vmem>>, vector<1x16xf32>,
        %mul3A_965 = arith.constant 16 : i32
        %mul3A_966 = arith.muli %scan3A_262, %mul3A_965 : i32
        %add3A_967 = arith.constant 14 : i32
        %add3A_968 = arith.addi %mul3A_966, %add3A_967 : i32
        %slice3A_969 = vector.extract_strided_slice %get3A_267 {offsets = [14], sizes = [1], strides = [1]} : vector<16xf32> to vector<1xf32>
        %squeeze3A_970 = vector.extract %slice3A_969[0] : f32 from vector<1xf32>
        %get3A_971 = arith.index_cast %add3A_968 : i32 to index
        %get3A_972 = arith.constant 0 : index
        %get3A_973 = tpu.vector_load %arg13[%get3A_971, %get3A_972] {strides = array<i32>} : memref<128x64xf32, #tpu.memory_space<vmem>>, vector<1x16xf32>,
        %get3A_974 = vector.shape_cast %get3A_973 : vector<1x16xf32> to vector<16xf32>
        %mul3A_975 = vector.broadcast %squeeze3A_970 : f32 to vector<16xf32>
        %mul3A_976 = arith.mulf %get3A_974, %mul3A_975 : vector<16xf32>
        %swap3A_977 = arith.index_cast %add3A_968 : i32 to index
        %swap3A_978 = arith.constant 0 : index
        %swap3A_979 = tpu.vector_load %arg13[%swap3A_977, %swap3A_978] {strides = array<i32>} : memref<128x64xf32, #tpu.memory_space<vmem>>, vector<1x16xf32>,
        %swap3A_980 = vector.shape_cast %swap3A_979 : vector<1x16xf32> to vector<16xf32>
        %swap3A_981 = vector.shape_cast %mul3A_976 : vector<16xf32> to vector<1x16xf32>
        tpu.vector_store %arg13[%swap3A_977, %swap3A_978], %swap3A_981 {strides = array<i32>} : memref<128x64xf32, #tpu.memory_space<vmem>>, vector<1x16xf32>,
        %get3A_982 = arith.index_cast %add3A_968 : i32 to index
        %get3A_983 = arith.constant 16 : index
        %get3A_984 = tpu.vector_load %arg13[%get3A_982, %get3A_983] {strides = array<i32>} : memref<128x64xf32, #tpu.memory_space<vmem>>, vector<1x16xf32>,
        %get3A_985 = vector.shape_cast %get3A_984 : vector<1x16xf32> to vector<16xf32>
        %mul3A_986 = vector.broadcast %squeeze3A_970 : f32 to vector<16xf32>
        %mul3A_987 = arith.mulf %get3A_985, %mul3A_986 : vector<16xf32>
        %swap3A_988 = arith.index_cast %add3A_968 : i32 to index
        %swap3A_989 = arith.constant 16 : index
        %swap3A_990 = tpu.vector_load %arg13[%swap3A_988, %swap3A_989] {strides = array<i32>} : memref<128x64xf32, #tpu.memory_space<vmem>>, vector<1x16xf32>,
        %swap3A_991 = vector.shape_cast %swap3A_990 : vector<1x16xf32> to vector<16xf32>
        %swap3A_992 = vector.shape_cast %mul3A_987 : vector<16xf32> to vector<1x16xf32>
        tpu.vector_store %arg13[%swap3A_988, %swap3A_989], %swap3A_992 {strides = array<i32>} : memref<128x64xf32, #tpu.memory_space<vmem>>, vector<1x16xf32>,
        %get3A_993 = arith.index_cast %add3A_968 : i32 to index
        %get3A_994 = arith.constant 32 : index
        %get3A_995 = tpu.vector_load %arg13[%get3A_993, %get3A_994] {strides = array<i32>} : memref<128x64xf32, #tpu.memory_space<vmem>>, vector<1x16xf32>,
        %get3A_996 = vector.shape_cast %get3A_995 : vector<1x16xf32> to vector<16xf32>
        %mul3A_997 = vector.broadcast %squeeze3A_970 : f32 to vector<16xf32>
        %mul3A_998 = arith.mulf %get3A_996, %mul3A_997 : vector<16xf32>
        %swap3A_999 = arith.index_cast %add3A_968 : i32 to index
        %swap3A_1000 = arith.constant 32 : index
        %swap3A_1001 = tpu.vector_load %arg13[%swap3A_999, %swap3A_1000] {strides = array<i32>} : memref<128x64xf32, #tpu.memory_space<vmem>>, vector<1x16xf32>,
        %swap3A_1002 = vector.shape_cast %swap3A_1001 : vector<1x16xf32> to vector<16xf32>
        %swap3A_1003 = vector.shape_cast %mul3A_998 : vector<16xf32> to vector<1x16xf32>
        tpu.vector_store %arg13[%swap3A_999, %swap3A_1000], %swap3A_1003 {strides = array<i32>} : memref<128x64xf32, #tpu.memory_space<vmem>>, vector<1x16xf32>,
        %get3A_1004 = arith.index_cast %add3A_968 : i32 to index
        %get3A_1005 = arith.constant 48 : index
        %get3A_1006 = tpu.vector_load %arg13[%get3A_1004, %get3A_1005] {strides = array<i32>} : memref<128x64xf32, #tpu.memory_space<vmem>>, vector<1x16xf32>,
        %get3A_1007 = vector.shape_cast %get3A_1006 : vector<1x16xf32> to vector<16xf32>
        %mul3A_1008 = vector.broadcast %squeeze3A_970 : f32 to vector<16xf32>
        %mul3A_1009 = arith.mulf %get3A_1007, %mul3A_1008 : vector<16xf32>
        %swap3A_1010 = arith.index_cast %add3A_968 : i32 to index
        %swap3A_1011 = arith.constant 48 : index
        %swap3A_1012 = tpu.vector_load %arg13[%swap3A_1010, %swap3A_1011] {strides = array<i32>} : memref<128x64xf32, #tpu.memory_space<vmem>>, vector<1x16xf32>,
        %swap3A_1013 = vector.shape_cast %swap3A_1012 : vector<1x16xf32> to vector<16xf32>
        %swap3A_1014 = vector.shape_cast %mul3A_1009 : vector<16xf32> to vector<1x16xf32>
        tpu.vector_store %arg13[%swap3A_1010, %swap3A_1011], %swap3A_1014 {strides = array<i32>} : memref<128x64xf32, #tpu.memory_space<vmem>>, vector<1x16xf32>,
        %mul3A_1015 = arith.constant 16 : i32
        %mul3A_1016 = arith.muli %scan3A_262, %mul3A_1015 : i32
        %add3A_1017 = arith.constant 15 : i32
        %add3A_1018 = arith.addi %mul3A_1016, %add3A_1017 : i32
        %slice3A_1019 = vector.extract_strided_slice %get3A_267 {offsets = [15], sizes = [1], strides = [1]} : vector<16xf32> to vector<1xf32>
        %squeeze3A_1020 = vector.extract %slice3A_1019[0] : f32 from vector<1xf32>
        %get3A_1021 = arith.index_cast %add3A_1018 : i32 to index
        %get3A_1022 = arith.constant 0 : index
        %get3A_1023 = tpu.vector_load %arg13[%get3A_1021, %get3A_1022] {strides = array<i32>} : memref<128x64xf32, #tpu.memory_space<vmem>>, vector<1x16xf32>,
        %get3A_1024 = vector.shape_cast %get3A_1023 : vector<1x16xf32> to vector<16xf32>
        %mul3A_1025 = vector.broadcast %squeeze3A_1020 : f32 to vector<16xf32>
        %mul3A_1026 = arith.mulf %get3A_1024, %mul3A_1025 : vector<16xf32>
        %swap3A_1027 = arith.index_cast %add3A_1018 : i32 to index
        %swap3A_1028 = arith.constant 0 : index
        %swap3A_1029 = tpu.vector_load %arg13[%swap3A_1027, %swap3A_1028] {strides = array<i32>} : memref<128x64xf32, #tpu.memory_space<vmem>>, vector<1x16xf32>,
        %swap3A_1030 = vector.shape_cast %swap3A_1029 : vector<1x16xf32> to vector<16xf32>
        %swap3A_1031 = vector.shape_cast %mul3A_1026 : vector<16xf32> to vector<1x16xf32>
        tpu.vector_store %arg13[%swap3A_1027, %swap3A_1028], %swap3A_1031 {strides = array<i32>} : memref<128x64xf32, #tpu.memory_space<vmem>>, vector<1x16xf32>,
        %get3A_1032 = arith.index_cast %add3A_1018 : i32 to index
        %get3A_1033 = arith.constant 16 : index
        %get3A_1034 = tpu.vector_load %arg13[%get3A_1032, %get3A_1033] {strides = array<i32>} : memref<128x64xf32, #tpu.memory_space<vmem>>, vector<1x16xf32>,
        %get3A_1035 = vector.shape_cast %get3A_1034 : vector<1x16xf32> to vector<16xf32>
        %mul3A_1036 = vector.broadcast %squeeze3A_1020 : f32 to vector<16xf32>
        %mul3A_1037 = arith.mulf %get3A_1035, %mul3A_1036 : vector<16xf32>
        %swap3A_1038 = arith.index_cast %add3A_1018 : i32 to index
        %swap3A_1039 = arith.constant 16 : index
        %swap3A_1040 = tpu.vector_load %arg13[%swap3A_1038, %swap3A_1039] {strides = array<i32>} : memref<128x64xf32, #tpu.memory_space<vmem>>, vector<1x16xf32>,
        %swap3A_1041 = vector.shape_cast %swap3A_1040 : vector<1x16xf32> to vector<16xf32>
        %swap3A_1042 = vector.shape_cast %mul3A_1037 : vector<16xf32> to vector<1x16xf32>
        tpu.vector_store %arg13[%swap3A_1038, %swap3A_1039], %swap3A_1042 {strides = array<i32>} : memref<128x64xf32, #tpu.memory_space<vmem>>, vector<1x16xf32>,
        %get3A_1043 = arith.index_cast %add3A_1018 : i32 to index
        %get3A_1044 = arith.constant 32 : index
        %get3A_1045 = tpu.vector_load %arg13[%get3A_1043, %get3A_1044] {strides = array<i32>} : memref<128x64xf32, #tpu.memory_space<vmem>>, vector<1x16xf32>,
        %get3A_1046 = vector.shape_cast %get3A_1045 : vector<1x16xf32> to vector<16xf32>
        %mul3A_1047 = vector.broadcast %squeeze3A_1020 : f32 to vector<16xf32>
        %mul3A_1048 = arith.mulf %get3A_1046, %mul3A_1047 : vector<16xf32>
        %swap3A_1049 = arith.index_cast %add3A_1018 : i32 to index
        %swap3A_1050 = arith.constant 32 : index
        %swap3A_1051 = tpu.vector_load %arg13[%swap3A_1049, %swap3A_1050] {strides = array<i32>} : memref<128x64xf32, #tpu.memory_space<vmem>>, vector<1x16xf32>,
        %swap3A_1052 = vector.shape_cast %swap3A_1051 : vector<1x16xf32> to vector<16xf32>
        %swap3A_1053 = vector.shape_cast %mul3A_1048 : vector<16xf32> to vector<1x16xf32>
        tpu.vector_store %arg13[%swap3A_1049, %swap3A_1050], %swap3A_1053 {strides = array<i32>} : memref<128x64xf32, #tpu.memory_space<vmem>>, vector<1x16xf32>,
        %get3A_1054 = arith.index_cast %add3A_1018 : i32 to index
        %get3A_1055 = arith.constant 48 : index
        %get3A_1056 = tpu.vector_load %arg13[%get3A_1054, %get3A_1055] {strides = array<i32>} : memref<128x64xf32, #tpu.memory_space<vmem>>, vector<1x16xf32>,
        %get3A_1057 = vector.shape_cast %get3A_1056 : vector<1x16xf32> to vector<16xf32>
        %mul3A_1058 = vector.broadcast %squeeze3A_1020 : f32 to vector<16xf32>
        %mul3A_1059 = arith.mulf %get3A_1057, %mul3A_1058 : vector<16xf32>
        %swap3A_1060 = arith.index_cast %add3A_1018 : i32 to index
        %swap3A_1061 = arith.constant 48 : index
        %swap3A_1062 = tpu.vector_load %arg13[%swap3A_1060, %swap3A_1061] {strides = array<i32>} : memref<128x64xf32, #tpu.memory_space<vmem>>, vector<1x16xf32>,
        %swap3A_1063 = vector.shape_cast %swap3A_1062 : vector<1x16xf32> to vector<16xf32>
        %swap3A_1064 = vector.shape_cast %mul3A_1059 : vector<16xf32> to vector<1x16xf32>
        tpu.vector_store %arg13[%swap3A_1060, %swap3A_1061], %swap3A_1064 {strides = array<i32>} : memref<128x64xf32, #tpu.memory_space<vmem>>, vector<1x16xf32>,
      }
      %scan3A_168 = arith.constant 8 : i32
      %dma_start3A_169 = arith.constant 0 : i32
      %dma_start3A_170 = tpu.memref_slice %arg10[%add3A_149, %dma_start3A_169] : memref<80x128xi32, #tpu.memory_space<vmem>> -> memref<1x128xi32, #tpu.memory_space<vmem>>
      %dma_start3A_171 = tpu.memref_squeeze %dma_start3A_170 : memref<1x128xi32, #tpu.memory_space<vmem>> -> memref<128xi32, #tpu.memory_space<vmem>>
      %dma_start3A_172 = arith.constant 0 : i32
      %dma_start3A_173 = arith.constant 0 : i32
      %dma_start3A_174 = tpu.memref_slice %arg17[%dma_start3A_172, %dma_start3A_173] : memref<10240x64xf32, #tpu.memory_space<vmem_shared>> -> memref<10240x64xf32, #tpu.memory_space<vmem_shared>>
      tpu.enqueue_indirect_dma source(%arg13 : memref<128x64xf32, #tpu.memory_space<vmem>>) target(%dma_start3A_174 : memref<10240x64xf32, #tpu.memory_space<vmem_shared>>) offsets(%dma_start3A_171 : memref<128xi32, #tpu.memory_space<vmem>>) semaphore(%arg19 : memref<!tpu.dma_semaphore, #tpu.memory_space<semaphore_mem>>) {add = true}
      %mul3A_175 = arith.constant 5 : i32
      %mul3A_176 = arith.muli %mul3A_175, %scan3A_117 : i32
      %add3A_177 = arith.constant 2 : i32
      %add3A_178 = arith.addi %mul3A_176, %add3A_177 : i32
      %add3A_179 = arith.constant 2 : i32
      %add3A_180 = arith.addi %add3A_178, %add3A_179 : i32
      %lt3A_181 = arith.constant 80 : i32
      %lt3A_182 = arith.cmpi slt, %add3A_180, %lt3A_181 : i32
      %convert_element_type3A_183 = arith.extui %lt3A_182 : i1 to i32
      %cond3A_184 = arith.constant 0 : i32
      %cond3A_185 = arith.cmpi ne, %convert_element_type3A_183, %cond3A_184 : i32
      scf.if %cond3A_185 {
        %ge3A = arith.constant 5 : i32
        %ge3A_262 = arith.cmpi sge, %add3A_180, %ge3A : i32
        %convert_element_type3A_263 = arith.extui %ge3A_262 : i1 to i32
        %cond3A_264 = arith.constant 0 : i32
        %cond3A_265 = arith.cmpi ne, %convert_element_type3A_263, %cond3A_264 : i32
        scf.if %cond3A_265 {
          %dma_wait3A_272 = arith.constant 0 : i32
          %dma_wait3A_273 = arith.constant 0 : i32
          %dma_wait3A_274 = tpu.memref_slice %arg10[%dma_wait3A_272, %dma_wait3A_273] : memref<80x128xi32, #tpu.memory_space<vmem>> -> memref<1x128xi32, #tpu.memory_space<vmem>>
          %dma_wait3A_275 = tpu.memref_squeeze %dma_wait3A_274 : memref<1x128xi32, #tpu.memory_space<vmem>> -> memref<128xi32, #tpu.memory_space<vmem>>
          %dma_wait3A_276 = arith.constant 0 : i32
          %dma_wait3A_277 = arith.constant 0 : i32
          %dma_wait3A_278 = tpu.memref_slice %arg17[%dma_wait3A_276, %dma_wait3A_277] : memref<10240x64xf32, #tpu.memory_space<vmem_shared>> -> memref<10240x64xf32, #tpu.memory_space<vmem_shared>>
          tpu.wait_indirect_dma semaphore(%arg22 : memref<!tpu.dma_semaphore, #tpu.memory_space<semaphore_mem>>) src(%arg16 : memref<128x64xf32, #tpu.memory_space<vmem>>) dst(%dma_wait3A_278 : memref<10240x64xf32, #tpu.memory_space<vmem_shared>>)
        } else {
        }
        %dma_start3A_266 = arith.constant 0 : i32
        %dma_start3A_267 = tpu.memref_slice %arg9[%add3A_180, %dma_start3A_266] : memref<80x128xi32, #tpu.memory_space<vmem>> -> memref<1x128xi32, #tpu.memory_space<vmem>>
        %dma_start3A_268 = tpu.memref_squeeze %dma_start3A_267 : memref<1x128xi32, #tpu.memory_space<vmem>> -> memref<128xi32, #tpu.memory_space<vmem>>
        %dma_start3A_269 = arith.constant 0 : i32
        %dma_start3A_270 = arith.constant 0 : i32
        %dma_start3A_271 = tpu.memref_slice %arg2[%dma_start3A_269, %dma_start3A_270] : memref<10240x64xf32, #tpu.memory_space<hbm>> -> memref<10240x64xf32, #tpu.memory_space<hbm>>
        tpu.enqueue_indirect_dma source(%dma_start3A_271 : memref<10240x64xf32, #tpu.memory_space<hbm>>) target(%arg16 : memref<128x64xf32, #tpu.memory_space<vmem>>) offsets(%dma_start3A_268 : memref<128xi32, #tpu.memory_space<vmem>>) semaphore(%arg22 : memref<!tpu.dma_semaphore, #tpu.memory_space<semaphore_mem>>)
      } else {
      }
      %dma_wait3A_186 = arith.constant 0 : i32
      %dma_wait3A_187 = tpu.memref_slice %arg9[%add3A_178, %dma_wait3A_186] : memref<80x128xi32, #tpu.memory_space<vmem>> -> memref<1x128xi32, #tpu.memory_space<vmem>>
      %dma_wait3A_188 = tpu.memref_squeeze %dma_wait3A_187 : memref<1x128xi32, #tpu.memory_space<vmem>> -> memref<128xi32, #tpu.memory_space<vmem>>
      %dma_wait3A_189 = arith.constant 0 : i32
      %dma_wait3A_190 = arith.constant 0 : i32
      %dma_wait3A_191 = tpu.memref_slice %arg2[%dma_wait3A_189, %dma_wait3A_190] : memref<10240x64xf32, #tpu.memory_space<hbm>> -> memref<10240x64xf32, #tpu.memory_space<hbm>>
      tpu.wait_indirect_dma semaphore(%arg20 : memref<!tpu.dma_semaphore, #tpu.memory_space<semaphore_mem>>) src(%dma_wait3A_191 : memref<10240x64xf32, #tpu.memory_space<hbm>>) dst(%arg14 : memref<128x64xf32, #tpu.memory_space<vmem>>)
      %scan3A_192 = arith.constant 0 : i32
      %scan3A_193 = arith.constant 0 : i32
      %scan3A_194 = arith.constant 8 : i32
      %scan3A_195 = arith.addi %scan3A_193, %scan3A_194 : i32
      %scan3A_196 = arith.constant 1 : i32
      scf.for %scan3A_262 = %scan3A_193 to %scan3A_195 step %scan3A_196  : i32 {
        %mul3A_263 = arith.constant 16 : i32
        %mul3A_264 = arith.muli %scan3A_262, %mul3A_263 : i32
        %get3A = arith.index_cast %add3A_178 : i32 to index
        %get3A_265 = arith.index_cast %mul3A_264 : i32 to index
        %get3A_266 = tpu.vector_load %arg11[%get3A, %get3A_265] {strides = array<i32>} : memref<80x128xf32, #tpu.memory_space<vmem>>, vector<1x16xf32>,
        %get3A_267 = vector.shape_cast %get3A_266 : vector<1x16xf32> to vector<16xf32>
        %mul3A_268 = arith.constant 16 : i32
        %mul3A_269 = arith.muli %scan3A_262, %mul3A_268 : i32
        %add3A_270 = arith.constant 0 : i32
        %add3A_271 = arith.addi %mul3A_269, %add3A_270 : i32
        %slice3A = vector.extract_strided_slice %get3A_267 {offsets = [0], sizes = [1], strides = [1]} : vector<16xf32> to vector<1xf32>
        %squeeze3A = vector.extract %slice3A[0] : f32 from vector<1xf32>
        %get3A_272 = arith.index_cast %add3A_271 : i32 to index
        %get3A_273 = arith.constant 0 : index
        %get3A_274 = tpu.vector_load %arg14[%get3A_272, %get3A_273] {strides = array<i32>} : memref<128x64xf32, #tpu.memory_space<vmem>>, vector<1x16xf32>,
        %get3A_275 = vector.shape_cast %get3A_274 : vector<1x16xf32> to vector<16xf32>
        %mul3A_276 = vector.broadcast %squeeze3A : f32 to vector<16xf32>
        %mul3A_277 = arith.mulf %get3A_275, %mul3A_276 : vector<16xf32>
        %swap3A = arith.index_cast %add3A_271 : i32 to index
        %swap3A_278 = arith.constant 0 : index
        %swap3A_279 = tpu.vector_load %arg14[%swap3A, %swap3A_278] {strides = array<i32>} : memref<128x64xf32, #tpu.memory_space<vmem>>, vector<1x16xf32>,
        %swap3A_280 = vector.shape_cast %swap3A_279 : vector<1x16xf32> to vector<16xf32>
        %swap3A_281 = vector.shape_cast %mul3A_277 : vector<16xf32> to vector<1x16xf32>
        tpu.vector_store %arg14[%swap3A, %swap3A_278], %swap3A_281 {strides = array<i32>} : memref<128x64xf32, #tpu.memory_space<vmem>>, vector<1x16xf32>,
        %get3A_282 = arith.index_cast %add3A_271 : i32 to index
        %get3A_283 = arith.constant 16 : index
        %get3A_284 = tpu.vector_load %arg14[%get3A_282, %get3A_283] {strides = array<i32>} : memref<128x64xf32, #tpu.memory_space<vmem>>, vector<1x16xf32>,
        %get3A_285 = vector.shape_cast %get3A_284 : vector<1x16xf32> to vector<16xf32>
        %mul3A_286 = vector.broadcast %squeeze3A : f32 to vector<16xf32>
        %mul3A_287 = arith.mulf %get3A_285, %mul3A_286 : vector<16xf32>
        %swap3A_288 = arith.index_cast %add3A_271 : i32 to index
        %swap3A_289 = arith.constant 16 : index
        %swap3A_290 = tpu.vector_load %arg14[%swap3A_288, %swap3A_289] {strides = array<i32>} : memref<128x64xf32, #tpu.memory_space<vmem>>, vector<1x16xf32>,
        %swap3A_291 = vector.shape_cast %swap3A_290 : vector<1x16xf32> to vector<16xf32>
        %swap3A_292 = vector.shape_cast %mul3A_287 : vector<16xf32> to vector<1x16xf32>
        tpu.vector_store %arg14[%swap3A_288, %swap3A_289], %swap3A_292 {strides = array<i32>} : memref<128x64xf32, #tpu.memory_space<vmem>>, vector<1x16xf32>,
        %get3A_293 = arith.index_cast %add3A_271 : i32 to index
        %get3A_294 = arith.constant 32 : index
        %get3A_295 = tpu.vector_load %arg14[%get3A_293, %get3A_294] {strides = array<i32>} : memref<128x64xf32, #tpu.memory_space<vmem>>, vector<1x16xf32>,
        %get3A_296 = vector.shape_cast %get3A_295 : vector<1x16xf32> to vector<16xf32>
        %mul3A_297 = vector.broadcast %squeeze3A : f32 to vector<16xf32>
        %mul3A_298 = arith.mulf %get3A_296, %mul3A_297 : vector<16xf32>
        %swap3A_299 = arith.index_cast %add3A_271 : i32 to index
        %swap3A_300 = arith.constant 32 : index
        %swap3A_301 = tpu.vector_load %arg14[%swap3A_299, %swap3A_300] {strides = array<i32>} : memref<128x64xf32, #tpu.memory_space<vmem>>, vector<1x16xf32>,
        %swap3A_302 = vector.shape_cast %swap3A_301 : vector<1x16xf32> to vector<16xf32>
        %swap3A_303 = vector.shape_cast %mul3A_298 : vector<16xf32> to vector<1x16xf32>
        tpu.vector_store %arg14[%swap3A_299, %swap3A_300], %swap3A_303 {strides = array<i32>} : memref<128x64xf32, #tpu.memory_space<vmem>>, vector<1x16xf32>,
        %get3A_304 = arith.index_cast %add3A_271 : i32 to index
        %get3A_305 = arith.constant 48 : index
        %get3A_306 = tpu.vector_load %arg14[%get3A_304, %get3A_305] {strides = array<i32>} : memref<128x64xf32, #tpu.memory_space<vmem>>, vector<1x16xf32>,
        %get3A_307 = vector.shape_cast %get3A_306 : vector<1x16xf32> to vector<16xf32>
        %mul3A_308 = vector.broadcast %squeeze3A : f32 to vector<16xf32>
        %mul3A_309 = arith.mulf %get3A_307, %mul3A_308 : vector<16xf32>
        %swap3A_310 = arith.index_cast %add3A_271 : i32 to index
        %swap3A_311 = arith.constant 48 : index
        %swap3A_312 = tpu.vector_load %arg14[%swap3A_310, %swap3A_311] {strides = array<i32>} : memref<128x64xf32, #tpu.memory_space<vmem>>, vector<1x16xf32>,
        %swap3A_313 = vector.shape_cast %swap3A_312 : vector<1x16xf32> to vector<16xf32>
        %swap3A_314 = vector.shape_cast %mul3A_309 : vector<16xf32> to vector<1x16xf32>
        tpu.vector_store %arg14[%swap3A_310, %swap3A_311], %swap3A_314 {strides = array<i32>} : memref<128x64xf32, #tpu.memory_space<vmem>>, vector<1x16xf32>,
        %mul3A_315 = arith.constant 16 : i32
        %mul3A_316 = arith.muli %scan3A_262, %mul3A_315 : i32
        %add3A_317 = arith.constant 1 : i32
        %add3A_318 = arith.addi %mul3A_316, %add3A_317 : i32
        %slice3A_319 = vector.extract_strided_slice %get3A_267 {offsets = [1], sizes = [1], strides = [1]} : vector<16xf32> to vector<1xf32>
        %squeeze3A_320 = vector.extract %slice3A_319[0] : f32 from vector<1xf32>
        %get3A_321 = arith.index_cast %add3A_318 : i32 to index
        %get3A_322 = arith.constant 0 : index
        %get3A_323 = tpu.vector_load %arg14[%get3A_321, %get3A_322] {strides = array<i32>} : memref<128x64xf32, #tpu.memory_space<vmem>>, vector<1x16xf32>,
        %get3A_324 = vector.shape_cast %get3A_323 : vector<1x16xf32> to vector<16xf32>
        %mul3A_325 = vector.broadcast %squeeze3A_320 : f32 to vector<16xf32>
        %mul3A_326 = arith.mulf %get3A_324, %mul3A_325 : vector<16xf32>
        %swap3A_327 = arith.index_cast %add3A_318 : i32 to index
        %swap3A_328 = arith.constant 0 : index
        %swap3A_329 = tpu.vector_load %arg14[%swap3A_327, %swap3A_328] {strides = array<i32>} : memref<128x64xf32, #tpu.memory_space<vmem>>, vector<1x16xf32>,
        %swap3A_330 = vector.shape_cast %swap3A_329 : vector<1x16xf32> to vector<16xf32>
        %swap3A_331 = vector.shape_cast %mul3A_326 : vector<16xf32> to vector<1x16xf32>
        tpu.vector_store %arg14[%swap3A_327, %swap3A_328], %swap3A_331 {strides = array<i32>} : memref<128x64xf32, #tpu.memory_space<vmem>>, vector<1x16xf32>,
        %get3A_332 = arith.index_cast %add3A_318 : i32 to index
        %get3A_333 = arith.constant 16 : index
        %get3A_334 = tpu.vector_load %arg14[%get3A_332, %get3A_333] {strides = array<i32>} : memref<128x64xf32, #tpu.memory_space<vmem>>, vector<1x16xf32>,
        %get3A_335 = vector.shape_cast %get3A_334 : vector<1x16xf32> to vector<16xf32>
        %mul3A_336 = vector.broadcast %squeeze3A_320 : f32 to vector<16xf32>
        %mul3A_337 = arith.mulf %get3A_335, %mul3A_336 : vector<16xf32>
        %swap3A_338 = arith.index_cast %add3A_318 : i32 to index
        %swap3A_339 = arith.constant 16 : index
        %swap3A_340 = tpu.vector_load %arg14[%swap3A_338, %swap3A_339] {strides = array<i32>} : memref<128x64xf32, #tpu.memory_space<vmem>>, vector<1x16xf32>,
        %swap3A_341 = vector.shape_cast %swap3A_340 : vector<1x16xf32> to vector<16xf32>
        %swap3A_342 = vector.shape_cast %mul3A_337 : vector<16xf32> to vector<1x16xf32>
        tpu.vector_store %arg14[%swap3A_338, %swap3A_339], %swap3A_342 {strides = array<i32>} : memref<128x64xf32, #tpu.memory_space<vmem>>, vector<1x16xf32>,
        %get3A_343 = arith.index_cast %add3A_318 : i32 to index
        %get3A_344 = arith.constant 32 : index
        %get3A_345 = tpu.vector_load %arg14[%get3A_343, %get3A_344] {strides = array<i32>} : memref<128x64xf32, #tpu.memory_space<vmem>>, vector<1x16xf32>,
        %get3A_346 = vector.shape_cast %get3A_345 : vector<1x16xf32> to vector<16xf32>
        %mul3A_347 = vector.broadcast %squeeze3A_320 : f32 to vector<16xf32>
        %mul3A_348 = arith.mulf %get3A_346, %mul3A_347 : vector<16xf32>
        %swap3A_349 = arith.index_cast %add3A_318 : i32 to index
        %swap3A_350 = arith.constant 32 : index
        %swap3A_351 = tpu.vector_load %arg14[%swap3A_349, %swap3A_350] {strides = array<i32>} : memref<128x64xf32, #tpu.memory_space<vmem>>, vector<1x16xf32>,
        %swap3A_352 = vector.shape_cast %swap3A_351 : vector<1x16xf32> to vector<16xf32>
        %swap3A_353 = vector.shape_cast %mul3A_348 : vector<16xf32> to vector<1x16xf32>
        tpu.vector_store %arg14[%swap3A_349, %swap3A_350], %swap3A_353 {strides = array<i32>} : memref<128x64xf32, #tpu.memory_space<vmem>>, vector<1x16xf32>,
        %get3A_354 = arith.index_cast %add3A_318 : i32 to index
        %get3A_355 = arith.constant 48 : index
        %get3A_356 = tpu.vector_load %arg14[%get3A_354, %get3A_355] {strides = array<i32>} : memref<128x64xf32, #tpu.memory_space<vmem>>, vector<1x16xf32>,
        %get3A_357 = vector.shape_cast %get3A_356 : vector<1x16xf32> to vector<16xf32>
        %mul3A_358 = vector.broadcast %squeeze3A_320 : f32 to vector<16xf32>
        %mul3A_359 = arith.mulf %get3A_357, %mul3A_358 : vector<16xf32>
        %swap3A_360 = arith.index_cast %add3A_318 : i32 to index
        %swap3A_361 = arith.constant 48 : index
        %swap3A_362 = tpu.vector_load %arg14[%swap3A_360, %swap3A_361] {strides = array<i32>} : memref<128x64xf32, #tpu.memory_space<vmem>>, vector<1x16xf32>,
        %swap3A_363 = vector.shape_cast %swap3A_362 : vector<1x16xf32> to vector<16xf32>
        %swap3A_364 = vector.shape_cast %mul3A_359 : vector<16xf32> to vector<1x16xf32>
        tpu.vector_store %arg14[%swap3A_360, %swap3A_361], %swap3A_364 {strides = array<i32>} : memref<128x64xf32, #tpu.memory_space<vmem>>, vector<1x16xf32>,
        %mul3A_365 = arith.constant 16 : i32
        %mul3A_366 = arith.muli %scan3A_262, %mul3A_365 : i32
        %add3A_367 = arith.constant 2 : i32
        %add3A_368 = arith.addi %mul3A_366, %add3A_367 : i32
        %slice3A_369 = vector.extract_strided_slice %get3A_267 {offsets = [2], sizes = [1], strides = [1]} : vector<16xf32> to vector<1xf32>
        %squeeze3A_370 = vector.extract %slice3A_369[0] : f32 from vector<1xf32>
        %get3A_371 = arith.index_cast %add3A_368 : i32 to index
        %get3A_372 = arith.constant 0 : index
        %get3A_373 = tpu.vector_load %arg14[%get3A_371, %get3A_372] {strides = array<i32>} : memref<128x64xf32, #tpu.memory_space<vmem>>, vector<1x16xf32>,
        %get3A_374 = vector.shape_cast %get3A_373 : vector<1x16xf32> to vector<16xf32>
        %mul3A_375 = vector.broadcast %squeeze3A_370 : f32 to vector<16xf32>
        %mul3A_376 = arith.mulf %get3A_374, %mul3A_375 : vector<16xf32>
        %swap3A_377 = arith.index_cast %add3A_368 : i32 to index
        %swap3A_378 = arith.constant 0 : index
        %swap3A_379 = tpu.vector_load %arg14[%swap3A_377, %swap3A_378] {strides = array<i32>} : memref<128x64xf32, #tpu.memory_space<vmem>>, vector<1x16xf32>,
        %swap3A_380 = vector.shape_cast %swap3A_379 : vector<1x16xf32> to vector<16xf32>
        %swap3A_381 = vector.shape_cast %mul3A_376 : vector<16xf32> to vector<1x16xf32>
        tpu.vector_store %arg14[%swap3A_377, %swap3A_378], %swap3A_381 {strides = array<i32>} : memref<128x64xf32, #tpu.memory_space<vmem>>, vector<1x16xf32>,
        %get3A_382 = arith.index_cast %add3A_368 : i32 to index
        %get3A_383 = arith.constant 16 : index
        %get3A_384 = tpu.vector_load %arg14[%get3A_382, %get3A_383] {strides = array<i32>} : memref<128x64xf32, #tpu.memory_space<vmem>>, vector<1x16xf32>,
        %get3A_385 = vector.shape_cast %get3A_384 : vector<1x16xf32> to vector<16xf32>
        %mul3A_386 = vector.broadcast %squeeze3A_370 : f32 to vector<16xf32>
        %mul3A_387 = arith.mulf %get3A_385, %mul3A_386 : vector<16xf32>
        %swap3A_388 = arith.index_cast %add3A_368 : i32 to index
        %swap3A_389 = arith.constant 16 : index
        %swap3A_390 = tpu.vector_load %arg14[%swap3A_388, %swap3A_389] {strides = array<i32>} : memref<128x64xf32, #tpu.memory_space<vmem>>, vector<1x16xf32>,
        %swap3A_391 = vector.shape_cast %swap3A_390 : vector<1x16xf32> to vector<16xf32>
        %swap3A_392 = vector.shape_cast %mul3A_387 : vector<16xf32> to vector<1x16xf32>
        tpu.vector_store %arg14[%swap3A_388, %swap3A_389], %swap3A_392 {strides = array<i32>} : memref<128x64xf32, #tpu.memory_space<vmem>>, vector<1x16xf32>,
        %get3A_393 = arith.index_cast %add3A_368 : i32 to index
        %get3A_394 = arith.constant 32 : index
        %get3A_395 = tpu.vector_load %arg14[%get3A_393, %get3A_394] {strides = array<i32>} : memref<128x64xf32, #tpu.memory_space<vmem>>, vector<1x16xf32>,
        %get3A_396 = vector.shape_cast %get3A_395 : vector<1x16xf32> to vector<16xf32>
        %mul3A_397 = vector.broadcast %squeeze3A_370 : f32 to vector<16xf32>
        %mul3A_398 = arith.mulf %get3A_396, %mul3A_397 : vector<16xf32>
        %swap3A_399 = arith.index_cast %add3A_368 : i32 to index
        %swap3A_400 = arith.constant 32 : index
        %swap3A_401 = tpu.vector_load %arg14[%swap3A_399, %swap3A_400] {strides = array<i32>} : memref<128x64xf32, #tpu.memory_space<vmem>>, vector<1x16xf32>,
        %swap3A_402 = vector.shape_cast %swap3A_401 : vector<1x16xf32> to vector<16xf32>
        %swap3A_403 = vector.shape_cast %mul3A_398 : vector<16xf32> to vector<1x16xf32>
        tpu.vector_store %arg14[%swap3A_399, %swap3A_400], %swap3A_403 {strides = array<i32>} : memref<128x64xf32, #tpu.memory_space<vmem>>, vector<1x16xf32>,
        %get3A_404 = arith.index_cast %add3A_368 : i32 to index
        %get3A_405 = arith.constant 48 : index
        %get3A_406 = tpu.vector_load %arg14[%get3A_404, %get3A_405] {strides = array<i32>} : memref<128x64xf32, #tpu.memory_space<vmem>>, vector<1x16xf32>,
        %get3A_407 = vector.shape_cast %get3A_406 : vector<1x16xf32> to vector<16xf32>
        %mul3A_408 = vector.broadcast %squeeze3A_370 : f32 to vector<16xf32>
        %mul3A_409 = arith.mulf %get3A_407, %mul3A_408 : vector<16xf32>
        %swap3A_410 = arith.index_cast %add3A_368 : i32 to index
        %swap3A_411 = arith.constant 48 : index
        %swap3A_412 = tpu.vector_load %arg14[%swap3A_410, %swap3A_411] {strides = array<i32>} : memref<128x64xf32, #tpu.memory_space<vmem>>, vector<1x16xf32>,
        %swap3A_413 = vector.shape_cast %swap3A_412 : vector<1x16xf32> to vector<16xf32>
        %swap3A_414 = vector.shape_cast %mul3A_409 : vector<16xf32> to vector<1x16xf32>
        tpu.vector_store %arg14[%swap3A_410, %swap3A_411], %swap3A_414 {strides = array<i32>} : memref<128x64xf32, #tpu.memory_space<vmem>>, vector<1x16xf32>,
        %mul3A_415 = arith.constant 16 : i32
        %mul3A_416 = arith.muli %scan3A_262, %mul3A_415 : i32
        %add3A_417 = arith.constant 3 : i32
        %add3A_418 = arith.addi %mul3A_416, %add3A_417 : i32
        %slice3A_419 = vector.extract_strided_slice %get3A_267 {offsets = [3], sizes = [1], strides = [1]} : vector<16xf32> to vector<1xf32>
        %squeeze3A_420 = vector.extract %slice3A_419[0] : f32 from vector<1xf32>
        %get3A_421 = arith.index_cast %add3A_418 : i32 to index
        %get3A_422 = arith.constant 0 : index
        %get3A_423 = tpu.vector_load %arg14[%get3A_421, %get3A_422] {strides = array<i32>} : memref<128x64xf32, #tpu.memory_space<vmem>>, vector<1x16xf32>,
        %get3A_424 = vector.shape_cast %get3A_423 : vector<1x16xf32> to vector<16xf32>
        %mul3A_425 = vector.broadcast %squeeze3A_420 : f32 to vector<16xf32>
        %mul3A_426 = arith.mulf %get3A_424, %mul3A_425 : vector<16xf32>
        %swap3A_427 = arith.index_cast %add3A_418 : i32 to index
        %swap3A_428 = arith.constant 0 : index
        %swap3A_429 = tpu.vector_load %arg14[%swap3A_427, %swap3A_428] {strides = array<i32>} : memref<128x64xf32, #tpu.memory_space<vmem>>, vector<1x16xf32>,
        %swap3A_430 = vector.shape_cast %swap3A_429 : vector<1x16xf32> to vector<16xf32>
        %swap3A_431 = vector.shape_cast %mul3A_426 : vector<16xf32> to vector<1x16xf32>
        tpu.vector_store %arg14[%swap3A_427, %swap3A_428], %swap3A_431 {strides = array<i32>} : memref<128x64xf32, #tpu.memory_space<vmem>>, vector<1x16xf32>,
        %get3A_432 = arith.index_cast %add3A_418 : i32 to index
        %get3A_433 = arith.constant 16 : index
        %get3A_434 = tpu.vector_load %arg14[%get3A_432, %get3A_433] {strides = array<i32>} : memref<128x64xf32, #tpu.memory_space<vmem>>, vector<1x16xf32>,
        %get3A_435 = vector.shape_cast %get3A_434 : vector<1x16xf32> to vector<16xf32>
        %mul3A_436 = vector.broadcast %squeeze3A_420 : f32 to vector<16xf32>
        %mul3A_437 = arith.mulf %get3A_435, %mul3A_436 : vector<16xf32>
        %swap3A_438 = arith.index_cast %add3A_418 : i32 to index
        %swap3A_439 = arith.constant 16 : index
        %swap3A_440 = tpu.vector_load %arg14[%swap3A_438, %swap3A_439] {strides = array<i32>} : memref<128x64xf32, #tpu.memory_space<vmem>>, vector<1x16xf32>,
        %swap3A_441 = vector.shape_cast %swap3A_440 : vector<1x16xf32> to vector<16xf32>
        %swap3A_442 = vector.shape_cast %mul3A_437 : vector<16xf32> to vector<1x16xf32>
        tpu.vector_store %arg14[%swap3A_438, %swap3A_439], %swap3A_442 {strides = array<i32>} : memref<128x64xf32, #tpu.memory_space<vmem>>, vector<1x16xf32>,
        %get3A_443 = arith.index_cast %add3A_418 : i32 to index
        %get3A_444 = arith.constant 32 : index
        %get3A_445 = tpu.vector_load %arg14[%get3A_443, %get3A_444] {strides = array<i32>} : memref<128x64xf32, #tpu.memory_space<vmem>>, vector<1x16xf32>,
        %get3A_446 = vector.shape_cast %get3A_445 : vector<1x16xf32> to vector<16xf32>
        %mul3A_447 = vector.broadcast %squeeze3A_420 : f32 to vector<16xf32>
        %mul3A_448 = arith.mulf %get3A_446, %mul3A_447 : vector<16xf32>
        %swap3A_449 = arith.index_cast %add3A_418 : i32 to index
        %swap3A_450 = arith.constant 32 : index
        %swap3A_451 = tpu.vector_load %arg14[%swap3A_449, %swap3A_450] {strides = array<i32>} : memref<128x64xf32, #tpu.memory_space<vmem>>, vector<1x16xf32>,
        %swap3A_452 = vector.shape_cast %swap3A_451 : vector<1x16xf32> to vector<16xf32>
        %swap3A_453 = vector.shape_cast %mul3A_448 : vector<16xf32> to vector<1x16xf32>
        tpu.vector_store %arg14[%swap3A_449, %swap3A_450], %swap3A_453 {strides = array<i32>} : memref<128x64xf32, #tpu.memory_space<vmem>>, vector<1x16xf32>,
        %get3A_454 = arith.index_cast %add3A_418 : i32 to index
        %get3A_455 = arith.constant 48 : index
        %get3A_456 = tpu.vector_load %arg14[%get3A_454, %get3A_455] {strides = array<i32>} : memref<128x64xf32, #tpu.memory_space<vmem>>, vector<1x16xf32>,
        %get3A_457 = vector.shape_cast %get3A_456 : vector<1x16xf32> to vector<16xf32>
        %mul3A_458 = vector.broadcast %squeeze3A_420 : f32 to vector<16xf32>
        %mul3A_459 = arith.mulf %get3A_457, %mul3A_458 : vector<16xf32>
        %swap3A_460 = arith.index_cast %add3A_418 : i32 to index
        %swap3A_461 = arith.constant 48 : index
        %swap3A_462 = tpu.vector_load %arg14[%swap3A_460, %swap3A_461] {strides = array<i32>} : memref<128x64xf32, #tpu.memory_space<vmem>>, vector<1x16xf32>,
        %swap3A_463 = vector.shape_cast %swap3A_462 : vector<1x16xf32> to vector<16xf32>
        %swap3A_464 = vector.shape_cast %mul3A_459 : vector<16xf32> to vector<1x16xf32>
        tpu.vector_store %arg14[%swap3A_460, %swap3A_461], %swap3A_464 {strides = array<i32>} : memref<128x64xf32, #tpu.memory_space<vmem>>, vector<1x16xf32>,
        %mul3A_465 = arith.constant 16 : i32
        %mul3A_466 = arith.muli %scan3A_262, %mul3A_465 : i32
        %add3A_467 = arith.constant 4 : i32
        %add3A_468 = arith.addi %mul3A_466, %add3A_467 : i32
        %slice3A_469 = vector.extract_strided_slice %get3A_267 {offsets = [4], sizes = [1], strides = [1]} : vector<16xf32> to vector<1xf32>
        %squeeze3A_470 = vector.extract %slice3A_469[0] : f32 from vector<1xf32>
        %get3A_471 = arith.index_cast %add3A_468 : i32 to index
        %get3A_472 = arith.constant 0 : index
        %get3A_473 = tpu.vector_load %arg14[%get3A_471, %get3A_472] {strides = array<i32>} : memref<128x64xf32, #tpu.memory_space<vmem>>, vector<1x16xf32>,
        %get3A_474 = vector.shape_cast %get3A_473 : vector<1x16xf32> to vector<16xf32>
        %mul3A_475 = vector.broadcast %squeeze3A_470 : f32 to vector<16xf32>
        %mul3A_476 = arith.mulf %get3A_474, %mul3A_475 : vector<16xf32>
        %swap3A_477 = arith.index_cast %add3A_468 : i32 to index
        %swap3A_478 = arith.constant 0 : index
        %swap3A_479 = tpu.vector_load %arg14[%swap3A_477, %swap3A_478] {strides = array<i32>} : memref<128x64xf32, #tpu.memory_space<vmem>>, vector<1x16xf32>,
        %swap3A_480 = vector.shape_cast %swap3A_479 : vector<1x16xf32> to vector<16xf32>
        %swap3A_481 = vector.shape_cast %mul3A_476 : vector<16xf32> to vector<1x16xf32>
        tpu.vector_store %arg14[%swap3A_477, %swap3A_478], %swap3A_481 {strides = array<i32>} : memref<128x64xf32, #tpu.memory_space<vmem>>, vector<1x16xf32>,
        %get3A_482 = arith.index_cast %add3A_468 : i32 to index
        %get3A_483 = arith.constant 16 : index
        %get3A_484 = tpu.vector_load %arg14[%get3A_482, %get3A_483] {strides = array<i32>} : memref<128x64xf32, #tpu.memory_space<vmem>>, vector<1x16xf32>,
        %get3A_485 = vector.shape_cast %get3A_484 : vector<1x16xf32> to vector<16xf32>
        %mul3A_486 = vector.broadcast %squeeze3A_470 : f32 to vector<16xf32>
        %mul3A_487 = arith.mulf %get3A_485, %mul3A_486 : vector<16xf32>
        %swap3A_488 = arith.index_cast %add3A_468 : i32 to index
        %swap3A_489 = arith.constant 16 : index
        %swap3A_490 = tpu.vector_load %arg14[%swap3A_488, %swap3A_489] {strides = array<i32>} : memref<128x64xf32, #tpu.memory_space<vmem>>, vector<1x16xf32>,
        %swap3A_491 = vector.shape_cast %swap3A_490 : vector<1x16xf32> to vector<16xf32>
        %swap3A_492 = vector.shape_cast %mul3A_487 : vector<16xf32> to vector<1x16xf32>
        tpu.vector_store %arg14[%swap3A_488, %swap3A_489], %swap3A_492 {strides = array<i32>} : memref<128x64xf32, #tpu.memory_space<vmem>>, vector<1x16xf32>,
        %get3A_493 = arith.index_cast %add3A_468 : i32 to index
        %get3A_494 = arith.constant 32 : index
        %get3A_495 = tpu.vector_load %arg14[%get3A_493, %get3A_494] {strides = array<i32>} : memref<128x64xf32, #tpu.memory_space<vmem>>, vector<1x16xf32>,
        %get3A_496 = vector.shape_cast %get3A_495 : vector<1x16xf32> to vector<16xf32>
        %mul3A_497 = vector.broadcast %squeeze3A_470 : f32 to vector<16xf32>
        %mul3A_498 = arith.mulf %get3A_496, %mul3A_497 : vector<16xf32>
        %swap3A_499 = arith.index_cast %add3A_468 : i32 to index
        %swap3A_500 = arith.constant 32 : index
        %swap3A_501 = tpu.vector_load %arg14[%swap3A_499, %swap3A_500] {strides = array<i32>} : memref<128x64xf32, #tpu.memory_space<vmem>>, vector<1x16xf32>,
        %swap3A_502 = vector.shape_cast %swap3A_501 : vector<1x16xf32> to vector<16xf32>
        %swap3A_503 = vector.shape_cast %mul3A_498 : vector<16xf32> to vector<1x16xf32>
        tpu.vector_store %arg14[%swap3A_499, %swap3A_500], %swap3A_503 {strides = array<i32>} : memref<128x64xf32, #tpu.memory_space<vmem>>, vector<1x16xf32>,
        %get3A_504 = arith.index_cast %add3A_468 : i32 to index
        %get3A_505 = arith.constant 48 : index
        %get3A_506 = tpu.vector_load %arg14[%get3A_504, %get3A_505] {strides = array<i32>} : memref<128x64xf32, #tpu.memory_space<vmem>>, vector<1x16xf32>,
        %get3A_507 = vector.shape_cast %get3A_506 : vector<1x16xf32> to vector<16xf32>
        %mul3A_508 = vector.broadcast %squeeze3A_470 : f32 to vector<16xf32>
        %mul3A_509 = arith.mulf %get3A_507, %mul3A_508 : vector<16xf32>
        %swap3A_510 = arith.index_cast %add3A_468 : i32 to index
        %swap3A_511 = arith.constant 48 : index
        %swap3A_512 = tpu.vector_load %arg14[%swap3A_510, %swap3A_511] {strides = array<i32>} : memref<128x64xf32, #tpu.memory_space<vmem>>, vector<1x16xf32>,
        %swap3A_513 = vector.shape_cast %swap3A_512 : vector<1x16xf32> to vector<16xf32>
        %swap3A_514 = vector.shape_cast %mul3A_509 : vector<16xf32> to vector<1x16xf32>
        tpu.vector_store %arg14[%swap3A_510, %swap3A_511], %swap3A_514 {strides = array<i32>} : memref<128x64xf32, #tpu.memory_space<vmem>>, vector<1x16xf32>,
        %mul3A_515 = arith.constant 16 : i32
        %mul3A_516 = arith.muli %scan3A_262, %mul3A_515 : i32
        %add3A_517 = arith.constant 5 : i32
        %add3A_518 = arith.addi %mul3A_516, %add3A_517 : i32
        %slice3A_519 = vector.extract_strided_slice %get3A_267 {offsets = [5], sizes = [1], strides = [1]} : vector<16xf32> to vector<1xf32>
        %squeeze3A_520 = vector.extract %slice3A_519[0] : f32 from vector<1xf32>
        %get3A_521 = arith.index_cast %add3A_518 : i32 to index
        %get3A_522 = arith.constant 0 : index
        %get3A_523 = tpu.vector_load %arg14[%get3A_521, %get3A_522] {strides = array<i32>} : memref<128x64xf32, #tpu.memory_space<vmem>>, vector<1x16xf32>,
        %get3A_524 = vector.shape_cast %get3A_523 : vector<1x16xf32> to vector<16xf32>
        %mul3A_525 = vector.broadcast %squeeze3A_520 : f32 to vector<16xf32>
        %mul3A_526 = arith.mulf %get3A_524, %mul3A_525 : vector<16xf32>
        %swap3A_527 = arith.index_cast %add3A_518 : i32 to index
        %swap3A_528 = arith.constant 0 : index
        %swap3A_529 = tpu.vector_load %arg14[%swap3A_527, %swap3A_528] {strides = array<i32>} : memref<128x64xf32, #tpu.memory_space<vmem>>, vector<1x16xf32>,
        %swap3A_530 = vector.shape_cast %swap3A_529 : vector<1x16xf32> to vector<16xf32>
        %swap3A_531 = vector.shape_cast %mul3A_526 : vector<16xf32> to vector<1x16xf32>
        tpu.vector_store %arg14[%swap3A_527, %swap3A_528], %swap3A_531 {strides = array<i32>} : memref<128x64xf32, #tpu.memory_space<vmem>>, vector<1x16xf32>,
        %get3A_532 = arith.index_cast %add3A_518 : i32 to index
        %get3A_533 = arith.constant 16 : index
        %get3A_534 = tpu.vector_load %arg14[%get3A_532, %get3A_533] {strides = array<i32>} : memref<128x64xf32, #tpu.memory_space<vmem>>, vector<1x16xf32>,
        %get3A_535 = vector.shape_cast %get3A_534 : vector<1x16xf32> to vector<16xf32>
        %mul3A_536 = vector.broadcast %squeeze3A_520 : f32 to vector<16xf32>
        %mul3A_537 = arith.mulf %get3A_535, %mul3A_536 : vector<16xf32>
        %swap3A_538 = arith.index_cast %add3A_518 : i32 to index
        %swap3A_539 = arith.constant 16 : index
        %swap3A_540 = tpu.vector_load %arg14[%swap3A_538, %swap3A_539] {strides = array<i32>} : memref<128x64xf32, #tpu.memory_space<vmem>>, vector<1x16xf32>,
        %swap3A_541 = vector.shape_cast %swap3A_540 : vector<1x16xf32> to vector<16xf32>
        %swap3A_542 = vector.shape_cast %mul3A_537 : vector<16xf32> to vector<1x16xf32>
        tpu.vector_store %arg14[%swap3A_538, %swap3A_539], %swap3A_542 {strides = array<i32>} : memref<128x64xf32, #tpu.memory_space<vmem>>, vector<1x16xf32>,
        %get3A_543 = arith.index_cast %add3A_518 : i32 to index
        %get3A_544 = arith.constant 32 : index
        %get3A_545 = tpu.vector_load %arg14[%get3A_543, %get3A_544] {strides = array<i32>} : memref<128x64xf32, #tpu.memory_space<vmem>>, vector<1x16xf32>,
        %get3A_546 = vector.shape_cast %get3A_545 : vector<1x16xf32> to vector<16xf32>
        %mul3A_547 = vector.broadcast %squeeze3A_520 : f32 to vector<16xf32>
        %mul3A_548 = arith.mulf %get3A_546, %mul3A_547 : vector<16xf32>
        %swap3A_549 = arith.index_cast %add3A_518 : i32 to index
        %swap3A_550 = arith.constant 32 : index
        %swap3A_551 = tpu.vector_load %arg14[%swap3A_549, %swap3A_550] {strides = array<i32>} : memref<128x64xf32, #tpu.memory_space<vmem>>, vector<1x16xf32>,
        %swap3A_552 = vector.shape_cast %swap3A_551 : vector<1x16xf32> to vector<16xf32>
        %swap3A_553 = vector.shape_cast %mul3A_548 : vector<16xf32> to vector<1x16xf32>
        tpu.vector_store %arg14[%swap3A_549, %swap3A_550], %swap3A_553 {strides = array<i32>} : memref<128x64xf32, #tpu.memory_space<vmem>>, vector<1x16xf32>,
        %get3A_554 = arith.index_cast %add3A_518 : i32 to index
        %get3A_555 = arith.constant 48 : index
        %get3A_556 = tpu.vector_load %arg14[%get3A_554, %get3A_555] {strides = array<i32>} : memref<128x64xf32, #tpu.memory_space<vmem>>, vector<1x16xf32>,
        %get3A_557 = vector.shape_cast %get3A_556 : vector<1x16xf32> to vector<16xf32>
        %mul3A_558 = vector.broadcast %squeeze3A_520 : f32 to vector<16xf32>
        %mul3A_559 = arith.mulf %get3A_557, %mul3A_558 : vector<16xf32>
        %swap3A_560 = arith.index_cast %add3A_518 : i32 to index
        %swap3A_561 = arith.constant 48 : index
        %swap3A_562 = tpu.vector_load %arg14[%swap3A_560, %swap3A_561] {strides = array<i32>} : memref<128x64xf32, #tpu.memory_space<vmem>>, vector<1x16xf32>,
        %swap3A_563 = vector.shape_cast %swap3A_562 : vector<1x16xf32> to vector<16xf32>
        %swap3A_564 = vector.shape_cast %mul3A_559 : vector<16xf32> to vector<1x16xf32>
        tpu.vector_store %arg14[%swap3A_560, %swap3A_561], %swap3A_564 {strides = array<i32>} : memref<128x64xf32, #tpu.memory_space<vmem>>, vector<1x16xf32>,
        %mul3A_565 = arith.constant 16 : i32
        %mul3A_566 = arith.muli %scan3A_262, %mul3A_565 : i32
        %add3A_567 = arith.constant 6 : i32
        %add3A_568 = arith.addi %mul3A_566, %add3A_567 : i32
        %slice3A_569 = vector.extract_strided_slice %get3A_267 {offsets = [6], sizes = [1], strides = [1]} : vector<16xf32> to vector<1xf32>
        %squeeze3A_570 = vector.extract %slice3A_569[0] : f32 from vector<1xf32>
        %get3A_571 = arith.index_cast %add3A_568 : i32 to index
        %get3A_572 = arith.constant 0 : index
        %get3A_573 = tpu.vector_load %arg14[%get3A_571, %get3A_572] {strides = array<i32>} : memref<128x64xf32, #tpu.memory_space<vmem>>, vector<1x16xf32>,
        %get3A_574 = vector.shape_cast %get3A_573 : vector<1x16xf32> to vector<16xf32>
        %mul3A_575 = vector.broadcast %squeeze3A_570 : f32 to vector<16xf32>
        %mul3A_576 = arith.mulf %get3A_574, %mul3A_575 : vector<16xf32>
        %swap3A_577 = arith.index_cast %add3A_568 : i32 to index
        %swap3A_578 = arith.constant 0 : index
        %swap3A_579 = tpu.vector_load %arg14[%swap3A_577, %swap3A_578] {strides = array<i32>} : memref<128x64xf32, #tpu.memory_space<vmem>>, vector<1x16xf32>,
        %swap3A_580 = vector.shape_cast %swap3A_579 : vector<1x16xf32> to vector<16xf32>
        %swap3A_581 = vector.shape_cast %mul3A_576 : vector<16xf32> to vector<1x16xf32>
        tpu.vector_store %arg14[%swap3A_577, %swap3A_578], %swap3A_581 {strides = array<i32>} : memref<128x64xf32, #tpu.memory_space<vmem>>, vector<1x16xf32>,
        %get3A_582 = arith.index_cast %add3A_568 : i32 to index
        %get3A_583 = arith.constant 16 : index
        %get3A_584 = tpu.vector_load %arg14[%get3A_582, %get3A_583] {strides = array<i32>} : memref<128x64xf32, #tpu.memory_space<vmem>>, vector<1x16xf32>,
        %get3A_585 = vector.shape_cast %get3A_584 : vector<1x16xf32> to vector<16xf32>
        %mul3A_586 = vector.broadcast %squeeze3A_570 : f32 to vector<16xf32>
        %mul3A_587 = arith.mulf %get3A_585, %mul3A_586 : vector<16xf32>
        %swap3A_588 = arith.index_cast %add3A_568 : i32 to index
        %swap3A_589 = arith.constant 16 : index
        %swap3A_590 = tpu.vector_load %arg14[%swap3A_588, %swap3A_589] {strides = array<i32>} : memref<128x64xf32, #tpu.memory_space<vmem>>, vector<1x16xf32>,
        %swap3A_591 = vector.shape_cast %swap3A_590 : vector<1x16xf32> to vector<16xf32>
        %swap3A_592 = vector.shape_cast %mul3A_587 : vector<16xf32> to vector<1x16xf32>
        tpu.vector_store %arg14[%swap3A_588, %swap3A_589], %swap3A_592 {strides = array<i32>} : memref<128x64xf32, #tpu.memory_space<vmem>>, vector<1x16xf32>,
        %get3A_593 = arith.index_cast %add3A_568 : i32 to index
        %get3A_594 = arith.constant 32 : index
        %get3A_595 = tpu.vector_load %arg14[%get3A_593, %get3A_594] {strides = array<i32>} : memref<128x64xf32, #tpu.memory_space<vmem>>, vector<1x16xf32>,
        %get3A_596 = vector.shape_cast %get3A_595 : vector<1x16xf32> to vector<16xf32>
        %mul3A_597 = vector.broadcast %squeeze3A_570 : f32 to vector<16xf32>
        %mul3A_598 = arith.mulf %get3A_596, %mul3A_597 : vector<16xf32>
        %swap3A_599 = arith.index_cast %add3A_568 : i32 to index
        %swap3A_600 = arith.constant 32 : index
        %swap3A_601 = tpu.vector_load %arg14[%swap3A_599, %swap3A_600] {strides = array<i32>} : memref<128x64xf32, #tpu.memory_space<vmem>>, vector<1x16xf32>,
        %swap3A_602 = vector.shape_cast %swap3A_601 : vector<1x16xf32> to vector<16xf32>
        %swap3A_603 = vector.shape_cast %mul3A_598 : vector<16xf32> to vector<1x16xf32>
        tpu.vector_store %arg14[%swap3A_599, %swap3A_600], %swap3A_603 {strides = array<i32>} : memref<128x64xf32, #tpu.memory_space<vmem>>, vector<1x16xf32>,
        %get3A_604 = arith.index_cast %add3A_568 : i32 to index
        %get3A_605 = arith.constant 48 : index
        %get3A_606 = tpu.vector_load %arg14[%get3A_604, %get3A_605] {strides = array<i32>} : memref<128x64xf32, #tpu.memory_space<vmem>>, vector<1x16xf32>,
        %get3A_607 = vector.shape_cast %get3A_606 : vector<1x16xf32> to vector<16xf32>
        %mul3A_608 = vector.broadcast %squeeze3A_570 : f32 to vector<16xf32>
        %mul3A_609 = arith.mulf %get3A_607, %mul3A_608 : vector<16xf32>
        %swap3A_610 = arith.index_cast %add3A_568 : i32 to index
        %swap3A_611 = arith.constant 48 : index
        %swap3A_612 = tpu.vector_load %arg14[%swap3A_610, %swap3A_611] {strides = array<i32>} : memref<128x64xf32, #tpu.memory_space<vmem>>, vector<1x16xf32>,
        %swap3A_613 = vector.shape_cast %swap3A_612 : vector<1x16xf32> to vector<16xf32>
        %swap3A_614 = vector.shape_cast %mul3A_609 : vector<16xf32> to vector<1x16xf32>
        tpu.vector_store %arg14[%swap3A_610, %swap3A_611], %swap3A_614 {strides = array<i32>} : memref<128x64xf32, #tpu.memory_space<vmem>>, vector<1x16xf32>,
        %mul3A_615 = arith.constant 16 : i32
        %mul3A_616 = arith.muli %scan3A_262, %mul3A_615 : i32
        %add3A_617 = arith.constant 7 : i32
        %add3A_618 = arith.addi %mul3A_616, %add3A_617 : i32
        %slice3A_619 = vector.extract_strided_slice %get3A_267 {offsets = [7], sizes = [1], strides = [1]} : vector<16xf32> to vector<1xf32>
        %squeeze3A_620 = vector.extract %slice3A_619[0] : f32 from vector<1xf32>
        %get3A_621 = arith.index_cast %add3A_618 : i32 to index
        %get3A_622 = arith.constant 0 : index
        %get3A_623 = tpu.vector_load %arg14[%get3A_621, %get3A_622] {strides = array<i32>} : memref<128x64xf32, #tpu.memory_space<vmem>>, vector<1x16xf32>,
        %get3A_624 = vector.shape_cast %get3A_623 : vector<1x16xf32> to vector<16xf32>
        %mul3A_625 = vector.broadcast %squeeze3A_620 : f32 to vector<16xf32>
        %mul3A_626 = arith.mulf %get3A_624, %mul3A_625 : vector<16xf32>
        %swap3A_627 = arith.index_cast %add3A_618 : i32 to index
        %swap3A_628 = arith.constant 0 : index
        %swap3A_629 = tpu.vector_load %arg14[%swap3A_627, %swap3A_628] {strides = array<i32>} : memref<128x64xf32, #tpu.memory_space<vmem>>, vector<1x16xf32>,
        %swap3A_630 = vector.shape_cast %swap3A_629 : vector<1x16xf32> to vector<16xf32>
        %swap3A_631 = vector.shape_cast %mul3A_626 : vector<16xf32> to vector<1x16xf32>
        tpu.vector_store %arg14[%swap3A_627, %swap3A_628], %swap3A_631 {strides = array<i32>} : memref<128x64xf32, #tpu.memory_space<vmem>>, vector<1x16xf32>,
        %get3A_632 = arith.index_cast %add3A_618 : i32 to index
        %get3A_633 = arith.constant 16 : index
        %get3A_634 = tpu.vector_load %arg14[%get3A_632, %get3A_633] {strides = array<i32>} : memref<128x64xf32, #tpu.memory_space<vmem>>, vector<1x16xf32>,
        %get3A_635 = vector.shape_cast %get3A_634 : vector<1x16xf32> to vector<16xf32>
        %mul3A_636 = vector.broadcast %squeeze3A_620 : f32 to vector<16xf32>
        %mul3A_637 = arith.mulf %get3A_635, %mul3A_636 : vector<16xf32>
        %swap3A_638 = arith.index_cast %add3A_618 : i32 to index
        %swap3A_639 = arith.constant 16 : index
        %swap3A_640 = tpu.vector_load %arg14[%swap3A_638, %swap3A_639] {strides = array<i32>} : memref<128x64xf32, #tpu.memory_space<vmem>>, vector<1x16xf32>,
        %swap3A_641 = vector.shape_cast %swap3A_640 : vector<1x16xf32> to vector<16xf32>
        %swap3A_642 = vector.shape_cast %mul3A_637 : vector<16xf32> to vector<1x16xf32>
        tpu.vector_store %arg14[%swap3A_638, %swap3A_639], %swap3A_642 {strides = array<i32>} : memref<128x64xf32, #tpu.memory_space<vmem>>, vector<1x16xf32>,
        %get3A_643 = arith.index_cast %add3A_618 : i32 to index
        %get3A_644 = arith.constant 32 : index
        %get3A_645 = tpu.vector_load %arg14[%get3A_643, %get3A_644] {strides = array<i32>} : memref<128x64xf32, #tpu.memory_space<vmem>>, vector<1x16xf32>,
        %get3A_646 = vector.shape_cast %get3A_645 : vector<1x16xf32> to vector<16xf32>
        %mul3A_647 = vector.broadcast %squeeze3A_620 : f32 to vector<16xf32>
        %mul3A_648 = arith.mulf %get3A_646, %mul3A_647 : vector<16xf32>
        %swap3A_649 = arith.index_cast %add3A_618 : i32 to index
        %swap3A_650 = arith.constant 32 : index
        %swap3A_651 = tpu.vector_load %arg14[%swap3A_649, %swap3A_650] {strides = array<i32>} : memref<128x64xf32, #tpu.memory_space<vmem>>, vector<1x16xf32>,
        %swap3A_652 = vector.shape_cast %swap3A_651 : vector<1x16xf32> to vector<16xf32>
        %swap3A_653 = vector.shape_cast %mul3A_648 : vector<16xf32> to vector<1x16xf32>
        tpu.vector_store %arg14[%swap3A_649, %swap3A_650], %swap3A_653 {strides = array<i32>} : memref<128x64xf32, #tpu.memory_space<vmem>>, vector<1x16xf32>,
        %get3A_654 = arith.index_cast %add3A_618 : i32 to index
        %get3A_655 = arith.constant 48 : index
        %get3A_656 = tpu.vector_load %arg14[%get3A_654, %get3A_655] {strides = array<i32>} : memref<128x64xf32, #tpu.memory_space<vmem>>, vector<1x16xf32>,
        %get3A_657 = vector.shape_cast %get3A_656 : vector<1x16xf32> to vector<16xf32>
        %mul3A_658 = vector.broadcast %squeeze3A_620 : f32 to vector<16xf32>
        %mul3A_659 = arith.mulf %get3A_657, %mul3A_658 : vector<16xf32>
        %swap3A_660 = arith.index_cast %add3A_618 : i32 to index
        %swap3A_661 = arith.constant 48 : index
        %swap3A_662 = tpu.vector_load %arg14[%swap3A_660, %swap3A_661] {strides = array<i32>} : memref<128x64xf32, #tpu.memory_space<vmem>>, vector<1x16xf32>,
        %swap3A_663 = vector.shape_cast %swap3A_662 : vector<1x16xf32> to vector<16xf32>
        %swap3A_664 = vector.shape_cast %mul3A_659 : vector<16xf32> to vector<1x16xf32>
        tpu.vector_store %arg14[%swap3A_660, %swap3A_661], %swap3A_664 {strides = array<i32>} : memref<128x64xf32, #tpu.memory_space<vmem>>, vector<1x16xf32>,
        %mul3A_665 = arith.constant 16 : i32
        %mul3A_666 = arith.muli %scan3A_262, %mul3A_665 : i32
        %add3A_667 = arith.constant 8 : i32
        %add3A_668 = arith.addi %mul3A_666, %add3A_667 : i32
        %slice3A_669 = vector.extract_strided_slice %get3A_267 {offsets = [8], sizes = [1], strides = [1]} : vector<16xf32> to vector<1xf32>
        %squeeze3A_670 = vector.extract %slice3A_669[0] : f32 from vector<1xf32>
        %get3A_671 = arith.index_cast %add3A_668 : i32 to index
        %get3A_672 = arith.constant 0 : index
        %get3A_673 = tpu.vector_load %arg14[%get3A_671, %get3A_672] {strides = array<i32>} : memref<128x64xf32, #tpu.memory_space<vmem>>, vector<1x16xf32>,
        %get3A_674 = vector.shape_cast %get3A_673 : vector<1x16xf32> to vector<16xf32>
        %mul3A_675 = vector.broadcast %squeeze3A_670 : f32 to vector<16xf32>
        %mul3A_676 = arith.mulf %get3A_674, %mul3A_675 : vector<16xf32>
        %swap3A_677 = arith.index_cast %add3A_668 : i32 to index
        %swap3A_678 = arith.constant 0 : index
        %swap3A_679 = tpu.vector_load %arg14[%swap3A_677, %swap3A_678] {strides = array<i32>} : memref<128x64xf32, #tpu.memory_space<vmem>>, vector<1x16xf32>,
        %swap3A_680 = vector.shape_cast %swap3A_679 : vector<1x16xf32> to vector<16xf32>
        %swap3A_681 = vector.shape_cast %mul3A_676 : vector<16xf32> to vector<1x16xf32>
        tpu.vector_store %arg14[%swap3A_677, %swap3A_678], %swap3A_681 {strides = array<i32>} : memref<128x64xf32, #tpu.memory_space<vmem>>, vector<1x16xf32>,
        %get3A_682 = arith.index_cast %add3A_668 : i32 to index
        %get3A_683 = arith.constant 16 : index
        %get3A_684 = tpu.vector_load %arg14[%get3A_682, %get3A_683] {strides = array<i32>} : memref<128x64xf32, #tpu.memory_space<vmem>>, vector<1x16xf32>,
        %get3A_685 = vector.shape_cast %get3A_684 : vector<1x16xf32> to vector<16xf32>
        %mul3A_686 = vector.broadcast %squeeze3A_670 : f32 to vector<16xf32>
        %mul3A_687 = arith.mulf %get3A_685, %mul3A_686 : vector<16xf32>
        %swap3A_688 = arith.index_cast %add3A_668 : i32 to index
        %swap3A_689 = arith.constant 16 : index
        %swap3A_690 = tpu.vector_load %arg14[%swap3A_688, %swap3A_689] {strides = array<i32>} : memref<128x64xf32, #tpu.memory_space<vmem>>, vector<1x16xf32>,
        %swap3A_691 = vector.shape_cast %swap3A_690 : vector<1x16xf32> to vector<16xf32>
        %swap3A_692 = vector.shape_cast %mul3A_687 : vector<16xf32> to vector<1x16xf32>
        tpu.vector_store %arg14[%swap3A_688, %swap3A_689], %swap3A_692 {strides = array<i32>} : memref<128x64xf32, #tpu.memory_space<vmem>>, vector<1x16xf32>,
        %get3A_693 = arith.index_cast %add3A_668 : i32 to index
        %get3A_694 = arith.constant 32 : index
        %get3A_695 = tpu.vector_load %arg14[%get3A_693, %get3A_694] {strides = array<i32>} : memref<128x64xf32, #tpu.memory_space<vmem>>, vector<1x16xf32>,
        %get3A_696 = vector.shape_cast %get3A_695 : vector<1x16xf32> to vector<16xf32>
        %mul3A_697 = vector.broadcast %squeeze3A_670 : f32 to vector<16xf32>
        %mul3A_698 = arith.mulf %get3A_696, %mul3A_697 : vector<16xf32>
        %swap3A_699 = arith.index_cast %add3A_668 : i32 to index
        %swap3A_700 = arith.constant 32 : index
        %swap3A_701 = tpu.vector_load %arg14[%swap3A_699, %swap3A_700] {strides = array<i32>} : memref<128x64xf32, #tpu.memory_space<vmem>>, vector<1x16xf32>,
        %swap3A_702 = vector.shape_cast %swap3A_701 : vector<1x16xf32> to vector<16xf32>
        %swap3A_703 = vector.shape_cast %mul3A_698 : vector<16xf32> to vector<1x16xf32>
        tpu.vector_store %arg14[%swap3A_699, %swap3A_700], %swap3A_703 {strides = array<i32>} : memref<128x64xf32, #tpu.memory_space<vmem>>, vector<1x16xf32>,
        %get3A_704 = arith.index_cast %add3A_668 : i32 to index
        %get3A_705 = arith.constant 48 : index
        %get3A_706 = tpu.vector_load %arg14[%get3A_704, %get3A_705] {strides = array<i32>} : memref<128x64xf32, #tpu.memory_space<vmem>>, vector<1x16xf32>,
        %get3A_707 = vector.shape_cast %get3A_706 : vector<1x16xf32> to vector<16xf32>
        %mul3A_708 = vector.broadcast %squeeze3A_670 : f32 to vector<16xf32>
        %mul3A_709 = arith.mulf %get3A_707, %mul3A_708 : vector<16xf32>
        %swap3A_710 = arith.index_cast %add3A_668 : i32 to index
        %swap3A_711 = arith.constant 48 : index
        %swap3A_712 = tpu.vector_load %arg14[%swap3A_710, %swap3A_711] {strides = array<i32>} : memref<128x64xf32, #tpu.memory_space<vmem>>, vector<1x16xf32>,
        %swap3A_713 = vector.shape_cast %swap3A_712 : vector<1x16xf32> to vector<16xf32>
        %swap3A_714 = vector.shape_cast %mul3A_709 : vector<16xf32> to vector<1x16xf32>
        tpu.vector_store %arg14[%swap3A_710, %swap3A_711], %swap3A_714 {strides = array<i32>} : memref<128x64xf32, #tpu.memory_space<vmem>>, vector<1x16xf32>,
        %mul3A_715 = arith.constant 16 : i32
        %mul3A_716 = arith.muli %scan3A_262, %mul3A_715 : i32
        %add3A_717 = arith.constant 9 : i32
        %add3A_718 = arith.addi %mul3A_716, %add3A_717 : i32
        %slice3A_719 = vector.extract_strided_slice %get3A_267 {offsets = [9], sizes = [1], strides = [1]} : vector<16xf32> to vector<1xf32>
        %squeeze3A_720 = vector.extract %slice3A_719[0] : f32 from vector<1xf32>
        %get3A_721 = arith.index_cast %add3A_718 : i32 to index
        %get3A_722 = arith.constant 0 : index
        %get3A_723 = tpu.vector_load %arg14[%get3A_721, %get3A_722] {strides = array<i32>} : memref<128x64xf32, #tpu.memory_space<vmem>>, vector<1x16xf32>,
        %get3A_724 = vector.shape_cast %get3A_723 : vector<1x16xf32> to vector<16xf32>
        %mul3A_725 = vector.broadcast %squeeze3A_720 : f32 to vector<16xf32>
        %mul3A_726 = arith.mulf %get3A_724, %mul3A_725 : vector<16xf32>
        %swap3A_727 = arith.index_cast %add3A_718 : i32 to index
        %swap3A_728 = arith.constant 0 : index
        %swap3A_729 = tpu.vector_load %arg14[%swap3A_727, %swap3A_728] {strides = array<i32>} : memref<128x64xf32, #tpu.memory_space<vmem>>, vector<1x16xf32>,
        %swap3A_730 = vector.shape_cast %swap3A_729 : vector<1x16xf32> to vector<16xf32>
        %swap3A_731 = vector.shape_cast %mul3A_726 : vector<16xf32> to vector<1x16xf32>
        tpu.vector_store %arg14[%swap3A_727, %swap3A_728], %swap3A_731 {strides = array<i32>} : memref<128x64xf32, #tpu.memory_space<vmem>>, vector<1x16xf32>,
        %get3A_732 = arith.index_cast %add3A_718 : i32 to index
        %get3A_733 = arith.constant 16 : index
        %get3A_734 = tpu.vector_load %arg14[%get3A_732, %get3A_733] {strides = array<i32>} : memref<128x64xf32, #tpu.memory_space<vmem>>, vector<1x16xf32>,
        %get3A_735 = vector.shape_cast %get3A_734 : vector<1x16xf32> to vector<16xf32>
        %mul3A_736 = vector.broadcast %squeeze3A_720 : f32 to vector<16xf32>
        %mul3A_737 = arith.mulf %get3A_735, %mul3A_736 : vector<16xf32>
        %swap3A_738 = arith.index_cast %add3A_718 : i32 to index
        %swap3A_739 = arith.constant 16 : index
        %swap3A_740 = tpu.vector_load %arg14[%swap3A_738, %swap3A_739] {strides = array<i32>} : memref<128x64xf32, #tpu.memory_space<vmem>>, vector<1x16xf32>,
        %swap3A_741 = vector.shape_cast %swap3A_740 : vector<1x16xf32> to vector<16xf32>
        %swap3A_742 = vector.shape_cast %mul3A_737 : vector<16xf32> to vector<1x16xf32>
        tpu.vector_store %arg14[%swap3A_738, %swap3A_739], %swap3A_742 {strides = array<i32>} : memref<128x64xf32, #tpu.memory_space<vmem>>, vector<1x16xf32>,
        %get3A_743 = arith.index_cast %add3A_718 : i32 to index
        %get3A_744 = arith.constant 32 : index
        %get3A_745 = tpu.vector_load %arg14[%get3A_743, %get3A_744] {strides = array<i32>} : memref<128x64xf32, #tpu.memory_space<vmem>>, vector<1x16xf32>,
        %get3A_746 = vector.shape_cast %get3A_745 : vector<1x16xf32> to vector<16xf32>
        %mul3A_747 = vector.broadcast %squeeze3A_720 : f32 to vector<16xf32>
        %mul3A_748 = arith.mulf %get3A_746, %mul3A_747 : vector<16xf32>
        %swap3A_749 = arith.index_cast %add3A_718 : i32 to index
        %swap3A_750 = arith.constant 32 : index
        %swap3A_751 = tpu.vector_load %arg14[%swap3A_749, %swap3A_750] {strides = array<i32>} : memref<128x64xf32, #tpu.memory_space<vmem>>, vector<1x16xf32>,
        %swap3A_752 = vector.shape_cast %swap3A_751 : vector<1x16xf32> to vector<16xf32>
        %swap3A_753 = vector.shape_cast %mul3A_748 : vector<16xf32> to vector<1x16xf32>
        tpu.vector_store %arg14[%swap3A_749, %swap3A_750], %swap3A_753 {strides = array<i32>} : memref<128x64xf32, #tpu.memory_space<vmem>>, vector<1x16xf32>,
        %get3A_754 = arith.index_cast %add3A_718 : i32 to index
        %get3A_755 = arith.constant 48 : index
        %get3A_756 = tpu.vector_load %arg14[%get3A_754, %get3A_755] {strides = array<i32>} : memref<128x64xf32, #tpu.memory_space<vmem>>, vector<1x16xf32>,
        %get3A_757 = vector.shape_cast %get3A_756 : vector<1x16xf32> to vector<16xf32>
        %mul3A_758 = vector.broadcast %squeeze3A_720 : f32 to vector<16xf32>
        %mul3A_759 = arith.mulf %get3A_757, %mul3A_758 : vector<16xf32>
        %swap3A_760 = arith.index_cast %add3A_718 : i32 to index
        %swap3A_761 = arith.constant 48 : index
        %swap3A_762 = tpu.vector_load %arg14[%swap3A_760, %swap3A_761] {strides = array<i32>} : memref<128x64xf32, #tpu.memory_space<vmem>>, vector<1x16xf32>,
        %swap3A_763 = vector.shape_cast %swap3A_762 : vector<1x16xf32> to vector<16xf32>
        %swap3A_764 = vector.shape_cast %mul3A_759 : vector<16xf32> to vector<1x16xf32>
        tpu.vector_store %arg14[%swap3A_760, %swap3A_761], %swap3A_764 {strides = array<i32>} : memref<128x64xf32, #tpu.memory_space<vmem>>, vector<1x16xf32>,
        %mul3A_765 = arith.constant 16 : i32
        %mul3A_766 = arith.muli %scan3A_262, %mul3A_765 : i32
        %add3A_767 = arith.constant 10 : i32
        %add3A_768 = arith.addi %mul3A_766, %add3A_767 : i32
        %slice3A_769 = vector.extract_strided_slice %get3A_267 {offsets = [10], sizes = [1], strides = [1]} : vector<16xf32> to vector<1xf32>
        %squeeze3A_770 = vector.extract %slice3A_769[0] : f32 from vector<1xf32>
        %get3A_771 = arith.index_cast %add3A_768 : i32 to index
        %get3A_772 = arith.constant 0 : index
        %get3A_773 = tpu.vector_load %arg14[%get3A_771, %get3A_772] {strides = array<i32>} : memref<128x64xf32, #tpu.memory_space<vmem>>, vector<1x16xf32>,
        %get3A_774 = vector.shape_cast %get3A_773 : vector<1x16xf32> to vector<16xf32>
        %mul3A_775 = vector.broadcast %squeeze3A_770 : f32 to vector<16xf32>
        %mul3A_776 = arith.mulf %get3A_774, %mul3A_775 : vector<16xf32>
        %swap3A_777 = arith.index_cast %add3A_768 : i32 to index
        %swap3A_778 = arith.constant 0 : index
        %swap3A_779 = tpu.vector_load %arg14[%swap3A_777, %swap3A_778] {strides = array<i32>} : memref<128x64xf32, #tpu.memory_space<vmem>>, vector<1x16xf32>,
        %swap3A_780 = vector.shape_cast %swap3A_779 : vector<1x16xf32> to vector<16xf32>
        %swap3A_781 = vector.shape_cast %mul3A_776 : vector<16xf32> to vector<1x16xf32>
        tpu.vector_store %arg14[%swap3A_777, %swap3A_778], %swap3A_781 {strides = array<i32>} : memref<128x64xf32, #tpu.memory_space<vmem>>, vector<1x16xf32>,
        %get3A_782 = arith.index_cast %add3A_768 : i32 to index
        %get3A_783 = arith.constant 16 : index
        %get3A_784 = tpu.vector_load %arg14[%get3A_782, %get3A_783] {strides = array<i32>} : memref<128x64xf32, #tpu.memory_space<vmem>>, vector<1x16xf32>,
        %get3A_785 = vector.shape_cast %get3A_784 : vector<1x16xf32> to vector<16xf32>
        %mul3A_786 = vector.broadcast %squeeze3A_770 : f32 to vector<16xf32>
        %mul3A_787 = arith.mulf %get3A_785, %mul3A_786 : vector<16xf32>
        %swap3A_788 = arith.index_cast %add3A_768 : i32 to index
        %swap3A_789 = arith.constant 16 : index
        %swap3A_790 = tpu.vector_load %arg14[%swap3A_788, %swap3A_789] {strides = array<i32>} : memref<128x64xf32, #tpu.memory_space<vmem>>, vector<1x16xf32>,
        %swap3A_791 = vector.shape_cast %swap3A_790 : vector<1x16xf32> to vector<16xf32>
        %swap3A_792 = vector.shape_cast %mul3A_787 : vector<16xf32> to vector<1x16xf32>
        tpu.vector_store %arg14[%swap3A_788, %swap3A_789], %swap3A_792 {strides = array<i32>} : memref<128x64xf32, #tpu.memory_space<vmem>>, vector<1x16xf32>,
        %get3A_793 = arith.index_cast %add3A_768 : i32 to index
        %get3A_794 = arith.constant 32 : index
        %get3A_795 = tpu.vector_load %arg14[%get3A_793, %get3A_794] {strides = array<i32>} : memref<128x64xf32, #tpu.memory_space<vmem>>, vector<1x16xf32>,
        %get3A_796 = vector.shape_cast %get3A_795 : vector<1x16xf32> to vector<16xf32>
        %mul3A_797 = vector.broadcast %squeeze3A_770 : f32 to vector<16xf32>
        %mul3A_798 = arith.mulf %get3A_796, %mul3A_797 : vector<16xf32>
        %swap3A_799 = arith.index_cast %add3A_768 : i32 to index
        %swap3A_800 = arith.constant 32 : index
        %swap3A_801 = tpu.vector_load %arg14[%swap3A_799, %swap3A_800] {strides = array<i32>} : memref<128x64xf32, #tpu.memory_space<vmem>>, vector<1x16xf32>,
        %swap3A_802 = vector.shape_cast %swap3A_801 : vector<1x16xf32> to vector<16xf32>
        %swap3A_803 = vector.shape_cast %mul3A_798 : vector<16xf32> to vector<1x16xf32>
        tpu.vector_store %arg14[%swap3A_799, %swap3A_800], %swap3A_803 {strides = array<i32>} : memref<128x64xf32, #tpu.memory_space<vmem>>, vector<1x16xf32>,
        %get3A_804 = arith.index_cast %add3A_768 : i32 to index
        %get3A_805 = arith.constant 48 : index
        %get3A_806 = tpu.vector_load %arg14[%get3A_804, %get3A_805] {strides = array<i32>} : memref<128x64xf32, #tpu.memory_space<vmem>>, vector<1x16xf32>,
        %get3A_807 = vector.shape_cast %get3A_806 : vector<1x16xf32> to vector<16xf32>
        %mul3A_808 = vector.broadcast %squeeze3A_770 : f32 to vector<16xf32>
        %mul3A_809 = arith.mulf %get3A_807, %mul3A_808 : vector<16xf32>
        %swap3A_810 = arith.index_cast %add3A_768 : i32 to index
        %swap3A_811 = arith.constant 48 : index
        %swap3A_812 = tpu.vector_load %arg14[%swap3A_810, %swap3A_811] {strides = array<i32>} : memref<128x64xf32, #tpu.memory_space<vmem>>, vector<1x16xf32>,
        %swap3A_813 = vector.shape_cast %swap3A_812 : vector<1x16xf32> to vector<16xf32>
        %swap3A_814 = vector.shape_cast %mul3A_809 : vector<16xf32> to vector<1x16xf32>
        tpu.vector_store %arg14[%swap3A_810, %swap3A_811], %swap3A_814 {strides = array<i32>} : memref<128x64xf32, #tpu.memory_space<vmem>>, vector<1x16xf32>,
        %mul3A_815 = arith.constant 16 : i32
        %mul3A_816 = arith.muli %scan3A_262, %mul3A_815 : i32
        %add3A_817 = arith.constant 11 : i32
        %add3A_818 = arith.addi %mul3A_816, %add3A_817 : i32
        %slice3A_819 = vector.extract_strided_slice %get3A_267 {offsets = [11], sizes = [1], strides = [1]} : vector<16xf32> to vector<1xf32>
        %squeeze3A_820 = vector.extract %slice3A_819[0] : f32 from vector<1xf32>
        %get3A_821 = arith.index_cast %add3A_818 : i32 to index
        %get3A_822 = arith.constant 0 : index
        %get3A_823 = tpu.vector_load %arg14[%get3A_821, %get3A_822] {strides = array<i32>} : memref<128x64xf32, #tpu.memory_space<vmem>>, vector<1x16xf32>,
        %get3A_824 = vector.shape_cast %get3A_823 : vector<1x16xf32> to vector<16xf32>
        %mul3A_825 = vector.broadcast %squeeze3A_820 : f32 to vector<16xf32>
        %mul3A_826 = arith.mulf %get3A_824, %mul3A_825 : vector<16xf32>
        %swap3A_827 = arith.index_cast %add3A_818 : i32 to index
        %swap3A_828 = arith.constant 0 : index
        %swap3A_829 = tpu.vector_load %arg14[%swap3A_827, %swap3A_828] {strides = array<i32>} : memref<128x64xf32, #tpu.memory_space<vmem>>, vector<1x16xf32>,
        %swap3A_830 = vector.shape_cast %swap3A_829 : vector<1x16xf32> to vector<16xf32>
        %swap3A_831 = vector.shape_cast %mul3A_826 : vector<16xf32> to vector<1x16xf32>
        tpu.vector_store %arg14[%swap3A_827, %swap3A_828], %swap3A_831 {strides = array<i32>} : memref<128x64xf32, #tpu.memory_space<vmem>>, vector<1x16xf32>,
        %get3A_832 = arith.index_cast %add3A_818 : i32 to index
        %get3A_833 = arith.constant 16 : index
        %get3A_834 = tpu.vector_load %arg14[%get3A_832, %get3A_833] {strides = array<i32>} : memref<128x64xf32, #tpu.memory_space<vmem>>, vector<1x16xf32>,
        %get3A_835 = vector.shape_cast %get3A_834 : vector<1x16xf32> to vector<16xf32>
        %mul3A_836 = vector.broadcast %squeeze3A_820 : f32 to vector<16xf32>
        %mul3A_837 = arith.mulf %get3A_835, %mul3A_836 : vector<16xf32>
        %swap3A_838 = arith.index_cast %add3A_818 : i32 to index
        %swap3A_839 = arith.constant 16 : index
        %swap3A_840 = tpu.vector_load %arg14[%swap3A_838, %swap3A_839] {strides = array<i32>} : memref<128x64xf32, #tpu.memory_space<vmem>>, vector<1x16xf32>,
        %swap3A_841 = vector.shape_cast %swap3A_840 : vector<1x16xf32> to vector<16xf32>
        %swap3A_842 = vector.shape_cast %mul3A_837 : vector<16xf32> to vector<1x16xf32>
        tpu.vector_store %arg14[%swap3A_838, %swap3A_839], %swap3A_842 {strides = array<i32>} : memref<128x64xf32, #tpu.memory_space<vmem>>, vector<1x16xf32>,
        %get3A_843 = arith.index_cast %add3A_818 : i32 to index
        %get3A_844 = arith.constant 32 : index
        %get3A_845 = tpu.vector_load %arg14[%get3A_843, %get3A_844] {strides = array<i32>} : memref<128x64xf32, #tpu.memory_space<vmem>>, vector<1x16xf32>,
        %get3A_846 = vector.shape_cast %get3A_845 : vector<1x16xf32> to vector<16xf32>
        %mul3A_847 = vector.broadcast %squeeze3A_820 : f32 to vector<16xf32>
        %mul3A_848 = arith.mulf %get3A_846, %mul3A_847 : vector<16xf32>
        %swap3A_849 = arith.index_cast %add3A_818 : i32 to index
        %swap3A_850 = arith.constant 32 : index
        %swap3A_851 = tpu.vector_load %arg14[%swap3A_849, %swap3A_850] {strides = array<i32>} : memref<128x64xf32, #tpu.memory_space<vmem>>, vector<1x16xf32>,
        %swap3A_852 = vector.shape_cast %swap3A_851 : vector<1x16xf32> to vector<16xf32>
        %swap3A_853 = vector.shape_cast %mul3A_848 : vector<16xf32> to vector<1x16xf32>
        tpu.vector_store %arg14[%swap3A_849, %swap3A_850], %swap3A_853 {strides = array<i32>} : memref<128x64xf32, #tpu.memory_space<vmem>>, vector<1x16xf32>,
        %get3A_854 = arith.index_cast %add3A_818 : i32 to index
        %get3A_855 = arith.constant 48 : index
        %get3A_856 = tpu.vector_load %arg14[%get3A_854, %get3A_855] {strides = array<i32>} : memref<128x64xf32, #tpu.memory_space<vmem>>, vector<1x16xf32>,
        %get3A_857 = vector.shape_cast %get3A_856 : vector<1x16xf32> to vector<16xf32>
        %mul3A_858 = vector.broadcast %squeeze3A_820 : f32 to vector<16xf32>
        %mul3A_859 = arith.mulf %get3A_857, %mul3A_858 : vector<16xf32>
        %swap3A_860 = arith.index_cast %add3A_818 : i32 to index
        %swap3A_861 = arith.constant 48 : index
        %swap3A_862 = tpu.vector_load %arg14[%swap3A_860, %swap3A_861] {strides = array<i32>} : memref<128x64xf32, #tpu.memory_space<vmem>>, vector<1x16xf32>,
        %swap3A_863 = vector.shape_cast %swap3A_862 : vector<1x16xf32> to vector<16xf32>
        %swap3A_864 = vector.shape_cast %mul3A_859 : vector<16xf32> to vector<1x16xf32>
        tpu.vector_store %arg14[%swap3A_860, %swap3A_861], %swap3A_864 {strides = array<i32>} : memref<128x64xf32, #tpu.memory_space<vmem>>, vector<1x16xf32>,
        %mul3A_865 = arith.constant 16 : i32
        %mul3A_866 = arith.muli %scan3A_262, %mul3A_865 : i32
        %add3A_867 = arith.constant 12 : i32
        %add3A_868 = arith.addi %mul3A_866, %add3A_867 : i32
        %slice3A_869 = vector.extract_strided_slice %get3A_267 {offsets = [12], sizes = [1], strides = [1]} : vector<16xf32> to vector<1xf32>
        %squeeze3A_870 = vector.extract %slice3A_869[0] : f32 from vector<1xf32>
        %get3A_871 = arith.index_cast %add3A_868 : i32 to index
        %get3A_872 = arith.constant 0 : index
        %get3A_873 = tpu.vector_load %arg14[%get3A_871, %get3A_872] {strides = array<i32>} : memref<128x64xf32, #tpu.memory_space<vmem>>, vector<1x16xf32>,
        %get3A_874 = vector.shape_cast %get3A_873 : vector<1x16xf32> to vector<16xf32>
        %mul3A_875 = vector.broadcast %squeeze3A_870 : f32 to vector<16xf32>
        %mul3A_876 = arith.mulf %get3A_874, %mul3A_875 : vector<16xf32>
        %swap3A_877 = arith.index_cast %add3A_868 : i32 to index
        %swap3A_878 = arith.constant 0 : index
        %swap3A_879 = tpu.vector_load %arg14[%swap3A_877, %swap3A_878] {strides = array<i32>} : memref<128x64xf32, #tpu.memory_space<vmem>>, vector<1x16xf32>,
        %swap3A_880 = vector.shape_cast %swap3A_879 : vector<1x16xf32> to vector<16xf32>
        %swap3A_881 = vector.shape_cast %mul3A_876 : vector<16xf32> to vector<1x16xf32>
        tpu.vector_store %arg14[%swap3A_877, %swap3A_878], %swap3A_881 {strides = array<i32>} : memref<128x64xf32, #tpu.memory_space<vmem>>, vector<1x16xf32>,
        %get3A_882 = arith.index_cast %add3A_868 : i32 to index
        %get3A_883 = arith.constant 16 : index
        %get3A_884 = tpu.vector_load %arg14[%get3A_882, %get3A_883] {strides = array<i32>} : memref<128x64xf32, #tpu.memory_space<vmem>>, vector<1x16xf32>,
        %get3A_885 = vector.shape_cast %get3A_884 : vector<1x16xf32> to vector<16xf32>
        %mul3A_886 = vector.broadcast %squeeze3A_870 : f32 to vector<16xf32>
        %mul3A_887 = arith.mulf %get3A_885, %mul3A_886 : vector<16xf32>
        %swap3A_888 = arith.index_cast %add3A_868 : i32 to index
        %swap3A_889 = arith.constant 16 : index
        %swap3A_890 = tpu.vector_load %arg14[%swap3A_888, %swap3A_889] {strides = array<i32>} : memref<128x64xf32, #tpu.memory_space<vmem>>, vector<1x16xf32>,
        %swap3A_891 = vector.shape_cast %swap3A_890 : vector<1x16xf32> to vector<16xf32>
        %swap3A_892 = vector.shape_cast %mul3A_887 : vector<16xf32> to vector<1x16xf32>
        tpu.vector_store %arg14[%swap3A_888, %swap3A_889], %swap3A_892 {strides = array<i32>} : memref<128x64xf32, #tpu.memory_space<vmem>>, vector<1x16xf32>,
        %get3A_893 = arith.index_cast %add3A_868 : i32 to index
        %get3A_894 = arith.constant 32 : index
        %get3A_895 = tpu.vector_load %arg14[%get3A_893, %get3A_894] {strides = array<i32>} : memref<128x64xf32, #tpu.memory_space<vmem>>, vector<1x16xf32>,
        %get3A_896 = vector.shape_cast %get3A_895 : vector<1x16xf32> to vector<16xf32>
        %mul3A_897 = vector.broadcast %squeeze3A_870 : f32 to vector<16xf32>
        %mul3A_898 = arith.mulf %get3A_896, %mul3A_897 : vector<16xf32>
        %swap3A_899 = arith.index_cast %add3A_868 : i32 to index
        %swap3A_900 = arith.constant 32 : index
        %swap3A_901 = tpu.vector_load %arg14[%swap3A_899, %swap3A_900] {strides = array<i32>} : memref<128x64xf32, #tpu.memory_space<vmem>>, vector<1x16xf32>,
        %swap3A_902 = vector.shape_cast %swap3A_901 : vector<1x16xf32> to vector<16xf32>
        %swap3A_903 = vector.shape_cast %mul3A_898 : vector<16xf32> to vector<1x16xf32>
        tpu.vector_store %arg14[%swap3A_899, %swap3A_900], %swap3A_903 {strides = array<i32>} : memref<128x64xf32, #tpu.memory_space<vmem>>, vector<1x16xf32>,
        %get3A_904 = arith.index_cast %add3A_868 : i32 to index
        %get3A_905 = arith.constant 48 : index
        %get3A_906 = tpu.vector_load %arg14[%get3A_904, %get3A_905] {strides = array<i32>} : memref<128x64xf32, #tpu.memory_space<vmem>>, vector<1x16xf32>,
        %get3A_907 = vector.shape_cast %get3A_906 : vector<1x16xf32> to vector<16xf32>
        %mul3A_908 = vector.broadcast %squeeze3A_870 : f32 to vector<16xf32>
        %mul3A_909 = arith.mulf %get3A_907, %mul3A_908 : vector<16xf32>
        %swap3A_910 = arith.index_cast %add3A_868 : i32 to index
        %swap3A_911 = arith.constant 48 : index
        %swap3A_912 = tpu.vector_load %arg14[%swap3A_910, %swap3A_911] {strides = array<i32>} : memref<128x64xf32, #tpu.memory_space<vmem>>, vector<1x16xf32>,
        %swap3A_913 = vector.shape_cast %swap3A_912 : vector<1x16xf32> to vector<16xf32>
        %swap3A_914 = vector.shape_cast %mul3A_909 : vector<16xf32> to vector<1x16xf32>
        tpu.vector_store %arg14[%swap3A_910, %swap3A_911], %swap3A_914 {strides = array<i32>} : memref<128x64xf32, #tpu.memory_space<vmem>>, vector<1x16xf32>,
        %mul3A_915 = arith.constant 16 : i32
        %mul3A_916 = arith.muli %scan3A_262, %mul3A_915 : i32
        %add3A_917 = arith.constant 13 : i32
        %add3A_918 = arith.addi %mul3A_916, %add3A_917 : i32
        %slice3A_919 = vector.extract_strided_slice %get3A_267 {offsets = [13], sizes = [1], strides = [1]} : vector<16xf32> to vector<1xf32>
        %squeeze3A_920 = vector.extract %slice3A_919[0] : f32 from vector<1xf32>
        %get3A_921 = arith.index_cast %add3A_918 : i32 to index
        %get3A_922 = arith.constant 0 : index
        %get3A_923 = tpu.vector_load %arg14[%get3A_921, %get3A_922] {strides = array<i32>} : memref<128x64xf32, #tpu.memory_space<vmem>>, vector<1x16xf32>,
        %get3A_924 = vector.shape_cast %get3A_923 : vector<1x16xf32> to vector<16xf32>
        %mul3A_925 = vector.broadcast %squeeze3A_920 : f32 to vector<16xf32>
        %mul3A_926 = arith.mulf %get3A_924, %mul3A_925 : vector<16xf32>
        %swap3A_927 = arith.index_cast %add3A_918 : i32 to index
        %swap3A_928 = arith.constant 0 : index
        %swap3A_929 = tpu.vector_load %arg14[%swap3A_927, %swap3A_928] {strides = array<i32>} : memref<128x64xf32, #tpu.memory_space<vmem>>, vector<1x16xf32>,
        %swap3A_930 = vector.shape_cast %swap3A_929 : vector<1x16xf32> to vector<16xf32>
        %swap3A_931 = vector.shape_cast %mul3A_926 : vector<16xf32> to vector<1x16xf32>
        tpu.vector_store %arg14[%swap3A_927, %swap3A_928], %swap3A_931 {strides = array<i32>} : memref<128x64xf32, #tpu.memory_space<vmem>>, vector<1x16xf32>,
        %get3A_932 = arith.index_cast %add3A_918 : i32 to index
        %get3A_933 = arith.constant 16 : index
        %get3A_934 = tpu.vector_load %arg14[%get3A_932, %get3A_933] {strides = array<i32>} : memref<128x64xf32, #tpu.memory_space<vmem>>, vector<1x16xf32>,
        %get3A_935 = vector.shape_cast %get3A_934 : vector<1x16xf32> to vector<16xf32>
        %mul3A_936 = vector.broadcast %squeeze3A_920 : f32 to vector<16xf32>
        %mul3A_937 = arith.mulf %get3A_935, %mul3A_936 : vector<16xf32>
        %swap3A_938 = arith.index_cast %add3A_918 : i32 to index
        %swap3A_939 = arith.constant 16 : index
        %swap3A_940 = tpu.vector_load %arg14[%swap3A_938, %swap3A_939] {strides = array<i32>} : memref<128x64xf32, #tpu.memory_space<vmem>>, vector<1x16xf32>,
        %swap3A_941 = vector.shape_cast %swap3A_940 : vector<1x16xf32> to vector<16xf32>
        %swap3A_942 = vector.shape_cast %mul3A_937 : vector<16xf32> to vector<1x16xf32>
        tpu.vector_store %arg14[%swap3A_938, %swap3A_939], %swap3A_942 {strides = array<i32>} : memref<128x64xf32, #tpu.memory_space<vmem>>, vector<1x16xf32>,
        %get3A_943 = arith.index_cast %add3A_918 : i32 to index
        %get3A_944 = arith.constant 32 : index
        %get3A_945 = tpu.vector_load %arg14[%get3A_943, %get3A_944] {strides = array<i32>} : memref<128x64xf32, #tpu.memory_space<vmem>>, vector<1x16xf32>,
        %get3A_946 = vector.shape_cast %get3A_945 : vector<1x16xf32> to vector<16xf32>
        %mul3A_947 = vector.broadcast %squeeze3A_920 : f32 to vector<16xf32>
        %mul3A_948 = arith.mulf %get3A_946, %mul3A_947 : vector<16xf32>
        %swap3A_949 = arith.index_cast %add3A_918 : i32 to index
        %swap3A_950 = arith.constant 32 : index
        %swap3A_951 = tpu.vector_load %arg14[%swap3A_949, %swap3A_950] {strides = array<i32>} : memref<128x64xf32, #tpu.memory_space<vmem>>, vector<1x16xf32>,
        %swap3A_952 = vector.shape_cast %swap3A_951 : vector<1x16xf32> to vector<16xf32>
        %swap3A_953 = vector.shape_cast %mul3A_948 : vector<16xf32> to vector<1x16xf32>
        tpu.vector_store %arg14[%swap3A_949, %swap3A_950], %swap3A_953 {strides = array<i32>} : memref<128x64xf32, #tpu.memory_space<vmem>>, vector<1x16xf32>,
        %get3A_954 = arith.index_cast %add3A_918 : i32 to index
        %get3A_955 = arith.constant 48 : index
        %get3A_956 = tpu.vector_load %arg14[%get3A_954, %get3A_955] {strides = array<i32>} : memref<128x64xf32, #tpu.memory_space<vmem>>, vector<1x16xf32>,
        %get3A_957 = vector.shape_cast %get3A_956 : vector<1x16xf32> to vector<16xf32>
        %mul3A_958 = vector.broadcast %squeeze3A_920 : f32 to vector<16xf32>
        %mul3A_959 = arith.mulf %get3A_957, %mul3A_958 : vector<16xf32>
        %swap3A_960 = arith.index_cast %add3A_918 : i32 to index
        %swap3A_961 = arith.constant 48 : index
        %swap3A_962 = tpu.vector_load %arg14[%swap3A_960, %swap3A_961] {strides = array<i32>} : memref<128x64xf32, #tpu.memory_space<vmem>>, vector<1x16xf32>,
        %swap3A_963 = vector.shape_cast %swap3A_962 : vector<1x16xf32> to vector<16xf32>
        %swap3A_964 = vector.shape_cast %mul3A_959 : vector<16xf32> to vector<1x16xf32>
        tpu.vector_store %arg14[%swap3A_960, %swap3A_961], %swap3A_964 {strides = array<i32>} : memref<128x64xf32, #tpu.memory_space<vmem>>, vector<1x16xf32>,
        %mul3A_965 = arith.constant 16 : i32
        %mul3A_966 = arith.muli %scan3A_262, %mul3A_965 : i32
        %add3A_967 = arith.constant 14 : i32
        %add3A_968 = arith.addi %mul3A_966, %add3A_967 : i32
        %slice3A_969 = vector.extract_strided_slice %get3A_267 {offsets = [14], sizes = [1], strides = [1]} : vector<16xf32> to vector<1xf32>
        %squeeze3A_970 = vector.extract %slice3A_969[0] : f32 from vector<1xf32>
        %get3A_971 = arith.index_cast %add3A_968 : i32 to index
        %get3A_972 = arith.constant 0 : index
        %get3A_973 = tpu.vector_load %arg14[%get3A_971, %get3A_972] {strides = array<i32>} : memref<128x64xf32, #tpu.memory_space<vmem>>, vector<1x16xf32>,
        %get3A_974 = vector.shape_cast %get3A_973 : vector<1x16xf32> to vector<16xf32>
        %mul3A_975 = vector.broadcast %squeeze3A_970 : f32 to vector<16xf32>
        %mul3A_976 = arith.mulf %get3A_974, %mul3A_975 : vector<16xf32>
        %swap3A_977 = arith.index_cast %add3A_968 : i32 to index
        %swap3A_978 = arith.constant 0 : index
        %swap3A_979 = tpu.vector_load %arg14[%swap3A_977, %swap3A_978] {strides = array<i32>} : memref<128x64xf32, #tpu.memory_space<vmem>>, vector<1x16xf32>,
        %swap3A_980 = vector.shape_cast %swap3A_979 : vector<1x16xf32> to vector<16xf32>
        %swap3A_981 = vector.shape_cast %mul3A_976 : vector<16xf32> to vector<1x16xf32>
        tpu.vector_store %arg14[%swap3A_977, %swap3A_978], %swap3A_981 {strides = array<i32>} : memref<128x64xf32, #tpu.memory_space<vmem>>, vector<1x16xf32>,
        %get3A_982 = arith.index_cast %add3A_968 : i32 to index
        %get3A_983 = arith.constant 16 : index
        %get3A_984 = tpu.vector_load %arg14[%get3A_982, %get3A_983] {strides = array<i32>} : memref<128x64xf32, #tpu.memory_space<vmem>>, vector<1x16xf32>,
        %get3A_985 = vector.shape_cast %get3A_984 : vector<1x16xf32> to vector<16xf32>
        %mul3A_986 = vector.broadcast %squeeze3A_970 : f32 to vector<16xf32>
        %mul3A_987 = arith.mulf %get3A_985, %mul3A_986 : vector<16xf32>
        %swap3A_988 = arith.index_cast %add3A_968 : i32 to index
        %swap3A_989 = arith.constant 16 : index
        %swap3A_990 = tpu.vector_load %arg14[%swap3A_988, %swap3A_989] {strides = array<i32>} : memref<128x64xf32, #tpu.memory_space<vmem>>, vector<1x16xf32>,
        %swap3A_991 = vector.shape_cast %swap3A_990 : vector<1x16xf32> to vector<16xf32>
        %swap3A_992 = vector.shape_cast %mul3A_987 : vector<16xf32> to vector<1x16xf32>
        tpu.vector_store %arg14[%swap3A_988, %swap3A_989], %swap3A_992 {strides = array<i32>} : memref<128x64xf32, #tpu.memory_space<vmem>>, vector<1x16xf32>,
        %get3A_993 = arith.index_cast %add3A_968 : i32 to index
        %get3A_994 = arith.constant 32 : index
        %get3A_995 = tpu.vector_load %arg14[%get3A_993, %get3A_994] {strides = array<i32>} : memref<128x64xf32, #tpu.memory_space<vmem>>, vector<1x16xf32>,
        %get3A_996 = vector.shape_cast %get3A_995 : vector<1x16xf32> to vector<16xf32>
        %mul3A_997 = vector.broadcast %squeeze3A_970 : f32 to vector<16xf32>
        %mul3A_998 = arith.mulf %get3A_996, %mul3A_997 : vector<16xf32>
        %swap3A_999 = arith.index_cast %add3A_968 : i32 to index
        %swap3A_1000 = arith.constant 32 : index
        %swap3A_1001 = tpu.vector_load %arg14[%swap3A_999, %swap3A_1000] {strides = array<i32>} : memref<128x64xf32, #tpu.memory_space<vmem>>, vector<1x16xf32>,
        %swap3A_1002 = vector.shape_cast %swap3A_1001 : vector<1x16xf32> to vector<16xf32>
        %swap3A_1003 = vector.shape_cast %mul3A_998 : vector<16xf32> to vector<1x16xf32>
        tpu.vector_store %arg14[%swap3A_999, %swap3A_1000], %swap3A_1003 {strides = array<i32>} : memref<128x64xf32, #tpu.memory_space<vmem>>, vector<1x16xf32>,
        %get3A_1004 = arith.index_cast %add3A_968 : i32 to index
        %get3A_1005 = arith.constant 48 : index
        %get3A_1006 = tpu.vector_load %arg14[%get3A_1004, %get3A_1005] {strides = array<i32>} : memref<128x64xf32, #tpu.memory_space<vmem>>, vector<1x16xf32>,
        %get3A_1007 = vector.shape_cast %get3A_1006 : vector<1x16xf32> to vector<16xf32>
        %mul3A_1008 = vector.broadcast %squeeze3A_970 : f32 to vector<16xf32>
        %mul3A_1009 = arith.mulf %get3A_1007, %mul3A_1008 : vector<16xf32>
        %swap3A_1010 = arith.index_cast %add3A_968 : i32 to index
        %swap3A_1011 = arith.constant 48 : index
        %swap3A_1012 = tpu.vector_load %arg14[%swap3A_1010, %swap3A_1011] {strides = array<i32>} : memref<128x64xf32, #tpu.memory_space<vmem>>, vector<1x16xf32>,
        %swap3A_1013 = vector.shape_cast %swap3A_1012 : vector<1x16xf32> to vector<16xf32>
        %swap3A_1014 = vector.shape_cast %mul3A_1009 : vector<16xf32> to vector<1x16xf32>
        tpu.vector_store %arg14[%swap3A_1010, %swap3A_1011], %swap3A_1014 {strides = array<i32>} : memref<128x64xf32, #tpu.memory_space<vmem>>, vector<1x16xf32>,
        %mul3A_1015 = arith.constant 16 : i32
        %mul3A_1016 = arith.muli %scan3A_262, %mul3A_1015 : i32
        %add3A_1017 = arith.constant 15 : i32
        %add3A_1018 = arith.addi %mul3A_1016, %add3A_1017 : i32
        %slice3A_1019 = vector.extract_strided_slice %get3A_267 {offsets = [15], sizes = [1], strides = [1]} : vector<16xf32> to vector<1xf32>
        %squeeze3A_1020 = vector.extract %slice3A_1019[0] : f32 from vector<1xf32>
        %get3A_1021 = arith.index_cast %add3A_1018 : i32 to index
        %get3A_1022 = arith.constant 0 : index
        %get3A_1023 = tpu.vector_load %arg14[%get3A_1021, %get3A_1022] {strides = array<i32>} : memref<128x64xf32, #tpu.memory_space<vmem>>, vector<1x16xf32>,
        %get3A_1024 = vector.shape_cast %get3A_1023 : vector<1x16xf32> to vector<16xf32>
        %mul3A_1025 = vector.broadcast %squeeze3A_1020 : f32 to vector<16xf32>
        %mul3A_1026 = arith.mulf %get3A_1024, %mul3A_1025 : vector<16xf32>
        %swap3A_1027 = arith.index_cast %add3A_1018 : i32 to index
        %swap3A_1028 = arith.constant 0 : index
        %swap3A_1029 = tpu.vector_load %arg14[%swap3A_1027, %swap3A_1028] {strides = array<i32>} : memref<128x64xf32, #tpu.memory_space<vmem>>, vector<1x16xf32>,
        %swap3A_1030 = vector.shape_cast %swap3A_1029 : vector<1x16xf32> to vector<16xf32>
        %swap3A_1031 = vector.shape_cast %mul3A_1026 : vector<16xf32> to vector<1x16xf32>
        tpu.vector_store %arg14[%swap3A_1027, %swap3A_1028], %swap3A_1031 {strides = array<i32>} : memref<128x64xf32, #tpu.memory_space<vmem>>, vector<1x16xf32>,
        %get3A_1032 = arith.index_cast %add3A_1018 : i32 to index
        %get3A_1033 = arith.constant 16 : index
        %get3A_1034 = tpu.vector_load %arg14[%get3A_1032, %get3A_1033] {strides = array<i32>} : memref<128x64xf32, #tpu.memory_space<vmem>>, vector<1x16xf32>,
        %get3A_1035 = vector.shape_cast %get3A_1034 : vector<1x16xf32> to vector<16xf32>
        %mul3A_1036 = vector.broadcast %squeeze3A_1020 : f32 to vector<16xf32>
        %mul3A_1037 = arith.mulf %get3A_1035, %mul3A_1036 : vector<16xf32>
        %swap3A_1038 = arith.index_cast %add3A_1018 : i32 to index
        %swap3A_1039 = arith.constant 16 : index
        %swap3A_1040 = tpu.vector_load %arg14[%swap3A_1038, %swap3A_1039] {strides = array<i32>} : memref<128x64xf32, #tpu.memory_space<vmem>>, vector<1x16xf32>,
        %swap3A_1041 = vector.shape_cast %swap3A_1040 : vector<1x16xf32> to vector<16xf32>
        %swap3A_1042 = vector.shape_cast %mul3A_1037 : vector<16xf32> to vector<1x16xf32>
        tpu.vector_store %arg14[%swap3A_1038, %swap3A_1039], %swap3A_1042 {strides = array<i32>} : memref<128x64xf32, #tpu.memory_space<vmem>>, vector<1x16xf32>,
        %get3A_1043 = arith.index_cast %add3A_1018 : i32 to index
        %get3A_1044 = arith.constant 32 : index
        %get3A_1045 = tpu.vector_load %arg14[%get3A_1043, %get3A_1044] {strides = array<i32>} : memref<128x64xf32, #tpu.memory_space<vmem>>, vector<1x16xf32>,
        %get3A_1046 = vector.shape_cast %get3A_1045 : vector<1x16xf32> to vector<16xf32>
        %mul3A_1047 = vector.broadcast %squeeze3A_1020 : f32 to vector<16xf32>
        %mul3A_1048 = arith.mulf %get3A_1046, %mul3A_1047 : vector<16xf32>
        %swap3A_1049 = arith.index_cast %add3A_1018 : i32 to index
        %swap3A_1050 = arith.constant 32 : index
        %swap3A_1051 = tpu.vector_load %arg14[%swap3A_1049, %swap3A_1050] {strides = array<i32>} : memref<128x64xf32, #tpu.memory_space<vmem>>, vector<1x16xf32>,
        %swap3A_1052 = vector.shape_cast %swap3A_1051 : vector<1x16xf32> to vector<16xf32>
        %swap3A_1053 = vector.shape_cast %mul3A_1048 : vector<16xf32> to vector<1x16xf32>
        tpu.vector_store %arg14[%swap3A_1049, %swap3A_1050], %swap3A_1053 {strides = array<i32>} : memref<128x64xf32, #tpu.memory_space<vmem>>, vector<1x16xf32>,
        %get3A_1054 = arith.index_cast %add3A_1018 : i32 to index
        %get3A_1055 = arith.constant 48 : index
        %get3A_1056 = tpu.vector_load %arg14[%get3A_1054, %get3A_1055] {strides = array<i32>} : memref<128x64xf32, #tpu.memory_space<vmem>>, vector<1x16xf32>,
        %get3A_1057 = vector.shape_cast %get3A_1056 : vector<1x16xf32> to vector<16xf32>
        %mul3A_1058 = vector.broadcast %squeeze3A_1020 : f32 to vector<16xf32>
        %mul3A_1059 = arith.mulf %get3A_1057, %mul3A_1058 : vector<16xf32>
        %swap3A_1060 = arith.index_cast %add3A_1018 : i32 to index
        %swap3A_1061 = arith.constant 48 : index
        %swap3A_1062 = tpu.vector_load %arg14[%swap3A_1060, %swap3A_1061] {strides = array<i32>} : memref<128x64xf32, #tpu.memory_space<vmem>>, vector<1x16xf32>,
        %swap3A_1063 = vector.shape_cast %swap3A_1062 : vector<1x16xf32> to vector<16xf32>
        %swap3A_1064 = vector.shape_cast %mul3A_1059 : vector<16xf32> to vector<1x16xf32>
        tpu.vector_store %arg14[%swap3A_1060, %swap3A_1061], %swap3A_1064 {strides = array<i32>} : memref<128x64xf32, #tpu.memory_space<vmem>>, vector<1x16xf32>,
      }
      %scan3A_197 = arith.constant 8 : i32
      %dma_start3A_198 = arith.constant 0 : i32
      %dma_start3A_199 = tpu.memref_slice %arg10[%add3A_178, %dma_start3A_198] : memref<80x128xi32, #tpu.memory_space<vmem>> -> memref<1x128xi32, #tpu.memory_space<vmem>>
      %dma_start3A_200 = tpu.memref_squeeze %dma_start3A_199 : memref<1x128xi32, #tpu.memory_space<vmem>> -> memref<128xi32, #tpu.memory_space<vmem>>
      %dma_start3A_201 = arith.constant 0 : i32
      %dma_start3A_202 = arith.constant 0 : i32
      %dma_start3A_203 = tpu.memref_slice %arg17[%dma_start3A_201, %dma_start3A_202] : memref<10240x64xf32, #tpu.memory_space<vmem_shared>> -> memref<10240x64xf32, #tpu.memory_space<vmem_shared>>
      tpu.enqueue_indirect_dma source(%arg14 : memref<128x64xf32, #tpu.memory_space<vmem>>) target(%dma_start3A_203 : memref<10240x64xf32, #tpu.memory_space<vmem_shared>>) offsets(%dma_start3A_200 : memref<128xi32, #tpu.memory_space<vmem>>) semaphore(%arg20 : memref<!tpu.dma_semaphore, #tpu.memory_space<semaphore_mem>>) {add = true}
      %mul3A_204 = arith.constant 5 : i32
      %mul3A_205 = arith.muli %mul3A_204, %scan3A_117 : i32
      %add3A_206 = arith.constant 3 : i32
      %add3A_207 = arith.addi %mul3A_205, %add3A_206 : i32
      %add3A_208 = arith.constant 2 : i32
      %add3A_209 = arith.addi %add3A_207, %add3A_208 : i32
      %lt3A_210 = arith.constant 80 : i32
      %lt3A_211 = arith.cmpi slt, %add3A_209, %lt3A_210 : i32
      %convert_element_type3A_212 = arith.extui %lt3A_211 : i1 to i32
      %cond3A_213 = arith.constant 0 : i32
      %cond3A_214 = arith.cmpi ne, %convert_element_type3A_212, %cond3A_213 : i32
      scf.if %cond3A_214 {
        %ge3A = arith.constant 5 : i32
        %ge3A_262 = arith.cmpi sge, %add3A_209, %ge3A : i32
        %convert_element_type3A_263 = arith.extui %ge3A_262 : i1 to i32
        %cond3A_264 = arith.constant 0 : i32
        %cond3A_265 = arith.cmpi ne, %convert_element_type3A_263, %cond3A_264 : i32
        scf.if %cond3A_265 {
          %dma_wait3A_272 = arith.constant 0 : i32
          %dma_wait3A_273 = arith.constant 0 : i32
          %dma_wait3A_274 = tpu.memref_slice %arg10[%dma_wait3A_272, %dma_wait3A_273] : memref<80x128xi32, #tpu.memory_space<vmem>> -> memref<1x128xi32, #tpu.memory_space<vmem>>
          %dma_wait3A_275 = tpu.memref_squeeze %dma_wait3A_274 : memref<1x128xi32, #tpu.memory_space<vmem>> -> memref<128xi32, #tpu.memory_space<vmem>>
          %dma_wait3A_276 = arith.constant 0 : i32
          %dma_wait3A_277 = arith.constant 0 : i32
          %dma_wait3A_278 = tpu.memref_slice %arg17[%dma_wait3A_276, %dma_wait3A_277] : memref<10240x64xf32, #tpu.memory_space<vmem_shared>> -> memref<10240x64xf32, #tpu.memory_space<vmem_shared>>
          tpu.wait_indirect_dma semaphore(%arg18 : memref<!tpu.dma_semaphore, #tpu.memory_space<semaphore_mem>>) src(%arg12 : memref<128x64xf32, #tpu.memory_space<vmem>>) dst(%dma_wait3A_278 : memref<10240x64xf32, #tpu.memory_space<vmem_shared>>)
        } else {
        }
        %dma_start3A_266 = arith.constant 0 : i32
        %dma_start3A_267 = tpu.memref_slice %arg9[%add3A_209, %dma_start3A_266] : memref<80x128xi32, #tpu.memory_space<vmem>> -> memref<1x128xi32, #tpu.memory_space<vmem>>
        %dma_start3A_268 = tpu.memref_squeeze %dma_start3A_267 : memref<1x128xi32, #tpu.memory_space<vmem>> -> memref<128xi32, #tpu.memory_space<vmem>>
        %dma_start3A_269 = arith.constant 0 : i32
        %dma_start3A_270 = arith.constant 0 : i32
        %dma_start3A_271 = tpu.memref_slice %arg2[%dma_start3A_269, %dma_start3A_270] : memref<10240x64xf32, #tpu.memory_space<hbm>> -> memref<10240x64xf32, #tpu.memory_space<hbm>>
        tpu.enqueue_indirect_dma source(%dma_start3A_271 : memref<10240x64xf32, #tpu.memory_space<hbm>>) target(%arg12 : memref<128x64xf32, #tpu.memory_space<vmem>>) offsets(%dma_start3A_268 : memref<128xi32, #tpu.memory_space<vmem>>) semaphore(%arg18 : memref<!tpu.dma_semaphore, #tpu.memory_space<semaphore_mem>>)
      } else {
      }
      %dma_wait3A_215 = arith.constant 0 : i32
      %dma_wait3A_216 = tpu.memref_slice %arg9[%add3A_207, %dma_wait3A_215] : memref<80x128xi32, #tpu.memory_space<vmem>> -> memref<1x128xi32, #tpu.memory_space<vmem>>
      %dma_wait3A_217 = tpu.memref_squeeze %dma_wait3A_216 : memref<1x128xi32, #tpu.memory_space<vmem>> -> memref<128xi32, #tpu.memory_space<vmem>>
      %dma_wait3A_218 = arith.constant 0 : i32
      %dma_wait3A_219 = arith.constant 0 : i32
      %dma_wait3A_220 = tpu.memref_slice %arg2[%dma_wait3A_218, %dma_wait3A_219] : memref<10240x64xf32, #tpu.memory_space<hbm>> -> memref<10240x64xf32, #tpu.memory_space<hbm>>
      tpu.wait_indirect_dma semaphore(%arg21 : memref<!tpu.dma_semaphore, #tpu.memory_space<semaphore_mem>>) src(%dma_wait3A_220 : memref<10240x64xf32, #tpu.memory_space<hbm>>) dst(%arg15 : memref<128x64xf32, #tpu.memory_space<vmem>>)
      %scan3A_221 = arith.constant 0 : i32
      %scan3A_222 = arith.constant 0 : i32
      %scan3A_223 = arith.constant 8 : i32
      %scan3A_224 = arith.addi %scan3A_222, %scan3A_223 : i32
      %scan3A_225 = arith.constant 1 : i32
      scf.for %scan3A_262 = %scan3A_222 to %scan3A_224 step %scan3A_225  : i32 {
        %mul3A_263 = arith.constant 16 : i32
        %mul3A_264 = arith.muli %scan3A_262, %mul3A_263 : i32
        %get3A = arith.index_cast %add3A_207 : i32 to index
        %get3A_265 = arith.index_cast %mul3A_264 : i32 to index
        %get3A_266 = tpu.vector_load %arg11[%get3A, %get3A_265] {strides = array<i32>} : memref<80x128xf32, #tpu.memory_space<vmem>>, vector<1x16xf32>,
        %get3A_267 = vector.shape_cast %get3A_266 : vector<1x16xf32> to vector<16xf32>
        %mul3A_268 = arith.constant 16 : i32
        %mul3A_269 = arith.muli %scan3A_262, %mul3A_268 : i32
        %add3A_270 = arith.constant 0 : i32
        %add3A_271 = arith.addi %mul3A_269, %add3A_270 : i32
        %slice3A = vector.extract_strided_slice %get3A_267 {offsets = [0], sizes = [1], strides = [1]} : vector<16xf32> to vector<1xf32>
        %squeeze3A = vector.extract %slice3A[0] : f32 from vector<1xf32>
        %get3A_272 = arith.index_cast %add3A_271 : i32 to index
        %get3A_273 = arith.constant 0 : index
        %get3A_274 = tpu.vector_load %arg15[%get3A_272, %get3A_273] {strides = array<i32>} : memref<128x64xf32, #tpu.memory_space<vmem>>, vector<1x16xf32>,
        %get3A_275 = vector.shape_cast %get3A_274 : vector<1x16xf32> to vector<16xf32>
        %mul3A_276 = vector.broadcast %squeeze3A : f32 to vector<16xf32>
        %mul3A_277 = arith.mulf %get3A_275, %mul3A_276 : vector<16xf32>
        %swap3A = arith.index_cast %add3A_271 : i32 to index
        %swap3A_278 = arith.constant 0 : index
        %swap3A_279 = tpu.vector_load %arg15[%swap3A, %swap3A_278] {strides = array<i32>} : memref<128x64xf32, #tpu.memory_space<vmem>>, vector<1x16xf32>,
        %swap3A_280 = vector.shape_cast %swap3A_279 : vector<1x16xf32> to vector<16xf32>
        %swap3A_281 = vector.shape_cast %mul3A_277 : vector<16xf32> to vector<1x16xf32>
        tpu.vector_store %arg15[%swap3A, %swap3A_278], %swap3A_281 {strides = array<i32>} : memref<128x64xf32, #tpu.memory_space<vmem>>, vector<1x16xf32>,
        %get3A_282 = arith.index_cast %add3A_271 : i32 to index
        %get3A_283 = arith.constant 16 : index
        %get3A_284 = tpu.vector_load %arg15[%get3A_282, %get3A_283] {strides = array<i32>} : memref<128x64xf32, #tpu.memory_space<vmem>>, vector<1x16xf32>,
        %get3A_285 = vector.shape_cast %get3A_284 : vector<1x16xf32> to vector<16xf32>
        %mul3A_286 = vector.broadcast %squeeze3A : f32 to vector<16xf32>
        %mul3A_287 = arith.mulf %get3A_285, %mul3A_286 : vector<16xf32>
        %swap3A_288 = arith.index_cast %add3A_271 : i32 to index
        %swap3A_289 = arith.constant 16 : index
        %swap3A_290 = tpu.vector_load %arg15[%swap3A_288, %swap3A_289] {strides = array<i32>} : memref<128x64xf32, #tpu.memory_space<vmem>>, vector<1x16xf32>,
        %swap3A_291 = vector.shape_cast %swap3A_290 : vector<1x16xf32> to vector<16xf32>
        %swap3A_292 = vector.shape_cast %mul3A_287 : vector<16xf32> to vector<1x16xf32>
        tpu.vector_store %arg15[%swap3A_288, %swap3A_289], %swap3A_292 {strides = array<i32>} : memref<128x64xf32, #tpu.memory_space<vmem>>, vector<1x16xf32>,
        %get3A_293 = arith.index_cast %add3A_271 : i32 to index
        %get3A_294 = arith.constant 32 : index
        %get3A_295 = tpu.vector_load %arg15[%get3A_293, %get3A_294] {strides = array<i32>} : memref<128x64xf32, #tpu.memory_space<vmem>>, vector<1x16xf32>,
        %get3A_296 = vector.shape_cast %get3A_295 : vector<1x16xf32> to vector<16xf32>
        %mul3A_297 = vector.broadcast %squeeze3A : f32 to vector<16xf32>
        %mul3A_298 = arith.mulf %get3A_296, %mul3A_297 : vector<16xf32>
        %swap3A_299 = arith.index_cast %add3A_271 : i32 to index
        %swap3A_300 = arith.constant 32 : index
        %swap3A_301 = tpu.vector_load %arg15[%swap3A_299, %swap3A_300] {strides = array<i32>} : memref<128x64xf32, #tpu.memory_space<vmem>>, vector<1x16xf32>,
        %swap3A_302 = vector.shape_cast %swap3A_301 : vector<1x16xf32> to vector<16xf32>
        %swap3A_303 = vector.shape_cast %mul3A_298 : vector<16xf32> to vector<1x16xf32>
        tpu.vector_store %arg15[%swap3A_299, %swap3A_300], %swap3A_303 {strides = array<i32>} : memref<128x64xf32, #tpu.memory_space<vmem>>, vector<1x16xf32>,
        %get3A_304 = arith.index_cast %add3A_271 : i32 to index
        %get3A_305 = arith.constant 48 : index
        %get3A_306 = tpu.vector_load %arg15[%get3A_304, %get3A_305] {strides = array<i32>} : memref<128x64xf32, #tpu.memory_space<vmem>>, vector<1x16xf32>,
        %get3A_307 = vector.shape_cast %get3A_306 : vector<1x16xf32> to vector<16xf32>
        %mul3A_308 = vector.broadcast %squeeze3A : f32 to vector<16xf32>
        %mul3A_309 = arith.mulf %get3A_307, %mul3A_308 : vector<16xf32>
        %swap3A_310 = arith.index_cast %add3A_271 : i32 to index
        %swap3A_311 = arith.constant 48 : index
        %swap3A_312 = tpu.vector_load %arg15[%swap3A_310, %swap3A_311] {strides = array<i32>} : memref<128x64xf32, #tpu.memory_space<vmem>>, vector<1x16xf32>,
        %swap3A_313 = vector.shape_cast %swap3A_312 : vector<1x16xf32> to vector<16xf32>
        %swap3A_314 = vector.shape_cast %mul3A_309 : vector<16xf32> to vector<1x16xf32>
        tpu.vector_store %arg15[%swap3A_310, %swap3A_311], %swap3A_314 {strides = array<i32>} : memref<128x64xf32, #tpu.memory_space<vmem>>, vector<1x16xf32>,
        %mul3A_315 = arith.constant 16 : i32
        %mul3A_316 = arith.muli %scan3A_262, %mul3A_315 : i32
        %add3A_317 = arith.constant 1 : i32
        %add3A_318 = arith.addi %mul3A_316, %add3A_317 : i32
        %slice3A_319 = vector.extract_strided_slice %get3A_267 {offsets = [1], sizes = [1], strides = [1]} : vector<16xf32> to vector<1xf32>
        %squeeze3A_320 = vector.extract %slice3A_319[0] : f32 from vector<1xf32>
        %get3A_321 = arith.index_cast %add3A_318 : i32 to index
        %get3A_322 = arith.constant 0 : index
        %get3A_323 = tpu.vector_load %arg15[%get3A_321, %get3A_322] {strides = array<i32>} : memref<128x64xf32, #tpu.memory_space<vmem>>, vector<1x16xf32>,
        %get3A_324 = vector.shape_cast %get3A_323 : vector<1x16xf32> to vector<16xf32>
        %mul3A_325 = vector.broadcast %squeeze3A_320 : f32 to vector<16xf32>
        %mul3A_326 = arith.mulf %get3A_324, %mul3A_325 : vector<16xf32>
        %swap3A_327 = arith.index_cast %add3A_318 : i32 to index
        %swap3A_328 = arith.constant 0 : index
        %swap3A_329 = tpu.vector_load %arg15[%swap3A_327, %swap3A_328] {strides = array<i32>} : memref<128x64xf32, #tpu.memory_space<vmem>>, vector<1x16xf32>,
        %swap3A_330 = vector.shape_cast %swap3A_329 : vector<1x16xf32> to vector<16xf32>
        %swap3A_331 = vector.shape_cast %mul3A_326 : vector<16xf32> to vector<1x16xf32>
        tpu.vector_store %arg15[%swap3A_327, %swap3A_328], %swap3A_331 {strides = array<i32>} : memref<128x64xf32, #tpu.memory_space<vmem>>, vector<1x16xf32>,
        %get3A_332 = arith.index_cast %add3A_318 : i32 to index
        %get3A_333 = arith.constant 16 : index
        %get3A_334 = tpu.vector_load %arg15[%get3A_332, %get3A_333] {strides = array<i32>} : memref<128x64xf32, #tpu.memory_space<vmem>>, vector<1x16xf32>,
        %get3A_335 = vector.shape_cast %get3A_334 : vector<1x16xf32> to vector<16xf32>
        %mul3A_336 = vector.broadcast %squeeze3A_320 : f32 to vector<16xf32>
        %mul3A_337 = arith.mulf %get3A_335, %mul3A_336 : vector<16xf32>
        %swap3A_338 = arith.index_cast %add3A_318 : i32 to index
        %swap3A_339 = arith.constant 16 : index
        %swap3A_340 = tpu.vector_load %arg15[%swap3A_338, %swap3A_339] {strides = array<i32>} : memref<128x64xf32, #tpu.memory_space<vmem>>, vector<1x16xf32>,
        %swap3A_341 = vector.shape_cast %swap3A_340 : vector<1x16xf32> to vector<16xf32>
        %swap3A_342 = vector.shape_cast %mul3A_337 : vector<16xf32> to vector<1x16xf32>
        tpu.vector_store %arg15[%swap3A_338, %swap3A_339], %swap3A_342 {strides = array<i32>} : memref<128x64xf32, #tpu.memory_space<vmem>>, vector<1x16xf32>,
        %get3A_343 = arith.index_cast %add3A_318 : i32 to index
        %get3A_344 = arith.constant 32 : index
        %get3A_345 = tpu.vector_load %arg15[%get3A_343, %get3A_344] {strides = array<i32>} : memref<128x64xf32, #tpu.memory_space<vmem>>, vector<1x16xf32>,
        %get3A_346 = vector.shape_cast %get3A_345 : vector<1x16xf32> to vector<16xf32>
        %mul3A_347 = vector.broadcast %squeeze3A_320 : f32 to vector<16xf32>
        %mul3A_348 = arith.mulf %get3A_346, %mul3A_347 : vector<16xf32>
        %swap3A_349 = arith.index_cast %add3A_318 : i32 to index
        %swap3A_350 = arith.constant 32 : index
        %swap3A_351 = tpu.vector_load %arg15[%swap3A_349, %swap3A_350] {strides = array<i32>} : memref<128x64xf32, #tpu.memory_space<vmem>>, vector<1x16xf32>,
        %swap3A_352 = vector.shape_cast %swap3A_351 : vector<1x16xf32> to vector<16xf32>
        %swap3A_353 = vector.shape_cast %mul3A_348 : vector<16xf32> to vector<1x16xf32>
        tpu.vector_store %arg15[%swap3A_349, %swap3A_350], %swap3A_353 {strides = array<i32>} : memref<128x64xf32, #tpu.memory_space<vmem>>, vector<1x16xf32>,
        %get3A_354 = arith.index_cast %add3A_318 : i32 to index
        %get3A_355 = arith.constant 48 : index
        %get3A_356 = tpu.vector_load %arg15[%get3A_354, %get3A_355] {strides = array<i32>} : memref<128x64xf32, #tpu.memory_space<vmem>>, vector<1x16xf32>,
        %get3A_357 = vector.shape_cast %get3A_356 : vector<1x16xf32> to vector<16xf32>
        %mul3A_358 = vector.broadcast %squeeze3A_320 : f32 to vector<16xf32>
        %mul3A_359 = arith.mulf %get3A_357, %mul3A_358 : vector<16xf32>
        %swap3A_360 = arith.index_cast %add3A_318 : i32 to index
        %swap3A_361 = arith.constant 48 : index
        %swap3A_362 = tpu.vector_load %arg15[%swap3A_360, %swap3A_361] {strides = array<i32>} : memref<128x64xf32, #tpu.memory_space<vmem>>, vector<1x16xf32>,
        %swap3A_363 = vector.shape_cast %swap3A_362 : vector<1x16xf32> to vector<16xf32>
        %swap3A_364 = vector.shape_cast %mul3A_359 : vector<16xf32> to vector<1x16xf32>
        tpu.vector_store %arg15[%swap3A_360, %swap3A_361], %swap3A_364 {strides = array<i32>} : memref<128x64xf32, #tpu.memory_space<vmem>>, vector<1x16xf32>,
        %mul3A_365 = arith.constant 16 : i32
        %mul3A_366 = arith.muli %scan3A_262, %mul3A_365 : i32
        %add3A_367 = arith.constant 2 : i32
        %add3A_368 = arith.addi %mul3A_366, %add3A_367 : i32
        %slice3A_369 = vector.extract_strided_slice %get3A_267 {offsets = [2], sizes = [1], strides = [1]} : vector<16xf32> to vector<1xf32>
        %squeeze3A_370 = vector.extract %slice3A_369[0] : f32 from vector<1xf32>
        %get3A_371 = arith.index_cast %add3A_368 : i32 to index
        %get3A_372 = arith.constant 0 : index
        %get3A_373 = tpu.vector_load %arg15[%get3A_371, %get3A_372] {strides = array<i32>} : memref<128x64xf32, #tpu.memory_space<vmem>>, vector<1x16xf32>,
        %get3A_374 = vector.shape_cast %get3A_373 : vector<1x16xf32> to vector<16xf32>
        %mul3A_375 = vector.broadcast %squeeze3A_370 : f32 to vector<16xf32>
        %mul3A_376 = arith.mulf %get3A_374, %mul3A_375 : vector<16xf32>
        %swap3A_377 = arith.index_cast %add3A_368 : i32 to index
        %swap3A_378 = arith.constant 0 : index
        %swap3A_379 = tpu.vector_load %arg15[%swap3A_377, %swap3A_378] {strides = array<i32>} : memref<128x64xf32, #tpu.memory_space<vmem>>, vector<1x16xf32>,
        %swap3A_380 = vector.shape_cast %swap3A_379 : vector<1x16xf32> to vector<16xf32>
        %swap3A_381 = vector.shape_cast %mul3A_376 : vector<16xf32> to vector<1x16xf32>
        tpu.vector_store %arg15[%swap3A_377, %swap3A_378], %swap3A_381 {strides = array<i32>} : memref<128x64xf32, #tpu.memory_space<vmem>>, vector<1x16xf32>,
        %get3A_382 = arith.index_cast %add3A_368 : i32 to index
        %get3A_383 = arith.constant 16 : index
        %get3A_384 = tpu.vector_load %arg15[%get3A_382, %get3A_383] {strides = array<i32>} : memref<128x64xf32, #tpu.memory_space<vmem>>, vector<1x16xf32>,
        %get3A_385 = vector.shape_cast %get3A_384 : vector<1x16xf32> to vector<16xf32>
        %mul3A_386 = vector.broadcast %squeeze3A_370 : f32 to vector<16xf32>
        %mul3A_387 = arith.mulf %get3A_385, %mul3A_386 : vector<16xf32>
        %swap3A_388 = arith.index_cast %add3A_368 : i32 to index
        %swap3A_389 = arith.constant 16 : index
        %swap3A_390 = tpu.vector_load %arg15[%swap3A_388, %swap3A_389] {strides = array<i32>} : memref<128x64xf32, #tpu.memory_space<vmem>>, vector<1x16xf32>,
        %swap3A_391 = vector.shape_cast %swap3A_390 : vector<1x16xf32> to vector<16xf32>
        %swap3A_392 = vector.shape_cast %mul3A_387 : vector<16xf32> to vector<1x16xf32>
        tpu.vector_store %arg15[%swap3A_388, %swap3A_389], %swap3A_392 {strides = array<i32>} : memref<128x64xf32, #tpu.memory_space<vmem>>, vector<1x16xf32>,
        %get3A_393 = arith.index_cast %add3A_368 : i32 to index
        %get3A_394 = arith.constant 32 : index
        %get3A_395 = tpu.vector_load %arg15[%get3A_393, %get3A_394] {strides = array<i32>} : memref<128x64xf32, #tpu.memory_space<vmem>>, vector<1x16xf32>,
        %get3A_396 = vector.shape_cast %get3A_395 : vector<1x16xf32> to vector<16xf32>
        %mul3A_397 = vector.broadcast %squeeze3A_370 : f32 to vector<16xf32>
        %mul3A_398 = arith.mulf %get3A_396, %mul3A_397 : vector<16xf32>
        %swap3A_399 = arith.index_cast %add3A_368 : i32 to index
        %swap3A_400 = arith.constant 32 : index
        %swap3A_401 = tpu.vector_load %arg15[%swap3A_399, %swap3A_400] {strides = array<i32>} : memref<128x64xf32, #tpu.memory_space<vmem>>, vector<1x16xf32>,
        %swap3A_402 = vector.shape_cast %swap3A_401 : vector<1x16xf32> to vector<16xf32>
        %swap3A_403 = vector.shape_cast %mul3A_398 : vector<16xf32> to vector<1x16xf32>
        tpu.vector_store %arg15[%swap3A_399, %swap3A_400], %swap3A_403 {strides = array<i32>} : memref<128x64xf32, #tpu.memory_space<vmem>>, vector<1x16xf32>,
        %get3A_404 = arith.index_cast %add3A_368 : i32 to index
        %get3A_405 = arith.constant 48 : index
        %get3A_406 = tpu.vector_load %arg15[%get3A_404, %get3A_405] {strides = array<i32>} : memref<128x64xf32, #tpu.memory_space<vmem>>, vector<1x16xf32>,
        %get3A_407 = vector.shape_cast %get3A_406 : vector<1x16xf32> to vector<16xf32>
        %mul3A_408 = vector.broadcast %squeeze3A_370 : f32 to vector<16xf32>
        %mul3A_409 = arith.mulf %get3A_407, %mul3A_408 : vector<16xf32>
        %swap3A_410 = arith.index_cast %add3A_368 : i32 to index
        %swap3A_411 = arith.constant 48 : index
        %swap3A_412 = tpu.vector_load %arg15[%swap3A_410, %swap3A_411] {strides = array<i32>} : memref<128x64xf32, #tpu.memory_space<vmem>>, vector<1x16xf32>,
        %swap3A_413 = vector.shape_cast %swap3A_412 : vector<1x16xf32> to vector<16xf32>
        %swap3A_414 = vector.shape_cast %mul3A_409 : vector<16xf32> to vector<1x16xf32>
        tpu.vector_store %arg15[%swap3A_410, %swap3A_411], %swap3A_414 {strides = array<i32>} : memref<128x64xf32, #tpu.memory_space<vmem>>, vector<1x16xf32>,
        %mul3A_415 = arith.constant 16 : i32
        %mul3A_416 = arith.muli %scan3A_262, %mul3A_415 : i32
        %add3A_417 = arith.constant 3 : i32
        %add3A_418 = arith.addi %mul3A_416, %add3A_417 : i32
        %slice3A_419 = vector.extract_strided_slice %get3A_267 {offsets = [3], sizes = [1], strides = [1]} : vector<16xf32> to vector<1xf32>
        %squeeze3A_420 = vector.extract %slice3A_419[0] : f32 from vector<1xf32>
        %get3A_421 = arith.index_cast %add3A_418 : i32 to index
        %get3A_422 = arith.constant 0 : index
        %get3A_423 = tpu.vector_load %arg15[%get3A_421, %get3A_422] {strides = array<i32>} : memref<128x64xf32, #tpu.memory_space<vmem>>, vector<1x16xf32>,
        %get3A_424 = vector.shape_cast %get3A_423 : vector<1x16xf32> to vector<16xf32>
        %mul3A_425 = vector.broadcast %squeeze3A_420 : f32 to vector<16xf32>
        %mul3A_426 = arith.mulf %get3A_424, %mul3A_425 : vector<16xf32>
        %swap3A_427 = arith.index_cast %add3A_418 : i32 to index
        %swap3A_428 = arith.constant 0 : index
        %swap3A_429 = tpu.vector_load %arg15[%swap3A_427, %swap3A_428] {strides = array<i32>} : memref<128x64xf32, #tpu.memory_space<vmem>>, vector<1x16xf32>,
        %swap3A_430 = vector.shape_cast %swap3A_429 : vector<1x16xf32> to vector<16xf32>
        %swap3A_431 = vector.shape_cast %mul3A_426 : vector<16xf32> to vector<1x16xf32>
        tpu.vector_store %arg15[%swap3A_427, %swap3A_428], %swap3A_431 {strides = array<i32>} : memref<128x64xf32, #tpu.memory_space<vmem>>, vector<1x16xf32>,
        %get3A_432 = arith.index_cast %add3A_418 : i32 to index
        %get3A_433 = arith.constant 16 : index
        %get3A_434 = tpu.vector_load %arg15[%get3A_432, %get3A_433] {strides = array<i32>} : memref<128x64xf32, #tpu.memory_space<vmem>>, vector<1x16xf32>,
        %get3A_435 = vector.shape_cast %get3A_434 : vector<1x16xf32> to vector<16xf32>
        %mul3A_436 = vector.broadcast %squeeze3A_420 : f32 to vector<16xf32>
        %mul3A_437 = arith.mulf %get3A_435, %mul3A_436 : vector<16xf32>
        %swap3A_438 = arith.index_cast %add3A_418 : i32 to index
        %swap3A_439 = arith.constant 16 : index
        %swap3A_440 = tpu.vector_load %arg15[%swap3A_438, %swap3A_439] {strides = array<i32>} : memref<128x64xf32, #tpu.memory_space<vmem>>, vector<1x16xf32>,
        %swap3A_441 = vector.shape_cast %swap3A_440 : vector<1x16xf32> to vector<16xf32>
        %swap3A_442 = vector.shape_cast %mul3A_437 : vector<16xf32> to vector<1x16xf32>
        tpu.vector_store %arg15[%swap3A_438, %swap3A_439], %swap3A_442 {strides = array<i32>} : memref<128x64xf32, #tpu.memory_space<vmem>>, vector<1x16xf32>,
        %get3A_443 = arith.index_cast %add3A_418 : i32 to index
        %get3A_444 = arith.constant 32 : index
        %get3A_445 = tpu.vector_load %arg15[%get3A_443, %get3A_444] {strides = array<i32>} : memref<128x64xf32, #tpu.memory_space<vmem>>, vector<1x16xf32>,
        %get3A_446 = vector.shape_cast %get3A_445 : vector<1x16xf32> to vector<16xf32>
        %mul3A_447 = vector.broadcast %squeeze3A_420 : f32 to vector<16xf32>
        %mul3A_448 = arith.mulf %get3A_446, %mul3A_447 : vector<16xf32>
        %swap3A_449 = arith.index_cast %add3A_418 : i32 to index
        %swap3A_450 = arith.constant 32 : index
        %swap3A_451 = tpu.vector_load %arg15[%swap3A_449, %swap3A_450] {strides = array<i32>} : memref<128x64xf32, #tpu.memory_space<vmem>>, vector<1x16xf32>,
        %swap3A_452 = vector.shape_cast %swap3A_451 : vector<1x16xf32> to vector<16xf32>
        %swap3A_453 = vector.shape_cast %mul3A_448 : vector<16xf32> to vector<1x16xf32>
        tpu.vector_store %arg15[%swap3A_449, %swap3A_450], %swap3A_453 {strides = array<i32>} : memref<128x64xf32, #tpu.memory_space<vmem>>, vector<1x16xf32>,
        %get3A_454 = arith.index_cast %add3A_418 : i32 to index
        %get3A_455 = arith.constant 48 : index
        %get3A_456 = tpu.vector_load %arg15[%get3A_454, %get3A_455] {strides = array<i32>} : memref<128x64xf32, #tpu.memory_space<vmem>>, vector<1x16xf32>,
        %get3A_457 = vector.shape_cast %get3A_456 : vector<1x16xf32> to vector<16xf32>
        %mul3A_458 = vector.broadcast %squeeze3A_420 : f32 to vector<16xf32>
        %mul3A_459 = arith.mulf %get3A_457, %mul3A_458 : vector<16xf32>
        %swap3A_460 = arith.index_cast %add3A_418 : i32 to index
        %swap3A_461 = arith.constant 48 : index
        %swap3A_462 = tpu.vector_load %arg15[%swap3A_460, %swap3A_461] {strides = array<i32>} : memref<128x64xf32, #tpu.memory_space<vmem>>, vector<1x16xf32>,
        %swap3A_463 = vector.shape_cast %swap3A_462 : vector<1x16xf32> to vector<16xf32>
        %swap3A_464 = vector.shape_cast %mul3A_459 : vector<16xf32> to vector<1x16xf32>
        tpu.vector_store %arg15[%swap3A_460, %swap3A_461], %swap3A_464 {strides = array<i32>} : memref<128x64xf32, #tpu.memory_space<vmem>>, vector<1x16xf32>,
        %mul3A_465 = arith.constant 16 : i32
        %mul3A_466 = arith.muli %scan3A_262, %mul3A_465 : i32
        %add3A_467 = arith.constant 4 : i32
        %add3A_468 = arith.addi %mul3A_466, %add3A_467 : i32
        %slice3A_469 = vector.extract_strided_slice %get3A_267 {offsets = [4], sizes = [1], strides = [1]} : vector<16xf32> to vector<1xf32>
        %squeeze3A_470 = vector.extract %slice3A_469[0] : f32 from vector<1xf32>
        %get3A_471 = arith.index_cast %add3A_468 : i32 to index
        %get3A_472 = arith.constant 0 : index
        %get3A_473 = tpu.vector_load %arg15[%get3A_471, %get3A_472] {strides = array<i32>} : memref<128x64xf32, #tpu.memory_space<vmem>>, vector<1x16xf32>,
        %get3A_474 = vector.shape_cast %get3A_473 : vector<1x16xf32> to vector<16xf32>
        %mul3A_475 = vector.broadcast %squeeze3A_470 : f32 to vector<16xf32>
        %mul3A_476 = arith.mulf %get3A_474, %mul3A_475 : vector<16xf32>
        %swap3A_477 = arith.index_cast %add3A_468 : i32 to index
        %swap3A_478 = arith.constant 0 : index
        %swap3A_479 = tpu.vector_load %arg15[%swap3A_477, %swap3A_478] {strides = array<i32>} : memref<128x64xf32, #tpu.memory_space<vmem>>, vector<1x16xf32>,
        %swap3A_480 = vector.shape_cast %swap3A_479 : vector<1x16xf32> to vector<16xf32>
        %swap3A_481 = vector.shape_cast %mul3A_476 : vector<16xf32> to vector<1x16xf32>
        tpu.vector_store %arg15[%swap3A_477, %swap3A_478], %swap3A_481 {strides = array<i32>} : memref<128x64xf32, #tpu.memory_space<vmem>>, vector<1x16xf32>,
        %get3A_482 = arith.index_cast %add3A_468 : i32 to index
        %get3A_483 = arith.constant 16 : index
        %get3A_484 = tpu.vector_load %arg15[%get3A_482, %get3A_483] {strides = array<i32>} : memref<128x64xf32, #tpu.memory_space<vmem>>, vector<1x16xf32>,
        %get3A_485 = vector.shape_cast %get3A_484 : vector<1x16xf32> to vector<16xf32>
        %mul3A_486 = vector.broadcast %squeeze3A_470 : f32 to vector<16xf32>
        %mul3A_487 = arith.mulf %get3A_485, %mul3A_486 : vector<16xf32>
        %swap3A_488 = arith.index_cast %add3A_468 : i32 to index
        %swap3A_489 = arith.constant 16 : index
        %swap3A_490 = tpu.vector_load %arg15[%swap3A_488, %swap3A_489] {strides = array<i32>} : memref<128x64xf32, #tpu.memory_space<vmem>>, vector<1x16xf32>,
        %swap3A_491 = vector.shape_cast %swap3A_490 : vector<1x16xf32> to vector<16xf32>
        %swap3A_492 = vector.shape_cast %mul3A_487 : vector<16xf32> to vector<1x16xf32>
        tpu.vector_store %arg15[%swap3A_488, %swap3A_489], %swap3A_492 {strides = array<i32>} : memref<128x64xf32, #tpu.memory_space<vmem>>, vector<1x16xf32>,
        %get3A_493 = arith.index_cast %add3A_468 : i32 to index
        %get3A_494 = arith.constant 32 : index
        %get3A_495 = tpu.vector_load %arg15[%get3A_493, %get3A_494] {strides = array<i32>} : memref<128x64xf32, #tpu.memory_space<vmem>>, vector<1x16xf32>,
        %get3A_496 = vector.shape_cast %get3A_495 : vector<1x16xf32> to vector<16xf32>
        %mul3A_497 = vector.broadcast %squeeze3A_470 : f32 to vector<16xf32>
        %mul3A_498 = arith.mulf %get3A_496, %mul3A_497 : vector<16xf32>
        %swap3A_499 = arith.index_cast %add3A_468 : i32 to index
        %swap3A_500 = arith.constant 32 : index
        %swap3A_501 = tpu.vector_load %arg15[%swap3A_499, %swap3A_500] {strides = array<i32>} : memref<128x64xf32, #tpu.memory_space<vmem>>, vector<1x16xf32>,
        %swap3A_502 = vector.shape_cast %swap3A_501 : vector<1x16xf32> to vector<16xf32>
        %swap3A_503 = vector.shape_cast %mul3A_498 : vector<16xf32> to vector<1x16xf32>
        tpu.vector_store %arg15[%swap3A_499, %swap3A_500], %swap3A_503 {strides = array<i32>} : memref<128x64xf32, #tpu.memory_space<vmem>>, vector<1x16xf32>,
        %get3A_504 = arith.index_cast %add3A_468 : i32 to index
        %get3A_505 = arith.constant 48 : index
        %get3A_506 = tpu.vector_load %arg15[%get3A_504, %get3A_505] {strides = array<i32>} : memref<128x64xf32, #tpu.memory_space<vmem>>, vector<1x16xf32>,
        %get3A_507 = vector.shape_cast %get3A_506 : vector<1x16xf32> to vector<16xf32>
        %mul3A_508 = vector.broadcast %squeeze3A_470 : f32 to vector<16xf32>
        %mul3A_509 = arith.mulf %get3A_507, %mul3A_508 : vector<16xf32>
        %swap3A_510 = arith.index_cast %add3A_468 : i32 to index
        %swap3A_511 = arith.constant 48 : index
        %swap3A_512 = tpu.vector_load %arg15[%swap3A_510, %swap3A_511] {strides = array<i32>} : memref<128x64xf32, #tpu.memory_space<vmem>>, vector<1x16xf32>,
        %swap3A_513 = vector.shape_cast %swap3A_512 : vector<1x16xf32> to vector<16xf32>
        %swap3A_514 = vector.shape_cast %mul3A_509 : vector<16xf32> to vector<1x16xf32>
        tpu.vector_store %arg15[%swap3A_510, %swap3A_511], %swap3A_514 {strides = array<i32>} : memref<128x64xf32, #tpu.memory_space<vmem>>, vector<1x16xf32>,
        %mul3A_515 = arith.constant 16 : i32
        %mul3A_516 = arith.muli %scan3A_262, %mul3A_515 : i32
        %add3A_517 = arith.constant 5 : i32
        %add3A_518 = arith.addi %mul3A_516, %add3A_517 : i32
        %slice3A_519 = vector.extract_strided_slice %get3A_267 {offsets = [5], sizes = [1], strides = [1]} : vector<16xf32> to vector<1xf32>
        %squeeze3A_520 = vector.extract %slice3A_519[0] : f32 from vector<1xf32>
        %get3A_521 = arith.index_cast %add3A_518 : i32 to index
        %get3A_522 = arith.constant 0 : index
        %get3A_523 = tpu.vector_load %arg15[%get3A_521, %get3A_522] {strides = array<i32>} : memref<128x64xf32, #tpu.memory_space<vmem>>, vector<1x16xf32>,
        %get3A_524 = vector.shape_cast %get3A_523 : vector<1x16xf32> to vector<16xf32>
        %mul3A_525 = vector.broadcast %squeeze3A_520 : f32 to vector<16xf32>
        %mul3A_526 = arith.mulf %get3A_524, %mul3A_525 : vector<16xf32>
        %swap3A_527 = arith.index_cast %add3A_518 : i32 to index
        %swap3A_528 = arith.constant 0 : index
        %swap3A_529 = tpu.vector_load %arg15[%swap3A_527, %swap3A_528] {strides = array<i32>} : memref<128x64xf32, #tpu.memory_space<vmem>>, vector<1x16xf32>,
        %swap3A_530 = vector.shape_cast %swap3A_529 : vector<1x16xf32> to vector<16xf32>
        %swap3A_531 = vector.shape_cast %mul3A_526 : vector<16xf32> to vector<1x16xf32>
        tpu.vector_store %arg15[%swap3A_527, %swap3A_528], %swap3A_531 {strides = array<i32>} : memref<128x64xf32, #tpu.memory_space<vmem>>, vector<1x16xf32>,
        %get3A_532 = arith.index_cast %add3A_518 : i32 to index
        %get3A_533 = arith.constant 16 : index
        %get3A_534 = tpu.vector_load %arg15[%get3A_532, %get3A_533] {strides = array<i32>} : memref<128x64xf32, #tpu.memory_space<vmem>>, vector<1x16xf32>,
        %get3A_535 = vector.shape_cast %get3A_534 : vector<1x16xf32> to vector<16xf32>
        %mul3A_536 = vector.broadcast %squeeze3A_520 : f32 to vector<16xf32>
        %mul3A_537 = arith.mulf %get3A_535, %mul3A_536 : vector<16xf32>
        %swap3A_538 = arith.index_cast %add3A_518 : i32 to index
        %swap3A_539 = arith.constant 16 : index
        %swap3A_540 = tpu.vector_load %arg15[%swap3A_538, %swap3A_539] {strides = array<i32>} : memref<128x64xf32, #tpu.memory_space<vmem>>, vector<1x16xf32>,
        %swap3A_541 = vector.shape_cast %swap3A_540 : vector<1x16xf32> to vector<16xf32>
        %swap3A_542 = vector.shape_cast %mul3A_537 : vector<16xf32> to vector<1x16xf32>
        tpu.vector_store %arg15[%swap3A_538, %swap3A_539], %swap3A_542 {strides = array<i32>} : memref<128x64xf32, #tpu.memory_space<vmem>>, vector<1x16xf32>,
        %get3A_543 = arith.index_cast %add3A_518 : i32 to index
        %get3A_544 = arith.constant 32 : index
        %get3A_545 = tpu.vector_load %arg15[%get3A_543, %get3A_544] {strides = array<i32>} : memref<128x64xf32, #tpu.memory_space<vmem>>, vector<1x16xf32>,
        %get3A_546 = vector.shape_cast %get3A_545 : vector<1x16xf32> to vector<16xf32>
        %mul3A_547 = vector.broadcast %squeeze3A_520 : f32 to vector<16xf32>
        %mul3A_548 = arith.mulf %get3A_546, %mul3A_547 : vector<16xf32>
        %swap3A_549 = arith.index_cast %add3A_518 : i32 to index
        %swap3A_550 = arith.constant 32 : index
        %swap3A_551 = tpu.vector_load %arg15[%swap3A_549, %swap3A_550] {strides = array<i32>} : memref<128x64xf32, #tpu.memory_space<vmem>>, vector<1x16xf32>,
        %swap3A_552 = vector.shape_cast %swap3A_551 : vector<1x16xf32> to vector<16xf32>
        %swap3A_553 = vector.shape_cast %mul3A_548 : vector<16xf32> to vector<1x16xf32>
        tpu.vector_store %arg15[%swap3A_549, %swap3A_550], %swap3A_553 {strides = array<i32>} : memref<128x64xf32, #tpu.memory_space<vmem>>, vector<1x16xf32>,
        %get3A_554 = arith.index_cast %add3A_518 : i32 to index
        %get3A_555 = arith.constant 48 : index
        %get3A_556 = tpu.vector_load %arg15[%get3A_554, %get3A_555] {strides = array<i32>} : memref<128x64xf32, #tpu.memory_space<vmem>>, vector<1x16xf32>,
        %get3A_557 = vector.shape_cast %get3A_556 : vector<1x16xf32> to vector<16xf32>
        %mul3A_558 = vector.broadcast %squeeze3A_520 : f32 to vector<16xf32>
        %mul3A_559 = arith.mulf %get3A_557, %mul3A_558 : vector<16xf32>
        %swap3A_560 = arith.index_cast %add3A_518 : i32 to index
        %swap3A_561 = arith.constant 48 : index
        %swap3A_562 = tpu.vector_load %arg15[%swap3A_560, %swap3A_561] {strides = array<i32>} : memref<128x64xf32, #tpu.memory_space<vmem>>, vector<1x16xf32>,
        %swap3A_563 = vector.shape_cast %swap3A_562 : vector<1x16xf32> to vector<16xf32>
        %swap3A_564 = vector.shape_cast %mul3A_559 : vector<16xf32> to vector<1x16xf32>
        tpu.vector_store %arg15[%swap3A_560, %swap3A_561], %swap3A_564 {strides = array<i32>} : memref<128x64xf32, #tpu.memory_space<vmem>>, vector<1x16xf32>,
        %mul3A_565 = arith.constant 16 : i32
        %mul3A_566 = arith.muli %scan3A_262, %mul3A_565 : i32
        %add3A_567 = arith.constant 6 : i32
        %add3A_568 = arith.addi %mul3A_566, %add3A_567 : i32
        %slice3A_569 = vector.extract_strided_slice %get3A_267 {offsets = [6], sizes = [1], strides = [1]} : vector<16xf32> to vector<1xf32>
        %squeeze3A_570 = vector.extract %slice3A_569[0] : f32 from vector<1xf32>
        %get3A_571 = arith.index_cast %add3A_568 : i32 to index
        %get3A_572 = arith.constant 0 : index
        %get3A_573 = tpu.vector_load %arg15[%get3A_571, %get3A_572] {strides = array<i32>} : memref<128x64xf32, #tpu.memory_space<vmem>>, vector<1x16xf32>,
        %get3A_574 = vector.shape_cast %get3A_573 : vector<1x16xf32> to vector<16xf32>
        %mul3A_575 = vector.broadcast %squeeze3A_570 : f32 to vector<16xf32>
        %mul3A_576 = arith.mulf %get3A_574, %mul3A_575 : vector<16xf32>
        %swap3A_577 = arith.index_cast %add3A_568 : i32 to index
        %swap3A_578 = arith.constant 0 : index
        %swap3A_579 = tpu.vector_load %arg15[%swap3A_577, %swap3A_578] {strides = array<i32>} : memref<128x64xf32, #tpu.memory_space<vmem>>, vector<1x16xf32>,
        %swap3A_580 = vector.shape_cast %swap3A_579 : vector<1x16xf32> to vector<16xf32>
        %swap3A_581 = vector.shape_cast %mul3A_576 : vector<16xf32> to vector<1x16xf32>
        tpu.vector_store %arg15[%swap3A_577, %swap3A_578], %swap3A_581 {strides = array<i32>} : memref<128x64xf32, #tpu.memory_space<vmem>>, vector<1x16xf32>,
        %get3A_582 = arith.index_cast %add3A_568 : i32 to index
        %get3A_583 = arith.constant 16 : index
        %get3A_584 = tpu.vector_load %arg15[%get3A_582, %get3A_583] {strides = array<i32>} : memref<128x64xf32, #tpu.memory_space<vmem>>, vector<1x16xf32>,
        %get3A_585 = vector.shape_cast %get3A_584 : vector<1x16xf32> to vector<16xf32>
        %mul3A_586 = vector.broadcast %squeeze3A_570 : f32 to vector<16xf32>
        %mul3A_587 = arith.mulf %get3A_585, %mul3A_586 : vector<16xf32>
        %swap3A_588 = arith.index_cast %add3A_568 : i32 to index
        %swap3A_589 = arith.constant 16 : index
        %swap3A_590 = tpu.vector_load %arg15[%swap3A_588, %swap3A_589] {strides = array<i32>} : memref<128x64xf32, #tpu.memory_space<vmem>>, vector<1x16xf32>,
        %swap3A_591 = vector.shape_cast %swap3A_590 : vector<1x16xf32> to vector<16xf32>
        %swap3A_592 = vector.shape_cast %mul3A_587 : vector<16xf32> to vector<1x16xf32>
        tpu.vector_store %arg15[%swap3A_588, %swap3A_589], %swap3A_592 {strides = array<i32>} : memref<128x64xf32, #tpu.memory_space<vmem>>, vector<1x16xf32>,
        %get3A_593 = arith.index_cast %add3A_568 : i32 to index
        %get3A_594 = arith.constant 32 : index
        %get3A_595 = tpu.vector_load %arg15[%get3A_593, %get3A_594] {strides = array<i32>} : memref<128x64xf32, #tpu.memory_space<vmem>>, vector<1x16xf32>,
        %get3A_596 = vector.shape_cast %get3A_595 : vector<1x16xf32> to vector<16xf32>
        %mul3A_597 = vector.broadcast %squeeze3A_570 : f32 to vector<16xf32>
        %mul3A_598 = arith.mulf %get3A_596, %mul3A_597 : vector<16xf32>
        %swap3A_599 = arith.index_cast %add3A_568 : i32 to index
        %swap3A_600 = arith.constant 32 : index
        %swap3A_601 = tpu.vector_load %arg15[%swap3A_599, %swap3A_600] {strides = array<i32>} : memref<128x64xf32, #tpu.memory_space<vmem>>, vector<1x16xf32>,
        %swap3A_602 = vector.shape_cast %swap3A_601 : vector<1x16xf32> to vector<16xf32>
        %swap3A_603 = vector.shape_cast %mul3A_598 : vector<16xf32> to vector<1x16xf32>
        tpu.vector_store %arg15[%swap3A_599, %swap3A_600], %swap3A_603 {strides = array<i32>} : memref<128x64xf32, #tpu.memory_space<vmem>>, vector<1x16xf32>,
        %get3A_604 = arith.index_cast %add3A_568 : i32 to index
        %get3A_605 = arith.constant 48 : index
        %get3A_606 = tpu.vector_load %arg15[%get3A_604, %get3A_605] {strides = array<i32>} : memref<128x64xf32, #tpu.memory_space<vmem>>, vector<1x16xf32>,
        %get3A_607 = vector.shape_cast %get3A_606 : vector<1x16xf32> to vector<16xf32>
        %mul3A_608 = vector.broadcast %squeeze3A_570 : f32 to vector<16xf32>
        %mul3A_609 = arith.mulf %get3A_607, %mul3A_608 : vector<16xf32>
        %swap3A_610 = arith.index_cast %add3A_568 : i32 to index
        %swap3A_611 = arith.constant 48 : index
        %swap3A_612 = tpu.vector_load %arg15[%swap3A_610, %swap3A_611] {strides = array<i32>} : memref<128x64xf32, #tpu.memory_space<vmem>>, vector<1x16xf32>,
        %swap3A_613 = vector.shape_cast %swap3A_612 : vector<1x16xf32> to vector<16xf32>
        %swap3A_614 = vector.shape_cast %mul3A_609 : vector<16xf32> to vector<1x16xf32>
        tpu.vector_store %arg15[%swap3A_610, %swap3A_611], %swap3A_614 {strides = array<i32>} : memref<128x64xf32, #tpu.memory_space<vmem>>, vector<1x16xf32>,
        %mul3A_615 = arith.constant 16 : i32
        %mul3A_616 = arith.muli %scan3A_262, %mul3A_615 : i32
        %add3A_617 = arith.constant 7 : i32
        %add3A_618 = arith.addi %mul3A_616, %add3A_617 : i32
        %slice3A_619 = vector.extract_strided_slice %get3A_267 {offsets = [7], sizes = [1], strides = [1]} : vector<16xf32> to vector<1xf32>
        %squeeze3A_620 = vector.extract %slice3A_619[0] : f32 from vector<1xf32>
        %get3A_621 = arith.index_cast %add3A_618 : i32 to index
        %get3A_622 = arith.constant 0 : index
        %get3A_623 = tpu.vector_load %arg15[%get3A_621, %get3A_622] {strides = array<i32>} : memref<128x64xf32, #tpu.memory_space<vmem>>, vector<1x16xf32>,
        %get3A_624 = vector.shape_cast %get3A_623 : vector<1x16xf32> to vector<16xf32>
        %mul3A_625 = vector.broadcast %squeeze3A_620 : f32 to vector<16xf32>
        %mul3A_626 = arith.mulf %get3A_624, %mul3A_625 : vector<16xf32>
        %swap3A_627 = arith.index_cast %add3A_618 : i32 to index
        %swap3A_628 = arith.constant 0 : index
        %swap3A_629 = tpu.vector_load %arg15[%swap3A_627, %swap3A_628] {strides = array<i32>} : memref<128x64xf32, #tpu.memory_space<vmem>>, vector<1x16xf32>,
        %swap3A_630 = vector.shape_cast %swap3A_629 : vector<1x16xf32> to vector<16xf32>
        %swap3A_631 = vector.shape_cast %mul3A_626 : vector<16xf32> to vector<1x16xf32>
        tpu.vector_store %arg15[%swap3A_627, %swap3A_628], %swap3A_631 {strides = array<i32>} : memref<128x64xf32, #tpu.memory_space<vmem>>, vector<1x16xf32>,
        %get3A_632 = arith.index_cast %add3A_618 : i32 to index
        %get3A_633 = arith.constant 16 : index
        %get3A_634 = tpu.vector_load %arg15[%get3A_632, %get3A_633] {strides = array<i32>} : memref<128x64xf32, #tpu.memory_space<vmem>>, vector<1x16xf32>,
        %get3A_635 = vector.shape_cast %get3A_634 : vector<1x16xf32> to vector<16xf32>
        %mul3A_636 = vector.broadcast %squeeze3A_620 : f32 to vector<16xf32>
        %mul3A_637 = arith.mulf %get3A_635, %mul3A_636 : vector<16xf32>
        %swap3A_638 = arith.index_cast %add3A_618 : i32 to index
        %swap3A_639 = arith.constant 16 : index
        %swap3A_640 = tpu.vector_load %arg15[%swap3A_638, %swap3A_639] {strides = array<i32>} : memref<128x64xf32, #tpu.memory_space<vmem>>, vector<1x16xf32>,
        %swap3A_641 = vector.shape_cast %swap3A_640 : vector<1x16xf32> to vector<16xf32>
        %swap3A_642 = vector.shape_cast %mul3A_637 : vector<16xf32> to vector<1x16xf32>
        tpu.vector_store %arg15[%swap3A_638, %swap3A_639], %swap3A_642 {strides = array<i32>} : memref<128x64xf32, #tpu.memory_space<vmem>>, vector<1x16xf32>,
        %get3A_643 = arith.index_cast %add3A_618 : i32 to index
        %get3A_644 = arith.constant 32 : index
        %get3A_645 = tpu.vector_load %arg15[%get3A_643, %get3A_644] {strides = array<i32>} : memref<128x64xf32, #tpu.memory_space<vmem>>, vector<1x16xf32>,
        %get3A_646 = vector.shape_cast %get3A_645 : vector<1x16xf32> to vector<16xf32>
        %mul3A_647 = vector.broadcast %squeeze3A_620 : f32 to vector<16xf32>
        %mul3A_648 = arith.mulf %get3A_646, %mul3A_647 : vector<16xf32>
        %swap3A_649 = arith.index_cast %add3A_618 : i32 to index
        %swap3A_650 = arith.constant 32 : index
        %swap3A_651 = tpu.vector_load %arg15[%swap3A_649, %swap3A_650] {strides = array<i32>} : memref<128x64xf32, #tpu.memory_space<vmem>>, vector<1x16xf32>,
        %swap3A_652 = vector.shape_cast %swap3A_651 : vector<1x16xf32> to vector<16xf32>
        %swap3A_653 = vector.shape_cast %mul3A_648 : vector<16xf32> to vector<1x16xf32>
        tpu.vector_store %arg15[%swap3A_649, %swap3A_650], %swap3A_653 {strides = array<i32>} : memref<128x64xf32, #tpu.memory_space<vmem>>, vector<1x16xf32>,
        %get3A_654 = arith.index_cast %add3A_618 : i32 to index
        %get3A_655 = arith.constant 48 : index
        %get3A_656 = tpu.vector_load %arg15[%get3A_654, %get3A_655] {strides = array<i32>} : memref<128x64xf32, #tpu.memory_space<vmem>>, vector<1x16xf32>,
        %get3A_657 = vector.shape_cast %get3A_656 : vector<1x16xf32> to vector<16xf32>
        %mul3A_658 = vector.broadcast %squeeze3A_620 : f32 to vector<16xf32>
        %mul3A_659 = arith.mulf %get3A_657, %mul3A_658 : vector<16xf32>
        %swap3A_660 = arith.index_cast %add3A_618 : i32 to index
        %swap3A_661 = arith.constant 48 : index
        %swap3A_662 = tpu.vector_load %arg15[%swap3A_660, %swap3A_661] {strides = array<i32>} : memref<128x64xf32, #tpu.memory_space<vmem>>, vector<1x16xf32>,
        %swap3A_663 = vector.shape_cast %swap3A_662 : vector<1x16xf32> to vector<16xf32>
        %swap3A_664 = vector.shape_cast %mul3A_659 : vector<16xf32> to vector<1x16xf32>
        tpu.vector_store %arg15[%swap3A_660, %swap3A_661], %swap3A_664 {strides = array<i32>} : memref<128x64xf32, #tpu.memory_space<vmem>>, vector<1x16xf32>,
        %mul3A_665 = arith.constant 16 : i32
        %mul3A_666 = arith.muli %scan3A_262, %mul3A_665 : i32
        %add3A_667 = arith.constant 8 : i32
        %add3A_668 = arith.addi %mul3A_666, %add3A_667 : i32
        %slice3A_669 = vector.extract_strided_slice %get3A_267 {offsets = [8], sizes = [1], strides = [1]} : vector<16xf32> to vector<1xf32>
        %squeeze3A_670 = vector.extract %slice3A_669[0] : f32 from vector<1xf32>
        %get3A_671 = arith.index_cast %add3A_668 : i32 to index
        %get3A_672 = arith.constant 0 : index
        %get3A_673 = tpu.vector_load %arg15[%get3A_671, %get3A_672] {strides = array<i32>} : memref<128x64xf32, #tpu.memory_space<vmem>>, vector<1x16xf32>,
        %get3A_674 = vector.shape_cast %get3A_673 : vector<1x16xf32> to vector<16xf32>
        %mul3A_675 = vector.broadcast %squeeze3A_670 : f32 to vector<16xf32>
        %mul3A_676 = arith.mulf %get3A_674, %mul3A_675 : vector<16xf32>
        %swap3A_677 = arith.index_cast %add3A_668 : i32 to index
        %swap3A_678 = arith.constant 0 : index
        %swap3A_679 = tpu.vector_load %arg15[%swap3A_677, %swap3A_678] {strides = array<i32>} : memref<128x64xf32, #tpu.memory_space<vmem>>, vector<1x16xf32>,
        %swap3A_680 = vector.shape_cast %swap3A_679 : vector<1x16xf32> to vector<16xf32>
        %swap3A_681 = vector.shape_cast %mul3A_676 : vector<16xf32> to vector<1x16xf32>
        tpu.vector_store %arg15[%swap3A_677, %swap3A_678], %swap3A_681 {strides = array<i32>} : memref<128x64xf32, #tpu.memory_space<vmem>>, vector<1x16xf32>,
        %get3A_682 = arith.index_cast %add3A_668 : i32 to index
        %get3A_683 = arith.constant 16 : index
        %get3A_684 = tpu.vector_load %arg15[%get3A_682, %get3A_683] {strides = array<i32>} : memref<128x64xf32, #tpu.memory_space<vmem>>, vector<1x16xf32>,
        %get3A_685 = vector.shape_cast %get3A_684 : vector<1x16xf32> to vector<16xf32>
        %mul3A_686 = vector.broadcast %squeeze3A_670 : f32 to vector<16xf32>
        %mul3A_687 = arith.mulf %get3A_685, %mul3A_686 : vector<16xf32>
        %swap3A_688 = arith.index_cast %add3A_668 : i32 to index
        %swap3A_689 = arith.constant 16 : index
        %swap3A_690 = tpu.vector_load %arg15[%swap3A_688, %swap3A_689] {strides = array<i32>} : memref<128x64xf32, #tpu.memory_space<vmem>>, vector<1x16xf32>,
        %swap3A_691 = vector.shape_cast %swap3A_690 : vector<1x16xf32> to vector<16xf32>
        %swap3A_692 = vector.shape_cast %mul3A_687 : vector<16xf32> to vector<1x16xf32>
        tpu.vector_store %arg15[%swap3A_688, %swap3A_689], %swap3A_692 {strides = array<i32>} : memref<128x64xf32, #tpu.memory_space<vmem>>, vector<1x16xf32>,
        %get3A_693 = arith.index_cast %add3A_668 : i32 to index
        %get3A_694 = arith.constant 32 : index
        %get3A_695 = tpu.vector_load %arg15[%get3A_693, %get3A_694] {strides = array<i32>} : memref<128x64xf32, #tpu.memory_space<vmem>>, vector<1x16xf32>,
        %get3A_696 = vector.shape_cast %get3A_695 : vector<1x16xf32> to vector<16xf32>
        %mul3A_697 = vector.broadcast %squeeze3A_670 : f32 to vector<16xf32>
        %mul3A_698 = arith.mulf %get3A_696, %mul3A_697 : vector<16xf32>
        %swap3A_699 = arith.index_cast %add3A_668 : i32 to index
        %swap3A_700 = arith.constant 32 : index
        %swap3A_701 = tpu.vector_load %arg15[%swap3A_699, %swap3A_700] {strides = array<i32>} : memref<128x64xf32, #tpu.memory_space<vmem>>, vector<1x16xf32>,
        %swap3A_702 = vector.shape_cast %swap3A_701 : vector<1x16xf32> to vector<16xf32>
        %swap3A_703 = vector.shape_cast %mul3A_698 : vector<16xf32> to vector<1x16xf32>
        tpu.vector_store %arg15[%swap3A_699, %swap3A_700], %swap3A_703 {strides = array<i32>} : memref<128x64xf32, #tpu.memory_space<vmem>>, vector<1x16xf32>,
        %get3A_704 = arith.index_cast %add3A_668 : i32 to index
        %get3A_705 = arith.constant 48 : index
        %get3A_706 = tpu.vector_load %arg15[%get3A_704, %get3A_705] {strides = array<i32>} : memref<128x64xf32, #tpu.memory_space<vmem>>, vector<1x16xf32>,
        %get3A_707 = vector.shape_cast %get3A_706 : vector<1x16xf32> to vector<16xf32>
        %mul3A_708 = vector.broadcast %squeeze3A_670 : f32 to vector<16xf32>
        %mul3A_709 = arith.mulf %get3A_707, %mul3A_708 : vector<16xf32>
        %swap3A_710 = arith.index_cast %add3A_668 : i32 to index
        %swap3A_711 = arith.constant 48 : index
        %swap3A_712 = tpu.vector_load %arg15[%swap3A_710, %swap3A_711] {strides = array<i32>} : memref<128x64xf32, #tpu.memory_space<vmem>>, vector<1x16xf32>,
        %swap3A_713 = vector.shape_cast %swap3A_712 : vector<1x16xf32> to vector<16xf32>
        %swap3A_714 = vector.shape_cast %mul3A_709 : vector<16xf32> to vector<1x16xf32>
        tpu.vector_store %arg15[%swap3A_710, %swap3A_711], %swap3A_714 {strides = array<i32>} : memref<128x64xf32, #tpu.memory_space<vmem>>, vector<1x16xf32>,
        %mul3A_715 = arith.constant 16 : i32
        %mul3A_716 = arith.muli %scan3A_262, %mul3A_715 : i32
        %add3A_717 = arith.constant 9 : i32
        %add3A_718 = arith.addi %mul3A_716, %add3A_717 : i32
        %slice3A_719 = vector.extract_strided_slice %get3A_267 {offsets = [9], sizes = [1], strides = [1]} : vector<16xf32> to vector<1xf32>
        %squeeze3A_720 = vector.extract %slice3A_719[0] : f32 from vector<1xf32>
        %get3A_721 = arith.index_cast %add3A_718 : i32 to index
        %get3A_722 = arith.constant 0 : index
        %get3A_723 = tpu.vector_load %arg15[%get3A_721, %get3A_722] {strides = array<i32>} : memref<128x64xf32, #tpu.memory_space<vmem>>, vector<1x16xf32>,
        %get3A_724 = vector.shape_cast %get3A_723 : vector<1x16xf32> to vector<16xf32>
        %mul3A_725 = vector.broadcast %squeeze3A_720 : f32 to vector<16xf32>
        %mul3A_726 = arith.mulf %get3A_724, %mul3A_725 : vector<16xf32>
        %swap3A_727 = arith.index_cast %add3A_718 : i32 to index
        %swap3A_728 = arith.constant 0 : index
        %swap3A_729 = tpu.vector_load %arg15[%swap3A_727, %swap3A_728] {strides = array<i32>} : memref<128x64xf32, #tpu.memory_space<vmem>>, vector<1x16xf32>,
        %swap3A_730 = vector.shape_cast %swap3A_729 : vector<1x16xf32> to vector<16xf32>
        %swap3A_731 = vector.shape_cast %mul3A_726 : vector<16xf32> to vector<1x16xf32>
        tpu.vector_store %arg15[%swap3A_727, %swap3A_728], %swap3A_731 {strides = array<i32>} : memref<128x64xf32, #tpu.memory_space<vmem>>, vector<1x16xf32>,
        %get3A_732 = arith.index_cast %add3A_718 : i32 to index
        %get3A_733 = arith.constant 16 : index
        %get3A_734 = tpu.vector_load %arg15[%get3A_732, %get3A_733] {strides = array<i32>} : memref<128x64xf32, #tpu.memory_space<vmem>>, vector<1x16xf32>,
        %get3A_735 = vector.shape_cast %get3A_734 : vector<1x16xf32> to vector<16xf32>
        %mul3A_736 = vector.broadcast %squeeze3A_720 : f32 to vector<16xf32>
        %mul3A_737 = arith.mulf %get3A_735, %mul3A_736 : vector<16xf32>
        %swap3A_738 = arith.index_cast %add3A_718 : i32 to index
        %swap3A_739 = arith.constant 16 : index
        %swap3A_740 = tpu.vector_load %arg15[%swap3A_738, %swap3A_739] {strides = array<i32>} : memref<128x64xf32, #tpu.memory_space<vmem>>, vector<1x16xf32>,
        %swap3A_741 = vector.shape_cast %swap3A_740 : vector<1x16xf32> to vector<16xf32>
        %swap3A_742 = vector.shape_cast %mul3A_737 : vector<16xf32> to vector<1x16xf32>
        tpu.vector_store %arg15[%swap3A_738, %swap3A_739], %swap3A_742 {strides = array<i32>} : memref<128x64xf32, #tpu.memory_space<vmem>>, vector<1x16xf32>,
        %get3A_743 = arith.index_cast %add3A_718 : i32 to index
        %get3A_744 = arith.constant 32 : index
        %get3A_745 = tpu.vector_load %arg15[%get3A_743, %get3A_744] {strides = array<i32>} : memref<128x64xf32, #tpu.memory_space<vmem>>, vector<1x16xf32>,
        %get3A_746 = vector.shape_cast %get3A_745 : vector<1x16xf32> to vector<16xf32>
        %mul3A_747 = vector.broadcast %squeeze3A_720 : f32 to vector<16xf32>
        %mul3A_748 = arith.mulf %get3A_746, %mul3A_747 : vector<16xf32>
        %swap3A_749 = arith.index_cast %add3A_718 : i32 to index
        %swap3A_750 = arith.constant 32 : index
        %swap3A_751 = tpu.vector_load %arg15[%swap3A_749, %swap3A_750] {strides = array<i32>} : memref<128x64xf32, #tpu.memory_space<vmem>>, vector<1x16xf32>,
        %swap3A_752 = vector.shape_cast %swap3A_751 : vector<1x16xf32> to vector<16xf32>
        %swap3A_753 = vector.shape_cast %mul3A_748 : vector<16xf32> to vector<1x16xf32>
        tpu.vector_store %arg15[%swap3A_749, %swap3A_750], %swap3A_753 {strides = array<i32>} : memref<128x64xf32, #tpu.memory_space<vmem>>, vector<1x16xf32>,
        %get3A_754 = arith.index_cast %add3A_718 : i32 to index
        %get3A_755 = arith.constant 48 : index
        %get3A_756 = tpu.vector_load %arg15[%get3A_754, %get3A_755] {strides = array<i32>} : memref<128x64xf32, #tpu.memory_space<vmem>>, vector<1x16xf32>,
        %get3A_757 = vector.shape_cast %get3A_756 : vector<1x16xf32> to vector<16xf32>
        %mul3A_758 = vector.broadcast %squeeze3A_720 : f32 to vector<16xf32>
        %mul3A_759 = arith.mulf %get3A_757, %mul3A_758 : vector<16xf32>
        %swap3A_760 = arith.index_cast %add3A_718 : i32 to index
        %swap3A_761 = arith.constant 48 : index
        %swap3A_762 = tpu.vector_load %arg15[%swap3A_760, %swap3A_761] {strides = array<i32>} : memref<128x64xf32, #tpu.memory_space<vmem>>, vector<1x16xf32>,
        %swap3A_763 = vector.shape_cast %swap3A_762 : vector<1x16xf32> to vector<16xf32>
        %swap3A_764 = vector.shape_cast %mul3A_759 : vector<16xf32> to vector<1x16xf32>
        tpu.vector_store %arg15[%swap3A_760, %swap3A_761], %swap3A_764 {strides = array<i32>} : memref<128x64xf32, #tpu.memory_space<vmem>>, vector<1x16xf32>,
        %mul3A_765 = arith.constant 16 : i32
        %mul3A_766 = arith.muli %scan3A_262, %mul3A_765 : i32
        %add3A_767 = arith.constant 10 : i32
        %add3A_768 = arith.addi %mul3A_766, %add3A_767 : i32
        %slice3A_769 = vector.extract_strided_slice %get3A_267 {offsets = [10], sizes = [1], strides = [1]} : vector<16xf32> to vector<1xf32>
        %squeeze3A_770 = vector.extract %slice3A_769[0] : f32 from vector<1xf32>
        %get3A_771 = arith.index_cast %add3A_768 : i32 to index
        %get3A_772 = arith.constant 0 : index
        %get3A_773 = tpu.vector_load %arg15[%get3A_771, %get3A_772] {strides = array<i32>} : memref<128x64xf32, #tpu.memory_space<vmem>>, vector<1x16xf32>,
        %get3A_774 = vector.shape_cast %get3A_773 : vector<1x16xf32> to vector<16xf32>
        %mul3A_775 = vector.broadcast %squeeze3A_770 : f32 to vector<16xf32>
        %mul3A_776 = arith.mulf %get3A_774, %mul3A_775 : vector<16xf32>
        %swap3A_777 = arith.index_cast %add3A_768 : i32 to index
        %swap3A_778 = arith.constant 0 : index
        %swap3A_779 = tpu.vector_load %arg15[%swap3A_777, %swap3A_778] {strides = array<i32>} : memref<128x64xf32, #tpu.memory_space<vmem>>, vector<1x16xf32>,
        %swap3A_780 = vector.shape_cast %swap3A_779 : vector<1x16xf32> to vector<16xf32>
        %swap3A_781 = vector.shape_cast %mul3A_776 : vector<16xf32> to vector<1x16xf32>
        tpu.vector_store %arg15[%swap3A_777, %swap3A_778], %swap3A_781 {strides = array<i32>} : memref<128x64xf32, #tpu.memory_space<vmem>>, vector<1x16xf32>,
        %get3A_782 = arith.index_cast %add3A_768 : i32 to index
        %get3A_783 = arith.constant 16 : index
        %get3A_784 = tpu.vector_load %arg15[%get3A_782, %get3A_783] {strides = array<i32>} : memref<128x64xf32, #tpu.memory_space<vmem>>, vector<1x16xf32>,
        %get3A_785 = vector.shape_cast %get3A_784 : vector<1x16xf32> to vector<16xf32>
        %mul3A_786 = vector.broadcast %squeeze3A_770 : f32 to vector<16xf32>
        %mul3A_787 = arith.mulf %get3A_785, %mul3A_786 : vector<16xf32>
        %swap3A_788 = arith.index_cast %add3A_768 : i32 to index
        %swap3A_789 = arith.constant 16 : index
        %swap3A_790 = tpu.vector_load %arg15[%swap3A_788, %swap3A_789] {strides = array<i32>} : memref<128x64xf32, #tpu.memory_space<vmem>>, vector<1x16xf32>,
        %swap3A_791 = vector.shape_cast %swap3A_790 : vector<1x16xf32> to vector<16xf32>
        %swap3A_792 = vector.shape_cast %mul3A_787 : vector<16xf32> to vector<1x16xf32>
        tpu.vector_store %arg15[%swap3A_788, %swap3A_789], %swap3A_792 {strides = array<i32>} : memref<128x64xf32, #tpu.memory_space<vmem>>, vector<1x16xf32>,
        %get3A_793 = arith.index_cast %add3A_768 : i32 to index
        %get3A_794 = arith.constant 32 : index
        %get3A_795 = tpu.vector_load %arg15[%get3A_793, %get3A_794] {strides = array<i32>} : memref<128x64xf32, #tpu.memory_space<vmem>>, vector<1x16xf32>,
        %get3A_796 = vector.shape_cast %get3A_795 : vector<1x16xf32> to vector<16xf32>
        %mul3A_797 = vector.broadcast %squeeze3A_770 : f32 to vector<16xf32>
        %mul3A_798 = arith.mulf %get3A_796, %mul3A_797 : vector<16xf32>
        %swap3A_799 = arith.index_cast %add3A_768 : i32 to index
        %swap3A_800 = arith.constant 32 : index
        %swap3A_801 = tpu.vector_load %arg15[%swap3A_799, %swap3A_800] {strides = array<i32>} : memref<128x64xf32, #tpu.memory_space<vmem>>, vector<1x16xf32>,
        %swap3A_802 = vector.shape_cast %swap3A_801 : vector<1x16xf32> to vector<16xf32>
        %swap3A_803 = vector.shape_cast %mul3A_798 : vector<16xf32> to vector<1x16xf32>
        tpu.vector_store %arg15[%swap3A_799, %swap3A_800], %swap3A_803 {strides = array<i32>} : memref<128x64xf32, #tpu.memory_space<vmem>>, vector<1x16xf32>,
        %get3A_804 = arith.index_cast %add3A_768 : i32 to index
        %get3A_805 = arith.constant 48 : index
        %get3A_806 = tpu.vector_load %arg15[%get3A_804, %get3A_805] {strides = array<i32>} : memref<128x64xf32, #tpu.memory_space<vmem>>, vector<1x16xf32>,
        %get3A_807 = vector.shape_cast %get3A_806 : vector<1x16xf32> to vector<16xf32>
        %mul3A_808 = vector.broadcast %squeeze3A_770 : f32 to vector<16xf32>
        %mul3A_809 = arith.mulf %get3A_807, %mul3A_808 : vector<16xf32>
        %swap3A_810 = arith.index_cast %add3A_768 : i32 to index
        %swap3A_811 = arith.constant 48 : index
        %swap3A_812 = tpu.vector_load %arg15[%swap3A_810, %swap3A_811] {strides = array<i32>} : memref<128x64xf32, #tpu.memory_space<vmem>>, vector<1x16xf32>,
        %swap3A_813 = vector.shape_cast %swap3A_812 : vector<1x16xf32> to vector<16xf32>
        %swap3A_814 = vector.shape_cast %mul3A_809 : vector<16xf32> to vector<1x16xf32>
        tpu.vector_store %arg15[%swap3A_810, %swap3A_811], %swap3A_814 {strides = array<i32>} : memref<128x64xf32, #tpu.memory_space<vmem>>, vector<1x16xf32>,
        %mul3A_815 = arith.constant 16 : i32
        %mul3A_816 = arith.muli %scan3A_262, %mul3A_815 : i32
        %add3A_817 = arith.constant 11 : i32
        %add3A_818 = arith.addi %mul3A_816, %add3A_817 : i32
        %slice3A_819 = vector.extract_strided_slice %get3A_267 {offsets = [11], sizes = [1], strides = [1]} : vector<16xf32> to vector<1xf32>
        %squeeze3A_820 = vector.extract %slice3A_819[0] : f32 from vector<1xf32>
        %get3A_821 = arith.index_cast %add3A_818 : i32 to index
        %get3A_822 = arith.constant 0 : index
        %get3A_823 = tpu.vector_load %arg15[%get3A_821, %get3A_822] {strides = array<i32>} : memref<128x64xf32, #tpu.memory_space<vmem>>, vector<1x16xf32>,
        %get3A_824 = vector.shape_cast %get3A_823 : vector<1x16xf32> to vector<16xf32>
        %mul3A_825 = vector.broadcast %squeeze3A_820 : f32 to vector<16xf32>
        %mul3A_826 = arith.mulf %get3A_824, %mul3A_825 : vector<16xf32>
        %swap3A_827 = arith.index_cast %add3A_818 : i32 to index
        %swap3A_828 = arith.constant 0 : index
        %swap3A_829 = tpu.vector_load %arg15[%swap3A_827, %swap3A_828] {strides = array<i32>} : memref<128x64xf32, #tpu.memory_space<vmem>>, vector<1x16xf32>,
        %swap3A_830 = vector.shape_cast %swap3A_829 : vector<1x16xf32> to vector<16xf32>
        %swap3A_831 = vector.shape_cast %mul3A_826 : vector<16xf32> to vector<1x16xf32>
        tpu.vector_store %arg15[%swap3A_827, %swap3A_828], %swap3A_831 {strides = array<i32>} : memref<128x64xf32, #tpu.memory_space<vmem>>, vector<1x16xf32>,
        %get3A_832 = arith.index_cast %add3A_818 : i32 to index
        %get3A_833 = arith.constant 16 : index
        %get3A_834 = tpu.vector_load %arg15[%get3A_832, %get3A_833] {strides = array<i32>} : memref<128x64xf32, #tpu.memory_space<vmem>>, vector<1x16xf32>,
        %get3A_835 = vector.shape_cast %get3A_834 : vector<1x16xf32> to vector<16xf32>
        %mul3A_836 = vector.broadcast %squeeze3A_820 : f32 to vector<16xf32>
        %mul3A_837 = arith.mulf %get3A_835, %mul3A_836 : vector<16xf32>
        %swap3A_838 = arith.index_cast %add3A_818 : i32 to index
        %swap3A_839 = arith.constant 16 : index
        %swap3A_840 = tpu.vector_load %arg15[%swap3A_838, %swap3A_839] {strides = array<i32>} : memref<128x64xf32, #tpu.memory_space<vmem>>, vector<1x16xf32>,
        %swap3A_841 = vector.shape_cast %swap3A_840 : vector<1x16xf32> to vector<16xf32>
        %swap3A_842 = vector.shape_cast %mul3A_837 : vector<16xf32> to vector<1x16xf32>
        tpu.vector_store %arg15[%swap3A_838, %swap3A_839], %swap3A_842 {strides = array<i32>} : memref<128x64xf32, #tpu.memory_space<vmem>>, vector<1x16xf32>,
        %get3A_843 = arith.index_cast %add3A_818 : i32 to index
        %get3A_844 = arith.constant 32 : index
        %get3A_845 = tpu.vector_load %arg15[%get3A_843, %get3A_844] {strides = array<i32>} : memref<128x64xf32, #tpu.memory_space<vmem>>, vector<1x16xf32>,
        %get3A_846 = vector.shape_cast %get3A_845 : vector<1x16xf32> to vector<16xf32>
        %mul3A_847 = vector.broadcast %squeeze3A_820 : f32 to vector<16xf32>
        %mul3A_848 = arith.mulf %get3A_846, %mul3A_847 : vector<16xf32>
        %swap3A_849 = arith.index_cast %add3A_818 : i32 to index
        %swap3A_850 = arith.constant 32 : index
        %swap3A_851 = tpu.vector_load %arg15[%swap3A_849, %swap3A_850] {strides = array<i32>} : memref<128x64xf32, #tpu.memory_space<vmem>>, vector<1x16xf32>,
        %swap3A_852 = vector.shape_cast %swap3A_851 : vector<1x16xf32> to vector<16xf32>
        %swap3A_853 = vector.shape_cast %mul3A_848 : vector<16xf32> to vector<1x16xf32>
        tpu.vector_store %arg15[%swap3A_849, %swap3A_850], %swap3A_853 {strides = array<i32>} : memref<128x64xf32, #tpu.memory_space<vmem>>, vector<1x16xf32>,
        %get3A_854 = arith.index_cast %add3A_818 : i32 to index
        %get3A_855 = arith.constant 48 : index
        %get3A_856 = tpu.vector_load %arg15[%get3A_854, %get3A_855] {strides = array<i32>} : memref<128x64xf32, #tpu.memory_space<vmem>>, vector<1x16xf32>,
        %get3A_857 = vector.shape_cast %get3A_856 : vector<1x16xf32> to vector<16xf32>
        %mul3A_858 = vector.broadcast %squeeze3A_820 : f32 to vector<16xf32>
        %mul3A_859 = arith.mulf %get3A_857, %mul3A_858 : vector<16xf32>
        %swap3A_860 = arith.index_cast %add3A_818 : i32 to index
        %swap3A_861 = arith.constant 48 : index
        %swap3A_862 = tpu.vector_load %arg15[%swap3A_860, %swap3A_861] {strides = array<i32>} : memref<128x64xf32, #tpu.memory_space<vmem>>, vector<1x16xf32>,
        %swap3A_863 = vector.shape_cast %swap3A_862 : vector<1x16xf32> to vector<16xf32>
        %swap3A_864 = vector.shape_cast %mul3A_859 : vector<16xf32> to vector<1x16xf32>
        tpu.vector_store %arg15[%swap3A_860, %swap3A_861], %swap3A_864 {strides = array<i32>} : memref<128x64xf32, #tpu.memory_space<vmem>>, vector<1x16xf32>,
        %mul3A_865 = arith.constant 16 : i32
        %mul3A_866 = arith.muli %scan3A_262, %mul3A_865 : i32
        %add3A_867 = arith.constant 12 : i32
        %add3A_868 = arith.addi %mul3A_866, %add3A_867 : i32
        %slice3A_869 = vector.extract_strided_slice %get3A_267 {offsets = [12], sizes = [1], strides = [1]} : vector<16xf32> to vector<1xf32>
        %squeeze3A_870 = vector.extract %slice3A_869[0] : f32 from vector<1xf32>
        %get3A_871 = arith.index_cast %add3A_868 : i32 to index
        %get3A_872 = arith.constant 0 : index
        %get3A_873 = tpu.vector_load %arg15[%get3A_871, %get3A_872] {strides = array<i32>} : memref<128x64xf32, #tpu.memory_space<vmem>>, vector<1x16xf32>,
        %get3A_874 = vector.shape_cast %get3A_873 : vector<1x16xf32> to vector<16xf32>
        %mul3A_875 = vector.broadcast %squeeze3A_870 : f32 to vector<16xf32>
        %mul3A_876 = arith.mulf %get3A_874, %mul3A_875 : vector<16xf32>
        %swap3A_877 = arith.index_cast %add3A_868 : i32 to index
        %swap3A_878 = arith.constant 0 : index
        %swap3A_879 = tpu.vector_load %arg15[%swap3A_877, %swap3A_878] {strides = array<i32>} : memref<128x64xf32, #tpu.memory_space<vmem>>, vector<1x16xf32>,
        %swap3A_880 = vector.shape_cast %swap3A_879 : vector<1x16xf32> to vector<16xf32>
        %swap3A_881 = vector.shape_cast %mul3A_876 : vector<16xf32> to vector<1x16xf32>
        tpu.vector_store %arg15[%swap3A_877, %swap3A_878], %swap3A_881 {strides = array<i32>} : memref<128x64xf32, #tpu.memory_space<vmem>>, vector<1x16xf32>,
        %get3A_882 = arith.index_cast %add3A_868 : i32 to index
        %get3A_883 = arith.constant 16 : index
        %get3A_884 = tpu.vector_load %arg15[%get3A_882, %get3A_883] {strides = array<i32>} : memref<128x64xf32, #tpu.memory_space<vmem>>, vector<1x16xf32>,
        %get3A_885 = vector.shape_cast %get3A_884 : vector<1x16xf32> to vector<16xf32>
        %mul3A_886 = vector.broadcast %squeeze3A_870 : f32 to vector<16xf32>
        %mul3A_887 = arith.mulf %get3A_885, %mul3A_886 : vector<16xf32>
        %swap3A_888 = arith.index_cast %add3A_868 : i32 to index
        %swap3A_889 = arith.constant 16 : index
        %swap3A_890 = tpu.vector_load %arg15[%swap3A_888, %swap3A_889] {strides = array<i32>} : memref<128x64xf32, #tpu.memory_space<vmem>>, vector<1x16xf32>,
        %swap3A_891 = vector.shape_cast %swap3A_890 : vector<1x16xf32> to vector<16xf32>
        %swap3A_892 = vector.shape_cast %mul3A_887 : vector<16xf32> to vector<1x16xf32>
        tpu.vector_store %arg15[%swap3A_888, %swap3A_889], %swap3A_892 {strides = array<i32>} : memref<128x64xf32, #tpu.memory_space<vmem>>, vector<1x16xf32>,
        %get3A_893 = arith.index_cast %add3A_868 : i32 to index
        %get3A_894 = arith.constant 32 : index
        %get3A_895 = tpu.vector_load %arg15[%get3A_893, %get3A_894] {strides = array<i32>} : memref<128x64xf32, #tpu.memory_space<vmem>>, vector<1x16xf32>,
        %get3A_896 = vector.shape_cast %get3A_895 : vector<1x16xf32> to vector<16xf32>
        %mul3A_897 = vector.broadcast %squeeze3A_870 : f32 to vector<16xf32>
        %mul3A_898 = arith.mulf %get3A_896, %mul3A_897 : vector<16xf32>
        %swap3A_899 = arith.index_cast %add3A_868 : i32 to index
        %swap3A_900 = arith.constant 32 : index
        %swap3A_901 = tpu.vector_load %arg15[%swap3A_899, %swap3A_900] {strides = array<i32>} : memref<128x64xf32, #tpu.memory_space<vmem>>, vector<1x16xf32>,
        %swap3A_902 = vector.shape_cast %swap3A_901 : vector<1x16xf32> to vector<16xf32>
        %swap3A_903 = vector.shape_cast %mul3A_898 : vector<16xf32> to vector<1x16xf32>
        tpu.vector_store %arg15[%swap3A_899, %swap3A_900], %swap3A_903 {strides = array<i32>} : memref<128x64xf32, #tpu.memory_space<vmem>>, vector<1x16xf32>,
        %get3A_904 = arith.index_cast %add3A_868 : i32 to index
        %get3A_905 = arith.constant 48 : index
        %get3A_906 = tpu.vector_load %arg15[%get3A_904, %get3A_905] {strides = array<i32>} : memref<128x64xf32, #tpu.memory_space<vmem>>, vector<1x16xf32>,
        %get3A_907 = vector.shape_cast %get3A_906 : vector<1x16xf32> to vector<16xf32>
        %mul3A_908 = vector.broadcast %squeeze3A_870 : f32 to vector<16xf32>
        %mul3A_909 = arith.mulf %get3A_907, %mul3A_908 : vector<16xf32>
        %swap3A_910 = arith.index_cast %add3A_868 : i32 to index
        %swap3A_911 = arith.constant 48 : index
        %swap3A_912 = tpu.vector_load %arg15[%swap3A_910, %swap3A_911] {strides = array<i32>} : memref<128x64xf32, #tpu.memory_space<vmem>>, vector<1x16xf32>,
        %swap3A_913 = vector.shape_cast %swap3A_912 : vector<1x16xf32> to vector<16xf32>
        %swap3A_914 = vector.shape_cast %mul3A_909 : vector<16xf32> to vector<1x16xf32>
        tpu.vector_store %arg15[%swap3A_910, %swap3A_911], %swap3A_914 {strides = array<i32>} : memref<128x64xf32, #tpu.memory_space<vmem>>, vector<1x16xf32>,
        %mul3A_915 = arith.constant 16 : i32
        %mul3A_916 = arith.muli %scan3A_262, %mul3A_915 : i32
        %add3A_917 = arith.constant 13 : i32
        %add3A_918 = arith.addi %mul3A_916, %add3A_917 : i32
        %slice3A_919 = vector.extract_strided_slice %get3A_267 {offsets = [13], sizes = [1], strides = [1]} : vector<16xf32> to vector<1xf32>
        %squeeze3A_920 = vector.extract %slice3A_919[0] : f32 from vector<1xf32>
        %get3A_921 = arith.index_cast %add3A_918 : i32 to index
        %get3A_922 = arith.constant 0 : index
        %get3A_923 = tpu.vector_load %arg15[%get3A_921, %get3A_922] {strides = array<i32>} : memref<128x64xf32, #tpu.memory_space<vmem>>, vector<1x16xf32>,
        %get3A_924 = vector.shape_cast %get3A_923 : vector<1x16xf32> to vector<16xf32>
        %mul3A_925 = vector.broadcast %squeeze3A_920 : f32 to vector<16xf32>
        %mul3A_926 = arith.mulf %get3A_924, %mul3A_925 : vector<16xf32>
        %swap3A_927 = arith.index_cast %add3A_918 : i32 to index
        %swap3A_928 = arith.constant 0 : index
        %swap3A_929 = tpu.vector_load %arg15[%swap3A_927, %swap3A_928] {strides = array<i32>} : memref<128x64xf32, #tpu.memory_space<vmem>>, vector<1x16xf32>,
        %swap3A_930 = vector.shape_cast %swap3A_929 : vector<1x16xf32> to vector<16xf32>
        %swap3A_931 = vector.shape_cast %mul3A_926 : vector<16xf32> to vector<1x16xf32>
        tpu.vector_store %arg15[%swap3A_927, %swap3A_928], %swap3A_931 {strides = array<i32>} : memref<128x64xf32, #tpu.memory_space<vmem>>, vector<1x16xf32>,
        %get3A_932 = arith.index_cast %add3A_918 : i32 to index
        %get3A_933 = arith.constant 16 : index
        %get3A_934 = tpu.vector_load %arg15[%get3A_932, %get3A_933] {strides = array<i32>} : memref<128x64xf32, #tpu.memory_space<vmem>>, vector<1x16xf32>,
        %get3A_935 = vector.shape_cast %get3A_934 : vector<1x16xf32> to vector<16xf32>
        %mul3A_936 = vector.broadcast %squeeze3A_920 : f32 to vector<16xf32>
        %mul3A_937 = arith.mulf %get3A_935, %mul3A_936 : vector<16xf32>
        %swap3A_938 = arith.index_cast %add3A_918 : i32 to index
        %swap3A_939 = arith.constant 16 : index
        %swap3A_940 = tpu.vector_load %arg15[%swap3A_938, %swap3A_939] {strides = array<i32>} : memref<128x64xf32, #tpu.memory_space<vmem>>, vector<1x16xf32>,
        %swap3A_941 = vector.shape_cast %swap3A_940 : vector<1x16xf32> to vector<16xf32>
        %swap3A_942 = vector.shape_cast %mul3A_937 : vector<16xf32> to vector<1x16xf32>
        tpu.vector_store %arg15[%swap3A_938, %swap3A_939], %swap3A_942 {strides = array<i32>} : memref<128x64xf32, #tpu.memory_space<vmem>>, vector<1x16xf32>,
        %get3A_943 = arith.index_cast %add3A_918 : i32 to index
        %get3A_944 = arith.constant 32 : index
        %get3A_945 = tpu.vector_load %arg15[%get3A_943, %get3A_944] {strides = array<i32>} : memref<128x64xf32, #tpu.memory_space<vmem>>, vector<1x16xf32>,
        %get3A_946 = vector.shape_cast %get3A_945 : vector<1x16xf32> to vector<16xf32>
        %mul3A_947 = vector.broadcast %squeeze3A_920 : f32 to vector<16xf32>
        %mul3A_948 = arith.mulf %get3A_946, %mul3A_947 : vector<16xf32>
        %swap3A_949 = arith.index_cast %add3A_918 : i32 to index
        %swap3A_950 = arith.constant 32 : index
        %swap3A_951 = tpu.vector_load %arg15[%swap3A_949, %swap3A_950] {strides = array<i32>} : memref<128x64xf32, #tpu.memory_space<vmem>>, vector<1x16xf32>,
        %swap3A_952 = vector.shape_cast %swap3A_951 : vector<1x16xf32> to vector<16xf32>
        %swap3A_953 = vector.shape_cast %mul3A_948 : vector<16xf32> to vector<1x16xf32>
        tpu.vector_store %arg15[%swap3A_949, %swap3A_950], %swap3A_953 {strides = array<i32>} : memref<128x64xf32, #tpu.memory_space<vmem>>, vector<1x16xf32>,
        %get3A_954 = arith.index_cast %add3A_918 : i32 to index
        %get3A_955 = arith.constant 48 : index
        %get3A_956 = tpu.vector_load %arg15[%get3A_954, %get3A_955] {strides = array<i32>} : memref<128x64xf32, #tpu.memory_space<vmem>>, vector<1x16xf32>,
        %get3A_957 = vector.shape_cast %get3A_956 : vector<1x16xf32> to vector<16xf32>
        %mul3A_958 = vector.broadcast %squeeze3A_920 : f32 to vector<16xf32>
        %mul3A_959 = arith.mulf %get3A_957, %mul3A_958 : vector<16xf32>
        %swap3A_960 = arith.index_cast %add3A_918 : i32 to index
        %swap3A_961 = arith.constant 48 : index
        %swap3A_962 = tpu.vector_load %arg15[%swap3A_960, %swap3A_961] {strides = array<i32>} : memref<128x64xf32, #tpu.memory_space<vmem>>, vector<1x16xf32>,
        %swap3A_963 = vector.shape_cast %swap3A_962 : vector<1x16xf32> to vector<16xf32>
        %swap3A_964 = vector.shape_cast %mul3A_959 : vector<16xf32> to vector<1x16xf32>
        tpu.vector_store %arg15[%swap3A_960, %swap3A_961], %swap3A_964 {strides = array<i32>} : memref<128x64xf32, #tpu.memory_space<vmem>>, vector<1x16xf32>,
        %mul3A_965 = arith.constant 16 : i32
        %mul3A_966 = arith.muli %scan3A_262, %mul3A_965 : i32
        %add3A_967 = arith.constant 14 : i32
        %add3A_968 = arith.addi %mul3A_966, %add3A_967 : i32
        %slice3A_969 = vector.extract_strided_slice %get3A_267 {offsets = [14], sizes = [1], strides = [1]} : vector<16xf32> to vector<1xf32>
        %squeeze3A_970 = vector.extract %slice3A_969[0] : f32 from vector<1xf32>
        %get3A_971 = arith.index_cast %add3A_968 : i32 to index
        %get3A_972 = arith.constant 0 : index
        %get3A_973 = tpu.vector_load %arg15[%get3A_971, %get3A_972] {strides = array<i32>} : memref<128x64xf32, #tpu.memory_space<vmem>>, vector<1x16xf32>,
        %get3A_974 = vector.shape_cast %get3A_973 : vector<1x16xf32> to vector<16xf32>
        %mul3A_975 = vector.broadcast %squeeze3A_970 : f32 to vector<16xf32>
        %mul3A_976 = arith.mulf %get3A_974, %mul3A_975 : vector<16xf32>
        %swap3A_977 = arith.index_cast %add3A_968 : i32 to index
        %swap3A_978 = arith.constant 0 : index
        %swap3A_979 = tpu.vector_load %arg15[%swap3A_977, %swap3A_978] {strides = array<i32>} : memref<128x64xf32, #tpu.memory_space<vmem>>, vector<1x16xf32>,
        %swap3A_980 = vector.shape_cast %swap3A_979 : vector<1x16xf32> to vector<16xf32>
        %swap3A_981 = vector.shape_cast %mul3A_976 : vector<16xf32> to vector<1x16xf32>
        tpu.vector_store %arg15[%swap3A_977, %swap3A_978], %swap3A_981 {strides = array<i32>} : memref<128x64xf32, #tpu.memory_space<vmem>>, vector<1x16xf32>,
        %get3A_982 = arith.index_cast %add3A_968 : i32 to index
        %get3A_983 = arith.constant 16 : index
        %get3A_984 = tpu.vector_load %arg15[%get3A_982, %get3A_983] {strides = array<i32>} : memref<128x64xf32, #tpu.memory_space<vmem>>, vector<1x16xf32>,
        %get3A_985 = vector.shape_cast %get3A_984 : vector<1x16xf32> to vector<16xf32>
        %mul3A_986 = vector.broadcast %squeeze3A_970 : f32 to vector<16xf32>
        %mul3A_987 = arith.mulf %get3A_985, %mul3A_986 : vector<16xf32>
        %swap3A_988 = arith.index_cast %add3A_968 : i32 to index
        %swap3A_989 = arith.constant 16 : index
        %swap3A_990 = tpu.vector_load %arg15[%swap3A_988, %swap3A_989] {strides = array<i32>} : memref<128x64xf32, #tpu.memory_space<vmem>>, vector<1x16xf32>,
        %swap3A_991 = vector.shape_cast %swap3A_990 : vector<1x16xf32> to vector<16xf32>
        %swap3A_992 = vector.shape_cast %mul3A_987 : vector<16xf32> to vector<1x16xf32>
        tpu.vector_store %arg15[%swap3A_988, %swap3A_989], %swap3A_992 {strides = array<i32>} : memref<128x64xf32, #tpu.memory_space<vmem>>, vector<1x16xf32>,
        %get3A_993 = arith.index_cast %add3A_968 : i32 to index
        %get3A_994 = arith.constant 32 : index
        %get3A_995 = tpu.vector_load %arg15[%get3A_993, %get3A_994] {strides = array<i32>} : memref<128x64xf32, #tpu.memory_space<vmem>>, vector<1x16xf32>,
        %get3A_996 = vector.shape_cast %get3A_995 : vector<1x16xf32> to vector<16xf32>
        %mul3A_997 = vector.broadcast %squeeze3A_970 : f32 to vector<16xf32>
        %mul3A_998 = arith.mulf %get3A_996, %mul3A_997 : vector<16xf32>
        %swap3A_999 = arith.index_cast %add3A_968 : i32 to index
        %swap3A_1000 = arith.constant 32 : index
        %swap3A_1001 = tpu.vector_load %arg15[%swap3A_999, %swap3A_1000] {strides = array<i32>} : memref<128x64xf32, #tpu.memory_space<vmem>>, vector<1x16xf32>,
        %swap3A_1002 = vector.shape_cast %swap3A_1001 : vector<1x16xf32> to vector<16xf32>
        %swap3A_1003 = vector.shape_cast %mul3A_998 : vector<16xf32> to vector<1x16xf32>
        tpu.vector_store %arg15[%swap3A_999, %swap3A_1000], %swap3A_1003 {strides = array<i32>} : memref<128x64xf32, #tpu.memory_space<vmem>>, vector<1x16xf32>,
        %get3A_1004 = arith.index_cast %add3A_968 : i32 to index
        %get3A_1005 = arith.constant 48 : index
        %get3A_1006 = tpu.vector_load %arg15[%get3A_1004, %get3A_1005] {strides = array<i32>} : memref<128x64xf32, #tpu.memory_space<vmem>>, vector<1x16xf32>,
        %get3A_1007 = vector.shape_cast %get3A_1006 : vector<1x16xf32> to vector<16xf32>
        %mul3A_1008 = vector.broadcast %squeeze3A_970 : f32 to vector<16xf32>
        %mul3A_1009 = arith.mulf %get3A_1007, %mul3A_1008 : vector<16xf32>
        %swap3A_1010 = arith.index_cast %add3A_968 : i32 to index
        %swap3A_1011 = arith.constant 48 : index
        %swap3A_1012 = tpu.vector_load %arg15[%swap3A_1010, %swap3A_1011] {strides = array<i32>} : memref<128x64xf32, #tpu.memory_space<vmem>>, vector<1x16xf32>,
        %swap3A_1013 = vector.shape_cast %swap3A_1012 : vector<1x16xf32> to vector<16xf32>
        %swap3A_1014 = vector.shape_cast %mul3A_1009 : vector<16xf32> to vector<1x16xf32>
        tpu.vector_store %arg15[%swap3A_1010, %swap3A_1011], %swap3A_1014 {strides = array<i32>} : memref<128x64xf32, #tpu.memory_space<vmem>>, vector<1x16xf32>,
        %mul3A_1015 = arith.constant 16 : i32
        %mul3A_1016 = arith.muli %scan3A_262, %mul3A_1015 : i32
        %add3A_1017 = arith.constant 15 : i32
        %add3A_1018 = arith.addi %mul3A_1016, %add3A_1017 : i32
        %slice3A_1019 = vector.extract_strided_slice %get3A_267 {offsets = [15], sizes = [1], strides = [1]} : vector<16xf32> to vector<1xf32>
        %squeeze3A_1020 = vector.extract %slice3A_1019[0] : f32 from vector<1xf32>
        %get3A_1021 = arith.index_cast %add3A_1018 : i32 to index
        %get3A_1022 = arith.constant 0 : index
        %get3A_1023 = tpu.vector_load %arg15[%get3A_1021, %get3A_1022] {strides = array<i32>} : memref<128x64xf32, #tpu.memory_space<vmem>>, vector<1x16xf32>,
        %get3A_1024 = vector.shape_cast %get3A_1023 : vector<1x16xf32> to vector<16xf32>
        %mul3A_1025 = vector.broadcast %squeeze3A_1020 : f32 to vector<16xf32>
        %mul3A_1026 = arith.mulf %get3A_1024, %mul3A_1025 : vector<16xf32>
        %swap3A_1027 = arith.index_cast %add3A_1018 : i32 to index
        %swap3A_1028 = arith.constant 0 : index
        %swap3A_1029 = tpu.vector_load %arg15[%swap3A_1027, %swap3A_1028] {strides = array<i32>} : memref<128x64xf32, #tpu.memory_space<vmem>>, vector<1x16xf32>,
        %swap3A_1030 = vector.shape_cast %swap3A_1029 : vector<1x16xf32> to vector<16xf32>
        %swap3A_1031 = vector.shape_cast %mul3A_1026 : vector<16xf32> to vector<1x16xf32>
        tpu.vector_store %arg15[%swap3A_1027, %swap3A_1028], %swap3A_1031 {strides = array<i32>} : memref<128x64xf32, #tpu.memory_space<vmem>>, vector<1x16xf32>,
        %get3A_1032 = arith.index_cast %add3A_1018 : i32 to index
        %get3A_1033 = arith.constant 16 : index
        %get3A_1034 = tpu.vector_load %arg15[%get3A_1032, %get3A_1033] {strides = array<i32>} : memref<128x64xf32, #tpu.memory_space<vmem>>, vector<1x16xf32>,
        %get3A_1035 = vector.shape_cast %get3A_1034 : vector<1x16xf32> to vector<16xf32>
        %mul3A_1036 = vector.broadcast %squeeze3A_1020 : f32 to vector<16xf32>
        %mul3A_1037 = arith.mulf %get3A_1035, %mul3A_1036 : vector<16xf32>
        %swap3A_1038 = arith.index_cast %add3A_1018 : i32 to index
        %swap3A_1039 = arith.constant 16 : index
        %swap3A_1040 = tpu.vector_load %arg15[%swap3A_1038, %swap3A_1039] {strides = array<i32>} : memref<128x64xf32, #tpu.memory_space<vmem>>, vector<1x16xf32>,
        %swap3A_1041 = vector.shape_cast %swap3A_1040 : vector<1x16xf32> to vector<16xf32>
        %swap3A_1042 = vector.shape_cast %mul3A_1037 : vector<16xf32> to vector<1x16xf32>
        tpu.vector_store %arg15[%swap3A_1038, %swap3A_1039], %swap3A_1042 {strides = array<i32>} : memref<128x64xf32, #tpu.memory_space<vmem>>, vector<1x16xf32>,
        %get3A_1043 = arith.index_cast %add3A_1018 : i32 to index
        %get3A_1044 = arith.constant 32 : index
        %get3A_1045 = tpu.vector_load %arg15[%get3A_1043, %get3A_1044] {strides = array<i32>} : memref<128x64xf32, #tpu.memory_space<vmem>>, vector<1x16xf32>,
        %get3A_1046 = vector.shape_cast %get3A_1045 : vector<1x16xf32> to vector<16xf32>
        %mul3A_1047 = vector.broadcast %squeeze3A_1020 : f32 to vector<16xf32>
        %mul3A_1048 = arith.mulf %get3A_1046, %mul3A_1047 : vector<16xf32>
        %swap3A_1049 = arith.index_cast %add3A_1018 : i32 to index
        %swap3A_1050 = arith.constant 32 : index
        %swap3A_1051 = tpu.vector_load %arg15[%swap3A_1049, %swap3A_1050] {strides = array<i32>} : memref<128x64xf32, #tpu.memory_space<vmem>>, vector<1x16xf32>,
        %swap3A_1052 = vector.shape_cast %swap3A_1051 : vector<1x16xf32> to vector<16xf32>
        %swap3A_1053 = vector.shape_cast %mul3A_1048 : vector<16xf32> to vector<1x16xf32>
        tpu.vector_store %arg15[%swap3A_1049, %swap3A_1050], %swap3A_1053 {strides = array<i32>} : memref<128x64xf32, #tpu.memory_space<vmem>>, vector<1x16xf32>,
        %get3A_1054 = arith.index_cast %add3A_1018 : i32 to index
        %get3A_1055 = arith.constant 48 : index
        %get3A_1056 = tpu.vector_load %arg15[%get3A_1054, %get3A_1055] {strides = array<i32>} : memref<128x64xf32, #tpu.memory_space<vmem>>, vector<1x16xf32>,
        %get3A_1057 = vector.shape_cast %get3A_1056 : vector<1x16xf32> to vector<16xf32>
        %mul3A_1058 = vector.broadcast %squeeze3A_1020 : f32 to vector<16xf32>
        %mul3A_1059 = arith.mulf %get3A_1057, %mul3A_1058 : vector<16xf32>
        %swap3A_1060 = arith.index_cast %add3A_1018 : i32 to index
        %swap3A_1061 = arith.constant 48 : index
        %swap3A_1062 = tpu.vector_load %arg15[%swap3A_1060, %swap3A_1061] {strides = array<i32>} : memref<128x64xf32, #tpu.memory_space<vmem>>, vector<1x16xf32>,
        %swap3A_1063 = vector.shape_cast %swap3A_1062 : vector<1x16xf32> to vector<16xf32>
        %swap3A_1064 = vector.shape_cast %mul3A_1059 : vector<16xf32> to vector<1x16xf32>
        tpu.vector_store %arg15[%swap3A_1060, %swap3A_1061], %swap3A_1064 {strides = array<i32>} : memref<128x64xf32, #tpu.memory_space<vmem>>, vector<1x16xf32>,
      }
      %scan3A_226 = arith.constant 8 : i32
      %dma_start3A_227 = arith.constant 0 : i32
      %dma_start3A_228 = tpu.memref_slice %arg10[%add3A_207, %dma_start3A_227] : memref<80x128xi32, #tpu.memory_space<vmem>> -> memref<1x128xi32, #tpu.memory_space<vmem>>
      %dma_start3A_229 = tpu.memref_squeeze %dma_start3A_228 : memref<1x128xi32, #tpu.memory_space<vmem>> -> memref<128xi32, #tpu.memory_space<vmem>>
      %dma_start3A_230 = arith.constant 0 : i32
      %dma_start3A_231 = arith.constant 0 : i32
      %dma_start3A_232 = tpu.memref_slice %arg17[%dma_start3A_230, %dma_start3A_231] : memref<10240x64xf32, #tpu.memory_space<vmem_shared>> -> memref<10240x64xf32, #tpu.memory_space<vmem_shared>>
      tpu.enqueue_indirect_dma source(%arg15 : memref<128x64xf32, #tpu.memory_space<vmem>>) target(%dma_start3A_232 : memref<10240x64xf32, #tpu.memory_space<vmem_shared>>) offsets(%dma_start3A_229 : memref<128xi32, #tpu.memory_space<vmem>>) semaphore(%arg21 : memref<!tpu.dma_semaphore, #tpu.memory_space<semaphore_mem>>) {add = true}
      %mul3A_233 = arith.constant 5 : i32
      %mul3A_234 = arith.muli %mul3A_233, %scan3A_117 : i32
      %add3A_235 = arith.constant 4 : i32
      %add3A_236 = arith.addi %mul3A_234, %add3A_235 : i32
      %add3A_237 = arith.constant 2 : i32
      %add3A_238 = arith.addi %add3A_236, %add3A_237 : i32
      %lt3A_239 = arith.constant 80 : i32
      %lt3A_240 = arith.cmpi slt, %add3A_238, %lt3A_239 : i32
      %convert_element_type3A_241 = arith.extui %lt3A_240 : i1 to i32
      %cond3A_242 = arith.constant 0 : i32
      %cond3A_243 = arith.cmpi ne, %convert_element_type3A_241, %cond3A_242 : i32
      scf.if %cond3A_243 {
        %ge3A = arith.constant 5 : i32
        %ge3A_262 = arith.cmpi sge, %add3A_238, %ge3A : i32
        %convert_element_type3A_263 = arith.extui %ge3A_262 : i1 to i32
        %cond3A_264 = arith.constant 0 : i32
        %cond3A_265 = arith.cmpi ne, %convert_element_type3A_263, %cond3A_264 : i32
        scf.if %cond3A_265 {
          %dma_wait3A_272 = arith.constant 0 : i32
          %dma_wait3A_273 = arith.constant 0 : i32
          %dma_wait3A_274 = tpu.memref_slice %arg10[%dma_wait3A_272, %dma_wait3A_273] : memref<80x128xi32, #tpu.memory_space<vmem>> -> memref<1x128xi32, #tpu.memory_space<vmem>>
          %dma_wait3A_275 = tpu.memref_squeeze %dma_wait3A_274 : memref<1x128xi32, #tpu.memory_space<vmem>> -> memref<128xi32, #tpu.memory_space<vmem>>
          %dma_wait3A_276 = arith.constant 0 : i32
          %dma_wait3A_277 = arith.constant 0 : i32
          %dma_wait3A_278 = tpu.memref_slice %arg17[%dma_wait3A_276, %dma_wait3A_277] : memref<10240x64xf32, #tpu.memory_space<vmem_shared>> -> memref<10240x64xf32, #tpu.memory_space<vmem_shared>>
          tpu.wait_indirect_dma semaphore(%arg19 : memref<!tpu.dma_semaphore, #tpu.memory_space<semaphore_mem>>) src(%arg13 : memref<128x64xf32, #tpu.memory_space<vmem>>) dst(%dma_wait3A_278 : memref<10240x64xf32, #tpu.memory_space<vmem_shared>>)
        } else {
        }
        %dma_start3A_266 = arith.constant 0 : i32
        %dma_start3A_267 = tpu.memref_slice %arg9[%add3A_238, %dma_start3A_266] : memref<80x128xi32, #tpu.memory_space<vmem>> -> memref<1x128xi32, #tpu.memory_space<vmem>>
        %dma_start3A_268 = tpu.memref_squeeze %dma_start3A_267 : memref<1x128xi32, #tpu.memory_space<vmem>> -> memref<128xi32, #tpu.memory_space<vmem>>
        %dma_start3A_269 = arith.constant 0 : i32
        %dma_start3A_270 = arith.constant 0 : i32
        %dma_start3A_271 = tpu.memref_slice %arg2[%dma_start3A_269, %dma_start3A_270] : memref<10240x64xf32, #tpu.memory_space<hbm>> -> memref<10240x64xf32, #tpu.memory_space<hbm>>
        tpu.enqueue_indirect_dma source(%dma_start3A_271 : memref<10240x64xf32, #tpu.memory_space<hbm>>) target(%arg13 : memref<128x64xf32, #tpu.memory_space<vmem>>) offsets(%dma_start3A_268 : memref<128xi32, #tpu.memory_space<vmem>>) semaphore(%arg19 : memref<!tpu.dma_semaphore, #tpu.memory_space<semaphore_mem>>)
      } else {
      }
      %dma_wait3A_244 = arith.constant 0 : i32
      %dma_wait3A_245 = tpu.memref_slice %arg9[%add3A_236, %dma_wait3A_244] : memref<80x128xi32, #tpu.memory_space<vmem>> -> memref<1x128xi32, #tpu.memory_space<vmem>>
      %dma_wait3A_246 = tpu.memref_squeeze %dma_wait3A_245 : memref<1x128xi32, #tpu.memory_space<vmem>> -> memref<128xi32, #tpu.memory_space<vmem>>
      %dma_wait3A_247 = arith.constant 0 : i32
      %dma_wait3A_248 = arith.constant 0 : i32
      %dma_wait3A_249 = tpu.memref_slice %arg2[%dma_wait3A_247, %dma_wait3A_248] : memref<10240x64xf32, #tpu.memory_space<hbm>> -> memref<10240x64xf32, #tpu.memory_space<hbm>>
      tpu.wait_indirect_dma semaphore(%arg22 : memref<!tpu.dma_semaphore, #tpu.memory_space<semaphore_mem>>) src(%dma_wait3A_249 : memref<10240x64xf32, #tpu.memory_space<hbm>>) dst(%arg16 : memref<128x64xf32, #tpu.memory_space<vmem>>)
      %scan3A_250 = arith.constant 0 : i32
      %scan3A_251 = arith.constant 0 : i32
      %scan3A_252 = arith.constant 8 : i32
      %scan3A_253 = arith.addi %scan3A_251, %scan3A_252 : i32
      %scan3A_254 = arith.constant 1 : i32
      scf.for %scan3A_262 = %scan3A_251 to %scan3A_253 step %scan3A_254  : i32 {
        %mul3A_263 = arith.constant 16 : i32
        %mul3A_264 = arith.muli %scan3A_262, %mul3A_263 : i32
        %get3A = arith.index_cast %add3A_236 : i32 to index
        %get3A_265 = arith.index_cast %mul3A_264 : i32 to index
        %get3A_266 = tpu.vector_load %arg11[%get3A, %get3A_265] {strides = array<i32>} : memref<80x128xf32, #tpu.memory_space<vmem>>, vector<1x16xf32>,
        %get3A_267 = vector.shape_cast %get3A_266 : vector<1x16xf32> to vector<16xf32>
        %mul3A_268 = arith.constant 16 : i32
        %mul3A_269 = arith.muli %scan3A_262, %mul3A_268 : i32
        %add3A_270 = arith.constant 0 : i32
        %add3A_271 = arith.addi %mul3A_269, %add3A_270 : i32
        %slice3A = vector.extract_strided_slice %get3A_267 {offsets = [0], sizes = [1], strides = [1]} : vector<16xf32> to vector<1xf32>
        %squeeze3A = vector.extract %slice3A[0] : f32 from vector<1xf32>
        %get3A_272 = arith.index_cast %add3A_271 : i32 to index
        %get3A_273 = arith.constant 0 : index
        %get3A_274 = tpu.vector_load %arg16[%get3A_272, %get3A_273] {strides = array<i32>} : memref<128x64xf32, #tpu.memory_space<vmem>>, vector<1x16xf32>,
        %get3A_275 = vector.shape_cast %get3A_274 : vector<1x16xf32> to vector<16xf32>
        %mul3A_276 = vector.broadcast %squeeze3A : f32 to vector<16xf32>
        %mul3A_277 = arith.mulf %get3A_275, %mul3A_276 : vector<16xf32>
        %swap3A = arith.index_cast %add3A_271 : i32 to index
        %swap3A_278 = arith.constant 0 : index
        %swap3A_279 = tpu.vector_load %arg16[%swap3A, %swap3A_278] {strides = array<i32>} : memref<128x64xf32, #tpu.memory_space<vmem>>, vector<1x16xf32>,
        %swap3A_280 = vector.shape_cast %swap3A_279 : vector<1x16xf32> to vector<16xf32>
        %swap3A_281 = vector.shape_cast %mul3A_277 : vector<16xf32> to vector<1x16xf32>
        tpu.vector_store %arg16[%swap3A, %swap3A_278], %swap3A_281 {strides = array<i32>} : memref<128x64xf32, #tpu.memory_space<vmem>>, vector<1x16xf32>,
        %get3A_282 = arith.index_cast %add3A_271 : i32 to index
        %get3A_283 = arith.constant 16 : index
        %get3A_284 = tpu.vector_load %arg16[%get3A_282, %get3A_283] {strides = array<i32>} : memref<128x64xf32, #tpu.memory_space<vmem>>, vector<1x16xf32>,
        %get3A_285 = vector.shape_cast %get3A_284 : vector<1x16xf32> to vector<16xf32>
        %mul3A_286 = vector.broadcast %squeeze3A : f32 to vector<16xf32>
        %mul3A_287 = arith.mulf %get3A_285, %mul3A_286 : vector<16xf32>
        %swap3A_288 = arith.index_cast %add3A_271 : i32 to index
        %swap3A_289 = arith.constant 16 : index
        %swap3A_290 = tpu.vector_load %arg16[%swap3A_288, %swap3A_289] {strides = array<i32>} : memref<128x64xf32, #tpu.memory_space<vmem>>, vector<1x16xf32>,
        %swap3A_291 = vector.shape_cast %swap3A_290 : vector<1x16xf32> to vector<16xf32>
        %swap3A_292 = vector.shape_cast %mul3A_287 : vector<16xf32> to vector<1x16xf32>
        tpu.vector_store %arg16[%swap3A_288, %swap3A_289], %swap3A_292 {strides = array<i32>} : memref<128x64xf32, #tpu.memory_space<vmem>>, vector<1x16xf32>,
        %get3A_293 = arith.index_cast %add3A_271 : i32 to index
        %get3A_294 = arith.constant 32 : index
        %get3A_295 = tpu.vector_load %arg16[%get3A_293, %get3A_294] {strides = array<i32>} : memref<128x64xf32, #tpu.memory_space<vmem>>, vector<1x16xf32>,
        %get3A_296 = vector.shape_cast %get3A_295 : vector<1x16xf32> to vector<16xf32>
        %mul3A_297 = vector.broadcast %squeeze3A : f32 to vector<16xf32>
        %mul3A_298 = arith.mulf %get3A_296, %mul3A_297 : vector<16xf32>
        %swap3A_299 = arith.index_cast %add3A_271 : i32 to index
        %swap3A_300 = arith.constant 32 : index
        %swap3A_301 = tpu.vector_load %arg16[%swap3A_299, %swap3A_300] {strides = array<i32>} : memref<128x64xf32, #tpu.memory_space<vmem>>, vector<1x16xf32>,
        %swap3A_302 = vector.shape_cast %swap3A_301 : vector<1x16xf32> to vector<16xf32>
        %swap3A_303 = vector.shape_cast %mul3A_298 : vector<16xf32> to vector<1x16xf32>
        tpu.vector_store %arg16[%swap3A_299, %swap3A_300], %swap3A_303 {strides = array<i32>} : memref<128x64xf32, #tpu.memory_space<vmem>>, vector<1x16xf32>,
        %get3A_304 = arith.index_cast %add3A_271 : i32 to index
        %get3A_305 = arith.constant 48 : index
        %get3A_306 = tpu.vector_load %arg16[%get3A_304, %get3A_305] {strides = array<i32>} : memref<128x64xf32, #tpu.memory_space<vmem>>, vector<1x16xf32>,
        %get3A_307 = vector.shape_cast %get3A_306 : vector<1x16xf32> to vector<16xf32>
        %mul3A_308 = vector.broadcast %squeeze3A : f32 to vector<16xf32>
        %mul3A_309 = arith.mulf %get3A_307, %mul3A_308 : vector<16xf32>
        %swap3A_310 = arith.index_cast %add3A_271 : i32 to index
        %swap3A_311 = arith.constant 48 : index
        %swap3A_312 = tpu.vector_load %arg16[%swap3A_310, %swap3A_311] {strides = array<i32>} : memref<128x64xf32, #tpu.memory_space<vmem>>, vector<1x16xf32>,
        %swap3A_313 = vector.shape_cast %swap3A_312 : vector<1x16xf32> to vector<16xf32>
        %swap3A_314 = vector.shape_cast %mul3A_309 : vector<16xf32> to vector<1x16xf32>
        tpu.vector_store %arg16[%swap3A_310, %swap3A_311], %swap3A_314 {strides = array<i32>} : memref<128x64xf32, #tpu.memory_space<vmem>>, vector<1x16xf32>,
        %mul3A_315 = arith.constant 16 : i32
        %mul3A_316 = arith.muli %scan3A_262, %mul3A_315 : i32
        %add3A_317 = arith.constant 1 : i32
        %add3A_318 = arith.addi %mul3A_316, %add3A_317 : i32
        %slice3A_319 = vector.extract_strided_slice %get3A_267 {offsets = [1], sizes = [1], strides = [1]} : vector<16xf32> to vector<1xf32>
        %squeeze3A_320 = vector.extract %slice3A_319[0] : f32 from vector<1xf32>
        %get3A_321 = arith.index_cast %add3A_318 : i32 to index
        %get3A_322 = arith.constant 0 : index
        %get3A_323 = tpu.vector_load %arg16[%get3A_321, %get3A_322] {strides = array<i32>} : memref<128x64xf32, #tpu.memory_space<vmem>>, vector<1x16xf32>,
        %get3A_324 = vector.shape_cast %get3A_323 : vector<1x16xf32> to vector<16xf32>
        %mul3A_325 = vector.broadcast %squeeze3A_320 : f32 to vector<16xf32>
        %mul3A_326 = arith.mulf %get3A_324, %mul3A_325 : vector<16xf32>
        %swap3A_327 = arith.index_cast %add3A_318 : i32 to index
        %swap3A_328 = arith.constant 0 : index
        %swap3A_329 = tpu.vector_load %arg16[%swap3A_327, %swap3A_328] {strides = array<i32>} : memref<128x64xf32, #tpu.memory_space<vmem>>, vector<1x16xf32>,
        %swap3A_330 = vector.shape_cast %swap3A_329 : vector<1x16xf32> to vector<16xf32>
        %swap3A_331 = vector.shape_cast %mul3A_326 : vector<16xf32> to vector<1x16xf32>
        tpu.vector_store %arg16[%swap3A_327, %swap3A_328], %swap3A_331 {strides = array<i32>} : memref<128x64xf32, #tpu.memory_space<vmem>>, vector<1x16xf32>,
        %get3A_332 = arith.index_cast %add3A_318 : i32 to index
        %get3A_333 = arith.constant 16 : index
        %get3A_334 = tpu.vector_load %arg16[%get3A_332, %get3A_333] {strides = array<i32>} : memref<128x64xf32, #tpu.memory_space<vmem>>, vector<1x16xf32>,
        %get3A_335 = vector.shape_cast %get3A_334 : vector<1x16xf32> to vector<16xf32>
        %mul3A_336 = vector.broadcast %squeeze3A_320 : f32 to vector<16xf32>
        %mul3A_337 = arith.mulf %get3A_335, %mul3A_336 : vector<16xf32>
        %swap3A_338 = arith.index_cast %add3A_318 : i32 to index
        %swap3A_339 = arith.constant 16 : index
        %swap3A_340 = tpu.vector_load %arg16[%swap3A_338, %swap3A_339] {strides = array<i32>} : memref<128x64xf32, #tpu.memory_space<vmem>>, vector<1x16xf32>,
        %swap3A_341 = vector.shape_cast %swap3A_340 : vector<1x16xf32> to vector<16xf32>
        %swap3A_342 = vector.shape_cast %mul3A_337 : vector<16xf32> to vector<1x16xf32>
        tpu.vector_store %arg16[%swap3A_338, %swap3A_339], %swap3A_342 {strides = array<i32>} : memref<128x64xf32, #tpu.memory_space<vmem>>, vector<1x16xf32>,
        %get3A_343 = arith.index_cast %add3A_318 : i32 to index
        %get3A_344 = arith.constant 32 : index
        %get3A_345 = tpu.vector_load %arg16[%get3A_343, %get3A_344] {strides = array<i32>} : memref<128x64xf32, #tpu.memory_space<vmem>>, vector<1x16xf32>,
        %get3A_346 = vector.shape_cast %get3A_345 : vector<1x16xf32> to vector<16xf32>
        %mul3A_347 = vector.broadcast %squeeze3A_320 : f32 to vector<16xf32>
        %mul3A_348 = arith.mulf %get3A_346, %mul3A_347 : vector<16xf32>
        %swap3A_349 = arith.index_cast %add3A_318 : i32 to index
        %swap3A_350 = arith.constant 32 : index
        %swap3A_351 = tpu.vector_load %arg16[%swap3A_349, %swap3A_350] {strides = array<i32>} : memref<128x64xf32, #tpu.memory_space<vmem>>, vector<1x16xf32>,
        %swap3A_352 = vector.shape_cast %swap3A_351 : vector<1x16xf32> to vector<16xf32>
        %swap3A_353 = vector.shape_cast %mul3A_348 : vector<16xf32> to vector<1x16xf32>
        tpu.vector_store %arg16[%swap3A_349, %swap3A_350], %swap3A_353 {strides = array<i32>} : memref<128x64xf32, #tpu.memory_space<vmem>>, vector<1x16xf32>,
        %get3A_354 = arith.index_cast %add3A_318 : i32 to index
        %get3A_355 = arith.constant 48 : index
        %get3A_356 = tpu.vector_load %arg16[%get3A_354, %get3A_355] {strides = array<i32>} : memref<128x64xf32, #tpu.memory_space<vmem>>, vector<1x16xf32>,
        %get3A_357 = vector.shape_cast %get3A_356 : vector<1x16xf32> to vector<16xf32>
        %mul3A_358 = vector.broadcast %squeeze3A_320 : f32 to vector<16xf32>
        %mul3A_359 = arith.mulf %get3A_357, %mul3A_358 : vector<16xf32>
        %swap3A_360 = arith.index_cast %add3A_318 : i32 to index
        %swap3A_361 = arith.constant 48 : index
        %swap3A_362 = tpu.vector_load %arg16[%swap3A_360, %swap3A_361] {strides = array<i32>} : memref<128x64xf32, #tpu.memory_space<vmem>>, vector<1x16xf32>,
        %swap3A_363 = vector.shape_cast %swap3A_362 : vector<1x16xf32> to vector<16xf32>
        %swap3A_364 = vector.shape_cast %mul3A_359 : vector<16xf32> to vector<1x16xf32>
        tpu.vector_store %arg16[%swap3A_360, %swap3A_361], %swap3A_364 {strides = array<i32>} : memref<128x64xf32, #tpu.memory_space<vmem>>, vector<1x16xf32>,
        %mul3A_365 = arith.constant 16 : i32
        %mul3A_366 = arith.muli %scan3A_262, %mul3A_365 : i32
        %add3A_367 = arith.constant 2 : i32
        %add3A_368 = arith.addi %mul3A_366, %add3A_367 : i32
        %slice3A_369 = vector.extract_strided_slice %get3A_267 {offsets = [2], sizes = [1], strides = [1]} : vector<16xf32> to vector<1xf32>
        %squeeze3A_370 = vector.extract %slice3A_369[0] : f32 from vector<1xf32>
        %get3A_371 = arith.index_cast %add3A_368 : i32 to index
        %get3A_372 = arith.constant 0 : index
        %get3A_373 = tpu.vector_load %arg16[%get3A_371, %get3A_372] {strides = array<i32>} : memref<128x64xf32, #tpu.memory_space<vmem>>, vector<1x16xf32>,
        %get3A_374 = vector.shape_cast %get3A_373 : vector<1x16xf32> to vector<16xf32>
        %mul3A_375 = vector.broadcast %squeeze3A_370 : f32 to vector<16xf32>
        %mul3A_376 = arith.mulf %get3A_374, %mul3A_375 : vector<16xf32>
        %swap3A_377 = arith.index_cast %add3A_368 : i32 to index
        %swap3A_378 = arith.constant 0 : index
        %swap3A_379 = tpu.vector_load %arg16[%swap3A_377, %swap3A_378] {strides = array<i32>} : memref<128x64xf32, #tpu.memory_space<vmem>>, vector<1x16xf32>,
        %swap3A_380 = vector.shape_cast %swap3A_379 : vector<1x16xf32> to vector<16xf32>
        %swap3A_381 = vector.shape_cast %mul3A_376 : vector<16xf32> to vector<1x16xf32>
        tpu.vector_store %arg16[%swap3A_377, %swap3A_378], %swap3A_381 {strides = array<i32>} : memref<128x64xf32, #tpu.memory_space<vmem>>, vector<1x16xf32>,
        %get3A_382 = arith.index_cast %add3A_368 : i32 to index
        %get3A_383 = arith.constant 16 : index
        %get3A_384 = tpu.vector_load %arg16[%get3A_382, %get3A_383] {strides = array<i32>} : memref<128x64xf32, #tpu.memory_space<vmem>>, vector<1x16xf32>,
        %get3A_385 = vector.shape_cast %get3A_384 : vector<1x16xf32> to vector<16xf32>
        %mul3A_386 = vector.broadcast %squeeze3A_370 : f32 to vector<16xf32>
        %mul3A_387 = arith.mulf %get3A_385, %mul3A_386 : vector<16xf32>
        %swap3A_388 = arith.index_cast %add3A_368 : i32 to index
        %swap3A_389 = arith.constant 16 : index
        %swap3A_390 = tpu.vector_load %arg16[%swap3A_388, %swap3A_389] {strides = array<i32>} : memref<128x64xf32, #tpu.memory_space<vmem>>, vector<1x16xf32>,
        %swap3A_391 = vector.shape_cast %swap3A_390 : vector<1x16xf32> to vector<16xf32>
        %swap3A_392 = vector.shape_cast %mul3A_387 : vector<16xf32> to vector<1x16xf32>
        tpu.vector_store %arg16[%swap3A_388, %swap3A_389], %swap3A_392 {strides = array<i32>} : memref<128x64xf32, #tpu.memory_space<vmem>>, vector<1x16xf32>,
        %get3A_393 = arith.index_cast %add3A_368 : i32 to index
        %get3A_394 = arith.constant 32 : index
        %get3A_395 = tpu.vector_load %arg16[%get3A_393, %get3A_394] {strides = array<i32>} : memref<128x64xf32, #tpu.memory_space<vmem>>, vector<1x16xf32>,
        %get3A_396 = vector.shape_cast %get3A_395 : vector<1x16xf32> to vector<16xf32>
        %mul3A_397 = vector.broadcast %squeeze3A_370 : f32 to vector<16xf32>
        %mul3A_398 = arith.mulf %get3A_396, %mul3A_397 : vector<16xf32>
        %swap3A_399 = arith.index_cast %add3A_368 : i32 to index
        %swap3A_400 = arith.constant 32 : index
        %swap3A_401 = tpu.vector_load %arg16[%swap3A_399, %swap3A_400] {strides = array<i32>} : memref<128x64xf32, #tpu.memory_space<vmem>>, vector<1x16xf32>,
        %swap3A_402 = vector.shape_cast %swap3A_401 : vector<1x16xf32> to vector<16xf32>
        %swap3A_403 = vector.shape_cast %mul3A_398 : vector<16xf32> to vector<1x16xf32>
        tpu.vector_store %arg16[%swap3A_399, %swap3A_400], %swap3A_403 {strides = array<i32>} : memref<128x64xf32, #tpu.memory_space<vmem>>, vector<1x16xf32>,
        %get3A_404 = arith.index_cast %add3A_368 : i32 to index
        %get3A_405 = arith.constant 48 : index
        %get3A_406 = tpu.vector_load %arg16[%get3A_404, %get3A_405] {strides = array<i32>} : memref<128x64xf32, #tpu.memory_space<vmem>>, vector<1x16xf32>,
        %get3A_407 = vector.shape_cast %get3A_406 : vector<1x16xf32> to vector<16xf32>
        %mul3A_408 = vector.broadcast %squeeze3A_370 : f32 to vector<16xf32>
        %mul3A_409 = arith.mulf %get3A_407, %mul3A_408 : vector<16xf32>
        %swap3A_410 = arith.index_cast %add3A_368 : i32 to index
        %swap3A_411 = arith.constant 48 : index
        %swap3A_412 = tpu.vector_load %arg16[%swap3A_410, %swap3A_411] {strides = array<i32>} : memref<128x64xf32, #tpu.memory_space<vmem>>, vector<1x16xf32>,
        %swap3A_413 = vector.shape_cast %swap3A_412 : vector<1x16xf32> to vector<16xf32>
        %swap3A_414 = vector.shape_cast %mul3A_409 : vector<16xf32> to vector<1x16xf32>
        tpu.vector_store %arg16[%swap3A_410, %swap3A_411], %swap3A_414 {strides = array<i32>} : memref<128x64xf32, #tpu.memory_space<vmem>>, vector<1x16xf32>,
        %mul3A_415 = arith.constant 16 : i32
        %mul3A_416 = arith.muli %scan3A_262, %mul3A_415 : i32
        %add3A_417 = arith.constant 3 : i32
        %add3A_418 = arith.addi %mul3A_416, %add3A_417 : i32
        %slice3A_419 = vector.extract_strided_slice %get3A_267 {offsets = [3], sizes = [1], strides = [1]} : vector<16xf32> to vector<1xf32>
        %squeeze3A_420 = vector.extract %slice3A_419[0] : f32 from vector<1xf32>
        %get3A_421 = arith.index_cast %add3A_418 : i32 to index
        %get3A_422 = arith.constant 0 : index
        %get3A_423 = tpu.vector_load %arg16[%get3A_421, %get3A_422] {strides = array<i32>} : memref<128x64xf32, #tpu.memory_space<vmem>>, vector<1x16xf32>,
        %get3A_424 = vector.shape_cast %get3A_423 : vector<1x16xf32> to vector<16xf32>
        %mul3A_425 = vector.broadcast %squeeze3A_420 : f32 to vector<16xf32>
        %mul3A_426 = arith.mulf %get3A_424, %mul3A_425 : vector<16xf32>
        %swap3A_427 = arith.index_cast %add3A_418 : i32 to index
        %swap3A_428 = arith.constant 0 : index
        %swap3A_429 = tpu.vector_load %arg16[%swap3A_427, %swap3A_428] {strides = array<i32>} : memref<128x64xf32, #tpu.memory_space<vmem>>, vector<1x16xf32>,
        %swap3A_430 = vector.shape_cast %swap3A_429 : vector<1x16xf32> to vector<16xf32>
        %swap3A_431 = vector.shape_cast %mul3A_426 : vector<16xf32> to vector<1x16xf32>
        tpu.vector_store %arg16[%swap3A_427, %swap3A_428], %swap3A_431 {strides = array<i32>} : memref<128x64xf32, #tpu.memory_space<vmem>>, vector<1x16xf32>,
        %get3A_432 = arith.index_cast %add3A_418 : i32 to index
        %get3A_433 = arith.constant 16 : index
        %get3A_434 = tpu.vector_load %arg16[%get3A_432, %get3A_433] {strides = array<i32>} : memref<128x64xf32, #tpu.memory_space<vmem>>, vector<1x16xf32>,
        %get3A_435 = vector.shape_cast %get3A_434 : vector<1x16xf32> to vector<16xf32>
        %mul3A_436 = vector.broadcast %squeeze3A_420 : f32 to vector<16xf32>
        %mul3A_437 = arith.mulf %get3A_435, %mul3A_436 : vector<16xf32>
        %swap3A_438 = arith.index_cast %add3A_418 : i32 to index
        %swap3A_439 = arith.constant 16 : index
        %swap3A_440 = tpu.vector_load %arg16[%swap3A_438, %swap3A_439] {strides = array<i32>} : memref<128x64xf32, #tpu.memory_space<vmem>>, vector<1x16xf32>,
        %swap3A_441 = vector.shape_cast %swap3A_440 : vector<1x16xf32> to vector<16xf32>
        %swap3A_442 = vector.shape_cast %mul3A_437 : vector<16xf32> to vector<1x16xf32>
        tpu.vector_store %arg16[%swap3A_438, %swap3A_439], %swap3A_442 {strides = array<i32>} : memref<128x64xf32, #tpu.memory_space<vmem>>, vector<1x16xf32>,
        %get3A_443 = arith.index_cast %add3A_418 : i32 to index
        %get3A_444 = arith.constant 32 : index
        %get3A_445 = tpu.vector_load %arg16[%get3A_443, %get3A_444] {strides = array<i32>} : memref<128x64xf32, #tpu.memory_space<vmem>>, vector<1x16xf32>,
        %get3A_446 = vector.shape_cast %get3A_445 : vector<1x16xf32> to vector<16xf32>
        %mul3A_447 = vector.broadcast %squeeze3A_420 : f32 to vector<16xf32>
        %mul3A_448 = arith.mulf %get3A_446, %mul3A_447 : vector<16xf32>
        %swap3A_449 = arith.index_cast %add3A_418 : i32 to index
        %swap3A_450 = arith.constant 32 : index
        %swap3A_451 = tpu.vector_load %arg16[%swap3A_449, %swap3A_450] {strides = array<i32>} : memref<128x64xf32, #tpu.memory_space<vmem>>, vector<1x16xf32>,
        %swap3A_452 = vector.shape_cast %swap3A_451 : vector<1x16xf32> to vector<16xf32>
        %swap3A_453 = vector.shape_cast %mul3A_448 : vector<16xf32> to vector<1x16xf32>
        tpu.vector_store %arg16[%swap3A_449, %swap3A_450], %swap3A_453 {strides = array<i32>} : memref<128x64xf32, #tpu.memory_space<vmem>>, vector<1x16xf32>,
        %get3A_454 = arith.index_cast %add3A_418 : i32 to index
        %get3A_455 = arith.constant 48 : index
        %get3A_456 = tpu.vector_load %arg16[%get3A_454, %get3A_455] {strides = array<i32>} : memref<128x64xf32, #tpu.memory_space<vmem>>, vector<1x16xf32>,
        %get3A_457 = vector.shape_cast %get3A_456 : vector<1x16xf32> to vector<16xf32>
        %mul3A_458 = vector.broadcast %squeeze3A_420 : f32 to vector<16xf32>
        %mul3A_459 = arith.mulf %get3A_457, %mul3A_458 : vector<16xf32>
        %swap3A_460 = arith.index_cast %add3A_418 : i32 to index
        %swap3A_461 = arith.constant 48 : index
        %swap3A_462 = tpu.vector_load %arg16[%swap3A_460, %swap3A_461] {strides = array<i32>} : memref<128x64xf32, #tpu.memory_space<vmem>>, vector<1x16xf32>,
        %swap3A_463 = vector.shape_cast %swap3A_462 : vector<1x16xf32> to vector<16xf32>
        %swap3A_464 = vector.shape_cast %mul3A_459 : vector<16xf32> to vector<1x16xf32>
        tpu.vector_store %arg16[%swap3A_460, %swap3A_461], %swap3A_464 {strides = array<i32>} : memref<128x64xf32, #tpu.memory_space<vmem>>, vector<1x16xf32>,
        %mul3A_465 = arith.constant 16 : i32
        %mul3A_466 = arith.muli %scan3A_262, %mul3A_465 : i32
        %add3A_467 = arith.constant 4 : i32
        %add3A_468 = arith.addi %mul3A_466, %add3A_467 : i32
        %slice3A_469 = vector.extract_strided_slice %get3A_267 {offsets = [4], sizes = [1], strides = [1]} : vector<16xf32> to vector<1xf32>
        %squeeze3A_470 = vector.extract %slice3A_469[0] : f32 from vector<1xf32>
        %get3A_471 = arith.index_cast %add3A_468 : i32 to index
        %get3A_472 = arith.constant 0 : index
        %get3A_473 = tpu.vector_load %arg16[%get3A_471, %get3A_472] {strides = array<i32>} : memref<128x64xf32, #tpu.memory_space<vmem>>, vector<1x16xf32>,
        %get3A_474 = vector.shape_cast %get3A_473 : vector<1x16xf32> to vector<16xf32>
        %mul3A_475 = vector.broadcast %squeeze3A_470 : f32 to vector<16xf32>
        %mul3A_476 = arith.mulf %get3A_474, %mul3A_475 : vector<16xf32>
        %swap3A_477 = arith.index_cast %add3A_468 : i32 to index
        %swap3A_478 = arith.constant 0 : index
        %swap3A_479 = tpu.vector_load %arg16[%swap3A_477, %swap3A_478] {strides = array<i32>} : memref<128x64xf32, #tpu.memory_space<vmem>>, vector<1x16xf32>,
        %swap3A_480 = vector.shape_cast %swap3A_479 : vector<1x16xf32> to vector<16xf32>
        %swap3A_481 = vector.shape_cast %mul3A_476 : vector<16xf32> to vector<1x16xf32>
        tpu.vector_store %arg16[%swap3A_477, %swap3A_478], %swap3A_481 {strides = array<i32>} : memref<128x64xf32, #tpu.memory_space<vmem>>, vector<1x16xf32>,
        %get3A_482 = arith.index_cast %add3A_468 : i32 to index
        %get3A_483 = arith.constant 16 : index
        %get3A_484 = tpu.vector_load %arg16[%get3A_482, %get3A_483] {strides = array<i32>} : memref<128x64xf32, #tpu.memory_space<vmem>>, vector<1x16xf32>,
        %get3A_485 = vector.shape_cast %get3A_484 : vector<1x16xf32> to vector<16xf32>
        %mul3A_486 = vector.broadcast %squeeze3A_470 : f32 to vector<16xf32>
        %mul3A_487 = arith.mulf %get3A_485, %mul3A_486 : vector<16xf32>
        %swap3A_488 = arith.index_cast %add3A_468 : i32 to index
        %swap3A_489 = arith.constant 16 : index
        %swap3A_490 = tpu.vector_load %arg16[%swap3A_488, %swap3A_489] {strides = array<i32>} : memref<128x64xf32, #tpu.memory_space<vmem>>, vector<1x16xf32>,
        %swap3A_491 = vector.shape_cast %swap3A_490 : vector<1x16xf32> to vector<16xf32>
        %swap3A_492 = vector.shape_cast %mul3A_487 : vector<16xf32> to vector<1x16xf32>
        tpu.vector_store %arg16[%swap3A_488, %swap3A_489], %swap3A_492 {strides = array<i32>} : memref<128x64xf32, #tpu.memory_space<vmem>>, vector<1x16xf32>,
        %get3A_493 = arith.index_cast %add3A_468 : i32 to index
        %get3A_494 = arith.constant 32 : index
        %get3A_495 = tpu.vector_load %arg16[%get3A_493, %get3A_494] {strides = array<i32>} : memref<128x64xf32, #tpu.memory_space<vmem>>, vector<1x16xf32>,
        %get3A_496 = vector.shape_cast %get3A_495 : vector<1x16xf32> to vector<16xf32>
        %mul3A_497 = vector.broadcast %squeeze3A_470 : f32 to vector<16xf32>
        %mul3A_498 = arith.mulf %get3A_496, %mul3A_497 : vector<16xf32>
        %swap3A_499 = arith.index_cast %add3A_468 : i32 to index
        %swap3A_500 = arith.constant 32 : index
        %swap3A_501 = tpu.vector_load %arg16[%swap3A_499, %swap3A_500] {strides = array<i32>} : memref<128x64xf32, #tpu.memory_space<vmem>>, vector<1x16xf32>,
        %swap3A_502 = vector.shape_cast %swap3A_501 : vector<1x16xf32> to vector<16xf32>
        %swap3A_503 = vector.shape_cast %mul3A_498 : vector<16xf32> to vector<1x16xf32>
        tpu.vector_store %arg16[%swap3A_499, %swap3A_500], %swap3A_503 {strides = array<i32>} : memref<128x64xf32, #tpu.memory_space<vmem>>, vector<1x16xf32>,
        %get3A_504 = arith.index_cast %add3A_468 : i32 to index
        %get3A_505 = arith.constant 48 : index
        %get3A_506 = tpu.vector_load %arg16[%get3A_504, %get3A_505] {strides = array<i32>} : memref<128x64xf32, #tpu.memory_space<vmem>>, vector<1x16xf32>,
        %get3A_507 = vector.shape_cast %get3A_506 : vector<1x16xf32> to vector<16xf32>
        %mul3A_508 = vector.broadcast %squeeze3A_470 : f32 to vector<16xf32>
        %mul3A_509 = arith.mulf %get3A_507, %mul3A_508 : vector<16xf32>
        %swap3A_510 = arith.index_cast %add3A_468 : i32 to index
        %swap3A_511 = arith.constant 48 : index
        %swap3A_512 = tpu.vector_load %arg16[%swap3A_510, %swap3A_511] {strides = array<i32>} : memref<128x64xf32, #tpu.memory_space<vmem>>, vector<1x16xf32>,
        %swap3A_513 = vector.shape_cast %swap3A_512 : vector<1x16xf32> to vector<16xf32>
        %swap3A_514 = vector.shape_cast %mul3A_509 : vector<16xf32> to vector<1x16xf32>
        tpu.vector_store %arg16[%swap3A_510, %swap3A_511], %swap3A_514 {strides = array<i32>} : memref<128x64xf32, #tpu.memory_space<vmem>>, vector<1x16xf32>,
        %mul3A_515 = arith.constant 16 : i32
        %mul3A_516 = arith.muli %scan3A_262, %mul3A_515 : i32
        %add3A_517 = arith.constant 5 : i32
        %add3A_518 = arith.addi %mul3A_516, %add3A_517 : i32
        %slice3A_519 = vector.extract_strided_slice %get3A_267 {offsets = [5], sizes = [1], strides = [1]} : vector<16xf32> to vector<1xf32>
        %squeeze3A_520 = vector.extract %slice3A_519[0] : f32 from vector<1xf32>
        %get3A_521 = arith.index_cast %add3A_518 : i32 to index
        %get3A_522 = arith.constant 0 : index
        %get3A_523 = tpu.vector_load %arg16[%get3A_521, %get3A_522] {strides = array<i32>} : memref<128x64xf32, #tpu.memory_space<vmem>>, vector<1x16xf32>,
        %get3A_524 = vector.shape_cast %get3A_523 : vector<1x16xf32> to vector<16xf32>
        %mul3A_525 = vector.broadcast %squeeze3A_520 : f32 to vector<16xf32>
        %mul3A_526 = arith.mulf %get3A_524, %mul3A_525 : vector<16xf32>
        %swap3A_527 = arith.index_cast %add3A_518 : i32 to index
        %swap3A_528 = arith.constant 0 : index
        %swap3A_529 = tpu.vector_load %arg16[%swap3A_527, %swap3A_528] {strides = array<i32>} : memref<128x64xf32, #tpu.memory_space<vmem>>, vector<1x16xf32>,
        %swap3A_530 = vector.shape_cast %swap3A_529 : vector<1x16xf32> to vector<16xf32>
        %swap3A_531 = vector.shape_cast %mul3A_526 : vector<16xf32> to vector<1x16xf32>
        tpu.vector_store %arg16[%swap3A_527, %swap3A_528], %swap3A_531 {strides = array<i32>} : memref<128x64xf32, #tpu.memory_space<vmem>>, vector<1x16xf32>,
        %get3A_532 = arith.index_cast %add3A_518 : i32 to index
        %get3A_533 = arith.constant 16 : index
        %get3A_534 = tpu.vector_load %arg16[%get3A_532, %get3A_533] {strides = array<i32>} : memref<128x64xf32, #tpu.memory_space<vmem>>, vector<1x16xf32>,
        %get3A_535 = vector.shape_cast %get3A_534 : vector<1x16xf32> to vector<16xf32>
        %mul3A_536 = vector.broadcast %squeeze3A_520 : f32 to vector<16xf32>
        %mul3A_537 = arith.mulf %get3A_535, %mul3A_536 : vector<16xf32>
        %swap3A_538 = arith.index_cast %add3A_518 : i32 to index
        %swap3A_539 = arith.constant 16 : index
        %swap3A_540 = tpu.vector_load %arg16[%swap3A_538, %swap3A_539] {strides = array<i32>} : memref<128x64xf32, #tpu.memory_space<vmem>>, vector<1x16xf32>,
        %swap3A_541 = vector.shape_cast %swap3A_540 : vector<1x16xf32> to vector<16xf32>
        %swap3A_542 = vector.shape_cast %mul3A_537 : vector<16xf32> to vector<1x16xf32>
        tpu.vector_store %arg16[%swap3A_538, %swap3A_539], %swap3A_542 {strides = array<i32>} : memref<128x64xf32, #tpu.memory_space<vmem>>, vector<1x16xf32>,
        %get3A_543 = arith.index_cast %add3A_518 : i32 to index
        %get3A_544 = arith.constant 32 : index
        %get3A_545 = tpu.vector_load %arg16[%get3A_543, %get3A_544] {strides = array<i32>} : memref<128x64xf32, #tpu.memory_space<vmem>>, vector<1x16xf32>,
        %get3A_546 = vector.shape_cast %get3A_545 : vector<1x16xf32> to vector<16xf32>
        %mul3A_547 = vector.broadcast %squeeze3A_520 : f32 to vector<16xf32>
        %mul3A_548 = arith.mulf %get3A_546, %mul3A_547 : vector<16xf32>
        %swap3A_549 = arith.index_cast %add3A_518 : i32 to index
        %swap3A_550 = arith.constant 32 : index
        %swap3A_551 = tpu.vector_load %arg16[%swap3A_549, %swap3A_550] {strides = array<i32>} : memref<128x64xf32, #tpu.memory_space<vmem>>, vector<1x16xf32>,
        %swap3A_552 = vector.shape_cast %swap3A_551 : vector<1x16xf32> to vector<16xf32>
        %swap3A_553 = vector.shape_cast %mul3A_548 : vector<16xf32> to vector<1x16xf32>
        tpu.vector_store %arg16[%swap3A_549, %swap3A_550], %swap3A_553 {strides = array<i32>} : memref<128x64xf32, #tpu.memory_space<vmem>>, vector<1x16xf32>,
        %get3A_554 = arith.index_cast %add3A_518 : i32 to index
        %get3A_555 = arith.constant 48 : index
        %get3A_556 = tpu.vector_load %arg16[%get3A_554, %get3A_555] {strides = array<i32>} : memref<128x64xf32, #tpu.memory_space<vmem>>, vector<1x16xf32>,
        %get3A_557 = vector.shape_cast %get3A_556 : vector<1x16xf32> to vector<16xf32>
        %mul3A_558 = vector.broadcast %squeeze3A_520 : f32 to vector<16xf32>
        %mul3A_559 = arith.mulf %get3A_557, %mul3A_558 : vector<16xf32>
        %swap3A_560 = arith.index_cast %add3A_518 : i32 to index
        %swap3A_561 = arith.constant 48 : index
        %swap3A_562 = tpu.vector_load %arg16[%swap3A_560, %swap3A_561] {strides = array<i32>} : memref<128x64xf32, #tpu.memory_space<vmem>>, vector<1x16xf32>,
        %swap3A_563 = vector.shape_cast %swap3A_562 : vector<1x16xf32> to vector<16xf32>
        %swap3A_564 = vector.shape_cast %mul3A_559 : vector<16xf32> to vector<1x16xf32>
        tpu.vector_store %arg16[%swap3A_560, %swap3A_561], %swap3A_564 {strides = array<i32>} : memref<128x64xf32, #tpu.memory_space<vmem>>, vector<1x16xf32>,
        %mul3A_565 = arith.constant 16 : i32
        %mul3A_566 = arith.muli %scan3A_262, %mul3A_565 : i32
        %add3A_567 = arith.constant 6 : i32
        %add3A_568 = arith.addi %mul3A_566, %add3A_567 : i32
        %slice3A_569 = vector.extract_strided_slice %get3A_267 {offsets = [6], sizes = [1], strides = [1]} : vector<16xf32> to vector<1xf32>
        %squeeze3A_570 = vector.extract %slice3A_569[0] : f32 from vector<1xf32>
        %get3A_571 = arith.index_cast %add3A_568 : i32 to index
        %get3A_572 = arith.constant 0 : index
        %get3A_573 = tpu.vector_load %arg16[%get3A_571, %get3A_572] {strides = array<i32>} : memref<128x64xf32, #tpu.memory_space<vmem>>, vector<1x16xf32>,
        %get3A_574 = vector.shape_cast %get3A_573 : vector<1x16xf32> to vector<16xf32>
        %mul3A_575 = vector.broadcast %squeeze3A_570 : f32 to vector<16xf32>
        %mul3A_576 = arith.mulf %get3A_574, %mul3A_575 : vector<16xf32>
        %swap3A_577 = arith.index_cast %add3A_568 : i32 to index
        %swap3A_578 = arith.constant 0 : index
        %swap3A_579 = tpu.vector_load %arg16[%swap3A_577, %swap3A_578] {strides = array<i32>} : memref<128x64xf32, #tpu.memory_space<vmem>>, vector<1x16xf32>,
        %swap3A_580 = vector.shape_cast %swap3A_579 : vector<1x16xf32> to vector<16xf32>
        %swap3A_581 = vector.shape_cast %mul3A_576 : vector<16xf32> to vector<1x16xf32>
        tpu.vector_store %arg16[%swap3A_577, %swap3A_578], %swap3A_581 {strides = array<i32>} : memref<128x64xf32, #tpu.memory_space<vmem>>, vector<1x16xf32>,
        %get3A_582 = arith.index_cast %add3A_568 : i32 to index
        %get3A_583 = arith.constant 16 : index
        %get3A_584 = tpu.vector_load %arg16[%get3A_582, %get3A_583] {strides = array<i32>} : memref<128x64xf32, #tpu.memory_space<vmem>>, vector<1x16xf32>,
        %get3A_585 = vector.shape_cast %get3A_584 : vector<1x16xf32> to vector<16xf32>
        %mul3A_586 = vector.broadcast %squeeze3A_570 : f32 to vector<16xf32>
        %mul3A_587 = arith.mulf %get3A_585, %mul3A_586 : vector<16xf32>
        %swap3A_588 = arith.index_cast %add3A_568 : i32 to index
        %swap3A_589 = arith.constant 16 : index
        %swap3A_590 = tpu.vector_load %arg16[%swap3A_588, %swap3A_589] {strides = array<i32>} : memref<128x64xf32, #tpu.memory_space<vmem>>, vector<1x16xf32>,
        %swap3A_591 = vector.shape_cast %swap3A_590 : vector<1x16xf32> to vector<16xf32>
        %swap3A_592 = vector.shape_cast %mul3A_587 : vector<16xf32> to vector<1x16xf32>
        tpu.vector_store %arg16[%swap3A_588, %swap3A_589], %swap3A_592 {strides = array<i32>} : memref<128x64xf32, #tpu.memory_space<vmem>>, vector<1x16xf32>,
        %get3A_593 = arith.index_cast %add3A_568 : i32 to index
        %get3A_594 = arith.constant 32 : index
        %get3A_595 = tpu.vector_load %arg16[%get3A_593, %get3A_594] {strides = array<i32>} : memref<128x64xf32, #tpu.memory_space<vmem>>, vector<1x16xf32>,
        %get3A_596 = vector.shape_cast %get3A_595 : vector<1x16xf32> to vector<16xf32>
        %mul3A_597 = vector.broadcast %squeeze3A_570 : f32 to vector<16xf32>
        %mul3A_598 = arith.mulf %get3A_596, %mul3A_597 : vector<16xf32>
        %swap3A_599 = arith.index_cast %add3A_568 : i32 to index
        %swap3A_600 = arith.constant 32 : index
        %swap3A_601 = tpu.vector_load %arg16[%swap3A_599, %swap3A_600] {strides = array<i32>} : memref<128x64xf32, #tpu.memory_space<vmem>>, vector<1x16xf32>,
        %swap3A_602 = vector.shape_cast %swap3A_601 : vector<1x16xf32> to vector<16xf32>
        %swap3A_603 = vector.shape_cast %mul3A_598 : vector<16xf32> to vector<1x16xf32>
        tpu.vector_store %arg16[%swap3A_599, %swap3A_600], %swap3A_603 {strides = array<i32>} : memref<128x64xf32, #tpu.memory_space<vmem>>, vector<1x16xf32>,
        %get3A_604 = arith.index_cast %add3A_568 : i32 to index
        %get3A_605 = arith.constant 48 : index
        %get3A_606 = tpu.vector_load %arg16[%get3A_604, %get3A_605] {strides = array<i32>} : memref<128x64xf32, #tpu.memory_space<vmem>>, vector<1x16xf32>,
        %get3A_607 = vector.shape_cast %get3A_606 : vector<1x16xf32> to vector<16xf32>
        %mul3A_608 = vector.broadcast %squeeze3A_570 : f32 to vector<16xf32>
        %mul3A_609 = arith.mulf %get3A_607, %mul3A_608 : vector<16xf32>
        %swap3A_610 = arith.index_cast %add3A_568 : i32 to index
        %swap3A_611 = arith.constant 48 : index
        %swap3A_612 = tpu.vector_load %arg16[%swap3A_610, %swap3A_611] {strides = array<i32>} : memref<128x64xf32, #tpu.memory_space<vmem>>, vector<1x16xf32>,
        %swap3A_613 = vector.shape_cast %swap3A_612 : vector<1x16xf32> to vector<16xf32>
        %swap3A_614 = vector.shape_cast %mul3A_609 : vector<16xf32> to vector<1x16xf32>
        tpu.vector_store %arg16[%swap3A_610, %swap3A_611], %swap3A_614 {strides = array<i32>} : memref<128x64xf32, #tpu.memory_space<vmem>>, vector<1x16xf32>,
        %mul3A_615 = arith.constant 16 : i32
        %mul3A_616 = arith.muli %scan3A_262, %mul3A_615 : i32
        %add3A_617 = arith.constant 7 : i32
        %add3A_618 = arith.addi %mul3A_616, %add3A_617 : i32
        %slice3A_619 = vector.extract_strided_slice %get3A_267 {offsets = [7], sizes = [1], strides = [1]} : vector<16xf32> to vector<1xf32>
        %squeeze3A_620 = vector.extract %slice3A_619[0] : f32 from vector<1xf32>
        %get3A_621 = arith.index_cast %add3A_618 : i32 to index
        %get3A_622 = arith.constant 0 : index
        %get3A_623 = tpu.vector_load %arg16[%get3A_621, %get3A_622] {strides = array<i32>} : memref<128x64xf32, #tpu.memory_space<vmem>>, vector<1x16xf32>,
        %get3A_624 = vector.shape_cast %get3A_623 : vector<1x16xf32> to vector<16xf32>
        %mul3A_625 = vector.broadcast %squeeze3A_620 : f32 to vector<16xf32>
        %mul3A_626 = arith.mulf %get3A_624, %mul3A_625 : vector<16xf32>
        %swap3A_627 = arith.index_cast %add3A_618 : i32 to index
        %swap3A_628 = arith.constant 0 : index
        %swap3A_629 = tpu.vector_load %arg16[%swap3A_627, %swap3A_628] {strides = array<i32>} : memref<128x64xf32, #tpu.memory_space<vmem>>, vector<1x16xf32>,
        %swap3A_630 = vector.shape_cast %swap3A_629 : vector<1x16xf32> to vector<16xf32>
        %swap3A_631 = vector.shape_cast %mul3A_626 : vector<16xf32> to vector<1x16xf32>
        tpu.vector_store %arg16[%swap3A_627, %swap3A_628], %swap3A_631 {strides = array<i32>} : memref<128x64xf32, #tpu.memory_space<vmem>>, vector<1x16xf32>,
        %get3A_632 = arith.index_cast %add3A_618 : i32 to index
        %get3A_633 = arith.constant 16 : index
        %get3A_634 = tpu.vector_load %arg16[%get3A_632, %get3A_633] {strides = array<i32>} : memref<128x64xf32, #tpu.memory_space<vmem>>, vector<1x16xf32>,
        %get3A_635 = vector.shape_cast %get3A_634 : vector<1x16xf32> to vector<16xf32>
        %mul3A_636 = vector.broadcast %squeeze3A_620 : f32 to vector<16xf32>
        %mul3A_637 = arith.mulf %get3A_635, %mul3A_636 : vector<16xf32>
        %swap3A_638 = arith.index_cast %add3A_618 : i32 to index
        %swap3A_639 = arith.constant 16 : index
        %swap3A_640 = tpu.vector_load %arg16[%swap3A_638, %swap3A_639] {strides = array<i32>} : memref<128x64xf32, #tpu.memory_space<vmem>>, vector<1x16xf32>,
        %swap3A_641 = vector.shape_cast %swap3A_640 : vector<1x16xf32> to vector<16xf32>
        %swap3A_642 = vector.shape_cast %mul3A_637 : vector<16xf32> to vector<1x16xf32>
        tpu.vector_store %arg16[%swap3A_638, %swap3A_639], %swap3A_642 {strides = array<i32>} : memref<128x64xf32, #tpu.memory_space<vmem>>, vector<1x16xf32>,
        %get3A_643 = arith.index_cast %add3A_618 : i32 to index
        %get3A_644 = arith.constant 32 : index
        %get3A_645 = tpu.vector_load %arg16[%get3A_643, %get3A_644] {strides = array<i32>} : memref<128x64xf32, #tpu.memory_space<vmem>>, vector<1x16xf32>,
        %get3A_646 = vector.shape_cast %get3A_645 : vector<1x16xf32> to vector<16xf32>
        %mul3A_647 = vector.broadcast %squeeze3A_620 : f32 to vector<16xf32>
        %mul3A_648 = arith.mulf %get3A_646, %mul3A_647 : vector<16xf32>
        %swap3A_649 = arith.index_cast %add3A_618 : i32 to index
        %swap3A_650 = arith.constant 32 : index
        %swap3A_651 = tpu.vector_load %arg16[%swap3A_649, %swap3A_650] {strides = array<i32>} : memref<128x64xf32, #tpu.memory_space<vmem>>, vector<1x16xf32>,
        %swap3A_652 = vector.shape_cast %swap3A_651 : vector<1x16xf32> to vector<16xf32>
        %swap3A_653 = vector.shape_cast %mul3A_648 : vector<16xf32> to vector<1x16xf32>
        tpu.vector_store %arg16[%swap3A_649, %swap3A_650], %swap3A_653 {strides = array<i32>} : memref<128x64xf32, #tpu.memory_space<vmem>>, vector<1x16xf32>,
        %get3A_654 = arith.index_cast %add3A_618 : i32 to index
        %get3A_655 = arith.constant 48 : index
        %get3A_656 = tpu.vector_load %arg16[%get3A_654, %get3A_655] {strides = array<i32>} : memref<128x64xf32, #tpu.memory_space<vmem>>, vector<1x16xf32>,
        %get3A_657 = vector.shape_cast %get3A_656 : vector<1x16xf32> to vector<16xf32>
        %mul3A_658 = vector.broadcast %squeeze3A_620 : f32 to vector<16xf32>
        %mul3A_659 = arith.mulf %get3A_657, %mul3A_658 : vector<16xf32>
        %swap3A_660 = arith.index_cast %add3A_618 : i32 to index
        %swap3A_661 = arith.constant 48 : index
        %swap3A_662 = tpu.vector_load %arg16[%swap3A_660, %swap3A_661] {strides = array<i32>} : memref<128x64xf32, #tpu.memory_space<vmem>>, vector<1x16xf32>,
        %swap3A_663 = vector.shape_cast %swap3A_662 : vector<1x16xf32> to vector<16xf32>
        %swap3A_664 = vector.shape_cast %mul3A_659 : vector<16xf32> to vector<1x16xf32>
        tpu.vector_store %arg16[%swap3A_660, %swap3A_661], %swap3A_664 {strides = array<i32>} : memref<128x64xf32, #tpu.memory_space<vmem>>, vector<1x16xf32>,
        %mul3A_665 = arith.constant 16 : i32
        %mul3A_666 = arith.muli %scan3A_262, %mul3A_665 : i32
        %add3A_667 = arith.constant 8 : i32
        %add3A_668 = arith.addi %mul3A_666, %add3A_667 : i32
        %slice3A_669 = vector.extract_strided_slice %get3A_267 {offsets = [8], sizes = [1], strides = [1]} : vector<16xf32> to vector<1xf32>
        %squeeze3A_670 = vector.extract %slice3A_669[0] : f32 from vector<1xf32>
        %get3A_671 = arith.index_cast %add3A_668 : i32 to index
        %get3A_672 = arith.constant 0 : index
        %get3A_673 = tpu.vector_load %arg16[%get3A_671, %get3A_672] {strides = array<i32>} : memref<128x64xf32, #tpu.memory_space<vmem>>, vector<1x16xf32>,
        %get3A_674 = vector.shape_cast %get3A_673 : vector<1x16xf32> to vector<16xf32>
        %mul3A_675 = vector.broadcast %squeeze3A_670 : f32 to vector<16xf32>
        %mul3A_676 = arith.mulf %get3A_674, %mul3A_675 : vector<16xf32>
        %swap3A_677 = arith.index_cast %add3A_668 : i32 to index
        %swap3A_678 = arith.constant 0 : index
        %swap3A_679 = tpu.vector_load %arg16[%swap3A_677, %swap3A_678] {strides = array<i32>} : memref<128x64xf32, #tpu.memory_space<vmem>>, vector<1x16xf32>,
        %swap3A_680 = vector.shape_cast %swap3A_679 : vector<1x16xf32> to vector<16xf32>
        %swap3A_681 = vector.shape_cast %mul3A_676 : vector<16xf32> to vector<1x16xf32>
        tpu.vector_store %arg16[%swap3A_677, %swap3A_678], %swap3A_681 {strides = array<i32>} : memref<128x64xf32, #tpu.memory_space<vmem>>, vector<1x16xf32>,
        %get3A_682 = arith.index_cast %add3A_668 : i32 to index
        %get3A_683 = arith.constant 16 : index
        %get3A_684 = tpu.vector_load %arg16[%get3A_682, %get3A_683] {strides = array<i32>} : memref<128x64xf32, #tpu.memory_space<vmem>>, vector<1x16xf32>,
        %get3A_685 = vector.shape_cast %get3A_684 : vector<1x16xf32> to vector<16xf32>
        %mul3A_686 = vector.broadcast %squeeze3A_670 : f32 to vector<16xf32>
        %mul3A_687 = arith.mulf %get3A_685, %mul3A_686 : vector<16xf32>
        %swap3A_688 = arith.index_cast %add3A_668 : i32 to index
        %swap3A_689 = arith.constant 16 : index
        %swap3A_690 = tpu.vector_load %arg16[%swap3A_688, %swap3A_689] {strides = array<i32>} : memref<128x64xf32, #tpu.memory_space<vmem>>, vector<1x16xf32>,
        %swap3A_691 = vector.shape_cast %swap3A_690 : vector<1x16xf32> to vector<16xf32>
        %swap3A_692 = vector.shape_cast %mul3A_687 : vector<16xf32> to vector<1x16xf32>
        tpu.vector_store %arg16[%swap3A_688, %swap3A_689], %swap3A_692 {strides = array<i32>} : memref<128x64xf32, #tpu.memory_space<vmem>>, vector<1x16xf32>,
        %get3A_693 = arith.index_cast %add3A_668 : i32 to index
        %get3A_694 = arith.constant 32 : index
        %get3A_695 = tpu.vector_load %arg16[%get3A_693, %get3A_694] {strides = array<i32>} : memref<128x64xf32, #tpu.memory_space<vmem>>, vector<1x16xf32>,
        %get3A_696 = vector.shape_cast %get3A_695 : vector<1x16xf32> to vector<16xf32>
        %mul3A_697 = vector.broadcast %squeeze3A_670 : f32 to vector<16xf32>
        %mul3A_698 = arith.mulf %get3A_696, %mul3A_697 : vector<16xf32>
        %swap3A_699 = arith.index_cast %add3A_668 : i32 to index
        %swap3A_700 = arith.constant 32 : index
        %swap3A_701 = tpu.vector_load %arg16[%swap3A_699, %swap3A_700] {strides = array<i32>} : memref<128x64xf32, #tpu.memory_space<vmem>>, vector<1x16xf32>,
        %swap3A_702 = vector.shape_cast %swap3A_701 : vector<1x16xf32> to vector<16xf32>
        %swap3A_703 = vector.shape_cast %mul3A_698 : vector<16xf32> to vector<1x16xf32>
        tpu.vector_store %arg16[%swap3A_699, %swap3A_700], %swap3A_703 {strides = array<i32>} : memref<128x64xf32, #tpu.memory_space<vmem>>, vector<1x16xf32>,
        %get3A_704 = arith.index_cast %add3A_668 : i32 to index
        %get3A_705 = arith.constant 48 : index
        %get3A_706 = tpu.vector_load %arg16[%get3A_704, %get3A_705] {strides = array<i32>} : memref<128x64xf32, #tpu.memory_space<vmem>>, vector<1x16xf32>,
        %get3A_707 = vector.shape_cast %get3A_706 : vector<1x16xf32> to vector<16xf32>
        %mul3A_708 = vector.broadcast %squeeze3A_670 : f32 to vector<16xf32>
        %mul3A_709 = arith.mulf %get3A_707, %mul3A_708 : vector<16xf32>
        %swap3A_710 = arith.index_cast %add3A_668 : i32 to index
        %swap3A_711 = arith.constant 48 : index
        %swap3A_712 = tpu.vector_load %arg16[%swap3A_710, %swap3A_711] {strides = array<i32>} : memref<128x64xf32, #tpu.memory_space<vmem>>, vector<1x16xf32>,
        %swap3A_713 = vector.shape_cast %swap3A_712 : vector<1x16xf32> to vector<16xf32>
        %swap3A_714 = vector.shape_cast %mul3A_709 : vector<16xf32> to vector<1x16xf32>
        tpu.vector_store %arg16[%swap3A_710, %swap3A_711], %swap3A_714 {strides = array<i32>} : memref<128x64xf32, #tpu.memory_space<vmem>>, vector<1x16xf32>,
        %mul3A_715 = arith.constant 16 : i32
        %mul3A_716 = arith.muli %scan3A_262, %mul3A_715 : i32
        %add3A_717 = arith.constant 9 : i32
        %add3A_718 = arith.addi %mul3A_716, %add3A_717 : i32
        %slice3A_719 = vector.extract_strided_slice %get3A_267 {offsets = [9], sizes = [1], strides = [1]} : vector<16xf32> to vector<1xf32>
        %squeeze3A_720 = vector.extract %slice3A_719[0] : f32 from vector<1xf32>
        %get3A_721 = arith.index_cast %add3A_718 : i32 to index
        %get3A_722 = arith.constant 0 : index
        %get3A_723 = tpu.vector_load %arg16[%get3A_721, %get3A_722] {strides = array<i32>} : memref<128x64xf32, #tpu.memory_space<vmem>>, vector<1x16xf32>,
        %get3A_724 = vector.shape_cast %get3A_723 : vector<1x16xf32> to vector<16xf32>
        %mul3A_725 = vector.broadcast %squeeze3A_720 : f32 to vector<16xf32>
        %mul3A_726 = arith.mulf %get3A_724, %mul3A_725 : vector<16xf32>
        %swap3A_727 = arith.index_cast %add3A_718 : i32 to index
        %swap3A_728 = arith.constant 0 : index
        %swap3A_729 = tpu.vector_load %arg16[%swap3A_727, %swap3A_728] {strides = array<i32>} : memref<128x64xf32, #tpu.memory_space<vmem>>, vector<1x16xf32>,
        %swap3A_730 = vector.shape_cast %swap3A_729 : vector<1x16xf32> to vector<16xf32>
        %swap3A_731 = vector.shape_cast %mul3A_726 : vector<16xf32> to vector<1x16xf32>
        tpu.vector_store %arg16[%swap3A_727, %swap3A_728], %swap3A_731 {strides = array<i32>} : memref<128x64xf32, #tpu.memory_space<vmem>>, vector<1x16xf32>,
        %get3A_732 = arith.index_cast %add3A_718 : i32 to index
        %get3A_733 = arith.constant 16 : index
        %get3A_734 = tpu.vector_load %arg16[%get3A_732, %get3A_733] {strides = array<i32>} : memref<128x64xf32, #tpu.memory_space<vmem>>, vector<1x16xf32>,
        %get3A_735 = vector.shape_cast %get3A_734 : vector<1x16xf32> to vector<16xf32>
        %mul3A_736 = vector.broadcast %squeeze3A_720 : f32 to vector<16xf32>
        %mul3A_737 = arith.mulf %get3A_735, %mul3A_736 : vector<16xf32>
        %swap3A_738 = arith.index_cast %add3A_718 : i32 to index
        %swap3A_739 = arith.constant 16 : index
        %swap3A_740 = tpu.vector_load %arg16[%swap3A_738, %swap3A_739] {strides = array<i32>} : memref<128x64xf32, #tpu.memory_space<vmem>>, vector<1x16xf32>,
        %swap3A_741 = vector.shape_cast %swap3A_740 : vector<1x16xf32> to vector<16xf32>
        %swap3A_742 = vector.shape_cast %mul3A_737 : vector<16xf32> to vector<1x16xf32>
        tpu.vector_store %arg16[%swap3A_738, %swap3A_739], %swap3A_742 {strides = array<i32>} : memref<128x64xf32, #tpu.memory_space<vmem>>, vector<1x16xf32>,
        %get3A_743 = arith.index_cast %add3A_718 : i32 to index
        %get3A_744 = arith.constant 32 : index
        %get3A_745 = tpu.vector_load %arg16[%get3A_743, %get3A_744] {strides = array<i32>} : memref<128x64xf32, #tpu.memory_space<vmem>>, vector<1x16xf32>,
        %get3A_746 = vector.shape_cast %get3A_745 : vector<1x16xf32> to vector<16xf32>
        %mul3A_747 = vector.broadcast %squeeze3A_720 : f32 to vector<16xf32>
        %mul3A_748 = arith.mulf %get3A_746, %mul3A_747 : vector<16xf32>
        %swap3A_749 = arith.index_cast %add3A_718 : i32 to index
        %swap3A_750 = arith.constant 32 : index
        %swap3A_751 = tpu.vector_load %arg16[%swap3A_749, %swap3A_750] {strides = array<i32>} : memref<128x64xf32, #tpu.memory_space<vmem>>, vector<1x16xf32>,
        %swap3A_752 = vector.shape_cast %swap3A_751 : vector<1x16xf32> to vector<16xf32>
        %swap3A_753 = vector.shape_cast %mul3A_748 : vector<16xf32> to vector<1x16xf32>
        tpu.vector_store %arg16[%swap3A_749, %swap3A_750], %swap3A_753 {strides = array<i32>} : memref<128x64xf32, #tpu.memory_space<vmem>>, vector<1x16xf32>,
        %get3A_754 = arith.index_cast %add3A_718 : i32 to index
        %get3A_755 = arith.constant 48 : index
        %get3A_756 = tpu.vector_load %arg16[%get3A_754, %get3A_755] {strides = array<i32>} : memref<128x64xf32, #tpu.memory_space<vmem>>, vector<1x16xf32>,
        %get3A_757 = vector.shape_cast %get3A_756 : vector<1x16xf32> to vector<16xf32>
        %mul3A_758 = vector.broadcast %squeeze3A_720 : f32 to vector<16xf32>
        %mul3A_759 = arith.mulf %get3A_757, %mul3A_758 : vector<16xf32>
        %swap3A_760 = arith.index_cast %add3A_718 : i32 to index
        %swap3A_761 = arith.constant 48 : index
        %swap3A_762 = tpu.vector_load %arg16[%swap3A_760, %swap3A_761] {strides = array<i32>} : memref<128x64xf32, #tpu.memory_space<vmem>>, vector<1x16xf32>,
        %swap3A_763 = vector.shape_cast %swap3A_762 : vector<1x16xf32> to vector<16xf32>
        %swap3A_764 = vector.shape_cast %mul3A_759 : vector<16xf32> to vector<1x16xf32>
        tpu.vector_store %arg16[%swap3A_760, %swap3A_761], %swap3A_764 {strides = array<i32>} : memref<128x64xf32, #tpu.memory_space<vmem>>, vector<1x16xf32>,
        %mul3A_765 = arith.constant 16 : i32
        %mul3A_766 = arith.muli %scan3A_262, %mul3A_765 : i32
        %add3A_767 = arith.constant 10 : i32
        %add3A_768 = arith.addi %mul3A_766, %add3A_767 : i32
        %slice3A_769 = vector.extract_strided_slice %get3A_267 {offsets = [10], sizes = [1], strides = [1]} : vector<16xf32> to vector<1xf32>
        %squeeze3A_770 = vector.extract %slice3A_769[0] : f32 from vector<1xf32>
        %get3A_771 = arith.index_cast %add3A_768 : i32 to index
        %get3A_772 = arith.constant 0 : index
        %get3A_773 = tpu.vector_load %arg16[%get3A_771, %get3A_772] {strides = array<i32>} : memref<128x64xf32, #tpu.memory_space<vmem>>, vector<1x16xf32>,
        %get3A_774 = vector.shape_cast %get3A_773 : vector<1x16xf32> to vector<16xf32>
        %mul3A_775 = vector.broadcast %squeeze3A_770 : f32 to vector<16xf32>
        %mul3A_776 = arith.mulf %get3A_774, %mul3A_775 : vector<16xf32>
        %swap3A_777 = arith.index_cast %add3A_768 : i32 to index
        %swap3A_778 = arith.constant 0 : index
        %swap3A_779 = tpu.vector_load %arg16[%swap3A_777, %swap3A_778] {strides = array<i32>} : memref<128x64xf32, #tpu.memory_space<vmem>>, vector<1x16xf32>,
        %swap3A_780 = vector.shape_cast %swap3A_779 : vector<1x16xf32> to vector<16xf32>
        %swap3A_781 = vector.shape_cast %mul3A_776 : vector<16xf32> to vector<1x16xf32>
        tpu.vector_store %arg16[%swap3A_777, %swap3A_778], %swap3A_781 {strides = array<i32>} : memref<128x64xf32, #tpu.memory_space<vmem>>, vector<1x16xf32>,
        %get3A_782 = arith.index_cast %add3A_768 : i32 to index
        %get3A_783 = arith.constant 16 : index
        %get3A_784 = tpu.vector_load %arg16[%get3A_782, %get3A_783] {strides = array<i32>} : memref<128x64xf32, #tpu.memory_space<vmem>>, vector<1x16xf32>,
        %get3A_785 = vector.shape_cast %get3A_784 : vector<1x16xf32> to vector<16xf32>
        %mul3A_786 = vector.broadcast %squeeze3A_770 : f32 to vector<16xf32>
        %mul3A_787 = arith.mulf %get3A_785, %mul3A_786 : vector<16xf32>
        %swap3A_788 = arith.index_cast %add3A_768 : i32 to index
        %swap3A_789 = arith.constant 16 : index
        %swap3A_790 = tpu.vector_load %arg16[%swap3A_788, %swap3A_789] {strides = array<i32>} : memref<128x64xf32, #tpu.memory_space<vmem>>, vector<1x16xf32>,
        %swap3A_791 = vector.shape_cast %swap3A_790 : vector<1x16xf32> to vector<16xf32>
        %swap3A_792 = vector.shape_cast %mul3A_787 : vector<16xf32> to vector<1x16xf32>
        tpu.vector_store %arg16[%swap3A_788, %swap3A_789], %swap3A_792 {strides = array<i32>} : memref<128x64xf32, #tpu.memory_space<vmem>>, vector<1x16xf32>,
        %get3A_793 = arith.index_cast %add3A_768 : i32 to index
        %get3A_794 = arith.constant 32 : index
        %get3A_795 = tpu.vector_load %arg16[%get3A_793, %get3A_794] {strides = array<i32>} : memref<128x64xf32, #tpu.memory_space<vmem>>, vector<1x16xf32>,
        %get3A_796 = vector.shape_cast %get3A_795 : vector<1x16xf32> to vector<16xf32>
        %mul3A_797 = vector.broadcast %squeeze3A_770 : f32 to vector<16xf32>
        %mul3A_798 = arith.mulf %get3A_796, %mul3A_797 : vector<16xf32>
        %swap3A_799 = arith.index_cast %add3A_768 : i32 to index
        %swap3A_800 = arith.constant 32 : index
        %swap3A_801 = tpu.vector_load %arg16[%swap3A_799, %swap3A_800] {strides = array<i32>} : memref<128x64xf32, #tpu.memory_space<vmem>>, vector<1x16xf32>,
        %swap3A_802 = vector.shape_cast %swap3A_801 : vector<1x16xf32> to vector<16xf32>
        %swap3A_803 = vector.shape_cast %mul3A_798 : vector<16xf32> to vector<1x16xf32>
        tpu.vector_store %arg16[%swap3A_799, %swap3A_800], %swap3A_803 {strides = array<i32>} : memref<128x64xf32, #tpu.memory_space<vmem>>, vector<1x16xf32>,
        %get3A_804 = arith.index_cast %add3A_768 : i32 to index
        %get3A_805 = arith.constant 48 : index
        %get3A_806 = tpu.vector_load %arg16[%get3A_804, %get3A_805] {strides = array<i32>} : memref<128x64xf32, #tpu.memory_space<vmem>>, vector<1x16xf32>,
        %get3A_807 = vector.shape_cast %get3A_806 : vector<1x16xf32> to vector<16xf32>
        %mul3A_808 = vector.broadcast %squeeze3A_770 : f32 to vector<16xf32>
        %mul3A_809 = arith.mulf %get3A_807, %mul3A_808 : vector<16xf32>
        %swap3A_810 = arith.index_cast %add3A_768 : i32 to index
        %swap3A_811 = arith.constant 48 : index
        %swap3A_812 = tpu.vector_load %arg16[%swap3A_810, %swap3A_811] {strides = array<i32>} : memref<128x64xf32, #tpu.memory_space<vmem>>, vector<1x16xf32>,
        %swap3A_813 = vector.shape_cast %swap3A_812 : vector<1x16xf32> to vector<16xf32>
        %swap3A_814 = vector.shape_cast %mul3A_809 : vector<16xf32> to vector<1x16xf32>
        tpu.vector_store %arg16[%swap3A_810, %swap3A_811], %swap3A_814 {strides = array<i32>} : memref<128x64xf32, #tpu.memory_space<vmem>>, vector<1x16xf32>,
        %mul3A_815 = arith.constant 16 : i32
        %mul3A_816 = arith.muli %scan3A_262, %mul3A_815 : i32
        %add3A_817 = arith.constant 11 : i32
        %add3A_818 = arith.addi %mul3A_816, %add3A_817 : i32
        %slice3A_819 = vector.extract_strided_slice %get3A_267 {offsets = [11], sizes = [1], strides = [1]} : vector<16xf32> to vector<1xf32>
        %squeeze3A_820 = vector.extract %slice3A_819[0] : f32 from vector<1xf32>
        %get3A_821 = arith.index_cast %add3A_818 : i32 to index
        %get3A_822 = arith.constant 0 : index
        %get3A_823 = tpu.vector_load %arg16[%get3A_821, %get3A_822] {strides = array<i32>} : memref<128x64xf32, #tpu.memory_space<vmem>>, vector<1x16xf32>,
        %get3A_824 = vector.shape_cast %get3A_823 : vector<1x16xf32> to vector<16xf32>
        %mul3A_825 = vector.broadcast %squeeze3A_820 : f32 to vector<16xf32>
        %mul3A_826 = arith.mulf %get3A_824, %mul3A_825 : vector<16xf32>
        %swap3A_827 = arith.index_cast %add3A_818 : i32 to index
        %swap3A_828 = arith.constant 0 : index
        %swap3A_829 = tpu.vector_load %arg16[%swap3A_827, %swap3A_828] {strides = array<i32>} : memref<128x64xf32, #tpu.memory_space<vmem>>, vector<1x16xf32>,
        %swap3A_830 = vector.shape_cast %swap3A_829 : vector<1x16xf32> to vector<16xf32>
        %swap3A_831 = vector.shape_cast %mul3A_826 : vector<16xf32> to vector<1x16xf32>
        tpu.vector_store %arg16[%swap3A_827, %swap3A_828], %swap3A_831 {strides = array<i32>} : memref<128x64xf32, #tpu.memory_space<vmem>>, vector<1x16xf32>,
        %get3A_832 = arith.index_cast %add3A_818 : i32 to index
        %get3A_833 = arith.constant 16 : index
        %get3A_834 = tpu.vector_load %arg16[%get3A_832, %get3A_833] {strides = array<i32>} : memref<128x64xf32, #tpu.memory_space<vmem>>, vector<1x16xf32>,
        %get3A_835 = vector.shape_cast %get3A_834 : vector<1x16xf32> to vector<16xf32>
        %mul3A_836 = vector.broadcast %squeeze3A_820 : f32 to vector<16xf32>
        %mul3A_837 = arith.mulf %get3A_835, %mul3A_836 : vector<16xf32>
        %swap3A_838 = arith.index_cast %add3A_818 : i32 to index
        %swap3A_839 = arith.constant 16 : index
        %swap3A_840 = tpu.vector_load %arg16[%swap3A_838, %swap3A_839] {strides = array<i32>} : memref<128x64xf32, #tpu.memory_space<vmem>>, vector<1x16xf32>,
        %swap3A_841 = vector.shape_cast %swap3A_840 : vector<1x16xf32> to vector<16xf32>
        %swap3A_842 = vector.shape_cast %mul3A_837 : vector<16xf32> to vector<1x16xf32>
        tpu.vector_store %arg16[%swap3A_838, %swap3A_839], %swap3A_842 {strides = array<i32>} : memref<128x64xf32, #tpu.memory_space<vmem>>, vector<1x16xf32>,
        %get3A_843 = arith.index_cast %add3A_818 : i32 to index
        %get3A_844 = arith.constant 32 : index
        %get3A_845 = tpu.vector_load %arg16[%get3A_843, %get3A_844] {strides = array<i32>} : memref<128x64xf32, #tpu.memory_space<vmem>>, vector<1x16xf32>,
        %get3A_846 = vector.shape_cast %get3A_845 : vector<1x16xf32> to vector<16xf32>
        %mul3A_847 = vector.broadcast %squeeze3A_820 : f32 to vector<16xf32>
        %mul3A_848 = arith.mulf %get3A_846, %mul3A_847 : vector<16xf32>
        %swap3A_849 = arith.index_cast %add3A_818 : i32 to index
        %swap3A_850 = arith.constant 32 : index
        %swap3A_851 = tpu.vector_load %arg16[%swap3A_849, %swap3A_850] {strides = array<i32>} : memref<128x64xf32, #tpu.memory_space<vmem>>, vector<1x16xf32>,
        %swap3A_852 = vector.shape_cast %swap3A_851 : vector<1x16xf32> to vector<16xf32>
        %swap3A_853 = vector.shape_cast %mul3A_848 : vector<16xf32> to vector<1x16xf32>
        tpu.vector_store %arg16[%swap3A_849, %swap3A_850], %swap3A_853 {strides = array<i32>} : memref<128x64xf32, #tpu.memory_space<vmem>>, vector<1x16xf32>,
        %get3A_854 = arith.index_cast %add3A_818 : i32 to index
        %get3A_855 = arith.constant 48 : index
        %get3A_856 = tpu.vector_load %arg16[%get3A_854, %get3A_855] {strides = array<i32>} : memref<128x64xf32, #tpu.memory_space<vmem>>, vector<1x16xf32>,
        %get3A_857 = vector.shape_cast %get3A_856 : vector<1x16xf32> to vector<16xf32>
        %mul3A_858 = vector.broadcast %squeeze3A_820 : f32 to vector<16xf32>
        %mul3A_859 = arith.mulf %get3A_857, %mul3A_858 : vector<16xf32>
        %swap3A_860 = arith.index_cast %add3A_818 : i32 to index
        %swap3A_861 = arith.constant 48 : index
        %swap3A_862 = tpu.vector_load %arg16[%swap3A_860, %swap3A_861] {strides = array<i32>} : memref<128x64xf32, #tpu.memory_space<vmem>>, vector<1x16xf32>,
        %swap3A_863 = vector.shape_cast %swap3A_862 : vector<1x16xf32> to vector<16xf32>
        %swap3A_864 = vector.shape_cast %mul3A_859 : vector<16xf32> to vector<1x16xf32>
        tpu.vector_store %arg16[%swap3A_860, %swap3A_861], %swap3A_864 {strides = array<i32>} : memref<128x64xf32, #tpu.memory_space<vmem>>, vector<1x16xf32>,
        %mul3A_865 = arith.constant 16 : i32
        %mul3A_866 = arith.muli %scan3A_262, %mul3A_865 : i32
        %add3A_867 = arith.constant 12 : i32
        %add3A_868 = arith.addi %mul3A_866, %add3A_867 : i32
        %slice3A_869 = vector.extract_strided_slice %get3A_267 {offsets = [12], sizes = [1], strides = [1]} : vector<16xf32> to vector<1xf32>
        %squeeze3A_870 = vector.extract %slice3A_869[0] : f32 from vector<1xf32>
        %get3A_871 = arith.index_cast %add3A_868 : i32 to index
        %get3A_872 = arith.constant 0 : index
        %get3A_873 = tpu.vector_load %arg16[%get3A_871, %get3A_872] {strides = array<i32>} : memref<128x64xf32, #tpu.memory_space<vmem>>, vector<1x16xf32>,
        %get3A_874 = vector.shape_cast %get3A_873 : vector<1x16xf32> to vector<16xf32>
        %mul3A_875 = vector.broadcast %squeeze3A_870 : f32 to vector<16xf32>
        %mul3A_876 = arith.mulf %get3A_874, %mul3A_875 : vector<16xf32>
        %swap3A_877 = arith.index_cast %add3A_868 : i32 to index
        %swap3A_878 = arith.constant 0 : index
        %swap3A_879 = tpu.vector_load %arg16[%swap3A_877, %swap3A_878] {strides = array<i32>} : memref<128x64xf32, #tpu.memory_space<vmem>>, vector<1x16xf32>,
        %swap3A_880 = vector.shape_cast %swap3A_879 : vector<1x16xf32> to vector<16xf32>
        %swap3A_881 = vector.shape_cast %mul3A_876 : vector<16xf32> to vector<1x16xf32>
        tpu.vector_store %arg16[%swap3A_877, %swap3A_878], %swap3A_881 {strides = array<i32>} : memref<128x64xf32, #tpu.memory_space<vmem>>, vector<1x16xf32>,
        %get3A_882 = arith.index_cast %add3A_868 : i32 to index
        %get3A_883 = arith.constant 16 : index
        %get3A_884 = tpu.vector_load %arg16[%get3A_882, %get3A_883] {strides = array<i32>} : memref<128x64xf32, #tpu.memory_space<vmem>>, vector<1x16xf32>,
        %get3A_885 = vector.shape_cast %get3A_884 : vector<1x16xf32> to vector<16xf32>
        %mul3A_886 = vector.broadcast %squeeze3A_870 : f32 to vector<16xf32>
        %mul3A_887 = arith.mulf %get3A_885, %mul3A_886 : vector<16xf32>
        %swap3A_888 = arith.index_cast %add3A_868 : i32 to index
        %swap3A_889 = arith.constant 16 : index
        %swap3A_890 = tpu.vector_load %arg16[%swap3A_888, %swap3A_889] {strides = array<i32>} : memref<128x64xf32, #tpu.memory_space<vmem>>, vector<1x16xf32>,
        %swap3A_891 = vector.shape_cast %swap3A_890 : vector<1x16xf32> to vector<16xf32>
        %swap3A_892 = vector.shape_cast %mul3A_887 : vector<16xf32> to vector<1x16xf32>
        tpu.vector_store %arg16[%swap3A_888, %swap3A_889], %swap3A_892 {strides = array<i32>} : memref<128x64xf32, #tpu.memory_space<vmem>>, vector<1x16xf32>,
        %get3A_893 = arith.index_cast %add3A_868 : i32 to index
        %get3A_894 = arith.constant 32 : index
        %get3A_895 = tpu.vector_load %arg16[%get3A_893, %get3A_894] {strides = array<i32>} : memref<128x64xf32, #tpu.memory_space<vmem>>, vector<1x16xf32>,
        %get3A_896 = vector.shape_cast %get3A_895 : vector<1x16xf32> to vector<16xf32>
        %mul3A_897 = vector.broadcast %squeeze3A_870 : f32 to vector<16xf32>
        %mul3A_898 = arith.mulf %get3A_896, %mul3A_897 : vector<16xf32>
        %swap3A_899 = arith.index_cast %add3A_868 : i32 to index
        %swap3A_900 = arith.constant 32 : index
        %swap3A_901 = tpu.vector_load %arg16[%swap3A_899, %swap3A_900] {strides = array<i32>} : memref<128x64xf32, #tpu.memory_space<vmem>>, vector<1x16xf32>,
        %swap3A_902 = vector.shape_cast %swap3A_901 : vector<1x16xf32> to vector<16xf32>
        %swap3A_903 = vector.shape_cast %mul3A_898 : vector<16xf32> to vector<1x16xf32>
        tpu.vector_store %arg16[%swap3A_899, %swap3A_900], %swap3A_903 {strides = array<i32>} : memref<128x64xf32, #tpu.memory_space<vmem>>, vector<1x16xf32>,
        %get3A_904 = arith.index_cast %add3A_868 : i32 to index
        %get3A_905 = arith.constant 48 : index
        %get3A_906 = tpu.vector_load %arg16[%get3A_904, %get3A_905] {strides = array<i32>} : memref<128x64xf32, #tpu.memory_space<vmem>>, vector<1x16xf32>,
        %get3A_907 = vector.shape_cast %get3A_906 : vector<1x16xf32> to vector<16xf32>
        %mul3A_908 = vector.broadcast %squeeze3A_870 : f32 to vector<16xf32>
        %mul3A_909 = arith.mulf %get3A_907, %mul3A_908 : vector<16xf32>
        %swap3A_910 = arith.index_cast %add3A_868 : i32 to index
        %swap3A_911 = arith.constant 48 : index
        %swap3A_912 = tpu.vector_load %arg16[%swap3A_910, %swap3A_911] {strides = array<i32>} : memref<128x64xf32, #tpu.memory_space<vmem>>, vector<1x16xf32>,
        %swap3A_913 = vector.shape_cast %swap3A_912 : vector<1x16xf32> to vector<16xf32>
        %swap3A_914 = vector.shape_cast %mul3A_909 : vector<16xf32> to vector<1x16xf32>
        tpu.vector_store %arg16[%swap3A_910, %swap3A_911], %swap3A_914 {strides = array<i32>} : memref<128x64xf32, #tpu.memory_space<vmem>>, vector<1x16xf32>,
        %mul3A_915 = arith.constant 16 : i32
        %mul3A_916 = arith.muli %scan3A_262, %mul3A_915 : i32
        %add3A_917 = arith.constant 13 : i32
        %add3A_918 = arith.addi %mul3A_916, %add3A_917 : i32
        %slice3A_919 = vector.extract_strided_slice %get3A_267 {offsets = [13], sizes = [1], strides = [1]} : vector<16xf32> to vector<1xf32>
        %squeeze3A_920 = vector.extract %slice3A_919[0] : f32 from vector<1xf32>
        %get3A_921 = arith.index_cast %add3A_918 : i32 to index
        %get3A_922 = arith.constant 0 : index
        %get3A_923 = tpu.vector_load %arg16[%get3A_921, %get3A_922] {strides = array<i32>} : memref<128x64xf32, #tpu.memory_space<vmem>>, vector<1x16xf32>,
        %get3A_924 = vector.shape_cast %get3A_923 : vector<1x16xf32> to vector<16xf32>
        %mul3A_925 = vector.broadcast %squeeze3A_920 : f32 to vector<16xf32>
        %mul3A_926 = arith.mulf %get3A_924, %mul3A_925 : vector<16xf32>
        %swap3A_927 = arith.index_cast %add3A_918 : i32 to index
        %swap3A_928 = arith.constant 0 : index
        %swap3A_929 = tpu.vector_load %arg16[%swap3A_927, %swap3A_928] {strides = array<i32>} : memref<128x64xf32, #tpu.memory_space<vmem>>, vector<1x16xf32>,
        %swap3A_930 = vector.shape_cast %swap3A_929 : vector<1x16xf32> to vector<16xf32>
        %swap3A_931 = vector.shape_cast %mul3A_926 : vector<16xf32> to vector<1x16xf32>
        tpu.vector_store %arg16[%swap3A_927, %swap3A_928], %swap3A_931 {strides = array<i32>} : memref<128x64xf32, #tpu.memory_space<vmem>>, vector<1x16xf32>,
        %get3A_932 = arith.index_cast %add3A_918 : i32 to index
        %get3A_933 = arith.constant 16 : index
        %get3A_934 = tpu.vector_load %arg16[%get3A_932, %get3A_933] {strides = array<i32>} : memref<128x64xf32, #tpu.memory_space<vmem>>, vector<1x16xf32>,
        %get3A_935 = vector.shape_cast %get3A_934 : vector<1x16xf32> to vector<16xf32>
        %mul3A_936 = vector.broadcast %squeeze3A_920 : f32 to vector<16xf32>
        %mul3A_937 = arith.mulf %get3A_935, %mul3A_936 : vector<16xf32>
        %swap3A_938 = arith.index_cast %add3A_918 : i32 to index
        %swap3A_939 = arith.constant 16 : index
        %swap3A_940 = tpu.vector_load %arg16[%swap3A_938, %swap3A_939] {strides = array<i32>} : memref<128x64xf32, #tpu.memory_space<vmem>>, vector<1x16xf32>,
        %swap3A_941 = vector.shape_cast %swap3A_940 : vector<1x16xf32> to vector<16xf32>
        %swap3A_942 = vector.shape_cast %mul3A_937 : vector<16xf32> to vector<1x16xf32>
        tpu.vector_store %arg16[%swap3A_938, %swap3A_939], %swap3A_942 {strides = array<i32>} : memref<128x64xf32, #tpu.memory_space<vmem>>, vector<1x16xf32>,
        %get3A_943 = arith.index_cast %add3A_918 : i32 to index
        %get3A_944 = arith.constant 32 : index
        %get3A_945 = tpu.vector_load %arg16[%get3A_943, %get3A_944] {strides = array<i32>} : memref<128x64xf32, #tpu.memory_space<vmem>>, vector<1x16xf32>,
        %get3A_946 = vector.shape_cast %get3A_945 : vector<1x16xf32> to vector<16xf32>
        %mul3A_947 = vector.broadcast %squeeze3A_920 : f32 to vector<16xf32>
        %mul3A_948 = arith.mulf %get3A_946, %mul3A_947 : vector<16xf32>
        %swap3A_949 = arith.index_cast %add3A_918 : i32 to index
        %swap3A_950 = arith.constant 32 : index
        %swap3A_951 = tpu.vector_load %arg16[%swap3A_949, %swap3A_950] {strides = array<i32>} : memref<128x64xf32, #tpu.memory_space<vmem>>, vector<1x16xf32>,
        %swap3A_952 = vector.shape_cast %swap3A_951 : vector<1x16xf32> to vector<16xf32>
        %swap3A_953 = vector.shape_cast %mul3A_948 : vector<16xf32> to vector<1x16xf32>
        tpu.vector_store %arg16[%swap3A_949, %swap3A_950], %swap3A_953 {strides = array<i32>} : memref<128x64xf32, #tpu.memory_space<vmem>>, vector<1x16xf32>,
        %get3A_954 = arith.index_cast %add3A_918 : i32 to index
        %get3A_955 = arith.constant 48 : index
        %get3A_956 = tpu.vector_load %arg16[%get3A_954, %get3A_955] {strides = array<i32>} : memref<128x64xf32, #tpu.memory_space<vmem>>, vector<1x16xf32>,
        %get3A_957 = vector.shape_cast %get3A_956 : vector<1x16xf32> to vector<16xf32>
        %mul3A_958 = vector.broadcast %squeeze3A_920 : f32 to vector<16xf32>
        %mul3A_959 = arith.mulf %get3A_957, %mul3A_958 : vector<16xf32>
        %swap3A_960 = arith.index_cast %add3A_918 : i32 to index
        %swap3A_961 = arith.constant 48 : index
        %swap3A_962 = tpu.vector_load %arg16[%swap3A_960, %swap3A_961] {strides = array<i32>} : memref<128x64xf32, #tpu.memory_space<vmem>>, vector<1x16xf32>,
        %swap3A_963 = vector.shape_cast %swap3A_962 : vector<1x16xf32> to vector<16xf32>
        %swap3A_964 = vector.shape_cast %mul3A_959 : vector<16xf32> to vector<1x16xf32>
        tpu.vector_store %arg16[%swap3A_960, %swap3A_961], %swap3A_964 {strides = array<i32>} : memref<128x64xf32, #tpu.memory_space<vmem>>, vector<1x16xf32>,
        %mul3A_965 = arith.constant 16 : i32
        %mul3A_966 = arith.muli %scan3A_262, %mul3A_965 : i32
        %add3A_967 = arith.constant 14 : i32
        %add3A_968 = arith.addi %mul3A_966, %add3A_967 : i32
        %slice3A_969 = vector.extract_strided_slice %get3A_267 {offsets = [14], sizes = [1], strides = [1]} : vector<16xf32> to vector<1xf32>
        %squeeze3A_970 = vector.extract %slice3A_969[0] : f32 from vector<1xf32>
        %get3A_971 = arith.index_cast %add3A_968 : i32 to index
        %get3A_972 = arith.constant 0 : index
        %get3A_973 = tpu.vector_load %arg16[%get3A_971, %get3A_972] {strides = array<i32>} : memref<128x64xf32, #tpu.memory_space<vmem>>, vector<1x16xf32>,
        %get3A_974 = vector.shape_cast %get3A_973 : vector<1x16xf32> to vector<16xf32>
        %mul3A_975 = vector.broadcast %squeeze3A_970 : f32 to vector<16xf32>
        %mul3A_976 = arith.mulf %get3A_974, %mul3A_975 : vector<16xf32>
        %swap3A_977 = arith.index_cast %add3A_968 : i32 to index
        %swap3A_978 = arith.constant 0 : index
        %swap3A_979 = tpu.vector_load %arg16[%swap3A_977, %swap3A_978] {strides = array<i32>} : memref<128x64xf32, #tpu.memory_space<vmem>>, vector<1x16xf32>,
        %swap3A_980 = vector.shape_cast %swap3A_979 : vector<1x16xf32> to vector<16xf32>
        %swap3A_981 = vector.shape_cast %mul3A_976 : vector<16xf32> to vector<1x16xf32>
        tpu.vector_store %arg16[%swap3A_977, %swap3A_978], %swap3A_981 {strides = array<i32>} : memref<128x64xf32, #tpu.memory_space<vmem>>, vector<1x16xf32>,
        %get3A_982 = arith.index_cast %add3A_968 : i32 to index
        %get3A_983 = arith.constant 16 : index
        %get3A_984 = tpu.vector_load %arg16[%get3A_982, %get3A_983] {strides = array<i32>} : memref<128x64xf32, #tpu.memory_space<vmem>>, vector<1x16xf32>,
        %get3A_985 = vector.shape_cast %get3A_984 : vector<1x16xf32> to vector<16xf32>
        %mul3A_986 = vector.broadcast %squeeze3A_970 : f32 to vector<16xf32>
        %mul3A_987 = arith.mulf %get3A_985, %mul3A_986 : vector<16xf32>
        %swap3A_988 = arith.index_cast %add3A_968 : i32 to index
        %swap3A_989 = arith.constant 16 : index
        %swap3A_990 = tpu.vector_load %arg16[%swap3A_988, %swap3A_989] {strides = array<i32>} : memref<128x64xf32, #tpu.memory_space<vmem>>, vector<1x16xf32>,
        %swap3A_991 = vector.shape_cast %swap3A_990 : vector<1x16xf32> to vector<16xf32>
        %swap3A_992 = vector.shape_cast %mul3A_987 : vector<16xf32> to vector<1x16xf32>
        tpu.vector_store %arg16[%swap3A_988, %swap3A_989], %swap3A_992 {strides = array<i32>} : memref<128x64xf32, #tpu.memory_space<vmem>>, vector<1x16xf32>,
        %get3A_993 = arith.index_cast %add3A_968 : i32 to index
        %get3A_994 = arith.constant 32 : index
        %get3A_995 = tpu.vector_load %arg16[%get3A_993, %get3A_994] {strides = array<i32>} : memref<128x64xf32, #tpu.memory_space<vmem>>, vector<1x16xf32>,
        %get3A_996 = vector.shape_cast %get3A_995 : vector<1x16xf32> to vector<16xf32>
        %mul3A_997 = vector.broadcast %squeeze3A_970 : f32 to vector<16xf32>
        %mul3A_998 = arith.mulf %get3A_996, %mul3A_997 : vector<16xf32>
        %swap3A_999 = arith.index_cast %add3A_968 : i32 to index
        %swap3A_1000 = arith.constant 32 : index
        %swap3A_1001 = tpu.vector_load %arg16[%swap3A_999, %swap3A_1000] {strides = array<i32>} : memref<128x64xf32, #tpu.memory_space<vmem>>, vector<1x16xf32>,
        %swap3A_1002 = vector.shape_cast %swap3A_1001 : vector<1x16xf32> to vector<16xf32>
        %swap3A_1003 = vector.shape_cast %mul3A_998 : vector<16xf32> to vector<1x16xf32>
        tpu.vector_store %arg16[%swap3A_999, %swap3A_1000], %swap3A_1003 {strides = array<i32>} : memref<128x64xf32, #tpu.memory_space<vmem>>, vector<1x16xf32>,
        %get3A_1004 = arith.index_cast %add3A_968 : i32 to index
        %get3A_1005 = arith.constant 48 : index
        %get3A_1006 = tpu.vector_load %arg16[%get3A_1004, %get3A_1005] {strides = array<i32>} : memref<128x64xf32, #tpu.memory_space<vmem>>, vector<1x16xf32>,
        %get3A_1007 = vector.shape_cast %get3A_1006 : vector<1x16xf32> to vector<16xf32>
        %mul3A_1008 = vector.broadcast %squeeze3A_970 : f32 to vector<16xf32>
        %mul3A_1009 = arith.mulf %get3A_1007, %mul3A_1008 : vector<16xf32>
        %swap3A_1010 = arith.index_cast %add3A_968 : i32 to index
        %swap3A_1011 = arith.constant 48 : index
        %swap3A_1012 = tpu.vector_load %arg16[%swap3A_1010, %swap3A_1011] {strides = array<i32>} : memref<128x64xf32, #tpu.memory_space<vmem>>, vector<1x16xf32>,
        %swap3A_1013 = vector.shape_cast %swap3A_1012 : vector<1x16xf32> to vector<16xf32>
        %swap3A_1014 = vector.shape_cast %mul3A_1009 : vector<16xf32> to vector<1x16xf32>
        tpu.vector_store %arg16[%swap3A_1010, %swap3A_1011], %swap3A_1014 {strides = array<i32>} : memref<128x64xf32, #tpu.memory_space<vmem>>, vector<1x16xf32>,
        %mul3A_1015 = arith.constant 16 : i32
        %mul3A_1016 = arith.muli %scan3A_262, %mul3A_1015 : i32
        %add3A_1017 = arith.constant 15 : i32
        %add3A_1018 = arith.addi %mul3A_1016, %add3A_1017 : i32
        %slice3A_1019 = vector.extract_strided_slice %get3A_267 {offsets = [15], sizes = [1], strides = [1]} : vector<16xf32> to vector<1xf32>
        %squeeze3A_1020 = vector.extract %slice3A_1019[0] : f32 from vector<1xf32>
        %get3A_1021 = arith.index_cast %add3A_1018 : i32 to index
        %get3A_1022 = arith.constant 0 : index
        %get3A_1023 = tpu.vector_load %arg16[%get3A_1021, %get3A_1022] {strides = array<i32>} : memref<128x64xf32, #tpu.memory_space<vmem>>, vector<1x16xf32>,
        %get3A_1024 = vector.shape_cast %get3A_1023 : vector<1x16xf32> to vector<16xf32>
        %mul3A_1025 = vector.broadcast %squeeze3A_1020 : f32 to vector<16xf32>
        %mul3A_1026 = arith.mulf %get3A_1024, %mul3A_1025 : vector<16xf32>
        %swap3A_1027 = arith.index_cast %add3A_1018 : i32 to index
        %swap3A_1028 = arith.constant 0 : index
        %swap3A_1029 = tpu.vector_load %arg16[%swap3A_1027, %swap3A_1028] {strides = array<i32>} : memref<128x64xf32, #tpu.memory_space<vmem>>, vector<1x16xf32>,
        %swap3A_1030 = vector.shape_cast %swap3A_1029 : vector<1x16xf32> to vector<16xf32>
        %swap3A_1031 = vector.shape_cast %mul3A_1026 : vector<16xf32> to vector<1x16xf32>
        tpu.vector_store %arg16[%swap3A_1027, %swap3A_1028], %swap3A_1031 {strides = array<i32>} : memref<128x64xf32, #tpu.memory_space<vmem>>, vector<1x16xf32>,
        %get3A_1032 = arith.index_cast %add3A_1018 : i32 to index
        %get3A_1033 = arith.constant 16 : index
        %get3A_1034 = tpu.vector_load %arg16[%get3A_1032, %get3A_1033] {strides = array<i32>} : memref<128x64xf32, #tpu.memory_space<vmem>>, vector<1x16xf32>,
        %get3A_1035 = vector.shape_cast %get3A_1034 : vector<1x16xf32> to vector<16xf32>
        %mul3A_1036 = vector.broadcast %squeeze3A_1020 : f32 to vector<16xf32>
        %mul3A_1037 = arith.mulf %get3A_1035, %mul3A_1036 : vector<16xf32>
        %swap3A_1038 = arith.index_cast %add3A_1018 : i32 to index
        %swap3A_1039 = arith.constant 16 : index
        %swap3A_1040 = tpu.vector_load %arg16[%swap3A_1038, %swap3A_1039] {strides = array<i32>} : memref<128x64xf32, #tpu.memory_space<vmem>>, vector<1x16xf32>,
        %swap3A_1041 = vector.shape_cast %swap3A_1040 : vector<1x16xf32> to vector<16xf32>
        %swap3A_1042 = vector.shape_cast %mul3A_1037 : vector<16xf32> to vector<1x16xf32>
        tpu.vector_store %arg16[%swap3A_1038, %swap3A_1039], %swap3A_1042 {strides = array<i32>} : memref<128x64xf32, #tpu.memory_space<vmem>>, vector<1x16xf32>,
        %get3A_1043 = arith.index_cast %add3A_1018 : i32 to index
        %get3A_1044 = arith.constant 32 : index
        %get3A_1045 = tpu.vector_load %arg16[%get3A_1043, %get3A_1044] {strides = array<i32>} : memref<128x64xf32, #tpu.memory_space<vmem>>, vector<1x16xf32>,
        %get3A_1046 = vector.shape_cast %get3A_1045 : vector<1x16xf32> to vector<16xf32>
        %mul3A_1047 = vector.broadcast %squeeze3A_1020 : f32 to vector<16xf32>
        %mul3A_1048 = arith.mulf %get3A_1046, %mul3A_1047 : vector<16xf32>
        %swap3A_1049 = arith.index_cast %add3A_1018 : i32 to index
        %swap3A_1050 = arith.constant 32 : index
        %swap3A_1051 = tpu.vector_load %arg16[%swap3A_1049, %swap3A_1050] {strides = array<i32>} : memref<128x64xf32, #tpu.memory_space<vmem>>, vector<1x16xf32>,
        %swap3A_1052 = vector.shape_cast %swap3A_1051 : vector<1x16xf32> to vector<16xf32>
        %swap3A_1053 = vector.shape_cast %mul3A_1048 : vector<16xf32> to vector<1x16xf32>
        tpu.vector_store %arg16[%swap3A_1049, %swap3A_1050], %swap3A_1053 {strides = array<i32>} : memref<128x64xf32, #tpu.memory_space<vmem>>, vector<1x16xf32>,
        %get3A_1054 = arith.index_cast %add3A_1018 : i32 to index
        %get3A_1055 = arith.constant 48 : index
        %get3A_1056 = tpu.vector_load %arg16[%get3A_1054, %get3A_1055] {strides = array<i32>} : memref<128x64xf32, #tpu.memory_space<vmem>>, vector<1x16xf32>,
        %get3A_1057 = vector.shape_cast %get3A_1056 : vector<1x16xf32> to vector<16xf32>
        %mul3A_1058 = vector.broadcast %squeeze3A_1020 : f32 to vector<16xf32>
        %mul3A_1059 = arith.mulf %get3A_1057, %mul3A_1058 : vector<16xf32>
        %swap3A_1060 = arith.index_cast %add3A_1018 : i32 to index
        %swap3A_1061 = arith.constant 48 : index
        %swap3A_1062 = tpu.vector_load %arg16[%swap3A_1060, %swap3A_1061] {strides = array<i32>} : memref<128x64xf32, #tpu.memory_space<vmem>>, vector<1x16xf32>,
        %swap3A_1063 = vector.shape_cast %swap3A_1062 : vector<1x16xf32> to vector<16xf32>
        %swap3A_1064 = vector.shape_cast %mul3A_1059 : vector<16xf32> to vector<1x16xf32>
        tpu.vector_store %arg16[%swap3A_1060, %swap3A_1061], %swap3A_1064 {strides = array<i32>} : memref<128x64xf32, #tpu.memory_space<vmem>>, vector<1x16xf32>,
      }
      %scan3A_255 = arith.constant 8 : i32
      %dma_start3A_256 = arith.constant 0 : i32
      %dma_start3A_257 = tpu.memref_slice %arg10[%add3A_236, %dma_start3A_256] : memref<80x128xi32, #tpu.memory_space<vmem>> -> memref<1x128xi32, #tpu.memory_space<vmem>>
      %dma_start3A_258 = tpu.memref_squeeze %dma_start3A_257 : memref<1x128xi32, #tpu.memory_space<vmem>> -> memref<128xi32, #tpu.memory_space<vmem>>
      %dma_start3A_259 = arith.constant 0 : i32
      %dma_start3A_260 = arith.constant 0 : i32
      %dma_start3A_261 = tpu.memref_slice %arg17[%dma_start3A_259, %dma_start3A_260] : memref<10240x64xf32, #tpu.memory_space<vmem_shared>> -> memref<10240x64xf32, #tpu.memory_space<vmem_shared>>
      tpu.enqueue_indirect_dma source(%arg16 : memref<128x64xf32, #tpu.memory_space<vmem>>) target(%dma_start3A_261 : memref<10240x64xf32, #tpu.memory_space<vmem_shared>>) offsets(%dma_start3A_258 : memref<128xi32, #tpu.memory_space<vmem>>) semaphore(%arg22 : memref<!tpu.dma_semaphore, #tpu.memory_space<semaphore_mem>>) {add = true}
    }
    %scan3A_73 = arith.constant 16 : i32
    %dma_wait3A_74 = arith.constant 0 : i32
    %dma_wait3A_75 = arith.constant 0 : i32
    %dma_wait3A_76 = tpu.memref_slice %arg10[%dma_wait3A_74, %dma_wait3A_75] : memref<80x128xi32, #tpu.memory_space<vmem>> -> memref<1x128xi32, #tpu.memory_space<vmem>>
    %dma_wait3A_77 = tpu.memref_squeeze %dma_wait3A_76 : memref<1x128xi32, #tpu.memory_space<vmem>> -> memref<128xi32, #tpu.memory_space<vmem>>
    %dma_wait3A_78 = arith.constant 0 : i32
    %dma_wait3A_79 = arith.constant 0 : i32
    %dma_wait3A_80 = tpu.memref_slice %arg17[%dma_wait3A_78, %dma_wait3A_79] : memref<10240x64xf32, #tpu.memory_space<vmem_shared>> -> memref<10240x64xf32, #tpu.memory_space<vmem_shared>>
    tpu.wait_indirect_dma semaphore(%arg18 : memref<!tpu.dma_semaphore, #tpu.memory_space<semaphore_mem>>) src(%arg12 : memref<128x64xf32, #tpu.memory_space<vmem>>) dst(%dma_wait3A_80 : memref<10240x64xf32, #tpu.memory_space<vmem_shared>>)
    %dma_wait3A_81 = arith.constant 0 : i32
    %dma_wait3A_82 = arith.constant 0 : i32
    %dma_wait3A_83 = tpu.memref_slice %arg10[%dma_wait3A_81, %dma_wait3A_82] : memref<80x128xi32, #tpu.memory_space<vmem>> -> memref<1x128xi32, #tpu.memory_space<vmem>>
    %dma_wait3A_84 = tpu.memref_squeeze %dma_wait3A_83 : memref<1x128xi32, #tpu.memory_space<vmem>> -> memref<128xi32, #tpu.memory_space<vmem>>
    %dma_wait3A_85 = arith.constant 0 : i32
    %dma_wait3A_86 = arith.constant 0 : i32
    %dma_wait3A_87 = tpu.memref_slice %arg17[%dma_wait3A_85, %dma_wait3A_86] : memref<10240x64xf32, #tpu.memory_space<vmem_shared>> -> memref<10240x64xf32, #tpu.memory_space<vmem_shared>>
    tpu.wait_indirect_dma semaphore(%arg19 : memref<!tpu.dma_semaphore, #tpu.memory_space<semaphore_mem>>) src(%arg13 : memref<128x64xf32, #tpu.memory_space<vmem>>) dst(%dma_wait3A_87 : memref<10240x64xf32, #tpu.memory_space<vmem_shared>>)
    %dma_wait3A_88 = arith.constant 0 : i32
    %dma_wait3A_89 = arith.constant 0 : i32
    %dma_wait3A_90 = tpu.memref_slice %arg10[%dma_wait3A_88, %dma_wait3A_89] : memref<80x128xi32, #tpu.memory_space<vmem>> -> memref<1x128xi32, #tpu.memory_space<vmem>>
    %dma_wait3A_91 = tpu.memref_squeeze %dma_wait3A_90 : memref<1x128xi32, #tpu.memory_space<vmem>> -> memref<128xi32, #tpu.memory_space<vmem>>
    %dma_wait3A_92 = arith.constant 0 : i32
    %dma_wait3A_93 = arith.constant 0 : i32
    %dma_wait3A_94 = tpu.memref_slice %arg17[%dma_wait3A_92, %dma_wait3A_93] : memref<10240x64xf32, #tpu.memory_space<vmem_shared>> -> memref<10240x64xf32, #tpu.memory_space<vmem_shared>>
    tpu.wait_indirect_dma semaphore(%arg20 : memref<!tpu.dma_semaphore, #tpu.memory_space<semaphore_mem>>) src(%arg14 : memref<128x64xf32, #tpu.memory_space<vmem>>) dst(%dma_wait3A_94 : memref<10240x64xf32, #tpu.memory_space<vmem_shared>>)
    %dma_wait3A_95 = arith.constant 0 : i32
    %dma_wait3A_96 = arith.constant 0 : i32
    %dma_wait3A_97 = tpu.memref_slice %arg10[%dma_wait3A_95, %dma_wait3A_96] : memref<80x128xi32, #tpu.memory_space<vmem>> -> memref<1x128xi32, #tpu.memory_space<vmem>>
    %dma_wait3A_98 = tpu.memref_squeeze %dma_wait3A_97 : memref<1x128xi32, #tpu.memory_space<vmem>> -> memref<128xi32, #tpu.memory_space<vmem>>
    %dma_wait3A_99 = arith.constant 0 : i32
    %dma_wait3A_100 = arith.constant 0 : i32
    %dma_wait3A_101 = tpu.memref_slice %arg17[%dma_wait3A_99, %dma_wait3A_100] : memref<10240x64xf32, #tpu.memory_space<vmem_shared>> -> memref<10240x64xf32, #tpu.memory_space<vmem_shared>>
    tpu.wait_indirect_dma semaphore(%arg21 : memref<!tpu.dma_semaphore, #tpu.memory_space<semaphore_mem>>) src(%arg15 : memref<128x64xf32, #tpu.memory_space<vmem>>) dst(%dma_wait3A_101 : memref<10240x64xf32, #tpu.memory_space<vmem_shared>>)
    %dma_wait3A_102 = arith.constant 0 : i32
    %dma_wait3A_103 = arith.constant 0 : i32
    %dma_wait3A_104 = tpu.memref_slice %arg10[%dma_wait3A_102, %dma_wait3A_103] : memref<80x128xi32, #tpu.memory_space<vmem>> -> memref<1x128xi32, #tpu.memory_space<vmem>>
    %dma_wait3A_105 = tpu.memref_squeeze %dma_wait3A_104 : memref<1x128xi32, #tpu.memory_space<vmem>> -> memref<128xi32, #tpu.memory_space<vmem>>
    %dma_wait3A_106 = arith.constant 0 : i32
    %dma_wait3A_107 = arith.constant 0 : i32
    %dma_wait3A_108 = tpu.memref_slice %arg17[%dma_wait3A_106, %dma_wait3A_107] : memref<10240x64xf32, #tpu.memory_space<vmem_shared>> -> memref<10240x64xf32, #tpu.memory_space<vmem_shared>>
    tpu.wait_indirect_dma semaphore(%arg22 : memref<!tpu.dma_semaphore, #tpu.memory_space<semaphore_mem>>) src(%arg16 : memref<128x64xf32, #tpu.memory_space<vmem>>) dst(%dma_wait3A_108 : memref<10240x64xf32, #tpu.memory_space<vmem_shared>>)
    %barrier3A_109 = arith.constant 0 : index
    tpu.barrier barrier_id(%barrier3A_109)
    %eq3A = arith.constant 0 : i32
    %eq3A_110 = arith.cmpi eq, %arg0, %eq3A : i32
    %convert_element_type3A = arith.extui %eq3A_110 : i1 to i32
    %cond3A = arith.constant 0 : i32
    %cond3A_111 = arith.cmpi ne, %convert_element_type3A, %cond3A : i32
    scf.if %cond3A_111 {
      %mul3A_117 = arith.constant 640 : i32
      %mul3A_118 = arith.muli %arg1, %mul3A_117 : i32
      %mul3A_119 = arith.constant 640 : i32
      %mul3A_120 = arith.muli %arg1, %mul3A_119 : i32
      "tpu.region"() ({
        %run_scoped3A = tpu.sem_alloc : memref<!tpu.dma_semaphore, #tpu.memory_space<semaphore_mem>>
        %dma_start3A_121 = arith.constant 0 : i32
        %dma_start3A_122 = tpu.memref_slice %arg7[%mul3A_120, %dma_start3A_121] : memref<10240x64xf32, #tpu.memory_space<hbm>> -> memref<640x64xf32, #tpu.memory_space<hbm>>
        %dma_start3A_123 = arith.constant 0 : i32
        %dma_start3A_124 = tpu.memref_slice %arg17[%mul3A_118, %dma_start3A_123] : memref<10240x64xf32, #tpu.memory_space<vmem_shared>> -> memref<640x64xf32, #tpu.memory_space<vmem_shared>>
        tpu.enqueue_dma source(%dma_start3A_124 : memref<640x64xf32, #tpu.memory_space<vmem_shared>>) target(%dma_start3A_122 : memref<640x64xf32, #tpu.memory_space<hbm>>) target_semaphore(%run_scoped3A : memref<!tpu.dma_semaphore, #tpu.memory_space<semaphore_mem>>)
        %dma_wait3A_125 = arith.constant 0 : i32
        %dma_wait3A_126 = tpu.memref_slice %arg7[%mul3A_120, %dma_wait3A_125] : memref<10240x64xf32, #tpu.memory_space<hbm>> -> memref<640x64xf32, #tpu.memory_space<hbm>>
        %dma_wait3A_127 = arith.constant 0 : i32
        %dma_wait3A_128 = tpu.memref_slice %arg17[%mul3A_118, %dma_wait3A_127] : memref<10240x64xf32, #tpu.memory_space<vmem_shared>> -> memref<640x64xf32, #tpu.memory_space<vmem_shared>>
        tpu.wait_dma2 semaphore(%run_scoped3A : memref<!tpu.dma_semaphore, #tpu.memory_space<semaphore_mem>>) src(%dma_wait3A_128 : memref<640x64xf32, #tpu.memory_space<vmem_shared>>) dst(%dma_wait3A_126 : memref<640x64xf32, #tpu.memory_space<hbm>>)
        tpu.yield
      }) : () -> ()
    } else {
    }
    %eq3A_112 = arith.constant 1 : i32
    %eq3A_113 = arith.cmpi eq, %arg0, %eq3A_112 : i32
    %convert_element_type3A_114 = arith.extui %eq3A_113 : i1 to i32
    %cond3A_115 = arith.constant 0 : i32
    %cond3A_116 = arith.cmpi ne, %convert_element_type3A_114, %cond3A_115 : i32
    scf.if %cond3A_116 {
      %mul3A_117 = arith.constant 640 : i32
      %mul3A_118 = arith.muli %arg1, %mul3A_117 : i32
      %mul3A_119 = arith.constant 640 : i32
      %mul3A_120 = arith.muli %arg1, %mul3A_119 : i32
      "tpu.region"() ({
        %run_scoped3A = tpu.sem_alloc : memref<!tpu.dma_semaphore, #tpu.memory_space<semaphore_mem>>
        %dma_start3A_121 = arith.constant 0 : i32
        %dma_start3A_122 = tpu.memref_slice %arg8[%mul3A_120, %dma_start3A_121] : memref<10240x64xf32, #tpu.memory_space<hbm>> -> memref<640x64xf32, #tpu.memory_space<hbm>>
        %dma_start3A_123 = arith.constant 0 : i32
        %dma_start3A_124 = tpu.memref_slice %arg17[%mul3A_118, %dma_start3A_123] : memref<10240x64xf32, #tpu.memory_space<vmem_shared>> -> memref<640x64xf32, #tpu.memory_space<vmem_shared>>
        tpu.enqueue_dma source(%dma_start3A_124 : memref<640x64xf32, #tpu.memory_space<vmem_shared>>) target(%dma_start3A_122 : memref<640x64xf32, #tpu.memory_space<hbm>>) target_semaphore(%run_scoped3A : memref<!tpu.dma_semaphore, #tpu.memory_space<semaphore_mem>>)
        %dma_wait3A_125 = arith.constant 0 : i32
        %dma_wait3A_126 = tpu.memref_slice %arg8[%mul3A_120, %dma_wait3A_125] : memref<10240x64xf32, #tpu.memory_space<hbm>> -> memref<640x64xf32, #tpu.memory_space<hbm>>
        %dma_wait3A_127 = arith.constant 0 : i32
        %dma_wait3A_128 = tpu.memref_slice %arg17[%mul3A_118, %dma_wait3A_127] : memref<10240x64xf32, #tpu.memory_space<vmem_shared>> -> memref<640x64xf32, #tpu.memory_space<vmem_shared>>
        tpu.wait_dma2 semaphore(%run_scoped3A : memref<!tpu.dma_semaphore, #tpu.memory_space<semaphore_mem>>) src(%dma_wait3A_128 : memref<640x64xf32, #tpu.memory_space<vmem_shared>>) dst(%dma_wait3A_126 : memref<640x64xf32, #tpu.memory_space<hbm>>)
        tpu.yield
      }) : () -> ()
    } else {
    }
    return
  }
}

module attributes {stable_mosaic.version = 14 : i64} {
  func.func @_enc_body(%arg0: i32, %arg1: memref<1280x128xf32, #tpu.memory_space<vmem>>, %arg2: memref<128x64xf32, #tpu.memory_space<vmem>>, %arg3: memref<1280x64xf32, #tpu.memory_space<vmem>>) attributes {dimension_semantics = [#tpu.dimension_semantics<arbitrary>], iteration_bounds = array<i64: 8>, scalar_prefetch = 0 : i64, scratch_operands = 0 : i64, tpu.core_type = #tpu.core_type<tc>, window_params = [{transform_indices = @transform_0, window_bounds = array<i64: 1280, 128>}, {pipeline_mode = #tpu.pipeline_mode<synchronous>, transform_indices = @transform_1, window_bounds = array<i64: 128, 64>}, {transform_indices = @transform_2, window_bounds = array<i64: 1280, 64>}]} {
    %get3A = arith.constant 0 : index
    %get3A_0 = arith.constant 0 : index
    %get3A_1 = vector.load %arg1[%get3A, %get3A_0] : memref<1280x128xf32, #tpu.memory_space<vmem>>, vector<1280x128xf32>
    %get3A_2 = arith.constant 0 : index
    %get3A_3 = arith.constant 0 : index
    %get3A_4 = vector.load %arg2[%get3A_2, %get3A_3] : memref<128x64xf32, #tpu.memory_space<vmem>>, vector<128x64xf32>
    %dot_general3A = arith.constant dense<0.000000e+00> : vector<1280x64xf32>
    %dot_general3A_5 = tpu.matmul %get3A_1, %get3A_4, %dot_general3A {dimension_numbers = #tpu.dot_dimension_numbers<[1], [0], [0], [1], [0, 0, 1, 1], [], []>, transpose_lhs_hint = false} : vector<1280x128xf32>, vector<128x64xf32>, vector<1280x64xf32> -> vector<1280x64xf32>
    %swap3A = arith.constant 0 : index
    %swap3A_6 = arith.constant 0 : index
    %swap3A_7 = vector.load %arg3[%swap3A, %swap3A_6] : memref<1280x64xf32, #tpu.memory_space<vmem>>, vector<1280x64xf32>
    tpu.vector_store %arg3[%swap3A, %swap3A_6], %dot_general3A_5 {strides = array<i32>} : memref<1280x64xf32, #tpu.memory_space<vmem>>, vector<1280x64xf32>,
    return
  }
  func.func @transform_0(%arg0: i32) -> (i32, i32) {
    %c0_i32 = arith.constant 0 : i32
    %c0_i32_0 = arith.constant 0 : i32
    return %arg0, %c0_i32 : i32, i32
  }
  func.func @transform_1(%arg0: i32) -> (i32, i32) {
    %c0_i32 = arith.constant 0 : i32
    %c0_i32_0 = arith.constant 0 : i32
    %c0_i32_1 = arith.constant 0 : i32
    return %c0_i32, %c0_i32_0 : i32, i32
  }
  func.func @transform_2(%arg0: i32) -> (i32, i32) {
    %c0_i32 = arith.constant 0 : i32
    %c0_i32_0 = arith.constant 0 : i32
    return %arg0, %c0_i32 : i32, i32
  }
}

module attributes {stable_mosaic.version = 14 : i64} {
  func.func @_dec_body(%arg0: i32, %arg1: i32, %arg2: memref<2x1000x64xf32, #tpu.memory_space<vmem>>, %arg3: memref<2x1024x64xf32, #tpu.memory_space<vmem>>, %arg4: memref<64x64xf32, #tpu.memory_space<vmem>>, %arg5: memref<1000x1024xf32, #tpu.memory_space<vmem>>) attributes {dimension_semantics = [#tpu.dimension_semantics<arbitrary>, #tpu.dimension_semantics<arbitrary>], iteration_bounds = array<i64: 4, 6>, scalar_prefetch = 0 : i64, scratch_operands = 0 : i64, tpu.core_type = #tpu.core_type<tc>, window_params = [{transform_indices = @transform_0, window_bounds = array<i64: 2, 1000, 64>}, {transform_indices = @transform_1, window_bounds = array<i64: 2, 1024, 64>}, {pipeline_mode = #tpu.pipeline_mode<synchronous>, transform_indices = @transform_2, window_bounds = array<i64: 64, 64>}, {transform_indices = @transform_3, window_bounds = array<i64: 1000, 1024>}]} {
    %get3A = arith.constant 0 : index
    %get3A_0 = arith.constant 0 : index
    %get3A_1 = arith.constant 0 : index
    %get3A_2 = vector.load %arg2[%get3A, %get3A_0, %get3A_1] : memref<2x1000x64xf32, #tpu.memory_space<vmem>>, vector<1x1000x64xf32>
    %get3A_3 = vector.shape_cast %get3A_2 : vector<1x1000x64xf32> to vector<1000x64xf32>
    %get3A_4 = arith.constant 1 : index
    %get3A_5 = arith.constant 0 : index
    %get3A_6 = arith.constant 0 : index
    %get3A_7 = vector.load %arg2[%get3A_4, %get3A_5, %get3A_6] : memref<2x1000x64xf32, #tpu.memory_space<vmem>>, vector<1x1000x64xf32>
    %get3A_8 = vector.shape_cast %get3A_7 : vector<1x1000x64xf32> to vector<1000x64xf32>
    %add3A = arith.addf %get3A_3, %get3A_8 : vector<1000x64xf32>
    %gt3A = arith.constant 0.000000e+00 : f32
    %gt3A_9 = vector.broadcast %gt3A : f32 to vector<1000x64xf32>
    %gt3A_10 = arith.cmpf ogt, %add3A, %gt3A_9 : vector<1000x64xf32>
    %exp3A = math.exp %add3A : vector<1000x64xf32>
    %sub3A = arith.constant 1.000000e+00 : f32
    %sub3A_11 = vector.broadcast %sub3A : f32 to vector<1000x64xf32>
    %sub3A_12 = arith.subf %exp3A, %sub3A_11 : vector<1000x64xf32>
    %select_n3A = arith.select %gt3A_10, %add3A, %sub3A_12 : vector<1000x64xi1>, vector<1000x64xf32>
    %get3A_13 = arith.constant 0 : index
    %get3A_14 = arith.constant 0 : index
    %get3A_15 = arith.constant 0 : index
    %get3A_16 = vector.load %arg3[%get3A_13, %get3A_14, %get3A_15] : memref<2x1024x64xf32, #tpu.memory_space<vmem>>, vector<1x1024x64xf32>
    %get3A_17 = vector.shape_cast %get3A_16 : vector<1x1024x64xf32> to vector<1024x64xf32>
    %get3A_18 = arith.constant 1 : index
    %get3A_19 = arith.constant 0 : index
    %get3A_20 = arith.constant 0 : index
    %get3A_21 = vector.load %arg3[%get3A_18, %get3A_19, %get3A_20] : memref<2x1024x64xf32, #tpu.memory_space<vmem>>, vector<1x1024x64xf32>
    %get3A_22 = vector.shape_cast %get3A_21 : vector<1x1024x64xf32> to vector<1024x64xf32>
    %add3A_23 = arith.addf %get3A_17, %get3A_22 : vector<1024x64xf32>
    %gt3A_24 = arith.constant 0.000000e+00 : f32
    %gt3A_25 = vector.broadcast %gt3A_24 : f32 to vector<1024x64xf32>
    %gt3A_26 = arith.cmpf ogt, %add3A_23, %gt3A_25 : vector<1024x64xf32>
    %exp3A_27 = math.exp %add3A_23 : vector<1024x64xf32>
    %sub3A_28 = arith.constant 1.000000e+00 : f32
    %sub3A_29 = vector.broadcast %sub3A_28 : f32 to vector<1024x64xf32>
    %sub3A_30 = arith.subf %exp3A_27, %sub3A_29 : vector<1024x64xf32>
    %select_n3A_31 = arith.select %gt3A_26, %add3A_23, %sub3A_30 : vector<1024x64xi1>, vector<1024x64xf32>
    %get3A_32 = arith.constant 0 : index
    %get3A_33 = arith.constant 0 : index
    %get3A_34 = vector.load %arg4[%get3A_32, %get3A_33] : memref<64x64xf32, #tpu.memory_space<vmem>>, vector<64x64xf32>
    %dot_general3A = arith.constant dense<0.000000e+00> : vector<1000x64xf32>
    %dot_general3A_35 = tpu.matmul %select_n3A, %get3A_34, %dot_general3A {dimension_numbers = #tpu.dot_dimension_numbers<[1], [0], [0], [1], [0, 0, 1, 1], [], []>, transpose_lhs_hint = false} : vector<1000x64xf32>, vector<64x64xf32>, vector<1000x64xf32> -> vector<1000x64xf32>
    %dot_general3A_36 = arith.constant dense<0.000000e+00> : vector<1000x1024xf32>
    %dot_general3A_37 = tpu.matmul %dot_general3A_35, %select_n3A_31, %dot_general3A_36 {dimension_numbers = #tpu.dot_dimension_numbers<[1], [1], [0], [0], [0, 0, 1, 0], [], []>, transpose_lhs_hint = false} : vector<1000x64xf32>, vector<1024x64xf32>, vector<1000x1024xf32> -> vector<1000x1024xf32>
    %neg3A = arith.constant 0.000000e+00 : f32
    %neg3A_38 = vector.broadcast %neg3A : f32 to vector<1000x1024xf32>
    %neg3A_39 = arith.subf %neg3A_38, %dot_general3A_37 : vector<1000x1024xf32>
    %exp3A_40 = math.exp %neg3A_39 : vector<1000x1024xf32>
    %add3A_41 = arith.constant 1.000000e+00 : f32
    %add3A_42 = vector.broadcast %add3A_41 : f32 to vector<1000x1024xf32>
    %add3A_43 = arith.addf %add3A_42, %exp3A_40 : vector<1000x1024xf32>
    %div3A = arith.constant 1.000000e+00 : f32
    %div3A_44 = vector.broadcast %div3A : f32 to vector<1000x1024xf32>
    %div3A_45 = arith.divf %div3A_44, %add3A_43 : vector<1000x1024xf32>
    %swap3A = arith.constant 0 : index
    %swap3A_46 = arith.constant 0 : index
    %swap3A_47 = vector.load %arg5[%swap3A, %swap3A_46] : memref<1000x1024xf32, #tpu.memory_space<vmem>>, vector<1000x1024xf32>
    tpu.vector_store %arg5[%swap3A, %swap3A_46], %div3A_45 {strides = array<i32>} : memref<1000x1024xf32, #tpu.memory_space<vmem>>, vector<1000x1024xf32>,
    return
  }
  func.func @transform_0(%arg0: i32, %arg1: i32) -> (i32, i32, i32) {
    %c0_i32 = arith.constant 0 : i32
    %c0_i32_0 = arith.constant 0 : i32
    %c0_i32_1 = arith.constant 0 : i32
    return %c0_i32, %arg0, %c0_i32_0 : i32, i32, i32
  }
  func.func @transform_1(%arg0: i32, %arg1: i32) -> (i32, i32, i32) {
    %c0_i32 = arith.constant 0 : i32
    %c0_i32_0 = arith.constant 0 : i32
    %c0_i32_1 = arith.constant 0 : i32
    return %c0_i32, %arg1, %c0_i32_0 : i32, i32, i32
  }
  func.func @transform_2(%arg0: i32, %arg1: i32) -> (i32, i32) {
    %c0_i32 = arith.constant 0 : i32
    %c0_i32_0 = arith.constant 0 : i32
    %c0_i32_1 = arith.constant 0 : i32
    return %c0_i32, %c0_i32_0 : i32, i32
  }
  func.func @transform_3(%arg0: i32, %arg1: i32) -> (i32, i32) {
    %c0_i32 = arith.constant 0 : i32
    return %arg0, %arg1 : i32, i32
  }
}

</mosaic_0001>

<sc_bundles>
// kernel: kernel.5.cloned.1.call-start
scs
__scs_entry_jumppad:
0x0: {  	(pc) =	sbr.rel $0x88, $3  }
0x1: {  	(tag) =	ssettag $0x0;
	lr =	simm.s32 $0x1  }
0x2: {  	[smem:$0x3F9C] =	sst lr;
	_ =	strace $0xD0000000  }
0x3: {  	_ = 	snop  }
0x4: {  	_ = 	snop  }
0x5: {  	_ = 	snop  }
0x6: {  	_ = 	snop  }
0x7: {  	_ = 	snop  }
__scs_overlays_trampoline_lowered:
0x8: {  	[smem:$0x3FAB] =	sst s0  }
0x9: {  	[smem:$0x3FAC] =	sst s1  }
0xa: {  	[smem:$0x3FAD] =	sst s2  }
0xb: {  	[smem:$0x3FAE] =	sst s3  }
0xc: {  	[smem:$0x3FAF] =	sst s4  }
0xd: {  	[smem:$0x3FB0] =	sst s5  }
0xe: {  	[smem:$0x3FB1] =	sst s6  }
0xf: {  	[smem:$0x3FB2] =	sst s7  }
0x10: {  	[smem:$0x3FB3] =	sst s8  }
0x11: {  	[smem:$0x3FB4] =	sst s9;
	s0 =	simm.s32 @!p0 $0x0  }
0x12: {  	s1 =	sld [smem:$0x3F9A];
	s0 =	simm.s32 @p0 $0x1  }
0x13: {  	[smem:$0x3FB5] =	sst s0;
	s0 =	simm.s32 @!p1 $0x0  }
0x14: {  	s2 =	sld [smem:$0x3F99];
	s0 =	simm.s32 @p1 $0x1  }
0x15: {  	[smem:$0x3FB6] =	sst s0;
	s0 =	simm.s32 @!p2 $0x0  }
0x16: {  	s3 =	sld [smem:$0x3FDB];
	s0 =	simm.s32 @p2 $0x1  }
0x17: {  	s4 =	simm.s32 $0x1BF5;
	[smem:$0x3FB8] =	sst s0  }
0x18: {  	s0 =	sld [smem:$0x3F9B];
	_ =	swait.ge [sflag:s4], $0x0  }
0x19: {  	s7 =	sld [smem:$0x3F9C]  }
0x1a: {  	s8 =	sadd.s32 $0xFFFFE003, lr  }
0x1b: {  	s9 =	sadd.s32 $0xFFFFFEF7, lr;
	s5 =	simm.s32 $0xFFFFFFFF;
	p2 =	slt.u32 s8, $0xFFFFF086  }
0x1c: {  	p1 =	slt.u32 s9, $0xF7A;
	s5 =	simm.s32 @!p2 $0x0  }
0x1d: {  	s5 =	simm.s32 @p1 $0x1;
	p0 =	seq.s32 s7, s2  }
0x1e: {  	s7 =	smul.u32 @!p0 $0xF7A, s2;
	p2 =	seq.s32 @!p0 s5, $0x0  }
0x1f: {  	s9 =	smul.u32 $0xF7A, s1;
	s8 =	simm.s32 @!p0 $0x1BF5;
	p2 =	por !p2, p0  }
0x20: {  	[sflag:s8] =	ssyncset.s32 @!p0 $0xFFFFF086;
	s6 =	sadd.s32 @!p0 s3, s7;
	s7 =	simm.s32 @!p0 $0x108  }
0x21: {  	s3 =	sadd.s32 s3, s9;
	s6 =	sadd.s32 @!p0 $0x88, s6;
	s7 =	simm.s32 @p2 $0x1082  }
0x22: {  	[simem:s7], [sflag:s8] =	dma.local @!p0 [hbm:s6], $0xF7A  }
0x23: {  	s9 =	sor.u32 $0xD0000000, s2;
	s6 =	simm.s32 $0x108;
	_ =	swait.ge @!p0 [sflag:s8], $0x0  }
0x24: {  	s3 =	sadd.s32 $0x88, s3;
	s6 =	simm.s32 @!p1 $0x1082;
	[sflag:s4] =	ssyncset.s32 $0xFFFFF086  }
0x25: {  	[simem:s6], [sflag:s4] =	dma.local [hbm:s3], $0xF7A  }
0x26: {  	[smem:$0x3F9C] =	sst s1;
	(tag) =	ssettag s2;
	_ =	strace s9  }
0x27: {  	s1 =	sld [smem:$0x3FAC]  }
0x28: {  	s2 =	sld [smem:$0x3FAD]  }
0x29: {  	s4 =	sld [smem:$0x3FAF]  }
0x2a: {  	p0 =	seq.s32 s5, $0x0;
	s5 =	sld [smem:$0x3FB0]  }
0x2b: {  	s6 =	sld [smem:$0x3FB1]  }
0x2c: {  	s7 =	sld [smem:$0x3FB2]  }
0x2d: {  	s3 =	simm.s32 $0x108;
	s8 =	sld [smem:$0x3FB3]  }
0x2e: {  	s3 =	simm.s32 @!p0 $0x1082;
	s9 =	sld [smem:$0x3FB4]  }
0x2f: {  	lr =	sadd.s32 s0, s3;
	s0 =	sld [smem:$0x3FAB]  }
0x30: {  	s3 =	sld [smem:$0x3FAE]  }
0x31: {  	[smem:$0x3FB7] =	sst s10  }
0x32: {  	s10 =	sld [smem:$0x3FB5];
	_ =	sdelay $0x3  }
0x33: {  	p0 =	seq.s32 s10, $0x1;
	s10 =	sld [smem:$0x3FB7];
	_ =	sdelay $0x3  }
0x34: {  	[smem:$0x3FB7] =	sst s10  }
0x35: {  	s10 =	sld [smem:$0x3FB6];
	_ =	sdelay $0x3  }
0x36: {  	p1 =	seq.s32 s10, $0x1;
	s10 =	sld [smem:$0x3FB7];
	_ =	sdelay $0x3  }
0x37: {  	[smem:$0x3FB7] =	sst s10  }
0x38: {  	s10 =	sld [smem:$0x3FB8]  }
0x39: {  	_ = 	snop;
	(pc) =	sbr.ind lr, $3  }
0x3a: {  	_ = 	snop  }
0x3b: {  	_ = 	snop  }
0x3c: {  	p2 =	seq.s32 s10, $0x1;
	s10 =	sld [smem:$0x3FB7]  }
0x3d: {  	_ =	shalt  }
0x3e: {  	_ =	shalt  }
0x3f: {  	_ =	shalt  }
0x40: {  	_ =	shalt  }
0x41: {  	_ =	shalt  }
0x42: {  	_ =	shalt  }
0x43: {  	_ =	shalt  }
0x44: {  	_ =	shalt  }
0x45: {  	_ =	shalt  }
0x46: {  	_ =	shalt  }
0x47: {  	_ =	shalt  }
0x48: {  	_ =	shalt  }
0x49: {  	_ =	shalt  }
0x4a: {  	_ =	shalt  }
0x4b: {  	_ =	shalt  }
0x4c: {  	_ =	shalt  }
0x4d: {  	_ =	shalt  }
0x4e: {  	_ =	shalt  }
0x4f: {  	_ =	shalt  }
0x50: {  	_ =	shalt  }
0x51: {  	_ =	shalt  }
0x52: {  	_ =	shalt  }
0x53: {  	_ =	shalt  }
0x54: {  	_ =	shalt  }
0x55: {  	_ =	shalt  }
0x56: {  	_ =	shalt  }
0x57: {  	_ =	shalt  }
0x58: {  	_ =	shalt  }
0x59: {  	_ =	shalt  }
0x5a: {  	_ =	shalt  }
0x5b: {  	_ =	shalt  }
0x5c: {  	_ =	shalt  }
0x5d: {  	_ =	shalt  }
0x5e: {  	_ =	shalt  }
0x5f: {  	_ =	shalt  }
0x60: {  	_ =	shalt  }
0x61: {  	_ =	shalt  }
0x62: {  	_ =	shalt  }
0x63: {  	_ =	shalt  }
0x64: {  	_ =	shalt  }
0x65: {  	_ =	shalt  }
0x66: {  	_ =	shalt  }
0x67: {  	_ =	shalt  }
0x68: {  	_ =	shalt  }
0x69: {  	_ =	shalt  }
0x6a: {  	_ =	shalt  }
0x6b: {  	_ =	shalt  }
0x6c: {  	_ =	shalt  }
0x6d: {  	_ =	shalt  }
0x6e: {  	_ =	shalt  }
0x6f: {  	_ =	shalt  }
0x70: {  	_ =	shalt  }
0x71: {  	_ =	shalt  }
0x72: {  	_ =	shalt  }
0x73: {  	_ =	shalt  }
0x74: {  	_ =	shalt  }
0x75: {  	_ =	shalt  }
0x76: {  	_ =	shalt  }
0x77: {  	_ =	shalt  }
0x78: {  	_ =	shalt  }
0x79: {  	_ =	shalt  }
0x7a: {  	_ =	shalt  }
0x7b: {  	_ =	shalt  }
0x7c: {  	_ =	shalt  }
0x7d: {  	_ =	shalt  }
0x7e: {  	_ =	shalt  }
0x7f: {  	_ =	shalt  }
0x80: {  	_ =	shalt  }
0x81: {  	_ =	shalt  }
0x82: {  	_ =	shalt  }
0x83: {  	_ =	shalt  }
0x84: {  	_ =	shalt  }
0x85: {  	_ =	shalt  }
0x86: {  	_ =	shalt  }
0x87: {  	_ =	shalt  }
.Lfunc_end0:
.L_simem_size_0:
called_computation_lowered:
.L_overlay_start_0:
0x88: {  	s2 =	sld [smem:$0x3FD9]  }
0x89: {  	s3 =	sld [smem:$0x3FFE];
	_ =	sdelay $0x1  }
0x8a: {  	s1 =	srdreg.scid  }
0x8b: {  	s0 =	sand.u32 $0x1, s1  }
0x8c: {  	s17 =	sshll.u32 s0, $0xA;
	s2 =	sadd.s32 s3, s2  }
0x8d: {  	s2 =	sadd.s32 s2, s17  }
0x8e: {  	[smem:$0x3FC3] =	sst s2  }
0x8f: {  	_ = 	snop  }
0x90: {  	s2 =	sld [smem:$0x3FD0];
	(tm) =	ssettm $0x1  }
0x91: {  	s18 =	sld [smem:$0x3FFB];
	_ =	sdelay $0x3  }
0x92: {  	_ =	strace s18  }
0x93: {  	s3 =	sld [smem:$0x3FFC];
	_ =	sdelay $0x3  }
0x94: {  	_ =	strace s3  }
0x95: {  	s3 =	sld [smem:$0x3FFD];
	_ =	sdelay $0x3  }
0x96: {  	_ =	strace s3  }
0x97: {  	_ =	strace $0x8FFFFFFF  }
0x98: {  	s19 =	sld [smem:$0x3FDB];
	_ =	sdelay $0x1  }
0x99: {  	s4 =	simm.s32 $_scs_section_size  }
0x9a: {  	s5 =	simm.s32 $_size__tile_overlayer_lowered;
	s6 =	simm.s32 $_tile_overlayer_lowered  }
0x9b: {  	s22 =	simm.s32 $0x1BFF;
	s21 =	sshll.u32 s6, $0x1;
	s3 =	sadd.s32 s4, s19  }
0x9c: {  	s7 =	simm.s32 $0x0;
	s20 =	sshll.u32 s5, $0x1;
	s5 =	sadd.s32 s21, s3  }
0x9d: {  	[timem:s7], [sflag:s22] =	dma.local [hbm:s5], s20  }
0x9e: {  	_ =	swait.ge [sflag:s22], s20  }
0x9f: {  	s4 =	ssub.s32 $0x0, s20;
	[sflag:s22] =	ssyncset.done $0x0  }
0xa0: {  	[sflag:s22] =	ssyncadd.s32 s4;
	_ =	sdelay $0x1  }
0xa1: {  	s23 =	simm.s32 $0x1B8B  }
0xa2: {  	_ =	swait.ge [sflag:s23], $0x1  }
0xa3: {  	[sflag:s23] =	ssyncset.done $0x0  }
0xa4: {  	s25 =	simm.s32 $0x1B8E;
	s24 =	sld [smem:$0x3FFE];
	[sflag:s23] =	ssyncadd.s32 $0xFFFFFFFF  }
0xa5: {  	s26 =	simm.s32 $execute0_lowered;
	[smem:$0x3FD2] =	sst s25  }
0xa6: {  	s5 =	sshll.u32 s26, $0x1;
	_ =	strace $0x80000046;
	[dreg:$0x1] =	wrdreg $0xFFFFFFFF  }
0xa7: {  	s28 =	simm.s32 $_size_execute0_lowered;
	s3 =	sadd.s32 s3, s5;
	[dreg:$0x0] =	wrdreg $0x0  }
0xa8: {  	s5 =	sshll.u32 s28, $0x1;
	[dreg:$0x2] =	wrdreg s3  }
0xa9: {  	[dreg:$0x3] =	wrdreg s5  }
0xaa: {  	[dreg:$0x4] =	wrdreg $0xC0  }
0xab: {  	_ =	task [dreg:s7], $0x5FFFF  }
0xac: {  	[dreg:$0x1] =	wrdreg $0xFFFFFFFF  }
0xad: {  	[dreg:$0x0] =	wrdreg $0x60  }
0xae: {  	[dreg:$0x2] =	wrdreg s2  }
0xaf: {  	[dreg:$0x3] =	wrdreg s24  }
0xb0: {  	[dreg:$0x4] =	wrdreg $0x118000  }
0xb1: {  	[dreg:$0x5] =	wrdreg $0x9  }
0xb2: {  	_ =	task.clear_ibuf [dreg:s7], $0x6FFFF;
	_ =	strace $0x90000046  }
0xb3: {  	s29 =	simm.s32 $0x9;
	_ =	strace $0x80000048  }
0xb4: {  	_ =	swait.ge [sflag:s29], $0x1  }
0xb5: {  	[sflag:s29] =	ssyncadd.s32 $0xFFFFFFFF  }
0xb6: {  	_ =	strace $0x90000048  }
0xb7: {  	_ =	sfence  }
0xb8: {  	s30 =	sld [smem:$0x0];
	_ =	sdelay $0x2  }
0xb9: {  	s31 =	sshll.u32 s1, $0xD;
	s1 =	sshrl.u32 s1, $0x2  }
0xba: {  	s3 =	sand.u32 $0x4000, s31;
	s1 =	sadd.s32 s1, s30  }
0xbb: {  	s0 =	sor.u32 s3, s0;
	s1 =	sshll.u32 s1, $0x11  }
0xbc: {  	s0 =	sor.u32 s1, s0  }
0xbd: {  	s0 =	sadd.s32 $0x8F2B, s0  }
0xbe: {  	[sflag:s0] =	ssyncadd.remote.s32 $0x1  }
0xbf: {  	_ =	sfence.sel $0xFFFF  }
0xc0: {  	[dreg:$0x0] =	wrdreg $0xFFFFFFFF;
	(pc) =	sbr.abs _section_cstart, $3  }
0xc1: {  	[dreg:$0x1] =	wrdreg $0xFFFFFFFF  }
0xc2: {  	_ =	task.clear_ibuf [dreg:s7], $0x2FFFF;
	_ =	strace $0x9FFFFFFF  }
0xc3: {  	(tm) =	ssettm $0x7FFFFFFF  }
tec
execute0_lowered:
.L_overlay_start_1:
0x0: {  	(tag) =	ssettag $0x1  }
0x1: {  	s0 =	rddreg [dreg:$0x0]  }
0x2: {  	s2 =	rddreg [dreg:$0x1]  }
0x3: {  	s1 =	srdreg.scid;
	s3 =	rddreg [dreg:$0x2]  }
0x4: {  	s8 =	stileid.u32;
	s4 =	simm.s32 $0x0;
	s15 =	simm.s32 $0x1  }
0x5: {  	s16 =	simm.s32 $0x2;
	s17 =	simm.s32 $0x3;
	s18 =	simm.s32 $0x80  }
0x6: {  	s19 =	simm.s32 $0x7800;
	s20 =	simm.s32 $0x9800;
	s21 =	simm.s32 $0xB800  }
0x7: {  	s22 =	simm.s32 $0xD800;
	s23 =	simm.s32 $0xF800;
	s28 =	simm.s32 $0x0  }
0x8: {  	s1 =	sand.u32 $0x1, s1;
	[smem:$0x7FF] =	sst s4;
	s7 =	sadd.s32 $0x1EE00, s2  }
0x9: {  	s26 =	smul.u32 $0xA000, s8;
	s5 =	sshll.u32 s1, $0x4;
	_ =	strace $0x80000047  }
0xa: {  	s6 =	ssub.s32 $0x2, s1;
	[dreg:$0x4] =	wrdreg s7;
	p0 =	seq.s32 s1, $0x1  }
0xb: {  	s1 =	simm.s32 $0x20200;
	s5 =	sor.u32 s8, s5;
	s24 =	sshrl.u32 s6, $0x1  }
0xc: {  	s1 =	simm.s32 @!p0 $0x34200;
	s5 =	smul.u32 $0x500, s5;
	s6 =	ssub.s32 s6, s24  }
0xd: {  	s7 =	sshrl.u32 s26, $0x3;
	s1 =	sadd.s32 s1, s2;
	s31 =	smax.u32 s6, $0x1  }
0xe: {  	s1 =	sadd.s32 s1, s7;
	s5 =	sadd.s32 s5, s2;
	[dreg:$0x9] =	wrdreg s31  }
0xf: {  	s29 =	sadd.s32 s26, s3;
	[dreg:$0xa] =	wrdreg s1;
	s25 =	sadd.s32 $0xAE00, s5  }
0x10: {  	s26 =	simm.s32 $0x6;
	s9 =	sadd.s32 $0xE00, s5;
	[dreg:$0x5] =	wrdreg s25  }
0x11: {  	s5 =	sadd.s32 $0x14E00, s5;
	[dreg:$0x6] =	wrdreg s9;
	s9 =	sshll.u32 s8, $0x6  }
0x12: {  	s14 =	sshrl.u32 s29, $0x3;
	[dreg:$0x7] =	wrdreg s5;
	s30 =	sor.u32 $0x1C01, s9  }
0x13: {  	s24 =	simm.s32 $0x4;
	s25 =	simm.s32 $0x5;
	[dreg:$0x8] =	wrdreg s30  }
.LBB2_1:
0x14: {  	s1 =	rddreg [dreg:$0x5]  }
0x15: {  	s10 =	rddreg [dreg:$0x6]  }
0x16: {  	s11 =	rddreg [dreg:$0x7]  }
0x17: {  	[tilespmem:s4], [sflag:$0x1] =	stream.linear.gather [hbm4b:s1+s4], $0x2800, $0x38;
	[tilespmem:$0x1B800] =	vst v63  }
0x18: {  	s2 =	simm.s32 $0x2800;
	s12 =	rddreg [dreg:$0x4]  }
0x19: {  	[tilespmem:s2], [sflag:$0x2] =	stream.linear.gather [hbm4b:s10+s4], $0x2800, $0x38;
	[tilespmem:$0x1B800] =	vst v63  }
0x1a: {  	s29 =	simm.s32 $0x5000;
	s13 =	rddreg [dreg:$0x8]  }
0x1b: {  	[tilespmem:s29], [sflag:$0x3] =	stream.linear.gather [hbm4b:s11+s4], $0x2800, $0x38;
	[tilespmem:$0x1B800] =	vst v63  }
0x1c: {  	[spmem:s14], [sflag:s13] =	dma.local [hbm:s12], $0x1400  }
0x1d: {  	_ =	swait.ge [sflag:s15], $0x2800  }
0x1e: {  	[sflag:s15] =	ssyncset.done $0x0  }
0x1f: {  	[sflag:s15] =	ssyncadd.s32 $0xFFFFD800  }
0x20: {  	_ =	swait.ge [sflag:s16], $0x2800  }
0x21: {  	[sflag:s16] =	ssyncset.done $0x0  }
0x22: {  	[sflag:s16] =	ssyncadd.s32 $0xFFFFD800  }
0x23: {  	_ =	swait.ge [sflag:s17], $0x2800  }
0x24: {  	[sflag:s17] =	ssyncset.done $0x0  }
0x25: {  	[sflag:s17] =	ssyncadd.s32 $0xFFFFD800  }
0x26: {  	_ =	swait.ge [sflag:s15], $0x1400  }
0x27: {  	[sflag:s15] =	ssyncset.done $0x0  }
0x28: {  	[sflag:s15] =	ssyncadd.s32 $0xFFFFEC00  }
0x29: {  	s30 =	simm.s32 $0x5080;
	s31 =	simm.s32 $0x5100;
	[bflag:$0x0] =	sbarrier.arrive $0xFFFF  }
0x2a: {  	[tilespmem:s19], [sflag:$0x1] =	stream.indirect.gather [hbm4b:s0+s18], $0x40, s4, s18, $0xb8;
	[tilespmem:$0x1B800] =	vst v63  }
0x2b: {  	s1 =	simm.s32 $0x5180;
	s2 =	simm.s32 $0x5200;
	s13 =	simm.s32 $0x0  }
0x2c: {  	[tilespmem:s20], [sflag:$0x2] =	stream.indirect.gather [hbm4b:s0+s18], $0x40, s18, s18, $0xb8;
	[tilespmem:$0x1B800] =	vst v63  }
.LBB2_2:
0x2d: {  	p0 =	seq.s32 s13, $0x0  }
0x2e: {  	s5 =	smul.u32 $0xA00, s13;
	s6 =	simm.s32 @!p0 $0x3  }
0x2f: {  	_ =	swait.ge @!p0 [sflag:s6], $0x2000  }
0x30: {  	s7 =	sadd.s32 $0x400, s5;
	[sflag:s6] =	ssyncset.done @!p0 $0x0  }
0x31: {  	s8 =	sshra.s32 s7, $0x2;
	[sflag:s6] =	ssyncadd.s32 @!p0 $0xFFFFE000  }
0x32: {  	v0 =	vmov s29;
	[tilespmem:s21], [sflag:$0x3] =	stream.indirect.gather [hbm4b:s0+s18], $0x40, s8, s18, $0xb8;
	[tilespmem:$0x1B800] =	vst v63  }
0x33: {  	_ =	swait.ge [sflag:s15], $0x2000  }
0x34: {  	[sflag:s15] =	ssyncset.done $0x0  }
0x35: {  	s7 =	simm.s32 $0x7A00;
	s6 =	simm.s32 $0x0;
	[sflag:s15] =	ssyncadd.s32 $0xFFFFE000  }
.LBB2_3:
0x36: {  	s10 =	sshra.s32 s6, $0x2  }
0x37: {  	v1 =	vld.idx.msk [tilespmem:v0+s10+$0x0 ss:$0x1], $0xffff;
	_ =	sdelay $0x1  }
0x38: {  	v2 =	vld [tilespmem:s7+$0xFFFFFE00];
	_ =	sdelay $0x2  }
0x39: {  	v3 =	vbroadcast v1, $0x0;
	_ =	sdelay $0x1  }
0x3a: {  	v2 =	vmul.f32 v3, v2;
	_ =	sdelay $0x1  }
0x3b: {  	[tilespmem:s7+$0xFFFFFE00] =	vst v2;
	v2 =	vld [tilespmem:s7+$0xFFFFFE10];
	_ =	sdelay $0x4  }
0x3c: {  	v2 =	vmul.f32 v2, v3;
	_ =	sdelay $0x1  }
0x3d: {  	[tilespmem:s7+$0xFFFFFE10] =	vst v2;
	v2 =	vld [tilespmem:s7+$0xFFFFFE20];
	_ =	sdelay $0x4  }
0x3e: {  	v2 =	vmul.f32 v2, v3;
	_ =	sdelay $0x1  }
0x3f: {  	[tilespmem:s7+$0xFFFFFE20] =	vst v2;
	v2 =	vld [tilespmem:s7+$0xFFFFFE30];
	_ =	sdelay $0x4  }
0x40: {  	v2 =	vmul.f32 v2, v3;
	_ =	sdelay $0x1  }
0x41: {  	[tilespmem:s7+$0xFFFFFE30] =	vst v2;
	v2 =	vld [tilespmem:s7+$0xFFFFFE40];
	_ =	sdelay $0x2  }
0x42: {  	v3 =	vbroadcast v1, $0x1;
	_ =	sdelay $0x1  }
0x43: {  	v2 =	vmul.f32 v2, v3;
	_ =	sdelay $0x1  }
0x44: {  	[tilespmem:s7+$0xFFFFFE40] =	vst v2;
	v2 =	vld [tilespmem:s7+$0xFFFFFE50];
	_ =	sdelay $0x4  }
0x45: {  	v2 =	vmul.f32 v2, v3;
	_ =	sdelay $0x1  }
0x46: {  	[tilespmem:s7+$0xFFFFFE50] =	vst v2;
	v2 =	vld [tilespmem:s7+$0xFFFFFE60];
	_ =	sdelay $0x4  }
0x47: {  	v2 =	vmul.f32 v2, v3;
	_ =	sdelay $0x1  }
0x48: {  	[tilespmem:s7+$0xFFFFFE60] =	vst v2;
	v2 =	vld [tilespmem:s7+$0xFFFFFE70];
	_ =	sdelay $0x4  }
0x49: {  	v2 =	vmul.f32 v2, v3;
	_ =	sdelay $0x1  }
0x4a: {  	[tilespmem:s7+$0xFFFFFE70] =	vst v2;
	v2 =	vld [tilespmem:s7+$0xFFFFFE80];
	_ =	sdelay $0x2  }
0x4b: {  	v3 =	vbroadcast v1, $0x2;
	_ =	sdelay $0x1  }
0x4c: {  	v2 =	vmul.f32 v2, v3;
	_ =	sdelay $0x1  }
0x4d: {  	[tilespmem:s7+$0xFFFFFE80] =	vst v2;
	v2 =	vld [tilespmem:s7+$0xFFFFFE90];
	_ =	sdelay $0x4  }
0x4e: {  	v2 =	vmul.f32 v2, v3;
	_ =	sdelay $0x1  }
0x4f: {  	[tilespmem:s7+$0xFFFFFE90] =	vst v2;
	v2 =	vld [tilespmem:s7+$0xFFFFFEA0];
	_ =	sdelay $0x4  }
0x50: {  	v2 =	vmul.f32 v2, v3;
	_ =	sdelay $0x1  }
0x51: {  	[tilespmem:s7+$0xFFFFFEA0] =	vst v2;
	v2 =	vld [tilespmem:s7+$0xFFFFFEB0];
	_ =	sdelay $0x4  }
0x52: {  	v2 =	vmul.f32 v2, v3;
	_ =	sdelay $0x1  }
0x53: {  	[tilespmem:s7+$0xFFFFFEB0] =	vst v2;
	v2 =	vld [tilespmem:s7+$0xFFFFFEC0];
	_ =	sdelay $0x2  }
0x54: {  	v3 =	vbroadcast v1, $0x3;
	_ =	sdelay $0x1  }
0x55: {  	v2 =	vmul.f32 v2, v3;
	_ =	sdelay $0x1  }
0x56: {  	[tilespmem:s7+$0xFFFFFEC0] =	vst v2;
	v2 =	vld [tilespmem:s7+$0xFFFFFED0];
	_ =	sdelay $0x4  }
0x57: {  	v2 =	vmul.f32 v2, v3;
	_ =	sdelay $0x1  }
0x58: {  	[tilespmem:s7+$0xFFFFFED0] =	vst v2;
	v2 =	vld [tilespmem:s7+$0xFFFFFEE0];
	_ =	sdelay $0x4  }
0x59: {  	v2 =	vmul.f32 v2, v3;
	_ =	sdelay $0x1  }
0x5a: {  	[tilespmem:s7+$0xFFFFFEE0] =	vst v2;
	v2 =	vld [tilespmem:s7+$0xFFFFFEF0];
	_ =	sdelay $0x4  }
0x5b: {  	v2 =	vmul.f32 v2, v3;
	_ =	sdelay $0x1  }
0x5c: {  	[tilespmem:s7+$0xFFFFFEF0] =	vst v2;
	v2 =	vld [tilespmem:s7+$0xFFFFFF00];
	_ =	sdelay $0x2  }
0x5d: {  	v3 =	vbroadcast v1, $0x4;
	_ =	sdelay $0x1  }
0x5e: {  	v2 =	vmul.f32 v2, v3;
	_ =	sdelay $0x1  }
0x5f: {  	[tilespmem:s7+$0xFFFFFF00] =	vst v2;
	v2 =	vld [tilespmem:s7+$0xFFFFFF10];
	_ =	sdelay $0x4  }
0x60: {  	v2 =	vmul.f32 v2, v3;
	_ =	sdelay $0x1  }
0x61: {  	[tilespmem:s7+$0xFFFFFF10] =	vst v2;
	v2 =	vld [tilespmem:s7+$0xFFFFFF20];
	_ =	sdelay $0x4  }
0x62: {  	v2 =	vmul.f32 v2, v3;
	_ =	sdelay $0x1  }
0x63: {  	[tilespmem:s7+$0xFFFFFF20] =	vst v2;
	v2 =	vld [tilespmem:s7+$0xFFFFFF30];
	_ =	sdelay $0x4  }
0x64: {  	v2 =	vmul.f32 v2, v3;
	_ =	sdelay $0x1  }
0x65: {  	[tilespmem:s7+$0xFFFFFF30] =	vst v2;
	v2 =	vld [tilespmem:s7+$0xFFFFFF40];
	_ =	sdelay $0x2  }
0x66: {  	v3 =	vbroadcast v1, $0x5;
	_ =	sdelay $0x1  }
0x67: {  	v2 =	vmul.f32 v2, v3;
	_ =	sdelay $0x1  }
0x68: {  	[tilespmem:s7+$0xFFFFFF40] =	vst v2;
	v2 =	vld [tilespmem:s7+$0xFFFFFF50];
	_ =	sdelay $0x4  }
0x69: {  	v2 =	vmul.f32 v2, v3;
	_ =	sdelay $0x1  }
0x6a: {  	[tilespmem:s7+$0xFFFFFF50] =	vst v2;
	v2 =	vld [tilespmem:s7+$0xFFFFFF60];
	_ =	sdelay $0x4  }
0x6b: {  	v2 =	vmul.f32 v2, v3;
	_ =	sdelay $0x1  }
0x6c: {  	[tilespmem:s7+$0xFFFFFF60] =	vst v2;
	v2 =	vld [tilespmem:s7+$0xFFFFFF70];
	_ =	sdelay $0x4  }
0x6d: {  	v2 =	vmul.f32 v2, v3;
	_ =	sdelay $0x1  }
0x6e: {  	[tilespmem:s7+$0xFFFFFF70] =	vst v2;
	v2 =	vld [tilespmem:s7+$0xFFFFFF80];
	_ =	sdelay $0x2  }
0x6f: {  	v3 =	vbroadcast v1, $0x6;
	_ =	sdelay $0x1  }
0x70: {  	v2 =	vmul.f32 v2, v3;
	_ =	sdelay $0x1  }
0x71: {  	[tilespmem:s7+$0xFFFFFF80] =	vst v2;
	v2 =	vld [tilespmem:s7+$0xFFFFFF90];
	_ =	sdelay $0x4  }
0x72: {  	v2 =	vmul.f32 v2, v3;
	_ =	sdelay $0x1  }
0x73: {  	[tilespmem:s7+$0xFFFFFF90] =	vst v2;
	v2 =	vld [tilespmem:s7+$0xFFFFFFA0];
	_ =	sdelay $0x4  }
0x74: {  	v2 =	vmul.f32 v2, v3;
	_ =	sdelay $0x1  }
0x75: {  	[tilespmem:s7+$0xFFFFFFA0] =	vst v2;
	v2 =	vld [tilespmem:s7+$0xFFFFFFB0];
	_ =	sdelay $0x4  }
0x76: {  	v2 =	vmul.f32 v2, v3;
	_ =	sdelay $0x1  }
0x77: {  	[tilespmem:s7+$0xFFFFFFB0] =	vst v2;
	v2 =	vld [tilespmem:s7+$0xFFFFFFC0];
	_ =	sdelay $0x2  }
0x78: {  	v3 =	vbroadcast v1, $0x7;
	_ =	sdelay $0x1  }
0x79: {  	v2 =	vmul.f32 v2, v3;
	_ =	sdelay $0x1  }
0x7a: {  	[tilespmem:s7+$0xFFFFFFC0] =	vst v2;
	v2 =	vld [tilespmem:s7+$0xFFFFFFD0];
	_ =	sdelay $0x4  }
0x7b: {  	v2 =	vmul.f32 v2, v3;
	_ =	sdelay $0x1  }
0x7c: {  	[tilespmem:s7+$0xFFFFFFD0] =	vst v2;
	v2 =	vld [tilespmem:s7+$0xFFFFFFE0];
	_ =	sdelay $0x4  }
0x7d: {  	v2 =	vmul.f32 v2, v3;
	_ =	sdelay $0x1  }
0x7e: {  	[tilespmem:s7+$0xFFFFFFE0] =	vst v2;
	v2 =	vld [tilespmem:s7+$0xFFFFFFF0];
	_ =	sdelay $0x4  }
0x7f: {  	v2 =	vmul.f32 v2, v3;
	_ =	sdelay $0x1  }
0x80: {  	[tilespmem:s7+$0xFFFFFFF0] =	vst v2;
	v2 =	vld [tilespmem:s7+$0x0];
	_ =	sdelay $0x2  }
0x81: {  	v3 =	vbroadcast v1, $0x8;
	_ =	sdelay $0x1  }
0x82: {  	v2 =	vmul.f32 v2, v3;
	_ =	sdelay $0x1  }
0x83: {  	[tilespmem:s7+$0x0] =	vst v2;
	v2 =	vld [tilespmem:s7+$0x10];
	_ =	sdelay $0x4  }
0x84: {  	v2 =	vmul.f32 v2, v3;
	_ =	sdelay $0x1  }
0x85: {  	[tilespmem:s7+$0x10] =	vst v2;
	v2 =	vld [tilespmem:s7+$0x20];
	_ =	sdelay $0x4  }
0x86: {  	v2 =	vmul.f32 v2, v3;
	_ =	sdelay $0x1  }
0x87: {  	[tilespmem:s7+$0x20] =	vst v2;
	v2 =	vld [tilespmem:s7+$0x30];
	_ =	sdelay $0x4  }
0x88: {  	v2 =	vmul.f32 v2, v3;
	_ =	sdelay $0x1  }
0x89: {  	[tilespmem:s7+$0x30] =	vst v2;
	v2 =	vld [tilespmem:s7+$0x40];
	_ =	sdelay $0x2  }
0x8a: {  	v3 =	vbroadcast v1, $0x9;
	_ =	sdelay $0x1  }
0x8b: {  	v2 =	vmul.f32 v2, v3;
	_ =	sdelay $0x1  }
0x8c: {  	[tilespmem:s7+$0x40] =	vst v2;
	v2 =	vld [tilespmem:s7+$0x50];
	_ =	sdelay $0x4  }
0x8d: {  	v2 =	vmul.f32 v2, v3;
	_ =	sdelay $0x1  }
0x8e: {  	[tilespmem:s7+$0x50] =	vst v2;
	v2 =	vld [tilespmem:s7+$0x60];
	_ =	sdelay $0x4  }
0x8f: {  	v2 =	vmul.f32 v2, v3;
	_ =	sdelay $0x1  }
0x90: {  	[tilespmem:s7+$0x60] =	vst v2;
	v2 =	vld [tilespmem:s7+$0x70];
	_ =	sdelay $0x4  }
0x91: {  	v2 =	vmul.f32 v2, v3;
	_ =	sdelay $0x1  }
0x92: {  	[tilespmem:s7+$0x70] =	vst v2;
	v2 =	vld [tilespmem:s7+$0x80];
	_ =	sdelay $0x2  }
0x93: {  	v3 =	vbroadcast v1, $0xA;
	_ =	sdelay $0x1  }
0x94: {  	v2 =	vmul.f32 v2, v3;
	_ =	sdelay $0x1  }
0x95: {  	[tilespmem:s7+$0x80] =	vst v2;
	v2 =	vld [tilespmem:s7+$0x90];
	_ =	sdelay $0x4  }
0x96: {  	v2 =	vmul.f32 v2, v3;
	_ =	sdelay $0x1  }
0x97: {  	[tilespmem:s7+$0x90] =	vst v2;
	v2 =	vld [tilespmem:s7+$0xA0];
	_ =	sdelay $0x4  }
0x98: {  	v2 =	vmul.f32 v2, v3;
	_ =	sdelay $0x1  }
0x99: {  	[tilespmem:s7+$0xA0] =	vst v2;
	v2 =	vld [tilespmem:s7+$0xB0];
	_ =	sdelay $0x4  }
0x9a: {  	v2 =	vmul.f32 v2, v3;
	_ =	sdelay $0x1  }
0x9b: {  	[tilespmem:s7+$0xB0] =	vst v2;
	v2 =	vld [tilespmem:s7+$0xC0];
	_ =	sdelay $0x2  }
0x9c: {  	v3 =	vbroadcast v1, $0xB;
	_ =	sdelay $0x1  }
0x9d: {  	v2 =	vmul.f32 v2, v3;
	_ =	sdelay $0x1  }
0x9e: {  	[tilespmem:s7+$0xC0] =	vst v2;
	v2 =	vld [tilespmem:s7+$0xD0];
	_ =	sdelay $0x4  }
0x9f: {  	v2 =	vmul.f32 v2, v3;
	_ =	sdelay $0x1  }
0xa0: {  	[tilespmem:s7+$0xD0] =	vst v2;
	v2 =	vld [tilespmem:s7+$0xE0];
	_ =	sdelay $0x4  }
0xa1: {  	v2 =	vmul.f32 v2, v3;
	_ =	sdelay $0x1  }
0xa2: {  	[tilespmem:s7+$0xE0] =	vst v2;
	v2 =	vld [tilespmem:s7+$0xF0];
	_ =	sdelay $0x4  }
0xa3: {  	v2 =	vmul.f32 v2, v3;
	_ =	sdelay $0x1  }
0xa4: {  	[tilespmem:s7+$0xF0] =	vst v2;
	v2 =	vld [tilespmem:s7+$0x100];
	_ =	sdelay $0x2  }
0xa5: {  	v3 =	vbroadcast v1, $0xC;
	_ =	sdelay $0x1  }
0xa6: {  	v2 =	vmul.f32 v2, v3;
	_ =	sdelay $0x1  }
0xa7: {  	[tilespmem:s7+$0x100] =	vst v2;
	v2 =	vld [tilespmem:s7+$0x110];
	_ =	sdelay $0x4  }
0xa8: {  	v2 =	vmul.f32 v2, v3;
	_ =	sdelay $0x1  }
0xa9: {  	[tilespmem:s7+$0x110] =	vst v2;
	v2 =	vld [tilespmem:s7+$0x120];
	_ =	sdelay $0x4  }
0xaa: {  	v2 =	vmul.f32 v2, v3;
	_ =	sdelay $0x1  }
0xab: {  	[tilespmem:s7+$0x120] =	vst v2;
	v2 =	vld [tilespmem:s7+$0x130];
	_ =	sdelay $0x4  }
0xac: {  	v2 =	vmul.f32 v2, v3;
	_ =	sdelay $0x1  }
0xad: {  	[tilespmem:s7+$0x130] =	vst v2;
	v2 =	vld [tilespmem:s7+$0x140];
	_ =	sdelay $0x2  }
0xae: {  	v3 =	vbroadcast v1, $0xD;
	_ =	sdelay $0x1  }
0xaf: {  	v2 =	vmul.f32 v2, v3;
	_ =	sdelay $0x1  }
0xb0: {  	[tilespmem:s7+$0x140] =	vst v2;
	v2 =	vld [tilespmem:s7+$0x150];
	_ =	sdelay $0x4  }
0xb1: {  	v2 =	vmul.f32 v2, v3;
	_ =	sdelay $0x1  }
0xb2: {  	[tilespmem:s7+$0x150] =	vst v2;
	v2 =	vld [tilespmem:s7+$0x160];
	_ =	sdelay $0x4  }
0xb3: {  	v2 =	vmul.f32 v2, v3;
	_ =	sdelay $0x1  }
0xb4: {  	[tilespmem:s7+$0x160] =	vst v2;
	v2 =	vld [tilespmem:s7+$0x170];
	_ =	sdelay $0x4  }
0xb5: {  	v2 =	vmul.f32 v2, v3;
	_ =	sdelay $0x1  }
0xb6: {  	[tilespmem:s7+$0x170] =	vst v2;
	v2 =	vld [tilespmem:s7+$0x180];
	_ =	sdelay $0x2  }
0xb7: {  	v3 =	vbroadcast v1, $0xE;
	_ =	sdelay $0x1  }
0xb8: {  	v2 =	vmul.f32 v2, v3;
	_ =	sdelay $0x1  }
0xb9: {  	[tilespmem:s7+$0x180] =	vst v2;
	v2 =	vld [tilespmem:s7+$0x190];
	_ =	sdelay $0x4  }
0xba: {  	v2 =	vmul.f32 v2, v3;
	_ =	sdelay $0x1  }
0xbb: {  	[tilespmem:s7+$0x190] =	vst v2;
	v2 =	vld [tilespmem:s7+$0x1A0];
	_ =	sdelay $0x4  }
0xbc: {  	v2 =	vmul.f32 v2, v3;
	_ =	sdelay $0x1  }
0xbd: {  	[tilespmem:s7+$0x1A0] =	vst v2;
	v2 =	vld [tilespmem:s7+$0x1B0];
	_ =	sdelay $0x4  }
0xbe: {  	v2 =	vmul.f32 v2, v3;
	_ =	sdelay $0x1  }
0xbf: {  	[tilespmem:s7+$0x1B0] =	vst v2;
	v2 =	vld [tilespmem:s7+$0x1C0];
	_ =	sdelay $0x2  }
0xc0: {  	v1 =	vbroadcast v1, $0xF;
	_ =	sdelay $0x1  }
0xc1: {  	v2 =	vmul.f32 v2, v1;
	_ =	sdelay $0x1  }
0xc2: {  	[tilespmem:s7+$0x1C0] =	vst v2;
	v2 =	vld [tilespmem:s7+$0x1D0];
	_ =	sdelay $0x4  }
0xc3: {  	v2 =	vmul.f32 v2, v1;
	_ =	sdelay $0x1  }
0xc4: {  	[tilespmem:s7+$0x1D0] =	vst v2;
	v2 =	vld [tilespmem:s7+$0x1E0];
	_ =	sdelay $0x4  }
0xc5: {  	v2 =	vmul.f32 v2, v1;
	_ =	sdelay $0x1  }
0xc6: {  	[tilespmem:s7+$0x1E0] =	vst v2;
	v2 =	vld [tilespmem:s7+$0x1F0];
	_ =	sdelay $0x1  }
0xc7: {  	p1 =	sne.s32 s6, $0x1C0  }
.Ltmp0:
0xc8: {  	_ = 	snop;
	(pc) =	sbr.rel @p1 .LBB2_3-.Ltmp0, $3  }
0xc9: {  	_ = 	snop  }
0xca: {  	v1 =	vmul.f32 v2, v1;
	_ =	sdelay $0x1  }
0xcb: {  	s6 =	sadd.s32 $0x40, s6;
	[tilespmem:s7+$0x1F0] =	vst v1;
	s7 =	sadd.s32 $0x400, s7  }
0xcc: {  	s6 =	sshra.s32 s5, $0x2  }
0xcd: {  	s6 =	sadd.s32 $0x2800, s6  }
0xce: {  	[spmem:s3] =	stream.indirect.scatter.add.f32 [tilespmem:s19], [sflag:$0x1], $0x40, s6, s18, $0xb8;
	[tilespmem:$0x1B800] =	vst v63  }
0xcf: {  	s6 =	simm.s32 @!p0 $0x4  }
0xd0: {  	_ =	swait.ge @!p0 [sflag:s6], $0x2000  }
0xd1: {  	s7 =	sadd.s32 $0x600, s5;
	[sflag:s6] =	ssyncset.done @!p0 $0x0  }
0xd2: {  	[sflag:s6] =	ssyncadd.s32 @!p0 $0xFFFFE000;
	s6 =	sshra.s32 s7, $0x2  }
0xd3: {  	v0 =	vmov s30;
	[tilespmem:s22], [sflag:$0x4] =	stream.indirect.gather [hbm4b:s0+s18], $0x40, s6, s18, $0xb8;
	[tilespmem:$0x1B800] =	vst v63  }
0xd4: {  	_ =	swait.ge [sflag:s16], $0x2000  }
0xd5: {  	s10 =	simm.s32 $0x0;
	[sflag:s16] =	ssyncset.done $0x0  }
0xd6: {  	s11 =	simm.s32 $0x9A00;
	s7 =	sadd.s32 $0x200, s5;
	[sflag:s16] =	ssyncadd.s32 $0xFFFFE000  }
.LBB2_5:
0xd7: {  	s12 =	sshra.s32 s10, $0x2  }
0xd8: {  	v1 =	vld.idx.msk [tilespmem:v0+s12+$0x0 ss:$0x1], $0xffff;
	_ =	sdelay $0x1  }
0xd9: {  	v2 =	vld [tilespmem:s11+$0xFFFFFE00];
	_ =	sdelay $0x2  }
0xda: {  	v3 =	vbroadcast v1, $0x0;
	_ =	sdelay $0x1  }
0xdb: {  	v2 =	vmul.f32 v3, v2;
	_ =	sdelay $0x1  }
0xdc: {  	[tilespmem:s11+$0xFFFFFE00] =	vst v2;
	v2 =	vld [tilespmem:s11+$0xFFFFFE10];
	_ =	sdelay $0x4  }
0xdd: {  	v2 =	vmul.f32 v2, v3;
	_ =	sdelay $0x1  }
0xde: {  	[tilespmem:s11+$0xFFFFFE10] =	vst v2;
	v2 =	vld [tilespmem:s11+$0xFFFFFE20];
	_ =	sdelay $0x4  }
0xdf: {  	v2 =	vmul.f32 v2, v3;
	_ =	sdelay $0x1  }
0xe0: {  	[tilespmem:s11+$0xFFFFFE20] =	vst v2;
	v2 =	vld [tilespmem:s11+$0xFFFFFE30];
	_ =	sdelay $0x4  }
0xe1: {  	v2 =	vmul.f32 v2, v3;
	_ =	sdelay $0x1  }
0xe2: {  	[tilespmem:s11+$0xFFFFFE30] =	vst v2;
	v2 =	vld [tilespmem:s11+$0xFFFFFE40];
	_ =	sdelay $0x2  }
0xe3: {  	v3 =	vbroadcast v1, $0x1;
	_ =	sdelay $0x1  }
0xe4: {  	v2 =	vmul.f32 v2, v3;
	_ =	sdelay $0x1  }
0xe5: {  	[tilespmem:s11+$0xFFFFFE40] =	vst v2;
	v2 =	vld [tilespmem:s11+$0xFFFFFE50];
	_ =	sdelay $0x4  }
0xe6: {  	v2 =	vmul.f32 v2, v3;
	_ =	sdelay $0x1  }
0xe7: {  	[tilespmem:s11+$0xFFFFFE50] =	vst v2;
	v2 =	vld [tilespmem:s11+$0xFFFFFE60];
	_ =	sdelay $0x4  }
0xe8: {  	v2 =	vmul.f32 v2, v3;
	_ =	sdelay $0x1  }
0xe9: {  	[tilespmem:s11+$0xFFFFFE60] =	vst v2;
	v2 =	vld [tilespmem:s11+$0xFFFFFE70];
	_ =	sdelay $0x4  }
0xea: {  	v2 =	vmul.f32 v2, v3;
	_ =	sdelay $0x1  }
0xeb: {  	[tilespmem:s11+$0xFFFFFE70] =	vst v2;
	v2 =	vld [tilespmem:s11+$0xFFFFFE80];
	_ =	sdelay $0x2  }
0xec: {  	v3 =	vbroadcast v1, $0x2;
	_ =	sdelay $0x1  }
0xed: {  	v2 =	vmul.f32 v2, v3;
	_ =	sdelay $0x1  }
0xee: {  	[tilespmem:s11+$0xFFFFFE80] =	vst v2;
	v2 =	vld [tilespmem:s11+$0xFFFFFE90];
	_ =	sdelay $0x4  }
0xef: {  	v2 =	vmul.f32 v2, v3;
	_ =	sdelay $0x1  }
0xf0: {  	[tilespmem:s11+$0xFFFFFE90] =	vst v2;
	v2 =	vld [tilespmem:s11+$0xFFFFFEA0];
	_ =	sdelay $0x4  }
0xf1: {  	v2 =	vmul.f32 v2, v3;
	_ =	sdelay $0x1  }
0xf2: {  	[tilespmem:s11+$0xFFFFFEA0] =	vst v2;
	v2 =	vld [tilespmem:s11+$0xFFFFFEB0];
	_ =	sdelay $0x4  }
0xf3: {  	v2 =	vmul.f32 v2, v3;
	_ =	sdelay $0x1  }
0xf4: {  	[tilespmem:s11+$0xFFFFFEB0] =	vst v2;
	v2 =	vld [tilespmem:s11+$0xFFFFFEC0];
	_ =	sdelay $0x2  }
0xf5: {  	v3 =	vbroadcast v1, $0x3;
	_ =	sdelay $0x1  }
0xf6: {  	v2 =	vmul.f32 v2, v3;
	_ =	sdelay $0x1  }
0xf7: {  	[tilespmem:s11+$0xFFFFFEC0] =	vst v2;
	v2 =	vld [tilespmem:s11+$0xFFFFFED0];
	_ =	sdelay $0x4  }
0xf8: {  	v2 =	vmul.f32 v2, v3;
	_ =	sdelay $0x1  }
0xf9: {  	[tilespmem:s11+$0xFFFFFED0] =	vst v2;
	v2 =	vld [tilespmem:s11+$0xFFFFFEE0];
	_ =	sdelay $0x4  }
0xfa: {  	v2 =	vmul.f32 v2, v3;
	_ =	sdelay $0x1  }
0xfb: {  	[tilespmem:s11+$0xFFFFFEE0] =	vst v2;
	v2 =	vld [tilespmem:s11+$0xFFFFFEF0];
	_ =	sdelay $0x4  }
0xfc: {  	v2 =	vmul.f32 v2, v3;
	_ =	sdelay $0x1  }
0xfd: {  	[tilespmem:s11+$0xFFFFFEF0] =	vst v2;
	v2 =	vld [tilespmem:s11+$0xFFFFFF00];
	_ =	sdelay $0x2  }
0xfe: {  	v3 =	vbroadcast v1, $0x4;
	_ =	sdelay $0x1  }
0xff: {  	v2 =	vmul.f32 v2, v3;
	_ =	sdelay $0x1  }
0x100: {  	[tilespmem:s11+$0xFFFFFF00] =	vst v2;
	v2 =	vld [tilespmem:s11+$0xFFFFFF10];
	_ =	sdelay $0x4  }
0x101: {  	v2 =	vmul.f32 v2, v3;
	_ =	sdelay $0x1  }
0x102: {  	[tilespmem:s11+$0xFFFFFF10] =	vst v2;
	v2 =	vld [tilespmem:s11+$0xFFFFFF20];
	_ =	sdelay $0x4  }
0x103: {  	v2 =	vmul.f32 v2, v3;
	_ =	sdelay $0x1  }
0x104: {  	[tilespmem:s11+$0xFFFFFF20] =	vst v2;
	v2 =	vld [tilespmem:s11+$0xFFFFFF30];
	_ =	sdelay $0x4  }
0x105: {  	v2 =	vmul.f32 v2, v3;
	_ =	sdelay $0x1  }
0x106: {  	[tilespmem:s11+$0xFFFFFF30] =	vst v2;
	v2 =	vld [tilespmem:s11+$0xFFFFFF40];
	_ =	sdelay $0x2  }
0x107: {  	v3 =	vbroadcast v1, $0x5;
	_ =	sdelay $0x1  }
0x108: {  	v2 =	vmul.f32 v2, v3;
	_ =	sdelay $0x1  }
0x109: {  	[tilespmem:s11+$0xFFFFFF40] =	vst v2;
	v2 =	vld [tilespmem:s11+$0xFFFFFF50];
	_ =	sdelay $0x4  }
0x10a: {  	v2 =	vmul.f32 v2, v3;
	_ =	sdelay $0x1  }
0x10b: {  	[tilespmem:s11+$0xFFFFFF50] =	vst v2;
	v2 =	vld [tilespmem:s11+$0xFFFFFF60];
	_ =	sdelay $0x4  }
0x10c: {  	v2 =	vmul.f32 v2, v3;
	_ =	sdelay $0x1  }
0x10d: {  	[tilespmem:s11+$0xFFFFFF60] =	vst v2;
	v2 =	vld [tilespmem:s11+$0xFFFFFF70];
	_ =	sdelay $0x4  }
0x10e: {  	v2 =	vmul.f32 v2, v3;
	_ =	sdelay $0x1  }
0x10f: {  	[tilespmem:s11+$0xFFFFFF70] =	vst v2;
	v2 =	vld [tilespmem:s11+$0xFFFFFF80];
	_ =	sdelay $0x2  }
0x110: {  	v3 =	vbroadcast v1, $0x6;
	_ =	sdelay $0x1  }
0x111: {  	v2 =	vmul.f32 v2, v3;
	_ =	sdelay $0x1  }
0x112: {  	[tilespmem:s11+$0xFFFFFF80] =	vst v2;
	v2 =	vld [tilespmem:s11+$0xFFFFFF90];
	_ =	sdelay $0x4  }
0x113: {  	v2 =	vmul.f32 v2, v3;
	_ =	sdelay $0x1  }
0x114: {  	[tilespmem:s11+$0xFFFFFF90] =	vst v2;
	v2 =	vld [tilespmem:s11+$0xFFFFFFA0];
	_ =	sdelay $0x4  }
0x115: {  	v2 =	vmul.f32 v2, v3;
	_ =	sdelay $0x1  }
0x116: {  	[tilespmem:s11+$0xFFFFFFA0] =	vst v2;
	v2 =	vld [tilespmem:s11+$0xFFFFFFB0];
	_ =	sdelay $0x4  }
0x117: {  	v2 =	vmul.f32 v2, v3;
	_ =	sdelay $0x1  }
0x118: {  	[tilespmem:s11+$0xFFFFFFB0] =	vst v2;
	v2 =	vld [tilespmem:s11+$0xFFFFFFC0];
	_ =	sdelay $0x2  }
0x119: {  	v3 =	vbroadcast v1, $0x7;
	_ =	sdelay $0x1  }
0x11a: {  	v2 =	vmul.f32 v2, v3;
	_ =	sdelay $0x1  }
0x11b: {  	[tilespmem:s11+$0xFFFFFFC0] =	vst v2;
	v2 =	vld [tilespmem:s11+$0xFFFFFFD0];
	_ =	sdelay $0x4  }
0x11c: {  	v2 =	vmul.f32 v2, v3;
	_ =	sdelay $0x1  }
0x11d: {  	[tilespmem:s11+$0xFFFFFFD0] =	vst v2;
	v2 =	vld [tilespmem:s11+$0xFFFFFFE0];
	_ =	sdelay $0x4  }
0x11e: {  	v2 =	vmul.f32 v2, v3;
	_ =	sdelay $0x1  }
0x11f: {  	[tilespmem:s11+$0xFFFFFFE0] =	vst v2;
	v2 =	vld [tilespmem:s11+$0xFFFFFFF0];
	_ =	sdelay $0x4  }
0x120: {  	v2 =	vmul.f32 v2, v3;
	_ =	sdelay $0x1  }
0x121: {  	[tilespmem:s11+$0xFFFFFFF0] =	vst v2;
	v2 =	vld [tilespmem:s11+$0x0];
	_ =	sdelay $0x2  }
0x122: {  	v3 =	vbroadcast v1, $0x8;
	_ =	sdelay $0x1  }
0x123: {  	v2 =	vmul.f32 v2, v3;
	_ =	sdelay $0x1  }
0x124: {  	[tilespmem:s11+$0x0] =	vst v2;
	v2 =	vld [tilespmem:s11+$0x10];
	_ =	sdelay $0x4  }
0x125: {  	v2 =	vmul.f32 v2, v3;
	_ =	sdelay $0x1  }
0x126: {  	[tilespmem:s11+$0x10] =	vst v2;
	v2 =	vld [tilespmem:s11+$0x20];
	_ =	sdelay $0x4  }
0x127: {  	v2 =	vmul.f32 v2, v3;
	_ =	sdelay $0x1  }
0x128: {  	[tilespmem:s11+$0x20] =	vst v2;
	v2 =	vld [tilespmem:s11+$0x30];
	_ =	sdelay $0x4  }
0x129: {  	v2 =	vmul.f32 v2, v3;
	_ =	sdelay $0x1  }
0x12a: {  	[tilespmem:s11+$0x30] =	vst v2;
	v2 =	vld [tilespmem:s11+$0x40];
	_ =	sdelay $0x2  }
0x12b: {  	v3 =	vbroadcast v1, $0x9;
	_ =	sdelay $0x1  }
0x12c: {  	v2 =	vmul.f32 v2, v3;
	_ =	sdelay $0x1  }
0x12d: {  	[tilespmem:s11+$0x40] =	vst v2;
	v2 =	vld [tilespmem:s11+$0x50];
	_ =	sdelay $0x4  }
0x12e: {  	v2 =	vmul.f32 v2, v3;
	_ =	sdelay $0x1  }
0x12f: {  	[tilespmem:s11+$0x50] =	vst v2;
	v2 =	vld [tilespmem:s11+$0x60];
	_ =	sdelay $0x4  }
0x130: {  	v2 =	vmul.f32 v2, v3;
	_ =	sdelay $0x1  }
0x131: {  	[tilespmem:s11+$0x60] =	vst v2;
	v2 =	vld [tilespmem:s11+$0x70];
	_ =	sdelay $0x4  }
0x132: {  	v2 =	vmul.f32 v2, v3;
	_ =	sdelay $0x1  }
0x133: {  	[tilespmem:s11+$0x70] =	vst v2;
	v2 =	vld [tilespmem:s11+$0x80];
	_ =	sdelay $0x2  }
0x134: {  	v3 =	vbroadcast v1, $0xA;
	_ =	sdelay $0x1  }
0x135: {  	v2 =	vmul.f32 v2, v3;
	_ =	sdelay $0x1  }
0x136: {  	[tilespmem:s11+$0x80] =	vst v2;
	v2 =	vld [tilespmem:s11+$0x90];
	_ =	sdelay $0x4  }
0x137: {  	v2 =	vmul.f32 v2, v3;
	_ =	sdelay $0x1  }
0x138: {  	[tilespmem:s11+$0x90] =	vst v2;
	v2 =	vld [tilespmem:s11+$0xA0];
	_ =	sdelay $0x4  }
0x139: {  	v2 =	vmul.f32 v2, v3;
	_ =	sdelay $0x1  }
0x13a: {  	[tilespmem:s11+$0xA0] =	vst v2;
	v2 =	vld [tilespmem:s11+$0xB0];
	_ =	sdelay $0x4  }
0x13b: {  	v2 =	vmul.f32 v2, v3;
	_ =	sdelay $0x1  }
0x13c: {  	[tilespmem:s11+$0xB0] =	vst v2;
	v2 =	vld [tilespmem:s11+$0xC0];
	_ =	sdelay $0x2  }
0x13d: {  	v3 =	vbroadcast v1, $0xB;
	_ =	sdelay $0x1  }
0x13e: {  	v2 =	vmul.f32 v2, v3;
	_ =	sdelay $0x1  }
0x13f: {  	[tilespmem:s11+$0xC0] =	vst v2;
	v2 =	vld [tilespmem:s11+$0xD0];
	_ =	sdelay $0x4  }
0x140: {  	v2 =	vmul.f32 v2, v3;
	_ =	sdelay $0x1  }
0x141: {  	[tilespmem:s11+$0xD0] =	vst v2;
	v2 =	vld [tilespmem:s11+$0xE0];
	_ =	sdelay $0x4  }
0x142: {  	v2 =	vmul.f32 v2, v3;
	_ =	sdelay $0x1  }
0x143: {  	[tilespmem:s11+$0xE0] =	vst v2;
	v2 =	vld [tilespmem:s11+$0xF0];
	_ =	sdelay $0x4  }
0x144: {  	v2 =	vmul.f32 v2, v3;
	_ =	sdelay $0x1  }
0x145: {  	[tilespmem:s11+$0xF0] =	vst v2;
	v2 =	vld [tilespmem:s11+$0x100];
	_ =	sdelay $0x2  }
0x146: {  	v3 =	vbroadcast v1, $0xC;
	_ =	sdelay $0x1  }
0x147: {  	v2 =	vmul.f32 v2, v3;
	_ =	sdelay $0x1  }
0x148: {  	[tilespmem:s11+$0x100] =	vst v2;
	v2 =	vld [tilespmem:s11+$0x110];
	_ =	sdelay $0x4  }
0x149: {  	v2 =	vmul.f32 v2, v3;
	_ =	sdelay $0x1  }
0x14a: {  	[tilespmem:s11+$0x110] =	vst v2;
	v2 =	vld [tilespmem:s11+$0x120];
	_ =	sdelay $0x4  }
0x14b: {  	v2 =	vmul.f32 v2, v3;
	_ =	sdelay $0x1  }
0x14c: {  	[tilespmem:s11+$0x120] =	vst v2;
	v2 =	vld [tilespmem:s11+$0x130];
	_ =	sdelay $0x4  }
0x14d: {  	v2 =	vmul.f32 v2, v3;
	_ =	sdelay $0x1  }
0x14e: {  	[tilespmem:s11+$0x130] =	vst v2;
	v2 =	vld [tilespmem:s11+$0x140];
	_ =	sdelay $0x2  }
0x14f: {  	v3 =	vbroadcast v1, $0xD;
	_ =	sdelay $0x1  }
0x150: {  	v2 =	vmul.f32 v2, v3;
	_ =	sdelay $0x1  }
0x151: {  	[tilespmem:s11+$0x140] =	vst v2;
	v2 =	vld [tilespmem:s11+$0x150];
	_ =	sdelay $0x4  }
0x152: {  	v2 =	vmul.f32 v2, v3;
	_ =	sdelay $0x1  }
0x153: {  	[tilespmem:s11+$0x150] =	vst v2;
	v2 =	vld [tilespmem:s11+$0x160];
	_ =	sdelay $0x4  }
0x154: {  	v2 =	vmul.f32 v2, v3;
	_ =	sdelay $0x1  }
0x155: {  	[tilespmem:s11+$0x160] =	vst v2;
	v2 =	vld [tilespmem:s11+$0x170];
	_ =	sdelay $0x4  }
0x156: {  	v2 =	vmul.f32 v2, v3;
	_ =	sdelay $0x1  }
0x157: {  	[tilespmem:s11+$0x170] =	vst v2;
	v2 =	vld [tilespmem:s11+$0x180];
	_ =	sdelay $0x2  }
0x158: {  	v3 =	vbroadcast v1, $0xE;
	_ =	sdelay $0x1  }
0x159: {  	v2 =	vmul.f32 v2, v3;
	_ =	sdelay $0x1  }
0x15a: {  	[tilespmem:s11+$0x180] =	vst v2;
	v2 =	vld [tilespmem:s11+$0x190];
	_ =	sdelay $0x4  }
0x15b: {  	v2 =	vmul.f32 v2, v3;
	_ =	sdelay $0x1  }
0x15c: {  	[tilespmem:s11+$0x190] =	vst v2;
	v2 =	vld [tilespmem:s11+$0x1A0];
	_ =	sdelay $0x4  }
0x15d: {  	v2 =	vmul.f32 v2, v3;
	_ =	sdelay $0x1  }
0x15e: {  	[tilespmem:s11+$0x1A0] =	vst v2;
	v2 =	vld [tilespmem:s11+$0x1B0];
	_ =	sdelay $0x4  }
0x15f: {  	v2 =	vmul.f32 v2, v3;
	_ =	sdelay $0x1  }
0x160: {  	[tilespmem:s11+$0x1B0] =	vst v2;
	v2 =	vld [tilespmem:s11+$0x1C0];
	_ =	sdelay $0x2  }
0x161: {  	v1 =	vbroadcast v1, $0xF;
	_ =	sdelay $0x1  }
0x162: {  	v2 =	vmul.f32 v2, v1;
	_ =	sdelay $0x1  }
0x163: {  	[tilespmem:s11+$0x1C0] =	vst v2;
	v2 =	vld [tilespmem:s11+$0x1D0];
	_ =	sdelay $0x4  }
0x164: {  	v2 =	vmul.f32 v2, v1;
	_ =	sdelay $0x1  }
0x165: {  	[tilespmem:s11+$0x1D0] =	vst v2;
	v2 =	vld [tilespmem:s11+$0x1E0];
	_ =	sdelay $0x4  }
0x166: {  	v2 =	vmul.f32 v2, v1;
	_ =	sdelay $0x1  }
0x167: {  	[tilespmem:s11+$0x1E0] =	vst v2;
	v2 =	vld [tilespmem:s11+$0x1F0];
	_ =	sdelay $0x1  }
0x168: {  	p1 =	sne.s32 s10, $0x1C0  }
.Ltmp1:
0x169: {  	_ = 	snop;
	(pc) =	sbr.rel @p1 .LBB2_5-.Ltmp1, $3  }
0x16a: {  	_ = 	snop  }
0x16b: {  	v1 =	vmul.f32 v2, v1;
	_ =	sdelay $0x1  }
0x16c: {  	s10 =	sadd.s32 $0x40, s10;
	[tilespmem:s11+$0x1F0] =	vst v1;
	s11 =	sadd.s32 $0x400, s11  }
0x16d: {  	s7 =	sshra.s32 s7, $0x2  }
0x16e: {  	s7 =	sadd.s32 $0x2800, s7  }
0x16f: {  	[spmem:s3] =	stream.indirect.scatter.add.f32 [tilespmem:s20], [sflag:$0x2], $0x40, s7, s18, $0xb8;
	[tilespmem:$0x1B800] =	vst v63  }
0x170: {  	s7 =	simm.s32 @!p0 $0x5  }
0x171: {  	_ =	swait.ge @!p0 [sflag:s7], $0x2000  }
0x172: {  	s10 =	sadd.s32 $0x800, s5;
	[sflag:s7] =	ssyncset.done @!p0 $0x0  }
0x173: {  	[sflag:s7] =	ssyncadd.s32 @!p0 $0xFFFFE000;
	s7 =	sshra.s32 s10, $0x2  }
0x174: {  	v0 =	vmov s31;
	[tilespmem:s23], [sflag:$0x5] =	stream.indirect.gather [hbm4b:s0+s18], $0x40, s7, s18, $0xb8;
	[tilespmem:$0x1B800] =	vst v63  }
0x175: {  	_ =	swait.ge [sflag:s17], $0x2000  }
0x176: {  	[sflag:s17] =	ssyncset.done $0x0  }
0x177: {  	s11 =	simm.s32 $0xBA00;
	s10 =	simm.s32 $0x0;
	[sflag:s17] =	ssyncadd.s32 $0xFFFFE000  }
.LBB2_7:
0x178: {  	s12 =	sshra.s32 s10, $0x2  }
0x179: {  	v1 =	vld.idx.msk [tilespmem:v0+s12+$0x0 ss:$0x1], $0xffff;
	_ =	sdelay $0x1  }
0x17a: {  	v2 =	vld [tilespmem:s11+$0xFFFFFE00];
	_ =	sdelay $0x2  }
0x17b: {  	v3 =	vbroadcast v1, $0x0;
	_ =	sdelay $0x1  }
0x17c: {  	v2 =	vmul.f32 v3, v2;
	_ =	sdelay $0x1  }
0x17d: {  	[tilespmem:s11+$0xFFFFFE00] =	vst v2;
	v2 =	vld [tilespmem:s11+$0xFFFFFE10];
	_ =	sdelay $0x4  }
0x17e: {  	v2 =	vmul.f32 v2, v3;
	_ =	sdelay $0x1  }
0x17f: {  	[tilespmem:s11+$0xFFFFFE10] =	vst v2;
	v2 =	vld [tilespmem:s11+$0xFFFFFE20];
	_ =	sdelay $0x4  }
0x180: {  	v2 =	vmul.f32 v2, v3;
	_ =	sdelay $0x1  }
0x181: {  	[tilespmem:s11+$0xFFFFFE20] =	vst v2;
	v2 =	vld [tilespmem:s11+$0xFFFFFE30];
	_ =	sdelay $0x4  }
0x182: {  	v2 =	vmul.f32 v2, v3;
	_ =	sdelay $0x1  }
0x183: {  	[tilespmem:s11+$0xFFFFFE30] =	vst v2;
	v2 =	vld [tilespmem:s11+$0xFFFFFE40];
	_ =	sdelay $0x2  }
0x184: {  	v3 =	vbroadcast v1, $0x1;
	_ =	sdelay $0x1  }
0x185: {  	v2 =	vmul.f32 v2, v3;
	_ =	sdelay $0x1  }
0x186: {  	[tilespmem:s11+$0xFFFFFE40] =	vst v2;
	v2 =	vld [tilespmem:s11+$0xFFFFFE50];
	_ =	sdelay $0x4  }
0x187: {  	v2 =	vmul.f32 v2, v3;
	_ =	sdelay $0x1  }
0x188: {  	[tilespmem:s11+$0xFFFFFE50] =	vst v2;
	v2 =	vld [tilespmem:s11+$0xFFFFFE60];
	_ =	sdelay $0x4  }
0x189: {  	v2 =	vmul.f32 v2, v3;
	_ =	sdelay $0x1  }
0x18a: {  	[tilespmem:s11+$0xFFFFFE60] =	vst v2;
	v2 =	vld [tilespmem:s11+$0xFFFFFE70];
	_ =	sdelay $0x4  }
0x18b: {  	v2 =	vmul.f32 v2, v3;
	_ =	sdelay $0x1  }
0x18c: {  	[tilespmem:s11+$0xFFFFFE70] =	vst v2;
	v2 =	vld [tilespmem:s11+$0xFFFFFE80];
	_ =	sdelay $0x2  }
0x18d: {  	v3 =	vbroadcast v1, $0x2;
	_ =	sdelay $0x1  }
0x18e: {  	v2 =	vmul.f32 v2, v3;
	_ =	sdelay $0x1  }
0x18f: {  	[tilespmem:s11+$0xFFFFFE80] =	vst v2;
	v2 =	vld [tilespmem:s11+$0xFFFFFE90];
	_ =	sdelay $0x4  }
0x190: {  	v2 =	vmul.f32 v2, v3;
	_ =	sdelay $0x1  }
0x191: {  	[tilespmem:s11+$0xFFFFFE90] =	vst v2;
	v2 =	vld [tilespmem:s11+$0xFFFFFEA0];
	_ =	sdelay $0x4  }
0x192: {  	v2 =	vmul.f32 v2, v3;
	_ =	sdelay $0x1  }
0x193: {  	[tilespmem:s11+$0xFFFFFEA0] =	vst v2;
	v2 =	vld [tilespmem:s11+$0xFFFFFEB0];
	_ =	sdelay $0x4  }
0x194: {  	v2 =	vmul.f32 v2, v3;
	_ =	sdelay $0x1  }
0x195: {  	[tilespmem:s11+$0xFFFFFEB0] =	vst v2;
	v2 =	vld [tilespmem:s11+$0xFFFFFEC0];
	_ =	sdelay $0x2  }
0x196: {  	v3 =	vbroadcast v1, $0x3;
	_ =	sdelay $0x1  }
0x197: {  	v2 =	vmul.f32 v2, v3;
	_ =	sdelay $0x1  }
0x198: {  	[tilespmem:s11+$0xFFFFFEC0] =	vst v2;
	v2 =	vld [tilespmem:s11+$0xFFFFFED0];
	_ =	sdelay $0x4  }
0x199: {  	v2 =	vmul.f32 v2, v3;
	_ =	sdelay $0x1  }
0x19a: {  	[tilespmem:s11+$0xFFFFFED0] =	vst v2;
	v2 =	vld [tilespmem:s11+$0xFFFFFEE0];
	_ =	sdelay $0x4  }
0x19b: {  	v2 =	vmul.f32 v2, v3;
	_ =	sdelay $0x1  }
0x19c: {  	[tilespmem:s11+$0xFFFFFEE0] =	vst v2;
	v2 =	vld [tilespmem:s11+$0xFFFFFEF0];
	_ =	sdelay $0x4  }
0x19d: {  	v2 =	vmul.f32 v2, v3;
	_ =	sdelay $0x1  }
0x19e: {  	[tilespmem:s11+$0xFFFFFEF0] =	vst v2;
	v2 =	vld [tilespmem:s11+$0xFFFFFF00];
	_ =	sdelay $0x2  }
0x19f: {  	v3 =	vbroadcast v1, $0x4;
	_ =	sdelay $0x1  }
0x1a0: {  	v2 =	vmul.f32 v2, v3;
	_ =	sdelay $0x1  }
0x1a1: {  	[tilespmem:s11+$0xFFFFFF00] =	vst v2;
	v2 =	vld [tilespmem:s11+$0xFFFFFF10];
	_ =	sdelay $0x4  }
0x1a2: {  	v2 =	vmul.f32 v2, v3;
	_ =	sdelay $0x1  }
0x1a3: {  	[tilespmem:s11+$0xFFFFFF10] =	vst v2;
	v2 =	vld [tilespmem:s11+$0xFFFFFF20];
	_ =	sdelay $0x4  }
0x1a4: {  	v2 =	vmul.f32 v2, v3;
	_ =	sdelay $0x1  }
0x1a5: {  	[tilespmem:s11+$0xFFFFFF20] =	vst v2;
	v2 =	vld [tilespmem:s11+$0xFFFFFF30];
	_ =	sdelay $0x4  }
0x1a6: {  	v2 =	vmul.f32 v2, v3;
	_ =	sdelay $0x1  }
0x1a7: {  	[tilespmem:s11+$0xFFFFFF30] =	vst v2;
	v2 =	vld [tilespmem:s11+$0xFFFFFF40];
	_ =	sdelay $0x2  }
0x1a8: {  	v3 =	vbroadcast v1, $0x5;
	_ =	sdelay $0x1  }
0x1a9: {  	v2 =	vmul.f32 v2, v3;
	_ =	sdelay $0x1  }
0x1aa: {  	[tilespmem:s11+$0xFFFFFF40] =	vst v2;
	v2 =	vld [tilespmem:s11+$0xFFFFFF50];
	_ =	sdelay $0x4  }
0x1ab: {  	v2 =	vmul.f32 v2, v3;
	_ =	sdelay $0x1  }
0x1ac: {  	[tilespmem:s11+$0xFFFFFF50] =	vst v2;
	v2 =	vld [tilespmem:s11+$0xFFFFFF60];
	_ =	sdelay $0x4  }
0x1ad: {  	v2 =	vmul.f32 v2, v3;
	_ =	sdelay $0x1  }
0x1ae: {  	[tilespmem:s11+$0xFFFFFF60] =	vst v2;
	v2 =	vld [tilespmem:s11+$0xFFFFFF70];
	_ =	sdelay $0x4  }
0x1af: {  	v2 =	vmul.f32 v2, v3;
	_ =	sdelay $0x1  }
0x1b0: {  	[tilespmem:s11+$0xFFFFFF70] =	vst v2;
	v2 =	vld [tilespmem:s11+$0xFFFFFF80];
	_ =	sdelay $0x2  }
0x1b1: {  	v3 =	vbroadcast v1, $0x6;
	_ =	sdelay $0x1  }
0x1b2: {  	v2 =	vmul.f32 v2, v3;
	_ =	sdelay $0x1  }
0x1b3: {  	[tilespmem:s11+$0xFFFFFF80] =	vst v2;
	v2 =	vld [tilespmem:s11+$0xFFFFFF90];
	_ =	sdelay $0x4  }
0x1b4: {  	v2 =	vmul.f32 v2, v3;
	_ =	sdelay $0x1  }
0x1b5: {  	[tilespmem:s11+$0xFFFFFF90] =	vst v2;
	v2 =	vld [tilespmem:s11+$0xFFFFFFA0];
	_ =	sdelay $0x4  }
0x1b6: {  	v2 =	vmul.f32 v2, v3;
	_ =	sdelay $0x1  }
0x1b7: {  	[tilespmem:s11+$0xFFFFFFA0] =	vst v2;
	v2 =	vld [tilespmem:s11+$0xFFFFFFB0];
	_ =	sdelay $0x4  }
0x1b8: {  	v2 =	vmul.f32 v2, v3;
	_ =	sdelay $0x1  }
0x1b9: {  	[tilespmem:s11+$0xFFFFFFB0] =	vst v2;
	v2 =	vld [tilespmem:s11+$0xFFFFFFC0];
	_ =	sdelay $0x2  }
0x1ba: {  	v3 =	vbroadcast v1, $0x7;
	_ =	sdelay $0x1  }
0x1bb: {  	v2 =	vmul.f32 v2, v3;
	_ =	sdelay $0x1  }
0x1bc: {  	[tilespmem:s11+$0xFFFFFFC0] =	vst v2;
	v2 =	vld [tilespmem:s11+$0xFFFFFFD0];
	_ =	sdelay $0x4  }
0x1bd: {  	v2 =	vmul.f32 v2, v3;
	_ =	sdelay $0x1  }
0x1be: {  	[tilespmem:s11+$0xFFFFFFD0] =	vst v2;
	v2 =	vld [tilespmem:s11+$0xFFFFFFE0];
	_ =	sdelay $0x4  }
0x1bf: {  	v2 =	vmul.f32 v2, v3;
	_ =	sdelay $0x1  }
0x1c0: {  	[tilespmem:s11+$0xFFFFFFE0] =	vst v2;
	v2 =	vld [tilespmem:s11+$0xFFFFFFF0];
	_ =	sdelay $0x4  }
0x1c1: {  	v2 =	vmul.f32 v2, v3;
	_ =	sdelay $0x1  }
0x1c2: {  	[tilespmem:s11+$0xFFFFFFF0] =	vst v2;
	v2 =	vld [tilespmem:s11+$0x0];
	_ =	sdelay $0x2  }
0x1c3: {  	v3 =	vbroadcast v1, $0x8;
	_ =	sdelay $0x1  }
0x1c4: {  	v2 =	vmul.f32 v2, v3;
	_ =	sdelay $0x1  }
0x1c5: {  	[tilespmem:s11+$0x0] =	vst v2;
	v2 =	vld [tilespmem:s11+$0x10];
	_ =	sdelay $0x4  }
0x1c6: {  	v2 =	vmul.f32 v2, v3;
	_ =	sdelay $0x1  }
0x1c7: {  	[tilespmem:s11+$0x10] =	vst v2;
	v2 =	vld [tilespmem:s11+$0x20];
	_ =	sdelay $0x4  }
0x1c8: {  	v2 =	vmul.f32 v2, v3;
	_ =	sdelay $0x1  }
0x1c9: {  	[tilespmem:s11+$0x20] =	vst v2;
	v2 =	vld [tilespmem:s11+$0x30];
	_ =	sdelay $0x4  }
0x1ca: {  	v2 =	vmul.f32 v2, v3;
	_ =	sdelay $0x1  }
0x1cb: {  	[tilespmem:s11+$0x30] =	vst v2;
	v2 =	vld [tilespmem:s11+$0x40];
	_ =	sdelay $0x2  }
0x1cc: {  	v3 =	vbroadcast v1, $0x9;
	_ =	sdelay $0x1  }
0x1cd: {  	v2 =	vmul.f32 v2, v3;
	_ =	sdelay $0x1  }
0x1ce: {  	[tilespmem:s11+$0x40] =	vst v2;
	v2 =	vld [tilespmem:s11+$0x50];
	_ =	sdelay $0x4  }
0x1cf: {  	v2 =	vmul.f32 v2, v3;
	_ =	sdelay $0x1  }
0x1d0: {  	[tilespmem:s11+$0x50] =	vst v2;
	v2 =	vld [tilespmem:s11+$0x60];
	_ =	sdelay $0x4  }
0x1d1: {  	v2 =	vmul.f32 v2, v3;
	_ =	sdelay $0x1  }
0x1d2: {  	[tilespmem:s11+$0x60] =	vst v2;
	v2 =	vld [tilespmem:s11+$0x70];
	_ =	sdelay $0x4  }
0x1d3: {  	v2 =	vmul.f32 v2, v3;
	_ =	sdelay $0x1  }
0x1d4: {  	[tilespmem:s11+$0x70] =	vst v2;
	v2 =	vld [tilespmem:s11+$0x80];
	_ =	sdelay $0x2  }
0x1d5: {  	v3 =	vbroadcast v1, $0xA;
	_ =	sdelay $0x1  }
0x1d6: {  	v2 =	vmul.f32 v2, v3;
	_ =	sdelay $0x1  }
0x1d7: {  	[tilespmem:s11+$0x80] =	vst v2;
	v2 =	vld [tilespmem:s11+$0x90];
	_ =	sdelay $0x4  }
0x1d8: {  	v2 =	vmul.f32 v2, v3;
	_ =	sdelay $0x1  }
0x1d9: {  	[tilespmem:s11+$0x90] =	vst v2;
	v2 =	vld [tilespmem:s11+$0xA0];
	_ =	sdelay $0x4  }
0x1da: {  	v2 =	vmul.f32 v2, v3;
	_ =	sdelay $0x1  }
0x1db: {  	[tilespmem:s11+$0xA0] =	vst v2;
	v2 =	vld [tilespmem:s11+$0xB0];
	_ =	sdelay $0x4  }
0x1dc: {  	v2 =	vmul.f32 v2, v3;
	_ =	sdelay $0x1  }
0x1dd: {  	[tilespmem:s11+$0xB0] =	vst v2;
	v2 =	vld [tilespmem:s11+$0xC0];
	_ =	sdelay $0x2  }
0x1de: {  	v3 =	vbroadcast v1, $0xB;
	_ =	sdelay $0x1  }
0x1df: {  	v2 =	vmul.f32 v2, v3;
	_ =	sdelay $0x1  }
0x1e0: {  	[tilespmem:s11+$0xC0] =	vst v2;
	v2 =	vld [tilespmem:s11+$0xD0];
	_ =	sdelay $0x4  }
0x1e1: {  	v2 =	vmul.f32 v2, v3;
	_ =	sdelay $0x1  }
0x1e2: {  	[tilespmem:s11+$0xD0] =	vst v2;
	v2 =	vld [tilespmem:s11+$0xE0];
	_ =	sdelay $0x4  }
0x1e3: {  	v2 =	vmul.f32 v2, v3;
	_ =	sdelay $0x1  }
0x1e4: {  	[tilespmem:s11+$0xE0] =	vst v2;
	v2 =	vld [tilespmem:s11+$0xF0];
	_ =	sdelay $0x4  }
0x1e5: {  	v2 =	vmul.f32 v2, v3;
	_ =	sdelay $0x1  }
0x1e6: {  	[tilespmem:s11+$0xF0] =	vst v2;
	v2 =	vld [tilespmem:s11+$0x100];
	_ =	sdelay $0x2  }
0x1e7: {  	v3 =	vbroadcast v1, $0xC;
	_ =	sdelay $0x1  }
0x1e8: {  	v2 =	vmul.f32 v2, v3;
	_ =	sdelay $0x1  }
0x1e9: {  	[tilespmem:s11+$0x100] =	vst v2;
	v2 =	vld [tilespmem:s11+$0x110];
	_ =	sdelay $0x4  }
0x1ea: {  	v2 =	vmul.f32 v2, v3;
	_ =	sdelay $0x1  }
0x1eb: {  	[tilespmem:s11+$0x110] =	vst v2;
	v2 =	vld [tilespmem:s11+$0x120];
	_ =	sdelay $0x4  }
0x1ec: {  	v2 =	vmul.f32 v2, v3;
	_ =	sdelay $0x1  }
0x1ed: {  	[tilespmem:s11+$0x120] =	vst v2;
	v2 =	vld [tilespmem:s11+$0x130];
	_ =	sdelay $0x4  }
0x1ee: {  	v2 =	vmul.f32 v2, v3;
	_ =	sdelay $0x1  }
0x1ef: {  	[tilespmem:s11+$0x130] =	vst v2;
	v2 =	vld [tilespmem:s11+$0x140];
	_ =	sdelay $0x2  }
0x1f0: {  	v3 =	vbroadcast v1, $0xD;
	_ =	sdelay $0x1  }
0x1f1: {  	v2 =	vmul.f32 v2, v3;
	_ =	sdelay $0x1  }
0x1f2: {  	[tilespmem:s11+$0x140] =	vst v2;
	v2 =	vld [tilespmem:s11+$0x150];
	_ =	sdelay $0x4  }
0x1f3: {  	v2 =	vmul.f32 v2, v3;
	_ =	sdelay $0x1  }
0x1f4: {  	[tilespmem:s11+$0x150] =	vst v2;
	v2 =	vld [tilespmem:s11+$0x160];
	_ =	sdelay $0x4  }
0x1f5: {  	v2 =	vmul.f32 v2, v3;
	_ =	sdelay $0x1  }
0x1f6: {  	[tilespmem:s11+$0x160] =	vst v2;
	v2 =	vld [tilespmem:s11+$0x170];
	_ =	sdelay $0x4  }
0x1f7: {  	v2 =	vmul.f32 v2, v3;
	_ =	sdelay $0x1  }
0x1f8: {  	[tilespmem:s11+$0x170] =	vst v2;
	v2 =	vld [tilespmem:s11+$0x180];
	_ =	sdelay $0x2  }
0x1f9: {  	v3 =	vbroadcast v1, $0xE;
	_ =	sdelay $0x1  }
0x1fa: {  	v2 =	vmul.f32 v2, v3;
	_ =	sdelay $0x1  }
0x1fb: {  	[tilespmem:s11+$0x180] =	vst v2;
	v2 =	vld [tilespmem:s11+$0x190];
	_ =	sdelay $0x4  }
0x1fc: {  	v2 =	vmul.f32 v2, v3;
	_ =	sdelay $0x1  }
0x1fd: {  	[tilespmem:s11+$0x190] =	vst v2;
	v2 =	vld [tilespmem:s11+$0x1A0];
	_ =	sdelay $0x4  }
0x1fe: {  	v2 =	vmul.f32 v2, v3;
	_ =	sdelay $0x1  }
0x1ff: {  	[tilespmem:s11+$0x1A0] =	vst v2;
	v2 =	vld [tilespmem:s11+$0x1B0];
	_ =	sdelay $0x4  }
0x200: {  	v2 =	vmul.f32 v2, v3;
	_ =	sdelay $0x1  }
0x201: {  	[tilespmem:s11+$0x1B0] =	vst v2;
	v2 =	vld [tilespmem:s11+$0x1C0];
	_ =	sdelay $0x2  }
0x202: {  	v1 =	vbroadcast v1, $0xF;
	_ =	sdelay $0x1  }
0x203: {  	v2 =	vmul.f32 v2, v1;
	_ =	sdelay $0x1  }
0x204: {  	[tilespmem:s11+$0x1C0] =	vst v2;
	v2 =	vld [tilespmem:s11+$0x1D0];
	_ =	sdelay $0x4  }
0x205: {  	v2 =	vmul.f32 v2, v1;
	_ =	sdelay $0x1  }
0x206: {  	[tilespmem:s11+$0x1D0] =	vst v2;
	v2 =	vld [tilespmem:s11+$0x1E0];
	_ =	sdelay $0x4  }
0x207: {  	v2 =	vmul.f32 v2, v1;
	_ =	sdelay $0x1  }
0x208: {  	[tilespmem:s11+$0x1E0] =	vst v2;
	v2 =	vld [tilespmem:s11+$0x1F0];
	_ =	sdelay $0x1  }
0x209: {  	p0 =	sne.s32 s10, $0x1C0  }
.Ltmp2:
0x20a: {  	_ = 	snop;
	(pc) =	sbr.rel @p0 .LBB2_7-.Ltmp2, $3  }
0x20b: {  	_ = 	snop  }
0x20c: {  	v1 =	vmul.f32 v2, v1;
	_ =	sdelay $0x1  }
0x20d: {  	s10 =	sadd.s32 $0x40, s10;
	[tilespmem:s11+$0x1F0] =	vst v1;
	s11 =	sadd.s32 $0x400, s11  }
0x20e: {  	s8 =	sadd.s32 $0x2800, s8;
	p0 =	seq.s32 s13, $0xF  }
0x20f: {  	[spmem:s3] =	stream.indirect.scatter.add.f32 [tilespmem:s21], [sflag:$0x3], $0x40, s8, s18, $0xb8;
	[tilespmem:$0x1B800] =	vst v63  }
0x210: {  	s8 =	simm.s32 @!p0 $0x1  }
0x211: {  	_ =	swait.ge @!p0 [sflag:s8], $0x2000  }
0x212: {  	s5 =	sshra.s32 @!p0 s5, $0x2;
	s10 =	simm.s32 @!p0 $0x80;
	[sflag:s8] =	ssyncset.done @!p0 $0x0  }
0x213: {  	s11 =	simm.s32 @!p0 $0x7800;
	[sflag:s8] =	ssyncadd.s32 @!p0 $0xFFFFE000;
	s8 =	sadd.s32 @!p0 $0x280, s5  }
0x214: {  	v0 =	vmov s1;
	[tilespmem:s11], [sflag:$0x1] =	stream.indirect.gather @!p0 [hbm4b:s0+s10], $0x40, s8, s10, $0xb8;
	[tilespmem:$0x1B800] =	vst v63  }
0x215: {  	_ =	swait.ge [sflag:s24], $0x2000  }
0x216: {  	[sflag:s24] =	ssyncset.done $0x0  }
0x217: {  	s8 =	simm.s32 $0x0;
	s10 =	simm.s32 $0xDA00;
	[sflag:s24] =	ssyncadd.s32 $0xFFFFE000  }
.LBB2_9:
0x218: {  	s11 =	sshra.s32 s8, $0x2  }
0x219: {  	v1 =	vld.idx.msk [tilespmem:v0+s11+$0x0 ss:$0x1], $0xffff;
	_ =	sdelay $0x1  }
0x21a: {  	v2 =	vld [tilespmem:s10+$0xFFFFFE00];
	_ =	sdelay $0x2  }
0x21b: {  	v3 =	vbroadcast v1, $0x0;
	_ =	sdelay $0x1  }
0x21c: {  	v2 =	vmul.f32 v3, v2;
	_ =	sdelay $0x1  }
0x21d: {  	[tilespmem:s10+$0xFFFFFE00] =	vst v2;
	v2 =	vld [tilespmem:s10+$0xFFFFFE10];
	_ =	sdelay $0x4  }
0x21e: {  	v2 =	vmul.f32 v2, v3;
	_ =	sdelay $0x1  }
0x21f: {  	[tilespmem:s10+$0xFFFFFE10] =	vst v2;
	v2 =	vld [tilespmem:s10+$0xFFFFFE20];
	_ =	sdelay $0x4  }
0x220: {  	v2 =	vmul.f32 v2, v3;
	_ =	sdelay $0x1  }
0x221: {  	[tilespmem:s10+$0xFFFFFE20] =	vst v2;
	v2 =	vld [tilespmem:s10+$0xFFFFFE30];
	_ =	sdelay $0x4  }
0x222: {  	v2 =	vmul.f32 v2, v3;
	_ =	sdelay $0x1  }
0x223: {  	[tilespmem:s10+$0xFFFFFE30] =	vst v2;
	v2 =	vld [tilespmem:s10+$0xFFFFFE40];
	_ =	sdelay $0x2  }
0x224: {  	v3 =	vbroadcast v1, $0x1;
	_ =	sdelay $0x1  }
0x225: {  	v2 =	vmul.f32 v2, v3;
	_ =	sdelay $0x1  }
0x226: {  	[tilespmem:s10+$0xFFFFFE40] =	vst v2;
	v2 =	vld [tilespmem:s10+$0xFFFFFE50];
	_ =	sdelay $0x4  }
0x227: {  	v2 =	vmul.f32 v2, v3;
	_ =	sdelay $0x1  }
0x228: {  	[tilespmem:s10+$0xFFFFFE50] =	vst v2;
	v2 =	vld [tilespmem:s10+$0xFFFFFE60];
	_ =	sdelay $0x4  }
0x229: {  	v2 =	vmul.f32 v2, v3;
	_ =	sdelay $0x1  }
0x22a: {  	[tilespmem:s10+$0xFFFFFE60] =	vst v2;
	v2 =	vld [tilespmem:s10+$0xFFFFFE70];
	_ =	sdelay $0x4  }
0x22b: {  	v2 =	vmul.f32 v2, v3;
	_ =	sdelay $0x1  }
0x22c: {  	[tilespmem:s10+$0xFFFFFE70] =	vst v2;
	v2 =	vld [tilespmem:s10+$0xFFFFFE80];
	_ =	sdelay $0x2  }
0x22d: {  	v3 =	vbroadcast v1, $0x2;
	_ =	sdelay $0x1  }
0x22e: {  	v2 =	vmul.f32 v2, v3;
	_ =	sdelay $0x1  }
0x22f: {  	[tilespmem:s10+$0xFFFFFE80] =	vst v2;
	v2 =	vld [tilespmem:s10+$0xFFFFFE90];
	_ =	sdelay $0x4  }
0x230: {  	v2 =	vmul.f32 v2, v3;
	_ =	sdelay $0x1  }
0x231: {  	[tilespmem:s10+$0xFFFFFE90] =	vst v2;
	v2 =	vld [tilespmem:s10+$0xFFFFFEA0];
	_ =	sdelay $0x4  }
0x232: {  	v2 =	vmul.f32 v2, v3;
	_ =	sdelay $0x1  }
0x233: {  	[tilespmem:s10+$0xFFFFFEA0] =	vst v2;
	v2 =	vld [tilespmem:s10+$0xFFFFFEB0];
	_ =	sdelay $0x4  }
0x234: {  	v2 =	vmul.f32 v2, v3;
	_ =	sdelay $0x1  }
0x235: {  	[tilespmem:s10+$0xFFFFFEB0] =	vst v2;
	v2 =	vld [tilespmem:s10+$0xFFFFFEC0];
	_ =	sdelay $0x2  }
0x236: {  	v3 =	vbroadcast v1, $0x3;
	_ =	sdelay $0x1  }
0x237: {  	v2 =	vmul.f32 v2, v3;
	_ =	sdelay $0x1  }
0x238: {  	[tilespmem:s10+$0xFFFFFEC0] =	vst v2;
	v2 =	vld [tilespmem:s10+$0xFFFFFED0];
	_ =	sdelay $0x4  }
0x239: {  	v2 =	vmul.f32 v2, v3;
	_ =	sdelay $0x1  }
0x23a: {  	[tilespmem:s10+$0xFFFFFED0] =	vst v2;
	v2 =	vld [tilespmem:s10+$0xFFFFFEE0];
	_ =	sdelay $0x4  }
0x23b: {  	v2 =	vmul.f32 v2, v3;
	_ =	sdelay $0x1  }
0x23c: {  	[tilespmem:s10+$0xFFFFFEE0] =	vst v2;
	v2 =	vld [tilespmem:s10+$0xFFFFFEF0];
	_ =	sdelay $0x4  }
0x23d: {  	v2 =	vmul.f32 v2, v3;
	_ =	sdelay $0x1  }
0x23e: {  	[tilespmem:s10+$0xFFFFFEF0] =	vst v2;
	v2 =	vld [tilespmem:s10+$0xFFFFFF00];
	_ =	sdelay $0x2  }
0x23f: {  	v3 =	vbroadcast v1, $0x4;
	_ =	sdelay $0x1  }
0x240: {  	v2 =	vmul.f32 v2, v3;
	_ =	sdelay $0x1  }
0x241: {  	[tilespmem:s10+$0xFFFFFF00] =	vst v2;
	v2 =	vld [tilespmem:s10+$0xFFFFFF10];
	_ =	sdelay $0x4  }
0x242: {  	v2 =	vmul.f32 v2, v3;
	_ =	sdelay $0x1  }
0x243: {  	[tilespmem:s10+$0xFFFFFF10] =	vst v2;
	v2 =	vld [tilespmem:s10+$0xFFFFFF20];
	_ =	sdelay $0x4  }
0x244: {  	v2 =	vmul.f32 v2, v3;
	_ =	sdelay $0x1  }
0x245: {  	[tilespmem:s10+$0xFFFFFF20] =	vst v2;
	v2 =	vld [tilespmem:s10+$0xFFFFFF30];
	_ =	sdelay $0x4  }
0x246: {  	v2 =	vmul.f32 v2, v3;
	_ =	sdelay $0x1  }
0x247: {  	[tilespmem:s10+$0xFFFFFF30] =	vst v2;
	v2 =	vld [tilespmem:s10+$0xFFFFFF40];
	_ =	sdelay $0x2  }
0x248: {  	v3 =	vbroadcast v1, $0x5;
	_ =	sdelay $0x1  }
0x249: {  	v2 =	vmul.f32 v2, v3;
	_ =	sdelay $0x1  }
0x24a: {  	[tilespmem:s10+$0xFFFFFF40] =	vst v2;
	v2 =	vld [tilespmem:s10+$0xFFFFFF50];
	_ =	sdelay $0x4  }
0x24b: {  	v2 =	vmul.f32 v2, v3;
	_ =	sdelay $0x1  }
0x24c: {  	[tilespmem:s10+$0xFFFFFF50] =	vst v2;
	v2 =	vld [tilespmem:s10+$0xFFFFFF60];
	_ =	sdelay $0x4  }
0x24d: {  	v2 =	vmul.f32 v2, v3;
	_ =	sdelay $0x1  }
0x24e: {  	[tilespmem:s10+$0xFFFFFF60] =	vst v2;
	v2 =	vld [tilespmem:s10+$0xFFFFFF70];
	_ =	sdelay $0x4  }
0x24f: {  	v2 =	vmul.f32 v2, v3;
	_ =	sdelay $0x1  }
0x250: {  	[tilespmem:s10+$0xFFFFFF70] =	vst v2;
	v2 =	vld [tilespmem:s10+$0xFFFFFF80];
	_ =	sdelay $0x2  }
0x251: {  	v3 =	vbroadcast v1, $0x6;
	_ =	sdelay $0x1  }
0x252: {  	v2 =	vmul.f32 v2, v3;
	_ =	sdelay $0x1  }
0x253: {  	[tilespmem:s10+$0xFFFFFF80] =	vst v2;
	v2 =	vld [tilespmem:s10+$0xFFFFFF90];
	_ =	sdelay $0x4  }
0x254: {  	v2 =	vmul.f32 v2, v3;
	_ =	sdelay $0x1  }
0x255: {  	[tilespmem:s10+$0xFFFFFF90] =	vst v2;
	v2 =	vld [tilespmem:s10+$0xFFFFFFA0];
	_ =	sdelay $0x4  }
0x256: {  	v2 =	vmul.f32 v2, v3;
	_ =	sdelay $0x1  }
0x257: {  	[tilespmem:s10+$0xFFFFFFA0] =	vst v2;
	v2 =	vld [tilespmem:s10+$0xFFFFFFB0];
	_ =	sdelay $0x4  }
0x258: {  	v2 =	vmul.f32 v2, v3;
	_ =	sdelay $0x1  }
0x259: {  	[tilespmem:s10+$0xFFFFFFB0] =	vst v2;
	v2 =	vld [tilespmem:s10+$0xFFFFFFC0];
	_ =	sdelay $0x2  }
0x25a: {  	v3 =	vbroadcast v1, $0x7;
	_ =	sdelay $0x1  }
0x25b: {  	v2 =	vmul.f32 v2, v3;
	_ =	sdelay $0x1  }
0x25c: {  	[tilespmem:s10+$0xFFFFFFC0] =	vst v2;
	v2 =	vld [tilespmem:s10+$0xFFFFFFD0];
	_ =	sdelay $0x4  }
0x25d: {  	v2 =	vmul.f32 v2, v3;
	_ =	sdelay $0x1  }
0x25e: {  	[tilespmem:s10+$0xFFFFFFD0] =	vst v2;
	v2 =	vld [tilespmem:s10+$0xFFFFFFE0];
	_ =	sdelay $0x4  }
0x25f: {  	v2 =	vmul.f32 v2, v3;
	_ =	sdelay $0x1  }
0x260: {  	[tilespmem:s10+$0xFFFFFFE0] =	vst v2;
	v2 =	vld [tilespmem:s10+$0xFFFFFFF0];
	_ =	sdelay $0x4  }
0x261: {  	v2 =	vmul.f32 v2, v3;
	_ =	sdelay $0x1  }
0x262: {  	[tilespmem:s10+$0xFFFFFFF0] =	vst v2;
	v2 =	vld [tilespmem:s10+$0x0];
	_ =	sdelay $0x2  }
0x263: {  	v3 =	vbroadcast v1, $0x8;
	_ =	sdelay $0x1  }
0x264: {  	v2 =	vmul.f32 v2, v3;
	_ =	sdelay $0x1  }
0x265: {  	[tilespmem:s10+$0x0] =	vst v2;
	v2 =	vld [tilespmem:s10+$0x10];
	_ =	sdelay $0x4  }
0x266: {  	v2 =	vmul.f32 v2, v3;
	_ =	sdelay $0x1  }
0x267: {  	[tilespmem:s10+$0x10] =	vst v2;
	v2 =	vld [tilespmem:s10+$0x20];
	_ =	sdelay $0x4  }
0x268: {  	v2 =	vmul.f32 v2, v3;
	_ =	sdelay $0x1  }
0x269: {  	[tilespmem:s10+$0x20] =	vst v2;
	v2 =	vld [tilespmem:s10+$0x30];
	_ =	sdelay $0x4  }
0x26a: {  	v2 =	vmul.f32 v2, v3;
	_ =	sdelay $0x1  }
0x26b: {  	[tilespmem:s10+$0x30] =	vst v2;
	v2 =	vld [tilespmem:s10+$0x40];
	_ =	sdelay $0x2  }
0x26c: {  	v3 =	vbroadcast v1, $0x9;
	_ =	sdelay $0x1  }
0x26d: {  	v2 =	vmul.f32 v2, v3;
	_ =	sdelay $0x1  }
0x26e: {  	[tilespmem:s10+$0x40] =	vst v2;
	v2 =	vld [tilespmem:s10+$0x50];
	_ =	sdelay $0x4  }
0x26f: {  	v2 =	vmul.f32 v2, v3;
	_ =	sdelay $0x1  }
0x270: {  	[tilespmem:s10+$0x50] =	vst v2;
	v2 =	vld [tilespmem:s10+$0x60];
	_ =	sdelay $0x4  }
0x271: {  	v2 =	vmul.f32 v2, v3;
	_ =	sdelay $0x1  }
0x272: {  	[tilespmem:s10+$0x60] =	vst v2;
	v2 =	vld [tilespmem:s10+$0x70];
	_ =	sdelay $0x4  }
0x273: {  	v2 =	vmul.f32 v2, v3;
	_ =	sdelay $0x1  }
0x274: {  	[tilespmem:s10+$0x70] =	vst v2;
	v2 =	vld [tilespmem:s10+$0x80];
	_ =	sdelay $0x2  }
0x275: {  	v3 =	vbroadcast v1, $0xA;
	_ =	sdelay $0x1  }
0x276: {  	v2 =	vmul.f32 v2, v3;
	_ =	sdelay $0x1  }
0x277: {  	[tilespmem:s10+$0x80] =	vst v2;
	v2 =	vld [tilespmem:s10+$0x90];
	_ =	sdelay $0x4  }
0x278: {  	v2 =	vmul.f32 v2, v3;
	_ =	sdelay $0x1  }
0x279: {  	[tilespmem:s10+$0x90] =	vst v2;
	v2 =	vld [tilespmem:s10+$0xA0];
	_ =	sdelay $0x4  }
0x27a: {  	v2 =	vmul.f32 v2, v3;
	_ =	sdelay $0x1  }
0x27b: {  	[tilespmem:s10+$0xA0] =	vst v2;
	v2 =	vld [tilespmem:s10+$0xB0];
	_ =	sdelay $0x4  }
0x27c: {  	v2 =	vmul.f32 v2, v3;
	_ =	sdelay $0x1  }
0x27d: {  	[tilespmem:s10+$0xB0] =	vst v2;
	v2 =	vld [tilespmem:s10+$0xC0];
	_ =	sdelay $0x2  }
0x27e: {  	v3 =	vbroadcast v1, $0xB;
	_ =	sdelay $0x1  }
0x27f: {  	v2 =	vmul.f32 v2, v3;
	_ =	sdelay $0x1  }
0x280: {  	[tilespmem:s10+$0xC0] =	vst v2;
	v2 =	vld [tilespmem:s10+$0xD0];
	_ =	sdelay $0x4  }
0x281: {  	v2 =	vmul.f32 v2, v3;
	_ =	sdelay $0x1  }
0x282: {  	[tilespmem:s10+$0xD0] =	vst v2;
	v2 =	vld [tilespmem:s10+$0xE0];
	_ =	sdelay $0x4  }
0x283: {  	v2 =	vmul.f32 v2, v3;
	_ =	sdelay $0x1  }
0x284: {  	[tilespmem:s10+$0xE0] =	vst v2;
	v2 =	vld [tilespmem:s10+$0xF0];
	_ =	sdelay $0x4  }
0x285: {  	v2 =	vmul.f32 v2, v3;
	_ =	sdelay $0x1  }
0x286: {  	[tilespmem:s10+$0xF0] =	vst v2;
	v2 =	vld [tilespmem:s10+$0x100];
	_ =	sdelay $0x2  }
0x287: {  	v3 =	vbroadcast v1, $0xC;
	_ =	sdelay $0x1  }
0x288: {  	v2 =	vmul.f32 v2, v3;
	_ =	sdelay $0x1  }
0x289: {  	[tilespmem:s10+$0x100] =	vst v2;
	v2 =	vld [tilespmem:s10+$0x110];
	_ =	sdelay $0x4  }
0x28a: {  	v2 =	vmul.f32 v2, v3;
	_ =	sdelay $0x1  }
0x28b: {  	[tilespmem:s10+$0x110] =	vst v2;
	v2 =	vld [tilespmem:s10+$0x120];
	_ =	sdelay $0x4  }
0x28c: {  	v2 =	vmul.f32 v2, v3;
	_ =	sdelay $0x1  }
0x28d: {  	[tilespmem:s10+$0x120] =	vst v2;
	v2 =	vld [tilespmem:s10+$0x130];
	_ =	sdelay $0x4  }
0x28e: {  	v2 =	vmul.f32 v2, v3;
	_ =	sdelay $0x1  }
0x28f: {  	[tilespmem:s10+$0x130] =	vst v2;
	v2 =	vld [tilespmem:s10+$0x140];
	_ =	sdelay $0x2  }
0x290: {  	v3 =	vbroadcast v1, $0xD;
	_ =	sdelay $0x1  }
0x291: {  	v2 =	vmul.f32 v2, v3;
	_ =	sdelay $0x1  }
0x292: {  	[tilespmem:s10+$0x140] =	vst v2;
	v2 =	vld [tilespmem:s10+$0x150];
	_ =	sdelay $0x4  }
0x293: {  	v2 =	vmul.f32 v2, v3;
	_ =	sdelay $0x1  }
0x294: {  	[tilespmem:s10+$0x150] =	vst v2;
	v2 =	vld [tilespmem:s10+$0x160];
	_ =	sdelay $0x4  }
0x295: {  	v2 =	vmul.f32 v2, v3;
	_ =	sdelay $0x1  }
0x296: {  	[tilespmem:s10+$0x160] =	vst v2;
	v2 =	vld [tilespmem:s10+$0x170];
	_ =	sdelay $0x4  }
0x297: {  	v2 =	vmul.f32 v2, v3;
	_ =	sdelay $0x1  }
0x298: {  	[tilespmem:s10+$0x170] =	vst v2;
	v2 =	vld [tilespmem:s10+$0x180];
	_ =	sdelay $0x2  }
0x299: {  	v3 =	vbroadcast v1, $0xE;
	_ =	sdelay $0x1  }
0x29a: {  	v2 =	vmul.f32 v2, v3;
	_ =	sdelay $0x1  }
0x29b: {  	[tilespmem:s10+$0x180] =	vst v2;
	v2 =	vld [tilespmem:s10+$0x190];
	_ =	sdelay $0x4  }
0x29c: {  	v2 =	vmul.f32 v2, v3;
	_ =	sdelay $0x1  }
0x29d: {  	[tilespmem:s10+$0x190] =	vst v2;
	v2 =	vld [tilespmem:s10+$0x1A0];
	_ =	sdelay $0x4  }
0x29e: {  	v2 =	vmul.f32 v2, v3;
	_ =	sdelay $0x1  }
0x29f: {  	[tilespmem:s10+$0x1A0] =	vst v2;
	v2 =	vld [tilespmem:s10+$0x1B0];
	_ =	sdelay $0x4  }
0x2a0: {  	v2 =	vmul.f32 v2, v3;
	_ =	sdelay $0x1  }
0x2a1: {  	[tilespmem:s10+$0x1B0] =	vst v2;
	v2 =	vld [tilespmem:s10+$0x1C0];
	_ =	sdelay $0x2  }
0x2a2: {  	v1 =	vbroadcast v1, $0xF;
	_ =	sdelay $0x1  }
0x2a3: {  	v2 =	vmul.f32 v2, v1;
	_ =	sdelay $0x1  }
0x2a4: {  	[tilespmem:s10+$0x1C0] =	vst v2;
	v2 =	vld [tilespmem:s10+$0x1D0];
	_ =	sdelay $0x4  }
0x2a5: {  	v2 =	vmul.f32 v2, v1;
	_ =	sdelay $0x1  }
0x2a6: {  	[tilespmem:s10+$0x1D0] =	vst v2;
	v2 =	vld [tilespmem:s10+$0x1E0];
	_ =	sdelay $0x4  }
0x2a7: {  	v2 =	vmul.f32 v2, v1;
	_ =	sdelay $0x1  }
0x2a8: {  	[tilespmem:s10+$0x1E0] =	vst v2;
	v2 =	vld [tilespmem:s10+$0x1F0];
	_ =	sdelay $0x1  }
0x2a9: {  	p1 =	sne.s32 s8, $0x1C0  }
.Ltmp3:
0x2aa: {  	_ = 	snop;
	(pc) =	sbr.rel @p1 .LBB2_9-.Ltmp3, $3  }
0x2ab: {  	_ = 	snop  }
0x2ac: {  	v1 =	vmul.f32 v2, v1;
	_ =	sdelay $0x1  }
0x2ad: {  	s8 =	sadd.s32 $0x40, s8;
	[tilespmem:s10+$0x1F0] =	vst v1;
	s10 =	sadd.s32 $0x400, s10  }
0x2ae: {  	s6 =	sadd.s32 $0x2800, s6  }
0x2af: {  	[spmem:s3] =	stream.indirect.scatter.add.f32 [tilespmem:s22], [sflag:$0x4], $0x40, s6, s18, $0xb8;
	[tilespmem:$0x1B800] =	vst v63  }
0x2b0: {  	s6 =	simm.s32 @!p0 $0x2  }
0x2b1: {  	_ =	swait.ge @!p0 [sflag:s6], $0x2000  }
0x2b2: {  	s5 =	sadd.s32 @!p0 $0x300, s5;
	[sflag:s6] =	ssyncset.done @!p0 $0x0  }
0x2b3: {  	s8 =	simm.s32 @!p0 $0x9800;
	[sflag:s6] =	ssyncadd.s32 @!p0 $0xFFFFE000;
	s6 =	simm.s32 @!p0 $0x80  }
0x2b4: {  	v0 =	vmov s2;
	[tilespmem:s8], [sflag:$0x2] =	stream.indirect.gather @!p0 [hbm4b:s0+s6], $0x40, s5, s6, $0xb8;
	[tilespmem:$0x1B800] =	vst v63  }
0x2b5: {  	_ =	swait.ge [sflag:s25], $0x2000  }
0x2b6: {  	[sflag:s25] =	ssyncset.done $0x0  }
0x2b7: {  	s5 =	simm.s32 $0x0;
	s6 =	simm.s32 $0xFA00;
	[sflag:s25] =	ssyncadd.s32 $0xFFFFE000  }
.LBB2_11:
0x2b8: {  	s8 =	sshra.s32 s5, $0x2  }
0x2b9: {  	v1 =	vld.idx.msk [tilespmem:v0+s8+$0x0 ss:$0x1], $0xffff;
	_ =	sdelay $0x1  }
0x2ba: {  	v2 =	vld [tilespmem:s6+$0xFFFFFE00];
	_ =	sdelay $0x2  }
0x2bb: {  	v3 =	vbroadcast v1, $0x0;
	_ =	sdelay $0x1  }
0x2bc: {  	v2 =	vmul.f32 v3, v2;
	_ =	sdelay $0x1  }
0x2bd: {  	[tilespmem:s6+$0xFFFFFE00] =	vst v2;
	v2 =	vld [tilespmem:s6+$0xFFFFFE10];
	_ =	sdelay $0x4  }
0x2be: {  	v2 =	vmul.f32 v2, v3;
	_ =	sdelay $0x1  }
0x2bf: {  	[tilespmem:s6+$0xFFFFFE10] =	vst v2;
	v2 =	vld [tilespmem:s6+$0xFFFFFE20];
	_ =	sdelay $0x4  }
0x2c0: {  	v2 =	vmul.f32 v2, v3;
	_ =	sdelay $0x1  }
0x2c1: {  	[tilespmem:s6+$0xFFFFFE20] =	vst v2;
	v2 =	vld [tilespmem:s6+$0xFFFFFE30];
	_ =	sdelay $0x4  }
0x2c2: {  	v2 =	vmul.f32 v2, v3;
	_ =	sdelay $0x1  }
0x2c3: {  	[tilespmem:s6+$0xFFFFFE30] =	vst v2;
	v2 =	vld [tilespmem:s6+$0xFFFFFE40];
	_ =	sdelay $0x2  }
0x2c4: {  	v3 =	vbroadcast v1, $0x1;
	_ =	sdelay $0x1  }
0x2c5: {  	v2 =	vmul.f32 v2, v3;
	_ =	sdelay $0x1  }
0x2c6: {  	[tilespmem:s6+$0xFFFFFE40] =	vst v2;
	v2 =	vld [tilespmem:s6+$0xFFFFFE50];
	_ =	sdelay $0x4  }
0x2c7: {  	v2 =	vmul.f32 v2, v3;
	_ =	sdelay $0x1  }
0x2c8: {  	[tilespmem:s6+$0xFFFFFE50] =	vst v2;
	v2 =	vld [tilespmem:s6+$0xFFFFFE60];
	_ =	sdelay $0x4  }
0x2c9: {  	v2 =	vmul.f32 v2, v3;
	_ =	sdelay $0x1  }
0x2ca: {  	[tilespmem:s6+$0xFFFFFE60] =	vst v2;
	v2 =	vld [tilespmem:s6+$0xFFFFFE70];
	_ =	sdelay $0x4  }
0x2cb: {  	v2 =	vmul.f32 v2, v3;
	_ =	sdelay $0x1  }
0x2cc: {  	[tilespmem:s6+$0xFFFFFE70] =	vst v2;
	v2 =	vld [tilespmem:s6+$0xFFFFFE80];
	_ =	sdelay $0x2  }
0x2cd: {  	v3 =	vbroadcast v1, $0x2;
	_ =	sdelay $0x1  }
0x2ce: {  	v2 =	vmul.f32 v2, v3;
	_ =	sdelay $0x1  }
0x2cf: {  	[tilespmem:s6+$0xFFFFFE80] =	vst v2;
	v2 =	vld [tilespmem:s6+$0xFFFFFE90];
	_ =	sdelay $0x4  }
0x2d0: {  	v2 =	vmul.f32 v2, v3;
	_ =	sdelay $0x1  }
0x2d1: {  	[tilespmem:s6+$0xFFFFFE90] =	vst v2;
	v2 =	vld [tilespmem:s6+$0xFFFFFEA0];
	_ =	sdelay $0x4  }
0x2d2: {  	v2 =	vmul.f32 v2, v3;
	_ =	sdelay $0x1  }
0x2d3: {  	[tilespmem:s6+$0xFFFFFEA0] =	vst v2;
	v2 =	vld [tilespmem:s6+$0xFFFFFEB0];
	_ =	sdelay $0x4  }
0x2d4: {  	v2 =	vmul.f32 v2, v3;
	_ =	sdelay $0x1  }
0x2d5: {  	[tilespmem:s6+$0xFFFFFEB0] =	vst v2;
	v2 =	vld [tilespmem:s6+$0xFFFFFEC0];
	_ =	sdelay $0x2  }
0x2d6: {  	v3 =	vbroadcast v1, $0x3;
	_ =	sdelay $0x1  }
0x2d7: {  	v2 =	vmul.f32 v2, v3;
	_ =	sdelay $0x1  }
0x2d8: {  	[tilespmem:s6+$0xFFFFFEC0] =	vst v2;
	v2 =	vld [tilespmem:s6+$0xFFFFFED0];
	_ =	sdelay $0x4  }
0x2d9: {  	v2 =	vmul.f32 v2, v3;
	_ =	sdelay $0x1  }
0x2da: {  	[tilespmem:s6+$0xFFFFFED0] =	vst v2;
	v2 =	vld [tilespmem:s6+$0xFFFFFEE0];
	_ =	sdelay $0x4  }
0x2db: {  	v2 =	vmul.f32 v2, v3;
	_ =	sdelay $0x1  }
0x2dc: {  	[tilespmem:s6+$0xFFFFFEE0] =	vst v2;
	v2 =	vld [tilespmem:s6+$0xFFFFFEF0];
	_ =	sdelay $0x4  }
0x2dd: {  	v2 =	vmul.f32 v2, v3;
	_ =	sdelay $0x1  }
0x2de: {  	[tilespmem:s6+$0xFFFFFEF0] =	vst v2;
	v2 =	vld [tilespmem:s6+$0xFFFFFF00];
	_ =	sdelay $0x2  }
0x2df: {  	v3 =	vbroadcast v1, $0x4;
	_ =	sdelay $0x1  }
0x2e0: {  	v2 =	vmul.f32 v2, v3;
	_ =	sdelay $0x1  }
0x2e1: {  	[tilespmem:s6+$0xFFFFFF00] =	vst v2;
	v2 =	vld [tilespmem:s6+$0xFFFFFF10];
	_ =	sdelay $0x4  }
0x2e2: {  	v2 =	vmul.f32 v2, v3;
	_ =	sdelay $0x1  }
0x2e3: {  	[tilespmem:s6+$0xFFFFFF10] =	vst v2;
	v2 =	vld [tilespmem:s6+$0xFFFFFF20];
	_ =	sdelay $0x4  }
0x2e4: {  	v2 =	vmul.f32 v2, v3;
	_ =	sdelay $0x1  }
0x2e5: {  	[tilespmem:s6+$0xFFFFFF20] =	vst v2;
	v2 =	vld [tilespmem:s6+$0xFFFFFF30];
	_ =	sdelay $0x4  }
0x2e6: {  	v2 =	vmul.f32 v2, v3;
	_ =	sdelay $0x1  }
0x2e7: {  	[tilespmem:s6+$0xFFFFFF30] =	vst v2;
	v2 =	vld [tilespmem:s6+$0xFFFFFF40];
	_ =	sdelay $0x2  }
0x2e8: {  	v3 =	vbroadcast v1, $0x5;
	_ =	sdelay $0x1  }
0x2e9: {  	v2 =	vmul.f32 v2, v3;
	_ =	sdelay $0x1  }
0x2ea: {  	[tilespmem:s6+$0xFFFFFF40] =	vst v2;
	v2 =	vld [tilespmem:s6+$0xFFFFFF50];
	_ =	sdelay $0x4  }
0x2eb: {  	v2 =	vmul.f32 v2, v3;
	_ =	sdelay $0x1  }
0x2ec: {  	[tilespmem:s6+$0xFFFFFF50] =	vst v2;
	v2 =	vld [tilespmem:s6+$0xFFFFFF60];
	_ =	sdelay $0x4  }
0x2ed: {  	v2 =	vmul.f32 v2, v3;
	_ =	sdelay $0x1  }
0x2ee: {  	[tilespmem:s6+$0xFFFFFF60] =	vst v2;
	v2 =	vld [tilespmem:s6+$0xFFFFFF70];
	_ =	sdelay $0x4  }
0x2ef: {  	v2 =	vmul.f32 v2, v3;
	_ =	sdelay $0x1  }
0x2f0: {  	[tilespmem:s6+$0xFFFFFF70] =	vst v2;
	v2 =	vld [tilespmem:s6+$0xFFFFFF80];
	_ =	sdelay $0x2  }
0x2f1: {  	v3 =	vbroadcast v1, $0x6;
	_ =	sdelay $0x1  }
0x2f2: {  	v2 =	vmul.f32 v2, v3;
	_ =	sdelay $0x1  }
0x2f3: {  	[tilespmem:s6+$0xFFFFFF80] =	vst v2;
	v2 =	vld [tilespmem:s6+$0xFFFFFF90];
	_ =	sdelay $0x4  }
0x2f4: {  	v2 =	vmul.f32 v2, v3;
	_ =	sdelay $0x1  }
0x2f5: {  	[tilespmem:s6+$0xFFFFFF90] =	vst v2;
	v2 =	vld [tilespmem:s6+$0xFFFFFFA0];
	_ =	sdelay $0x4  }
0x2f6: {  	v2 =	vmul.f32 v2, v3;
	_ =	sdelay $0x1  }
0x2f7: {  	[tilespmem:s6+$0xFFFFFFA0] =	vst v2;
	v2 =	vld [tilespmem:s6+$0xFFFFFFB0];
	_ =	sdelay $0x4  }
0x2f8: {  	v2 =	vmul.f32 v2, v3;
	_ =	sdelay $0x1  }
0x2f9: {  	[tilespmem:s6+$0xFFFFFFB0] =	vst v2;
	v2 =	vld [tilespmem:s6+$0xFFFFFFC0];
	_ =	sdelay $0x2  }
0x2fa: {  	v3 =	vbroadcast v1, $0x7;
	_ =	sdelay $0x1  }
0x2fb: {  	v2 =	vmul.f32 v2, v3;
	_ =	sdelay $0x1  }
0x2fc: {  	[tilespmem:s6+$0xFFFFFFC0] =	vst v2;
	v2 =	vld [tilespmem:s6+$0xFFFFFFD0];
	_ =	sdelay $0x4  }
0x2fd: {  	v2 =	vmul.f32 v2, v3;
	_ =	sdelay $0x1  }
0x2fe: {  	[tilespmem:s6+$0xFFFFFFD0] =	vst v2;
	v2 =	vld [tilespmem:s6+$0xFFFFFFE0];
	_ =	sdelay $0x4  }
0x2ff: {  	v2 =	vmul.f32 v2, v3;
	_ =	sdelay $0x1  }
0x300: {  	[tilespmem:s6+$0xFFFFFFE0] =	vst v2;
	v2 =	vld [tilespmem:s6+$0xFFFFFFF0];
	_ =	sdelay $0x4  }
0x301: {  	v2 =	vmul.f32 v2, v3;
	_ =	sdelay $0x1  }
0x302: {  	[tilespmem:s6+$0xFFFFFFF0] =	vst v2;
	v2 =	vld [tilespmem:s6+$0x0];
	_ =	sdelay $0x2  }
0x303: {  	v3 =	vbroadcast v1, $0x8;
	_ =	sdelay $0x1  }
0x304: {  	v2 =	vmul.f32 v2, v3;
	_ =	sdelay $0x1  }
0x305: {  	[tilespmem:s6+$0x0] =	vst v2;
	v2 =	vld [tilespmem:s6+$0x10];
	_ =	sdelay $0x4  }
0x306: {  	v2 =	vmul.f32 v2, v3;
	_ =	sdelay $0x1  }
0x307: {  	[tilespmem:s6+$0x10] =	vst v2;
	v2 =	vld [tilespmem:s6+$0x20];
	_ =	sdelay $0x4  }
0x308: {  	v2 =	vmul.f32 v2, v3;
	_ =	sdelay $0x1  }
0x309: {  	[tilespmem:s6+$0x20] =	vst v2;
	v2 =	vld [tilespmem:s6+$0x30];
	_ =	sdelay $0x4  }
0x30a: {  	v2 =	vmul.f32 v2, v3;
	_ =	sdelay $0x1  }
0x30b: {  	[tilespmem:s6+$0x30] =	vst v2;
	v2 =	vld [tilespmem:s6+$0x40];
	_ =	sdelay $0x2  }
0x30c: {  	v3 =	vbroadcast v1, $0x9;
	_ =	sdelay $0x1  }
0x30d: {  	v2 =	vmul.f32 v2, v3;
	_ =	sdelay $0x1  }
0x30e: {  	[tilespmem:s6+$0x40] =	vst v2;
	v2 =	vld [tilespmem:s6+$0x50];
	_ =	sdelay $0x4  }
0x30f: {  	v2 =	vmul.f32 v2, v3;
	_ =	sdelay $0x1  }
0x310: {  	[tilespmem:s6+$0x50] =	vst v2;
	v2 =	vld [tilespmem:s6+$0x60];
	_ =	sdelay $0x4  }
0x311: {  	v2 =	vmul.f32 v2, v3;
	_ =	sdelay $0x1  }
0x312: {  	[tilespmem:s6+$0x60] =	vst v2;
	v2 =	vld [tilespmem:s6+$0x70];
	_ =	sdelay $0x4  }
0x313: {  	v2 =	vmul.f32 v2, v3;
	_ =	sdelay $0x1  }
0x314: {  	[tilespmem:s6+$0x70] =	vst v2;
	v2 =	vld [tilespmem:s6+$0x80];
	_ =	sdelay $0x2  }
0x315: {  	v3 =	vbroadcast v1, $0xA;
	_ =	sdelay $0x1  }
0x316: {  	v2 =	vmul.f32 v2, v3;
	_ =	sdelay $0x1  }
0x317: {  	[tilespmem:s6+$0x80] =	vst v2;
	v2 =	vld [tilespmem:s6+$0x90];
	_ =	sdelay $0x4  }
0x318: {  	v2 =	vmul.f32 v2, v3;
	_ =	sdelay $0x1  }
0x319: {  	[tilespmem:s6+$0x90] =	vst v2;
	v2 =	vld [tilespmem:s6+$0xA0];
	_ =	sdelay $0x4  }
0x31a: {  	v2 =	vmul.f32 v2, v3;
	_ =	sdelay $0x1  }
0x31b: {  	[tilespmem:s6+$0xA0] =	vst v2;
	v2 =	vld [tilespmem:s6+$0xB0];
	_ =	sdelay $0x4  }
0x31c: {  	v2 =	vmul.f32 v2, v3;
	_ =	sdelay $0x1  }
0x31d: {  	[tilespmem:s6+$0xB0] =	vst v2;
	v2 =	vld [tilespmem:s6+$0xC0];
	_ =	sdelay $0x2  }
0x31e: {  	v3 =	vbroadcast v1, $0xB;
	_ =	sdelay $0x1  }
0x31f: {  	v2 =	vmul.f32 v2, v3;
	_ =	sdelay $0x1  }
0x320: {  	[tilespmem:s6+$0xC0] =	vst v2;
	v2 =	vld [tilespmem:s6+$0xD0];
	_ =	sdelay $0x4  }
0x321: {  	v2 =	vmul.f32 v2, v3;
	_ =	sdelay $0x1  }
0x322: {  	[tilespmem:s6+$0xD0] =	vst v2;
	v2 =	vld [tilespmem:s6+$0xE0];
	_ =	sdelay $0x4  }
0x323: {  	v2 =	vmul.f32 v2, v3;
	_ =	sdelay $0x1  }
0x324: {  	[tilespmem:s6+$0xE0] =	vst v2;
	v2 =	vld [tilespmem:s6+$0xF0];
	_ =	sdelay $0x4  }
0x325: {  	v2 =	vmul.f32 v2, v3;
	_ =	sdelay $0x1  }
0x326: {  	[tilespmem:s6+$0xF0] =	vst v2;
	v2 =	vld [tilespmem:s6+$0x100];
	_ =	sdelay $0x2  }
0x327: {  	v3 =	vbroadcast v1, $0xC;
	_ =	sdelay $0x1  }
0x328: {  	v2 =	vmul.f32 v2, v3;
	_ =	sdelay $0x1  }
0x329: {  	[tilespmem:s6+$0x100] =	vst v2;
	v2 =	vld [tilespmem:s6+$0x110];
	_ =	sdelay $0x4  }
0x32a: {  	v2 =	vmul.f32 v2, v3;
	_ =	sdelay $0x1  }
0x32b: {  	[tilespmem:s6+$0x110] =	vst v2;
	v2 =	vld [tilespmem:s6+$0x120];
	_ =	sdelay $0x4  }
0x32c: {  	v2 =	vmul.f32 v2, v3;
	_ =	sdelay $0x1  }
0x32d: {  	[tilespmem:s6+$0x120] =	vst v2;
	v2 =	vld [tilespmem:s6+$0x130];
	_ =	sdelay $0x4  }
0x32e: {  	v2 =	vmul.f32 v2, v3;
	_ =	sdelay $0x1  }
0x32f: {  	[tilespmem:s6+$0x130] =	vst v2;
	v2 =	vld [tilespmem:s6+$0x140];
	_ =	sdelay $0x2  }
0x330: {  	v3 =	vbroadcast v1, $0xD;
	_ =	sdelay $0x1  }
0x331: {  	v2 =	vmul.f32 v2, v3;
	_ =	sdelay $0x1  }
0x332: {  	[tilespmem:s6+$0x140] =	vst v2;
	v2 =	vld [tilespmem:s6+$0x150];
	_ =	sdelay $0x4  }
0x333: {  	v2 =	vmul.f32 v2, v3;
	_ =	sdelay $0x1  }
0x334: {  	[tilespmem:s6+$0x150] =	vst v2;
	v2 =	vld [tilespmem:s6+$0x160];
	_ =	sdelay $0x4  }
0x335: {  	v2 =	vmul.f32 v2, v3;
	_ =	sdelay $0x1  }
0x336: {  	[tilespmem:s6+$0x160] =	vst v2;
	v2 =	vld [tilespmem:s6+$0x170];
	_ =	sdelay $0x4  }
0x337: {  	v2 =	vmul.f32 v2, v3;
	_ =	sdelay $0x1  }
0x338: {  	[tilespmem:s6+$0x170] =	vst v2;
	v2 =	vld [tilespmem:s6+$0x180];
	_ =	sdelay $0x2  }
0x339: {  	v3 =	vbroadcast v1, $0xE;
	_ =	sdelay $0x1  }
0x33a: {  	v2 =	vmul.f32 v2, v3;
	_ =	sdelay $0x1  }
0x33b: {  	[tilespmem:s6+$0x180] =	vst v2;
	v2 =	vld [tilespmem:s6+$0x190];
	_ =	sdelay $0x4  }
0x33c: {  	v2 =	vmul.f32 v2, v3;
	_ =	sdelay $0x1  }
0x33d: {  	[tilespmem:s6+$0x190] =	vst v2;
	v2 =	vld [tilespmem:s6+$0x1A0];
	_ =	sdelay $0x4  }
0x33e: {  	v2 =	vmul.f32 v2, v3;
	_ =	sdelay $0x1  }
0x33f: {  	[tilespmem:s6+$0x1A0] =	vst v2;
	v2 =	vld [tilespmem:s6+$0x1B0];
	_ =	sdelay $0x4  }
0x340: {  	v2 =	vmul.f32 v2, v3;
	_ =	sdelay $0x1  }
0x341: {  	[tilespmem:s6+$0x1B0] =	vst v2;
	v2 =	vld [tilespmem:s6+$0x1C0];
	_ =	sdelay $0x2  }
0x342: {  	v1 =	vbroadcast v1, $0xF;
	_ =	sdelay $0x1  }
0x343: {  	v2 =	vmul.f32 v2, v1;
	_ =	sdelay $0x1  }
0x344: {  	[tilespmem:s6+$0x1C0] =	vst v2;
	v2 =	vld [tilespmem:s6+$0x1D0];
	_ =	sdelay $0x4  }
0x345: {  	v2 =	vmul.f32 v2, v1;
	_ =	sdelay $0x1  }
0x346: {  	[tilespmem:s6+$0x1D0] =	vst v2;
	v2 =	vld [tilespmem:s6+$0x1E0];
	_ =	sdelay $0x4  }
0x347: {  	v2 =	vmul.f32 v2, v1;
	_ =	sdelay $0x1  }
0x348: {  	[tilespmem:s6+$0x1E0] =	vst v2;
	v2 =	vld [tilespmem:s6+$0x1F0];
	_ =	sdelay $0x1  }
0x349: {  	p0 =	sne.s32 s5, $0x1C0  }
.Ltmp4:
0x34a: {  	_ = 	snop;
	(pc) =	sbr.rel @p0 .LBB2_11-.Ltmp4, $3  }
0x34b: {  	_ = 	snop  }
0x34c: {  	v1 =	vmul.f32 v2, v1;
	_ =	sdelay $0x1  }
0x34d: {  	s5 =	sadd.s32 $0x40, s5;
	[tilespmem:s6+$0x1F0] =	vst v1;
	s6 =	sadd.s32 $0x400, s6  }
0x34e: {  	s13 =	sadd.s32 $0x1, s13  }
0x34f: {  	p0 =	sne.s32 s13, $0x10  }
.Ltmp5:
0x350: {  	_ = 	snop;
	(pc) =	sbr.rel @p0 .LBB2_2-.Ltmp5, $4  }
0x351: {  	_ = 	snop  }
0x352: {  	s5 =	sadd.s32 $0x2800, s7;
	s29 =	sadd.s32 $0x280, s29;
	s30 =	sadd.s32 $0x280, s30  }
0x353: {  	s31 =	sadd.s32 $0x280, s31;
	s1 =	sadd.s32 $0x280, s1;
	s2 =	sadd.s32 $0x280, s2  }
0x354: {  	[spmem:s3] =	stream.indirect.scatter.add.f32 [tilespmem:s23], [sflag:$0x5], $0x40, s5, s18, $0xb8;
	[tilespmem:$0x1B800] =	vst v63  }
0x355: {  	_ =	swait.ge [sflag:s15], $0x2000  }
0x356: {  	[sflag:s15] =	ssyncset.done $0x0  }
0x357: {  	[sflag:s15] =	ssyncadd.s32 $0xFFFFE000  }
0x358: {  	_ =	swait.ge [sflag:s16], $0x2000  }
0x359: {  	[sflag:s16] =	ssyncset.done $0x0  }
0x35a: {  	[sflag:s16] =	ssyncadd.s32 $0xFFFFE000  }
0x35b: {  	_ =	swait.ge [sflag:s17], $0x2000  }
0x35c: {  	[sflag:s17] =	ssyncset.done $0x0  }
0x35d: {  	[sflag:s17] =	ssyncadd.s32 $0xFFFFE000  }
0x35e: {  	_ =	swait.ge [sflag:s24], $0x2000  }
0x35f: {  	[sflag:s24] =	ssyncset.done $0x0  }
0x360: {  	[sflag:s24] =	ssyncadd.s32 $0xFFFFE000  }
0x361: {  	_ =	swait.ge [sflag:s25], $0x2000  }
0x362: {  	[sflag:s25] =	ssyncset.done $0x0  }
0x363: {  	[sflag:s25] =	ssyncadd.s32 $0xFFFFE000  }
0x364: {  	[bflag:$0x0] =	sbarrier.arrive $0xFFFF  }
0x365: {  	s1 =	sor.u32 $0x1C06, s9;
	s2 =	rddreg [dreg:$0xa]  }
0x366: {  	[hbm:s2], [sflag:s1] =	dma.local [spmem:s14], $0x1400  }
0x367: {  	_ =	swait.ge [sflag:s26], $0x1400  }
0x368: {  	s28 =	sadd.s32 $0x1, s28;
	s31 =	rddreg [dreg:$0x9]  }
0x369: {  	p0 =	sne.s32 s28, s31  }
.Ltmp6:
0x36a: {  	_ = 	snop;
	(pc) =	sbr.rel @p0 .LBB2_1-.Ltmp6, $3  }
0x36b: {  	_ =	sdelay $0x1  }
0x36c: {  	[sflag:s26] =	ssyncset.done $0x0  }
0x36d: {  	[sflag:s26] =	ssyncadd.s32 $0xFFFFEC00  }
0x36e: {  	_ =	sfence.sel $0x180000  }
0x36f: {  	[bflag:$0x0] =	sbarrier.arrive $0xFFFF  }
0x370: {  	_ =	strace $0x90000047  }
0x371: {  	s0 =	stileid.u32;
	[bflag:$0x2] =	sbarrier.arrive $0xFFFF  }
0x372: {  	p0 =	sne.s32 s0, $0x0;
	s0 =	rddreg [dreg:$0x3]  }
0x373: {  	s0 =	sadd.s32 @!p0 $0x100000, s0  }
0x374: {  	[sflag:s0] =	ssyncadd.tile.s32 @!p0 $0x1;
	_ =	shalt  }
.Lfunc_end2:
_tile_overlayer_lowered:
.L_overlay_start_2:
0x375: {  	(tag) =	ssettag $0x2  }
0x376: {  	s0 =	rddreg [dreg:$0x0];
	s2 =	stileid.u32  }
0x377: {  	s1 =	rddreg [dreg:$0x1];
	p0 =	sne.s32 s2, $0x0  }
0x378: {  	s3 =	rddreg [dreg:$0x2];
	[bflag:$0x3] =	sbarrier.arrive $0xFFFF;
	s2 =	simm.s32 @!p0 $0x1C06  }
0x379: {  	[timem:s3], [sflag:s2] =	dma.local @!p0 [hbm:s0], s1  }
0x37a: {  	s0 =	simm.s32 @!p0 $0x6  }
0x37b: {  	_ =	swait.ge @!p0 [sflag:s0], s1  }
0x37c: {  	s1 =	ssub.s32 @!p0 $0x0, s1;
	[sflag:s0] =	ssyncset.done @!p0 $0x0  }
0x37d: {  	[sflag:s0] =	ssyncadd.s32 @!p0 s1  }
0x37e: {  	[bflag:$0x3] =	sbarrier.arrive $0xFFFF  }
0x37f: {  	_ =	shalt  }

</sc_bundles>
